<compile_context>
chip_gen: v7x
topology: tpu7x:2x2x1
jax: 0.10.2.dev20260603
libtpu: 0.0.44.dev20260713+nightly
codegen_flags: <defaults>
</compile_context>

<pallas_src>
import functools

import jax
import jax.numpy as jnp
from jax import lax
from jax.experimental import pallas as pl
from jax.experimental.pallas import tpu as pltpu
from jax.experimental.pallas import tpu_sc as plsc

N = 10000
E = 160000
E_PAD = 163840
V_PAD = 10240
NC, NS = 2, 16
NW = NC * NS
CHUNK = 128


def _mesh():
    return plsc.VectorSubcoreMesh(core_axis_name="c", subcore_axis_name="s")


_SC_PARAMS = pltpu.CompilerParams(use_tc_tiling_on_sc=False)


Q = 8


def _sc_gather(table, idx, D, dtype=jnp.float32):
    B = idx.shape[0]
    V = table.shape[0]
    vpt = V // NS
    b_per_w = B // NW
    n_chunks = b_per_w // CHUNK
    n_bodies = n_chunks // Q

    @functools.partial(
        pl.kernel,
        mesh=_mesh(),
        compiler_params=_SC_PARAMS,
        out_type=jax.ShapeDtypeStruct((B, D), dtype),
        scratch_types=[
            pltpu.VMEM((n_chunks, CHUNK), jnp.int32),
            pltpu.VMEM((Q, CHUNK, D), dtype),
            pltpu.VMEM_SHARED((V, D), dtype),
            pltpu.SemaphoreType.DMA,
            pltpu.SemaphoreType.DMA,
        ],
    )
    def k(table_hbm, idx_hbm, out_hbm, idx_v, rows_v, tab_sh, gsem, osem):
        c = lax.axis_index("c")
        s = lax.axis_index("s")
        wid = s * NC + c
        base = wid * b_per_w
        pltpu.sync_copy(table_hbm.at[pl.ds(s * vpt, vpt)],
                        tab_sh.at[pl.ds(s * vpt, vpt)])
        pltpu.sync_copy(idx_hbm.at[wid], idx_v)
        plsc.subcore_barrier()

        def body(i, _):
            gs = [pltpu.async_copy(tab_sh.at[idx_v.at[i * Q + q]],
                                   rows_v.at[q], gsem) for q in range(Q)]
            for g in gs:
                g.wait()
            os = [pltpu.async_copy(
                rows_v.at[q],
                out_hbm.at[pl.ds(base + (i * Q + q) * CHUNK, CHUNK)],
                osem) for q in range(Q)]
            for o in os:
                o.wait()
            return 0

        lax.fori_loop(0, n_bodies, body, 0)

    return k(table, idx.reshape(NW, n_chunks, CHUNK))


def _sc_scatter_add(rows, idx, D):
    Dh = D // 2
    per_tile = E_PAD // NS
    n_chunks = per_tile // CHUNK
    rpt = V_PAD // NS
    QS = 2

    @functools.partial(
        pl.kernel,
        mesh=_mesh(),
        compiler_params=_SC_PARAMS,
        out_type=jax.ShapeDtypeStruct((V_PAD, D), jnp.float32),
        scratch_types=[
            pltpu.VMEM((n_chunks, CHUNK), jnp.int32),
            pltpu.VMEM((2, QS, CHUNK, Dh), jnp.float32),
            pltpu.VMEM_SHARED((V_PAD, Dh), jnp.float32),
            pltpu.SemaphoreType.DMA,
            pltpu.SemaphoreType.DMA,
        ],
    )
    def k(rows_hbm, idx_hbm, zeros_hbm, out_hbm, idx_v, rows_v, acc_sh,
          lsem, ssem):
        c = lax.axis_index("c")
        s = lax.axis_index("s")
        col = c * Dh
        n_bodies = n_chunks // QS

        pltpu.sync_copy(zeros_hbm.at[pl.ds(s * rpt, rpt)],
                        acc_sh.at[pl.ds(s * rpt, rpt)])
        pltpu.sync_copy(idx_hbm.at[s], idx_v)
        plsc.subcore_barrier()

        base = s * per_tile

        def issue_loads(grp, bank):
            for q in range(QS):
                pltpu.async_copy(
                    rows_hbm.at[pl.ds(base + (grp * QS + q) * CHUNK, CHUNK),
                                pl.ds(col, Dh)],
                    rows_v.at[bank, q], lsem)

        def drain(sem):
            for _ in range(QS):
                pltpu.make_async_copy(rows_v.at[0, 0],
                                      acc_sh.at[pl.ds(0, CHUNK)], sem).wait()

        issue_loads(0, 0)

        def body(i, _):
            bank = lax.rem(i, 2)
            drain(lsem)

            @pl.when(i > 0)
            def _():
                drain(ssem)

            @pl.when(i + 1 < n_bodies)
            def _():
                issue_loads(i + 1, 1 - bank)

            for q in range(QS):
                pltpu.async_copy(rows_v.at[bank, q],
                                 acc_sh.at[idx_v.at[i * QS + q]],
                                 ssem, add=True)
            return 0

        lax.fori_loop(0, n_bodies, body, 0)
        drain(ssem)
        plsc.subcore_barrier()
        pltpu.sync_copy(acc_sh.at[pl.ds(s * rpt, rpt)],
                        out_hbm.at[pl.ds(s * rpt, rpt), pl.ds(col, Dh)])

    zeros = jnp.zeros((V_PAD, Dh), jnp.float32)
    return k(rows, idx.reshape(NS, n_chunks, CHUNK), zeros)


def _edge_mlp_body(g1, g2, g3, er, ea, s, ws, bs, ef_ref, sub_ref):
    g1f = g1[...].astype(jnp.float32)
    g2f = g2[...].astype(jnp.float32)
    h = (jnp.dot(g1f, ws[0][:128], preferred_element_type=jnp.float32)
         + jnp.dot(g2f, ws[0][128:256], preferred_element_type=jnp.float32)
         + jnp.dot(er[...], ws[0][256:288], preferred_element_type=jnp.float32)
         + jnp.dot(ea[...], ws[0][288:320], preferred_element_type=jnp.float32)
         + bs[0][...])
    h = jnp.maximum(h, 0.0)
    for i in range(1, 6):
        h = jnp.dot(h, ws[i], preferred_element_type=jnp.float32) + bs[i][...]
        if i < 5:
            h = jnp.maximum(h, 0.0)
    ef_ref[...] = h
    sub_ref[:, :128] = g3[...].astype(jnp.float32) * s
    sub_ref[:, 128:160] = er[...] * s
    sub_ref[:, 160:192] = ea[...] * s


def _tc_edge(g1, g2, g3, er, ea, invsrc, edge_params):
    EB = 640
    grid = E_PAD // EB
    ws = [p["w"] for p in edge_params]
    bs = [p["b"].reshape(1, -1) for p in edge_params]

    def body(g1r, g2r, g3r, err, ear, invr, w0, w1, w2, w3, w4, w5,
             b0, b1, b2, b3, b4, b5, ef_ref, sub_ref):
        _edge_mlp_body(g1r, g2r, g3r, err, ear, invr[...],
                       [w0[...], w1[...], w2[...], w3[...], w4[...], w5[...]],
                       [b0, b1, b2, b3, b4, b5], ef_ref, sub_ref)

    def full(a):
        return pl.BlockSpec(a.shape, lambda i: (0,) * a.ndim)

    eb = lambda d: pl.BlockSpec((EB, d), lambda i: (i, 0))
    return pl.pallas_call(
        body,
        grid=(grid,),
        in_specs=[eb(128), eb(128), eb(128), eb(32), eb(32), eb(1)]
                 + [full(w) for w in ws] + [full(b) for b in bs],
        out_specs=[eb(64), eb(192)],
        out_shape=[jax.ShapeDtypeStruct((E_PAD, 64), jnp.float32),
                   jax.ShapeDtypeStruct((E_PAD, 192), jnp.float32)],
    )(g1, g2, g3, er, ea, invsrc, *ws, *bs)


def _tc_node(msgs_a, x, deg, node_params):
    NB = 1000
    grid = N // NB
    w = node_params["w"]
    b = node_params["b"].reshape(1, -1)

    def body(ma, xr, dr, wr, br, out_ref):
        d = dr[...]
        isq = lax.rsqrt(d)
        m = ma[...] * isq
        m128 = m[:, :128] + xr[...] / d
        mfull = jnp.concatenate([m128, m[:, 128:]], axis=1)
        z = jnp.dot(mfull, wr[...], preferred_element_type=jnp.float32) + br[...]
        out_ref[...] = z * jax.nn.sigmoid(z)

    nb = lambda d: pl.BlockSpec((NB, d), lambda i: (i, 0))

    def full(a):
        return pl.BlockSpec(a.shape, lambda i: (0,) * a.ndim)

    return pl.pallas_call(
        body,
        grid=(grid,),
        in_specs=[nb(192), nb(128), nb(1), full(w), full(b)],
        out_specs=nb(128),
        out_shape=jax.ShapeDtypeStruct((N, 128), jnp.float32),
    )(msgs_a, x, deg, w, b)


def _tc_heads(x, atom_type, heads):
    NB = 1000
    grid = N // NB
    ws = [p["w"] for h in heads for p in h]
    bs = [p["b"].reshape(1, -1) for h in heads for p in h]

    def body(xr, ar, *rest):
        refs = rest[:-1]
        out_ref = rest[-1]
        outs = []
        for t in range(2):
            h = xr[...]
            for i in range(5):
                h = (jnp.dot(h, refs[5 * t + i][...],
                             preferred_element_type=jnp.float32)
                     + refs[10 + 5 * t + i][...])
                if i < 4:
                    h = jnp.maximum(h, 0.0)
            outs.append(h)
        out_ref[...] = jnp.where(ar[...] == 0, outs[0], outs[1])

    nb = lambda d: pl.BlockSpec((NB, d), lambda i: (i, 0))

    def full(a):
        return pl.BlockSpec(a.shape, lambda i: (0,) * a.ndim)

    return pl.pallas_call(
        body,
        grid=(grid,),
        in_specs=[nb(128), nb(1)] + [full(w) for w in ws] + [full(b) for b in bs],
        out_specs=nb(81),
        out_shape=jax.ShapeDtypeStruct((N, 81), jnp.float32),
    )(x, atom_type, *ws, *bs)


def kernel(node_env, edge_radial, edge_angular, params, edge_index, atom_type):
    x = node_env
    src = edge_index[0].astype(jnp.int32)
    dst = edge_index[1].astype(jnp.int32)
    pad = E_PAD - E
    src_g = jnp.pad(src, (0, pad))
    dst_g = jnp.pad(dst, (0, pad))
    dst_s = jnp.pad(dst, (0, pad), constant_values=N)
    er_p = jnp.pad(edge_radial, ((0, pad), (0, 0)))
    ea_p = jnp.pad(edge_angular, ((0, pad), (0, 0)))

    hist = _sc_scatter_add(jnp.ones((E_PAD, 16), jnp.float32), dst_s, D=16)
    deg = hist[:N, 0]
    invdeg = (1.0 / deg)[:, None]
    deg2d = deg[:, None]

    pretab = jnp.concatenate(
        [src[:N, None], lax.bitcast_convert_type(invdeg, jnp.int32),
         jnp.zeros((N, 14), jnp.int32)], axis=1)
    pre = _sc_gather(pretab, src_g, D=16, dtype=jnp.int32)
    idx2 = pre[:, 0]
    invsrc = lax.bitcast_convert_type(pre[:, 1:2], jnp.float32)

    idx_all = jnp.concatenate([src_g, dst_g, idx2])
    for lp in params["mp"]:
        g = _sc_gather(x.astype(jnp.bfloat16), idx_all, D=128,
                       dtype=jnp.bfloat16)
        g1, g2, g3 = g[:E_PAD], g[E_PAD:2 * E_PAD], g[2 * E_PAD:]
        ef, sub = _tc_edge(g1, g2, g3, er_p, ea_p, invsrc, lp["edge"])
        msgs = _sc_scatter_add(sub, dst_s, D=192)
        x = _tc_node(msgs[:N], x, deg2d, lp["node"])
        er_p, ea_p = ef[:, :32], ef[:, 32:]

    out = _tc_heads(x, atom_type.astype(jnp.int32)[:, None], params["heads"])
    return out.reshape(N, 9, 9)

# --- scband reference (transcript-rebuilt; emitter-appended) ---
"""Pipeline reference for scband-node-extraction-graph-convolutional-3135326126153 (READ-ONLY COPY).

The authoritative reference and input builder live on the scoring server;
editing this copy changes nothing except your own understanding.
"""

import jax, jax.numpy as jnp
import numpy as np

N_NODES = 10000
N_EDGES = 160000
NODE_DIM = 128
ER_DIM = 32
EA_DIM = 32
MP_LAYERS = 2
HIDDEN = 128
NUM_ORB = 9
N_TYPES = 2


def _lin(key, fin, fout):
    k1, k2 = jax.random.split(key)
    s = 1.0 / np.sqrt(fin)
    return {"w": jax.random.uniform(k1, (fin, fout), jnp.float32, -s, s),
            "b": jax.random.uniform(k2, (fout,), jnp.float32, -s, s)}


def setup_inputs(seed: int = 0) -> dict:
    key = jax.random.key(seed)
    ks = jax.random.split(key, 8)
    node_env = jax.random.normal(ks[0], (N_NODES, NODE_DIM), jnp.float32)
    edge_radial = jax.random.normal(ks[1], (N_EDGES, ER_DIM), jnp.float32)
    edge_angular = jax.random.normal(ks[2], (N_EDGES, EA_DIM), jnp.float32)
    src = jax.random.randint(ks[3], (N_EDGES,), 0, N_NODES)
    # ensure every node has in-degree >= 1 (module divides by in-degree)
    dst_tail = jax.random.randint(ks[4], (N_EDGES - N_NODES,), 0, N_NODES)
    dst = jax.random.permutation(ks[5], jnp.concatenate([jnp.arange(N_NODES), dst_tail]))
    edge_index = jnp.stack([src, dst], axis=0)
    atom_type = jax.random.randint(ks[6], (N_NODES,), 0, N_TYPES)
    pk = jax.random.split(ks[7], 64)
    ec = ER_DIM + EA_DIM
    inp = ec + 2 * NODE_DIM
    i = 0
    mp = []
    for _ in range(MP_LAYERS):
        dims = [(inp, inp // 2), (inp // 2, inp // 4), (inp // 4, inp // 8),
                (inp // 8, ec // 4), (ec // 4, ec // 2), (ec // 2, ec)]
        edge = [_lin(pk[i + j], a, b) for j, (a, b) in enumerate(dims)]
        i += 6
        node = _lin(pk[i], NODE_DIM + ec, NODE_DIM)
        i += 1
        mp.append({"edge": edge, "node": node})
    heads = []
    for _ in range(N_TYPES):
        hd = [(NODE_DIM, HIDDEN), (HIDDEN, HIDDEN), (HIDDEN, HIDDEN), (HIDDEN, HIDDEN), (HIDDEN, NUM_ORB * NUM_ORB)]
        heads.append([_lin(pk[i + j], a, b) for j, (a, b) in enumerate(hd)])
        i += 5
    params = {"mp": mp, "heads": heads}
    return {"node_env": node_env, "edge_radial": edge_radial, "edge_angular": edge_angular,
            "params": params, "edge_index": edge_index, "atom_type": atom_type}


def _mlp_relu(layers, x):
    for lp in layers[:-1]:
        x = jax.nn.relu(x @ lp["w"] + lp["b"])
    lp = layers[-1]
    return x @ lp["w"] + lp["b"]


def reference(node_env, edge_radial, edge_angular, params, edge_index, atom_type):
    x, er, ea = node_env, edge_radial, edge_angular
    src, dst = edge_index[0], edge_index[1]
    N = x.shape[0]
    nd = x.shape[1]
    erd = er.shape[1]
    deg = jnp.bincount(dst, length=N)
    degf = deg.astype(jnp.float32)
    for lp in params["mp"]:
        src_f = x[src]
        dst_f = x[dst]
        edge_in = jnp.concatenate([src_f, dst_f, er, ea], axis=-1)
        ef = _mlp_relu(lp["edge"], edge_in)
        # faithful to original: src_features[src[i]] is a double gather node_features[src[src[i]]]
        sub = jnp.concatenate([src_f[src], er, ea], axis=-1) / degf[src][:, None]
        msgs = jnp.zeros((N, nd + erd + ea.shape[1]), jnp.float32).at[dst].add(sub)
        sq = jnp.sqrt(degf)[:, None]
        msgs = msgs.at[:, :nd].add(x / sq)
        msgs = msgs / sq
        x = jax.nn.silu(msgs @ lp["node"]["w"] + lp["node"]["b"])
        er = ef[:, :erd]
        ea = ef[:, erd:]
    outs = jnp.stack([_mlp_relu(h, x) for h in params["heads"]], axis=0)
    sel = jnp.take_along_axis(outs, atom_type[None, :, None], axis=0)[0]
    return sel.reshape(N, NUM_ORB, NUM_ORB)

if __name__ == "__main__":
    import jax
    _d = setup_inputs()
    print(jax.jit(kernel)(*tuple(_d.values())))

</pallas_src>

<mosaic_0001>
#map = affine_map<(d0, d1) -> (0, 0)>
#map1 = affine_map<(d0, d1) -> (0, 0, 0)>
module attributes {stable_mosaic.version = 14 : i64} {
  func.func @k(%arg0: i32, %arg1: i32, %arg2: memref<163840x16xf32, #tpu.memory_space<hbm>>, %arg3: memref<16x80x128xi32, #tpu.memory_space<hbm>>, %arg4: memref<10240x8xf32, #tpu.memory_space<hbm>>, %arg5: memref<10240x16xf32, #tpu.memory_space<hbm>>, %arg6: memref<80x128xi32, #tpu.memory_space<vmem>>, %arg7: memref<2x2x128x8xf32, #tpu.memory_space<vmem>>, %arg8: memref<10240x8xf32, #tpu.memory_space<vmem_shared>>, %arg9: memref<!tpu.dma_semaphore, #tpu.memory_space<semaphore_mem>>, %arg10: memref<!tpu.dma_semaphore, #tpu.memory_space<semaphore_mem>>) attributes {dimension_semantics = [#tpu.dimension_semantics<core_parallel>, #tpu.dimension_semantics<subcore_parallel>], iteration_bounds = array<i64: 2, 16>, scalar_prefetch = 0 : i64, scratch_operands = 5 : i64, tpu.core_type = #tpu.core_type<sc_vector_subcore>, window_params = [{transform_indices = #map}, {transform_indices = #map1}, {transform_indices = #map}, {transform_indices = #map}]} {
    %mul3A = arith.constant 8 : i32
    %mul3A_0 = arith.muli %arg0, %mul3A : i32
    %mul3A_1 = arith.constant 640 : i32
    %mul3A_2 = arith.muli %arg1, %mul3A_1 : i32
    %mul3A_3 = arith.constant 640 : i32
    %mul3A_4 = arith.muli %arg1, %mul3A_3 : i32
    "tpu.region"() ({
      %run_scoped3A = tpu.sem_alloc : memref<!tpu.dma_semaphore, #tpu.memory_space<semaphore_mem>>
      %dma_start3A_75 = arith.constant 0 : i32
      %dma_start3A_76 = tpu.memref_slice %arg8[%mul3A_4, %dma_start3A_75] : memref<10240x8xf32, #tpu.memory_space<vmem_shared>> -> memref<640x8xf32, #tpu.memory_space<vmem_shared>>
      %dma_start3A_77 = arith.constant 0 : i32
      %dma_start3A_78 = tpu.memref_slice %arg4[%mul3A_2, %dma_start3A_77] : memref<10240x8xf32, #tpu.memory_space<hbm>> -> memref<640x8xf32, #tpu.memory_space<hbm>>
      tpu.enqueue_dma source(%dma_start3A_78 : memref<640x8xf32, #tpu.memory_space<hbm>>) target(%dma_start3A_76 : memref<640x8xf32, #tpu.memory_space<vmem_shared>>) target_semaphore(%run_scoped3A : memref<!tpu.dma_semaphore, #tpu.memory_space<semaphore_mem>>)
      %dma_wait3A_79 = arith.constant 0 : i32
      %dma_wait3A_80 = tpu.memref_slice %arg8[%mul3A_4, %dma_wait3A_79] : memref<10240x8xf32, #tpu.memory_space<vmem_shared>> -> memref<640x8xf32, #tpu.memory_space<vmem_shared>>
      %dma_wait3A_81 = arith.constant 0 : i32
      %dma_wait3A_82 = tpu.memref_slice %arg4[%mul3A_2, %dma_wait3A_81] : memref<10240x8xf32, #tpu.memory_space<hbm>> -> memref<640x8xf32, #tpu.memory_space<hbm>>
      tpu.wait_dma2 semaphore(%run_scoped3A : memref<!tpu.dma_semaphore, #tpu.memory_space<semaphore_mem>>) src(%dma_wait3A_82 : memref<640x8xf32, #tpu.memory_space<hbm>>) dst(%dma_wait3A_80 : memref<640x8xf32, #tpu.memory_space<vmem_shared>>)
      tpu.yield
    }) : () -> ()
    "tpu.region"() ({
      %run_scoped3A = tpu.sem_alloc : memref<!tpu.dma_semaphore, #tpu.memory_space<semaphore_mem>>
      %dma_start3A_75 = arith.constant 0 : i32
      %dma_start3A_76 = arith.constant 0 : i32
      %dma_start3A_77 = tpu.memref_slice %arg3[%arg1, %dma_start3A_75, %dma_start3A_76] : memref<16x80x128xi32, #tpu.memory_space<hbm>> -> memref<1x80x128xi32, #tpu.memory_space<hbm>>
      %dma_start3A_78 = tpu.memref_squeeze %dma_start3A_77 : memref<1x80x128xi32, #tpu.memory_space<hbm>> -> memref<80x128xi32, #tpu.memory_space<hbm>>
      %dma_start3A_79 = arith.constant 0 : i32
      %dma_start3A_80 = arith.constant 0 : i32
      %dma_start3A_81 = tpu.memref_slice %arg3[%arg1, %dma_start3A_79, %dma_start3A_80] : memref<16x80x128xi32, #tpu.memory_space<hbm>> -> memref<1x80x128xi32, #tpu.memory_space<hbm>>
      %dma_start3A_82 = tpu.memref_squeeze %dma_start3A_81 : memref<1x80x128xi32, #tpu.memory_space<hbm>> -> memref<80x128xi32, #tpu.memory_space<hbm>>
      tpu.enqueue_dma source(%dma_start3A_82 : memref<80x128xi32, #tpu.memory_space<hbm>>) target(%arg6 : memref<80x128xi32, #tpu.memory_space<vmem>>) target_semaphore(%run_scoped3A : memref<!tpu.dma_semaphore, #tpu.memory_space<semaphore_mem>>)
      %dma_wait3A_83 = arith.constant 0 : i32
      %dma_wait3A_84 = arith.constant 0 : i32
      %dma_wait3A_85 = tpu.memref_slice %arg3[%arg1, %dma_wait3A_83, %dma_wait3A_84] : memref<16x80x128xi32, #tpu.memory_space<hbm>> -> memref<1x80x128xi32, #tpu.memory_space<hbm>>
      %dma_wait3A_86 = tpu.memref_squeeze %dma_wait3A_85 : memref<1x80x128xi32, #tpu.memory_space<hbm>> -> memref<80x128xi32, #tpu.memory_space<hbm>>
      %dma_wait3A_87 = arith.constant 0 : i32
      %dma_wait3A_88 = arith.constant 0 : i32
      %dma_wait3A_89 = tpu.memref_slice %arg3[%arg1, %dma_wait3A_87, %dma_wait3A_88] : memref<16x80x128xi32, #tpu.memory_space<hbm>> -> memref<1x80x128xi32, #tpu.memory_space<hbm>>
      %dma_wait3A_90 = tpu.memref_squeeze %dma_wait3A_89 : memref<1x80x128xi32, #tpu.memory_space<hbm>> -> memref<80x128xi32, #tpu.memory_space<hbm>>
      tpu.wait_dma2 semaphore(%run_scoped3A : memref<!tpu.dma_semaphore, #tpu.memory_space<semaphore_mem>>) src(%dma_wait3A_90 : memref<80x128xi32, #tpu.memory_space<hbm>>) dst(%arg6 : memref<80x128xi32, #tpu.memory_space<vmem>>)
      tpu.yield
    }) : () -> ()
    %barrier3A = arith.constant 0 : index
    tpu.barrier barrier_id(%barrier3A)
    %mul3A_5 = arith.constant 10240 : i32
    %mul3A_6 = arith.muli %arg1, %mul3A_5 : i32
    %add3A = arith.constant 0 : i32
    %add3A_7 = arith.addi %mul3A_6, %add3A : i32
    %dma_start3A = arith.constant 0 : i32
    %dma_start3A_8 = arith.constant 0 : i32
    %dma_start3A_9 = arith.constant 0 : i32
    %dma_start3A_10 = arith.constant 0 : i32
    %dma_start3A_11 = tpu.memref_slice %arg7[%dma_start3A, %dma_start3A_8, %dma_start3A_9, %dma_start3A_10] : memref<2x2x128x8xf32, #tpu.memory_space<vmem>> -> memref<1x1x128x8xf32, #tpu.memory_space<vmem>>
    %dma_start3A_12 = tpu.memref_squeeze %dma_start3A_11 : memref<1x1x128x8xf32, #tpu.memory_space<vmem>> -> memref<128x8xf32, #tpu.memory_space<vmem>>
    %dma_start3A_13 = tpu.memref_slice %arg2[%add3A_7, %mul3A_0] : memref<163840x16xf32, #tpu.memory_space<hbm>> -> memref<128x8xf32, #tpu.memory_space<hbm>>
    %dma_start3A_14 = arith.constant 0 : i32
    %dma_start3A_15 = arith.constant 0 : i32
    %dma_start3A_16 = tpu.memref_slice %arg7[%dma_start3A, %dma_start3A_8, %dma_start3A_14, %dma_start3A_15] : memref<2x2x128x8xf32, #tpu.memory_space<vmem>> -> memref<1x1x128x8xf32, #tpu.memory_space<vmem>>
    %dma_start3A_17 = tpu.memref_squeeze %dma_start3A_16 : memref<1x1x128x8xf32, #tpu.memory_space<vmem>> -> memref<128x8xf32, #tpu.memory_space<vmem>>
    %dma_start3A_18 = tpu.memref_slice %arg2[%add3A_7, %mul3A_0] : memref<163840x16xf32, #tpu.memory_space<hbm>> -> memref<128x8xf32, #tpu.memory_space<hbm>>
    tpu.enqueue_dma source(%dma_start3A_18 : memref<128x8xf32, #tpu.memory_space<hbm>>) target(%dma_start3A_17 : memref<128x8xf32, #tpu.memory_space<vmem>>) target_semaphore(%arg9 : memref<!tpu.dma_semaphore, #tpu.memory_space<semaphore_mem>>)
    %add3A_19 = arith.constant 128 : i32
    %add3A_20 = arith.addi %mul3A_6, %add3A_19 : i32
    %dma_start3A_21 = arith.constant 0 : i32
    %dma_start3A_22 = arith.constant 1 : i32
    %dma_start3A_23 = arith.constant 0 : i32
    %dma_start3A_24 = arith.constant 0 : i32
    %dma_start3A_25 = tpu.memref_slice %arg7[%dma_start3A_21, %dma_start3A_22, %dma_start3A_23, %dma_start3A_24] : memref<2x2x128x8xf32, #tpu.memory_space<vmem>> -> memref<1x1x128x8xf32, #tpu.memory_space<vmem>>
    %dma_start3A_26 = tpu.memref_squeeze %dma_start3A_25 : memref<1x1x128x8xf32, #tpu.memory_space<vmem>> -> memref<128x8xf32, #tpu.memory_space<vmem>>
    %dma_start3A_27 = tpu.memref_slice %arg2[%add3A_20, %mul3A_0] : memref<163840x16xf32, #tpu.memory_space<hbm>> -> memref<128x8xf32, #tpu.memory_space<hbm>>
    %dma_start3A_28 = arith.constant 0 : i32
    %dma_start3A_29 = arith.constant 0 : i32
    %dma_start3A_30 = tpu.memref_slice %arg7[%dma_start3A_21, %dma_start3A_22, %dma_start3A_28, %dma_start3A_29] : memref<2x2x128x8xf32, #tpu.memory_space<vmem>> -> memref<1x1x128x8xf32, #tpu.memory_space<vmem>>
    %dma_start3A_31 = tpu.memref_squeeze %dma_start3A_30 : memref<1x1x128x8xf32, #tpu.memory_space<vmem>> -> memref<128x8xf32, #tpu.memory_space<vmem>>
    %dma_start3A_32 = tpu.memref_slice %arg2[%add3A_20, %mul3A_0] : memref<163840x16xf32, #tpu.memory_space<hbm>> -> memref<128x8xf32, #tpu.memory_space<hbm>>
    tpu.enqueue_dma source(%dma_start3A_32 : memref<128x8xf32, #tpu.memory_space<hbm>>) target(%dma_start3A_31 : memref<128x8xf32, #tpu.memory_space<vmem>>) target_semaphore(%arg9 : memref<!tpu.dma_semaphore, #tpu.memory_space<semaphore_mem>>)
    %scan3A = arith.constant 0 : i32
    %scan3A_33 = arith.constant 0 : i32
    %scan3A_34 = arith.constant 40 : i32
    %scan3A_35 = arith.addi %scan3A_33, %scan3A_34 : i32
    %scan3A_36 = arith.constant 1 : i32
    %scan3A_37 = scf.for %scan3A_75 = %scan3A_33 to %scan3A_35 step %scan3A_36 iter_args(%scan3A_76 = %scan3A) -> (i32)  : i32 {
      %rem3A = arith.constant 2 : i32
      %rem3A_77 = arith.remsi %scan3A_75, %rem3A : i32
      %dma_wait3A_78 = arith.constant 0 : i32
      %dma_wait3A_79 = arith.constant 0 : i32
      %dma_wait3A_80 = arith.constant 0 : i32
      %dma_wait3A_81 = arith.constant 0 : i32
      %dma_wait3A_82 = tpu.memref_slice %arg7[%dma_wait3A_78, %dma_wait3A_79, %dma_wait3A_80, %dma_wait3A_81] : memref<2x2x128x8xf32, #tpu.memory_space<vmem>> -> memref<1x1x128x8xf32, #tpu.memory_space<vmem>>
      %dma_wait3A_83 = tpu.memref_squeeze %dma_wait3A_82 : memref<1x1x128x8xf32, #tpu.memory_space<vmem>> -> memref<128x8xf32, #tpu.memory_space<vmem>>
      %dma_wait3A_84 = arith.constant 0 : i32
      %dma_wait3A_85 = arith.constant 0 : i32
      %dma_wait3A_86 = tpu.memref_slice %arg8[%dma_wait3A_84, %dma_wait3A_85] : memref<10240x8xf32, #tpu.memory_space<vmem_shared>> -> memref<128x8xf32, #tpu.memory_space<vmem_shared>>
      %dma_wait3A_87 = arith.constant 0 : i32
      %dma_wait3A_88 = arith.constant 0 : i32
      %dma_wait3A_89 = tpu.memref_slice %arg8[%dma_wait3A_87, %dma_wait3A_88] : memref<10240x8xf32, #tpu.memory_space<vmem_shared>> -> memref<128x8xf32, #tpu.memory_space<vmem_shared>>
      %dma_wait3A_90 = arith.constant 0 : i32
      %dma_wait3A_91 = arith.constant 0 : i32
      %dma_wait3A_92 = tpu.memref_slice %arg7[%dma_wait3A_78, %dma_wait3A_79, %dma_wait3A_90, %dma_wait3A_91] : memref<2x2x128x8xf32, #tpu.memory_space<vmem>> -> memref<1x1x128x8xf32, #tpu.memory_space<vmem>>
      %dma_wait3A_93 = tpu.memref_squeeze %dma_wait3A_92 : memref<1x1x128x8xf32, #tpu.memory_space<vmem>> -> memref<128x8xf32, #tpu.memory_space<vmem>>
      tpu.wait_dma2 semaphore(%arg9 : memref<!tpu.dma_semaphore, #tpu.memory_space<semaphore_mem>>) src(%dma_wait3A_93 : memref<128x8xf32, #tpu.memory_space<vmem>>) dst(%dma_wait3A_89 : memref<128x8xf32, #tpu.memory_space<vmem_shared>>)
      %dma_wait3A_94 = arith.constant 0 : i32
      %dma_wait3A_95 = arith.constant 0 : i32
      %dma_wait3A_96 = arith.constant 0 : i32
      %dma_wait3A_97 = arith.constant 0 : i32
      %dma_wait3A_98 = tpu.memref_slice %arg7[%dma_wait3A_94, %dma_wait3A_95, %dma_wait3A_96, %dma_wait3A_97] : memref<2x2x128x8xf32, #tpu.memory_space<vmem>> -> memref<1x1x128x8xf32, #tpu.memory_space<vmem>>
      %dma_wait3A_99 = tpu.memref_squeeze %dma_wait3A_98 : memref<1x1x128x8xf32, #tpu.memory_space<vmem>> -> memref<128x8xf32, #tpu.memory_space<vmem>>
      %dma_wait3A_100 = arith.constant 0 : i32
      %dma_wait3A_101 = arith.constant 0 : i32
      %dma_wait3A_102 = tpu.memref_slice %arg8[%dma_wait3A_100, %dma_wait3A_101] : memref<10240x8xf32, #tpu.memory_space<vmem_shared>> -> memref<128x8xf32, #tpu.memory_space<vmem_shared>>
      %dma_wait3A_103 = arith.constant 0 : i32
      %dma_wait3A_104 = arith.constant 0 : i32
      %dma_wait3A_105 = tpu.memref_slice %arg8[%dma_wait3A_103, %dma_wait3A_104] : memref<10240x8xf32, #tpu.memory_space<vmem_shared>> -> memref<128x8xf32, #tpu.memory_space<vmem_shared>>
      %dma_wait3A_106 = arith.constant 0 : i32
      %dma_wait3A_107 = arith.constant 0 : i32
      %dma_wait3A_108 = tpu.memref_slice %arg7[%dma_wait3A_94, %dma_wait3A_95, %dma_wait3A_106, %dma_wait3A_107] : memref<2x2x128x8xf32, #tpu.memory_space<vmem>> -> memref<1x1x128x8xf32, #tpu.memory_space<vmem>>
      %dma_wait3A_109 = tpu.memref_squeeze %dma_wait3A_108 : memref<1x1x128x8xf32, #tpu.memory_space<vmem>> -> memref<128x8xf32, #tpu.memory_space<vmem>>
      tpu.wait_dma2 semaphore(%arg9 : memref<!tpu.dma_semaphore, #tpu.memory_space<semaphore_mem>>) src(%dma_wait3A_109 : memref<128x8xf32, #tpu.memory_space<vmem>>) dst(%dma_wait3A_105 : memref<128x8xf32, #tpu.memory_space<vmem_shared>>)
      %gt3A = arith.constant 0 : i32
      %gt3A_110 = arith.cmpi sgt, %scan3A_75, %gt3A : i32
      %convert_element_type3A = arith.extui %gt3A_110 : i1 to i32
      %cond3A = arith.constant 0 : i32
      %cond3A_111 = arith.cmpi ne, %convert_element_type3A, %cond3A : i32
      scf.if %cond3A_111 {
        %dma_wait3A_149 = arith.constant 0 : i32
        %dma_wait3A_150 = arith.constant 0 : i32
        %dma_wait3A_151 = arith.constant 0 : i32
        %dma_wait3A_152 = arith.constant 0 : i32
        %dma_wait3A_153 = tpu.memref_slice %arg7[%dma_wait3A_149, %dma_wait3A_150, %dma_wait3A_151, %dma_wait3A_152] : memref<2x2x128x8xf32, #tpu.memory_space<vmem>> -> memref<1x1x128x8xf32, #tpu.memory_space<vmem>>
        %dma_wait3A_154 = tpu.memref_squeeze %dma_wait3A_153 : memref<1x1x128x8xf32, #tpu.memory_space<vmem>> -> memref<128x8xf32, #tpu.memory_space<vmem>>
        %dma_wait3A_155 = arith.constant 0 : i32
        %dma_wait3A_156 = arith.constant 0 : i32
        %dma_wait3A_157 = tpu.memref_slice %arg8[%dma_wait3A_155, %dma_wait3A_156] : memref<10240x8xf32, #tpu.memory_space<vmem_shared>> -> memref<128x8xf32, #tpu.memory_space<vmem_shared>>
        %dma_wait3A_158 = arith.constant 0 : i32
        %dma_wait3A_159 = arith.constant 0 : i32
        %dma_wait3A_160 = tpu.memref_slice %arg8[%dma_wait3A_158, %dma_wait3A_159] : memref<10240x8xf32, #tpu.memory_space<vmem_shared>> -> memref<128x8xf32, #tpu.memory_space<vmem_shared>>
        %dma_wait3A_161 = arith.constant 0 : i32
        %dma_wait3A_162 = arith.constant 0 : i32
        %dma_wait3A_163 = tpu.memref_slice %arg7[%dma_wait3A_149, %dma_wait3A_150, %dma_wait3A_161, %dma_wait3A_162] : memref<2x2x128x8xf32, #tpu.memory_space<vmem>> -> memref<1x1x128x8xf32, #tpu.memory_space<vmem>>
        %dma_wait3A_164 = tpu.memref_squeeze %dma_wait3A_163 : memref<1x1x128x8xf32, #tpu.memory_space<vmem>> -> memref<128x8xf32, #tpu.memory_space<vmem>>
        tpu.wait_dma2 semaphore(%arg10 : memref<!tpu.dma_semaphore, #tpu.memory_space<semaphore_mem>>) src(%dma_wait3A_164 : memref<128x8xf32, #tpu.memory_space<vmem>>) dst(%dma_wait3A_160 : memref<128x8xf32, #tpu.memory_space<vmem_shared>>)
        %dma_wait3A_165 = arith.constant 0 : i32
        %dma_wait3A_166 = arith.constant 0 : i32
        %dma_wait3A_167 = arith.constant 0 : i32
        %dma_wait3A_168 = arith.constant 0 : i32
        %dma_wait3A_169 = tpu.memref_slice %arg7[%dma_wait3A_165, %dma_wait3A_166, %dma_wait3A_167, %dma_wait3A_168] : memref<2x2x128x8xf32, #tpu.memory_space<vmem>> -> memref<1x1x128x8xf32, #tpu.memory_space<vmem>>
        %dma_wait3A_170 = tpu.memref_squeeze %dma_wait3A_169 : memref<1x1x128x8xf32, #tpu.memory_space<vmem>> -> memref<128x8xf32, #tpu.memory_space<vmem>>
        %dma_wait3A_171 = arith.constant 0 : i32
        %dma_wait3A_172 = arith.constant 0 : i32
        %dma_wait3A_173 = tpu.memref_slice %arg8[%dma_wait3A_171, %dma_wait3A_172] : memref<10240x8xf32, #tpu.memory_space<vmem_shared>> -> memref<128x8xf32, #tpu.memory_space<vmem_shared>>
        %dma_wait3A_174 = arith.constant 0 : i32
        %dma_wait3A_175 = arith.constant 0 : i32
        %dma_wait3A_176 = tpu.memref_slice %arg8[%dma_wait3A_174, %dma_wait3A_175] : memref<10240x8xf32, #tpu.memory_space<vmem_shared>> -> memref<128x8xf32, #tpu.memory_space<vmem_shared>>
        %dma_wait3A_177 = arith.constant 0 : i32
        %dma_wait3A_178 = arith.constant 0 : i32
        %dma_wait3A_179 = tpu.memref_slice %arg7[%dma_wait3A_165, %dma_wait3A_166, %dma_wait3A_177, %dma_wait3A_178] : memref<2x2x128x8xf32, #tpu.memory_space<vmem>> -> memref<1x1x128x8xf32, #tpu.memory_space<vmem>>
        %dma_wait3A_180 = tpu.memref_squeeze %dma_wait3A_179 : memref<1x1x128x8xf32, #tpu.memory_space<vmem>> -> memref<128x8xf32, #tpu.memory_space<vmem>>
        tpu.wait_dma2 semaphore(%arg10 : memref<!tpu.dma_semaphore, #tpu.memory_space<semaphore_mem>>) src(%dma_wait3A_180 : memref<128x8xf32, #tpu.memory_space<vmem>>) dst(%dma_wait3A_176 : memref<128x8xf32, #tpu.memory_space<vmem_shared>>)
      } else {
      }
      %add3A_112 = arith.constant 1 : i32
      %add3A_113 = arith.addi %scan3A_75, %add3A_112 : i32
      %lt3A = arith.constant 40 : i32
      %lt3A_114 = arith.cmpi slt, %add3A_113, %lt3A : i32
      %convert_element_type3A_115 = arith.extui %lt3A_114 : i1 to i32
      %cond3A_116 = arith.constant 0 : i32
      %cond3A_117 = arith.cmpi ne, %convert_element_type3A_115, %cond3A_116 : i32
      scf.if %cond3A_117 {
        %add3A_149 = arith.constant 1 : i32
        %add3A_150 = arith.addi %scan3A_75, %add3A_149 : i32
        %sub3A = arith.constant 1 : i32
        %sub3A_151 = arith.subi %sub3A, %rem3A_77 : i32
        %mul3A_152 = arith.constant 2 : i32
        %mul3A_153 = arith.muli %add3A_150, %mul3A_152 : i32
        %add3A_154 = arith.constant 0 : i32
        %add3A_155 = arith.addi %mul3A_153, %add3A_154 : i32
        %mul3A_156 = arith.constant 128 : i32
        %mul3A_157 = arith.muli %add3A_155, %mul3A_156 : i32
        %add3A_158 = arith.addi %mul3A_6, %mul3A_157 : i32
        %dma_start3A_159 = arith.constant 0 : i32
        %dma_start3A_160 = arith.constant 0 : i32
        %dma_start3A_161 = arith.constant 0 : i32
        %dma_start3A_162 = tpu.memref_slice %arg7[%sub3A_151, %dma_start3A_159, %dma_start3A_160, %dma_start3A_161] : memref<2x2x128x8xf32, #tpu.memory_space<vmem>> -> memref<1x1x128x8xf32, #tpu.memory_space<vmem>>
        %dma_start3A_163 = tpu.memref_squeeze %dma_start3A_162 : memref<1x1x128x8xf32, #tpu.memory_space<vmem>> -> memref<128x8xf32, #tpu.memory_space<vmem>>
        %dma_start3A_164 = tpu.memref_slice %arg2[%add3A_158, %mul3A_0] : memref<163840x16xf32, #tpu.memory_space<hbm>> -> memref<128x8xf32, #tpu.memory_space<hbm>>
        %dma_start3A_165 = arith.constant 0 : i32
        %dma_start3A_166 = arith.constant 0 : i32
        %dma_start3A_167 = tpu.memref_slice %arg7[%sub3A_151, %dma_start3A_159, %dma_start3A_165, %dma_start3A_166] : memref<2x2x128x8xf32, #tpu.memory_space<vmem>> -> memref<1x1x128x8xf32, #tpu.memory_space<vmem>>
        %dma_start3A_168 = tpu.memref_squeeze %dma_start3A_167 : memref<1x1x128x8xf32, #tpu.memory_space<vmem>> -> memref<128x8xf32, #tpu.memory_space<vmem>>
        %dma_start3A_169 = tpu.memref_slice %arg2[%add3A_158, %mul3A_0] : memref<163840x16xf32, #tpu.memory_space<hbm>> -> memref<128x8xf32, #tpu.memory_space<hbm>>
        tpu.enqueue_dma source(%dma_start3A_169 : memref<128x8xf32, #tpu.memory_space<hbm>>) target(%dma_start3A_168 : memref<128x8xf32, #tpu.memory_space<vmem>>) target_semaphore(%arg9 : memref<!tpu.dma_semaphore, #tpu.memory_space<semaphore_mem>>)
        %mul3A_170 = arith.constant 2 : i32
        %mul3A_171 = arith.muli %add3A_150, %mul3A_170 : i32
        %add3A_172 = arith.constant 1 : i32
        %add3A_173 = arith.addi %mul3A_171, %add3A_172 : i32
        %mul3A_174 = arith.constant 128 : i32
        %mul3A_175 = arith.muli %add3A_173, %mul3A_174 : i32
        %add3A_176 = arith.addi %mul3A_6, %mul3A_175 : i32
        %dma_start3A_177 = arith.constant 1 : i32
        %dma_start3A_178 = arith.constant 0 : i32
        %dma_start3A_179 = arith.constant 0 : i32
        %dma_start3A_180 = tpu.memref_slice %arg7[%sub3A_151, %dma_start3A_177, %dma_start3A_178, %dma_start3A_179] : memref<2x2x128x8xf32, #tpu.memory_space<vmem>> -> memref<1x1x128x8xf32, #tpu.memory_space<vmem>>
        %dma_start3A_181 = tpu.memref_squeeze %dma_start3A_180 : memref<1x1x128x8xf32, #tpu.memory_space<vmem>> -> memref<128x8xf32, #tpu.memory_space<vmem>>
        %dma_start3A_182 = tpu.memref_slice %arg2[%add3A_176, %mul3A_0] : memref<163840x16xf32, #tpu.memory_space<hbm>> -> memref<128x8xf32, #tpu.memory_space<hbm>>
        %dma_start3A_183 = arith.constant 0 : i32
        %dma_start3A_184 = arith.constant 0 : i32
        %dma_start3A_185 = tpu.memref_slice %arg7[%sub3A_151, %dma_start3A_177, %dma_start3A_183, %dma_start3A_184] : memref<2x2x128x8xf32, #tpu.memory_space<vmem>> -> memref<1x1x128x8xf32, #tpu.memory_space<vmem>>
        %dma_start3A_186 = tpu.memref_squeeze %dma_start3A_185 : memref<1x1x128x8xf32, #tpu.memory_space<vmem>> -> memref<128x8xf32, #tpu.memory_space<vmem>>
        %dma_start3A_187 = tpu.memref_slice %arg2[%add3A_176, %mul3A_0] : memref<163840x16xf32, #tpu.memory_space<hbm>> -> memref<128x8xf32, #tpu.memory_space<hbm>>
        tpu.enqueue_dma source(%dma_start3A_187 : memref<128x8xf32, #tpu.memory_space<hbm>>) target(%dma_start3A_186 : memref<128x8xf32, #tpu.memory_space<vmem>>) target_semaphore(%arg9 : memref<!tpu.dma_semaphore, #tpu.memory_space<semaphore_mem>>)
      } else {
      }
      %mul3A_118 = arith.constant 2 : i32
      %mul3A_119 = arith.muli %scan3A_75, %mul3A_118 : i32
      %add3A_120 = arith.constant 0 : i32
      %add3A_121 = arith.addi %mul3A_119, %add3A_120 : i32
      %dma_start3A_122 = arith.constant 0 : i32
      %dma_start3A_123 = arith.constant 0 : i32
      %dma_start3A_124 = arith.constant 0 : i32
      %dma_start3A_125 = tpu.memref_slice %arg7[%rem3A_77, %dma_start3A_122, %dma_start3A_123, %dma_start3A_124] : memref<2x2x128x8xf32, #tpu.memory_space<vmem>> -> memref<1x1x128x8xf32, #tpu.memory_space<vmem>>
      %dma_start3A_126 = tpu.memref_squeeze %dma_start3A_125 : memref<1x1x128x8xf32, #tpu.memory_space<vmem>> -> memref<128x8xf32, #tpu.memory_space<vmem>>
      %dma_start3A_127 = arith.constant 0 : i32
      %dma_start3A_128 = tpu.memref_slice %arg6[%add3A_121, %dma_start3A_127] : memref<80x128xi32, #tpu.memory_space<vmem>> -> memref<1x128xi32, #tpu.memory_space<vmem>>
      %dma_start3A_129 = tpu.memref_squeeze %dma_start3A_128 : memref<1x128xi32, #tpu.memory_space<vmem>> -> memref<128xi32, #tpu.memory_space<vmem>>
      %dma_start3A_130 = arith.constant 0 : i32
      %dma_start3A_131 = arith.constant 0 : i32
      %dma_start3A_132 = tpu.memref_slice %arg8[%dma_start3A_130, %dma_start3A_131] : memref<10240x8xf32, #tpu.memory_space<vmem_shared>> -> memref<10240x8xf32, #tpu.memory_space<vmem_shared>>
      tpu.enqueue_indirect_dma source(%dma_start3A_126 : memref<128x8xf32, #tpu.memory_space<vmem>>) target(%dma_start3A_132 : memref<10240x8xf32, #tpu.memory_space<vmem_shared>>) offsets(%dma_start3A_129 : memref<128xi32, #tpu.memory_space<vmem>>) semaphore(%arg10 : memref<!tpu.dma_semaphore, #tpu.memory_space<semaphore_mem>>) {add = true}
      %mul3A_133 = arith.constant 2 : i32
      %mul3A_134 = arith.muli %scan3A_75, %mul3A_133 : i32
      %add3A_135 = arith.constant 1 : i32
      %add3A_136 = arith.addi %mul3A_134, %add3A_135 : i32
      %dma_start3A_137 = arith.constant 1 : i32
      %dma_start3A_138 = arith.constant 0 : i32
      %dma_start3A_139 = arith.constant 0 : i32
      %dma_start3A_140 = tpu.memref_slice %arg7[%rem3A_77, %dma_start3A_137, %dma_start3A_138, %dma_start3A_139] : memref<2x2x128x8xf32, #tpu.memory_space<vmem>> -> memref<1x1x128x8xf32, #tpu.memory_space<vmem>>
      %dma_start3A_141 = tpu.memref_squeeze %dma_start3A_140 : memref<1x1x128x8xf32, #tpu.memory_space<vmem>> -> memref<128x8xf32, #tpu.memory_space<vmem>>
      %dma_start3A_142 = arith.constant 0 : i32
      %dma_start3A_143 = tpu.memref_slice %arg6[%add3A_136, %dma_start3A_142] : memref<80x128xi32, #tpu.memory_space<vmem>> -> memref<1x128xi32, #tpu.memory_space<vmem>>
      %dma_start3A_144 = tpu.memref_squeeze %dma_start3A_143 : memref<1x128xi32, #tpu.memory_space<vmem>> -> memref<128xi32, #tpu.memory_space<vmem>>
      %dma_start3A_145 = arith.constant 0 : i32
      %dma_start3A_146 = arith.constant 0 : i32
      %dma_start3A_147 = tpu.memref_slice %arg8[%dma_start3A_145, %dma_start3A_146] : memref<10240x8xf32, #tpu.memory_space<vmem_shared>> -> memref<10240x8xf32, #tpu.memory_space<vmem_shared>>
      tpu.enqueue_indirect_dma source(%dma_start3A_141 : memref<128x8xf32, #tpu.memory_space<vmem>>) target(%dma_start3A_147 : memref<10240x8xf32, #tpu.memory_space<vmem_shared>>) offsets(%dma_start3A_144 : memref<128xi32, #tpu.memory_space<vmem>>) semaphore(%arg10 : memref<!tpu.dma_semaphore, #tpu.memory_space<semaphore_mem>>) {add = true}
      %scan3A_148 = arith.constant 0 : i32
      scf.yield %scan3A_148 : i32
    }
    %scan3A_38 = arith.constant 40 : i32
    %dma_wait3A = arith.constant 0 : i32
    %dma_wait3A_39 = arith.constant 0 : i32
    %dma_wait3A_40 = arith.constant 0 : i32
    %dma_wait3A_41 = arith.constant 0 : i32
    %dma_wait3A_42 = tpu.memref_slice %arg7[%dma_wait3A, %dma_wait3A_39, %dma_wait3A_40, %dma_wait3A_41] : memref<2x2x128x8xf32, #tpu.memory_space<vmem>> -> memref<1x1x128x8xf32, #tpu.memory_space<vmem>>
    %dma_wait3A_43 = tpu.memref_squeeze %dma_wait3A_42 : memref<1x1x128x8xf32, #tpu.memory_space<vmem>> -> memref<128x8xf32, #tpu.memory_space<vmem>>
    %dma_wait3A_44 = arith.constant 0 : i32
    %dma_wait3A_45 = arith.constant 0 : i32
    %dma_wait3A_46 = tpu.memref_slice %arg8[%dma_wait3A_44, %dma_wait3A_45] : memref<10240x8xf32, #tpu.memory_space<vmem_shared>> -> memref<128x8xf32, #tpu.memory_space<vmem_shared>>
    %dma_wait3A_47 = arith.constant 0 : i32
    %dma_wait3A_48 = arith.constant 0 : i32
    %dma_wait3A_49 = tpu.memref_slice %arg8[%dma_wait3A_47, %dma_wait3A_48] : memref<10240x8xf32, #tpu.memory_space<vmem_shared>> -> memref<128x8xf32, #tpu.memory_space<vmem_shared>>
    %dma_wait3A_50 = arith.constant 0 : i32
    %dma_wait3A_51 = arith.constant 0 : i32
    %dma_wait3A_52 = tpu.memref_slice %arg7[%dma_wait3A, %dma_wait3A_39, %dma_wait3A_50, %dma_wait3A_51] : memref<2x2x128x8xf32, #tpu.memory_space<vmem>> -> memref<1x1x128x8xf32, #tpu.memory_space<vmem>>
    %dma_wait3A_53 = tpu.memref_squeeze %dma_wait3A_52 : memref<1x1x128x8xf32, #tpu.memory_space<vmem>> -> memref<128x8xf32, #tpu.memory_space<vmem>>
    tpu.wait_dma2 semaphore(%arg10 : memref<!tpu.dma_semaphore, #tpu.memory_space<semaphore_mem>>) src(%dma_wait3A_53 : memref<128x8xf32, #tpu.memory_space<vmem>>) dst(%dma_wait3A_49 : memref<128x8xf32, #tpu.memory_space<vmem_shared>>)
    %dma_wait3A_54 = arith.constant 0 : i32
    %dma_wait3A_55 = arith.constant 0 : i32
    %dma_wait3A_56 = arith.constant 0 : i32
    %dma_wait3A_57 = arith.constant 0 : i32
    %dma_wait3A_58 = tpu.memref_slice %arg7[%dma_wait3A_54, %dma_wait3A_55, %dma_wait3A_56, %dma_wait3A_57] : memref<2x2x128x8xf32, #tpu.memory_space<vmem>> -> memref<1x1x128x8xf32, #tpu.memory_space<vmem>>
    %dma_wait3A_59 = tpu.memref_squeeze %dma_wait3A_58 : memref<1x1x128x8xf32, #tpu.memory_space<vmem>> -> memref<128x8xf32, #tpu.memory_space<vmem>>
    %dma_wait3A_60 = arith.constant 0 : i32
    %dma_wait3A_61 = arith.constant 0 : i32
    %dma_wait3A_62 = tpu.memref_slice %arg8[%dma_wait3A_60, %dma_wait3A_61] : memref<10240x8xf32, #tpu.memory_space<vmem_shared>> -> memref<128x8xf32, #tpu.memory_space<vmem_shared>>
    %dma_wait3A_63 = arith.constant 0 : i32
    %dma_wait3A_64 = arith.constant 0 : i32
    %dma_wait3A_65 = tpu.memref_slice %arg8[%dma_wait3A_63, %dma_wait3A_64] : memref<10240x8xf32, #tpu.memory_space<vmem_shared>> -> memref<128x8xf32, #tpu.memory_space<vmem_shared>>
    %dma_wait3A_66 = arith.constant 0 : i32
    %dma_wait3A_67 = arith.constant 0 : i32
    %dma_wait3A_68 = tpu.memref_slice %arg7[%dma_wait3A_54, %dma_wait3A_55, %dma_wait3A_66, %dma_wait3A_67] : memref<2x2x128x8xf32, #tpu.memory_space<vmem>> -> memref<1x1x128x8xf32, #tpu.memory_space<vmem>>
    %dma_wait3A_69 = tpu.memref_squeeze %dma_wait3A_68 : memref<1x1x128x8xf32, #tpu.memory_space<vmem>> -> memref<128x8xf32, #tpu.memory_space<vmem>>
    tpu.wait_dma2 semaphore(%arg10 : memref<!tpu.dma_semaphore, #tpu.memory_space<semaphore_mem>>) src(%dma_wait3A_69 : memref<128x8xf32, #tpu.memory_space<vmem>>) dst(%dma_wait3A_65 : memref<128x8xf32, #tpu.memory_space<vmem_shared>>)
    %barrier3A_70 = arith.constant 0 : index
    tpu.barrier barrier_id(%barrier3A_70)
    %mul3A_71 = arith.constant 640 : i32
    %mul3A_72 = arith.muli %arg1, %mul3A_71 : i32
    %mul3A_73 = arith.constant 640 : i32
    %mul3A_74 = arith.muli %arg1, %mul3A_73 : i32
    "tpu.region"() ({
      %run_scoped3A = tpu.sem_alloc : memref<!tpu.dma_semaphore, #tpu.memory_space<semaphore_mem>>
      %dma_start3A_75 = tpu.memref_slice %arg5[%mul3A_74, %mul3A_0] : memref<10240x16xf32, #tpu.memory_space<hbm>> -> memref<640x8xf32, #tpu.memory_space<hbm>>
      %dma_start3A_76 = arith.constant 0 : i32
      %dma_start3A_77 = tpu.memref_slice %arg8[%mul3A_72, %dma_start3A_76] : memref<10240x8xf32, #tpu.memory_space<vmem_shared>> -> memref<640x8xf32, #tpu.memory_space<vmem_shared>>
      tpu.enqueue_dma source(%dma_start3A_77 : memref<640x8xf32, #tpu.memory_space<vmem_shared>>) target(%dma_start3A_75 : memref<640x8xf32, #tpu.memory_space<hbm>>) target_semaphore(%run_scoped3A : memref<!tpu.dma_semaphore, #tpu.memory_space<semaphore_mem>>)
      %dma_wait3A_78 = tpu.memref_slice %arg5[%mul3A_74, %mul3A_0] : memref<10240x16xf32, #tpu.memory_space<hbm>> -> memref<640x8xf32, #tpu.memory_space<hbm>>
      %dma_wait3A_79 = arith.constant 0 : i32
      %dma_wait3A_80 = tpu.memref_slice %arg8[%mul3A_72, %dma_wait3A_79] : memref<10240x8xf32, #tpu.memory_space<vmem_shared>> -> memref<640x8xf32, #tpu.memory_space<vmem_shared>>
      tpu.wait_dma2 semaphore(%run_scoped3A : memref<!tpu.dma_semaphore, #tpu.memory_space<semaphore_mem>>) src(%dma_wait3A_80 : memref<640x8xf32, #tpu.memory_space<vmem_shared>>) dst(%dma_wait3A_78 : memref<640x8xf32, #tpu.memory_space<hbm>>)
      tpu.yield
    }) : () -> ()
    return
  }
}

#map = affine_map<(d0, d1) -> (0, 0)>
#map1 = affine_map<(d0, d1) -> (0, 0, 0)>
module attributes {stable_mosaic.version = 14 : i64} {
  func.func @k(%arg0: i32, %arg1: i32, %arg2: memref<163840x192xf32, #tpu.memory_space<hbm>>, %arg3: memref<16x80x128xi32, #tpu.memory_space<hbm>>, %arg4: memref<10240x96xf32, #tpu.memory_space<hbm>>, %arg5: memref<10240x192xf32, #tpu.memory_space<hbm>>, %arg6: memref<80x128xi32, #tpu.memory_space<vmem>>, %arg7: memref<2x2x128x96xf32, #tpu.memory_space<vmem>>, %arg8: memref<10240x96xf32, #tpu.memory_space<vmem_shared>>, %arg9: memref<!tpu.dma_semaphore, #tpu.memory_space<semaphore_mem>>, %arg10: memref<!tpu.dma_semaphore, #tpu.memory_space<semaphore_mem>>) attributes {dimension_semantics = [#tpu.dimension_semantics<core_parallel>, #tpu.dimension_semantics<subcore_parallel>], iteration_bounds = array<i64: 2, 16>, scalar_prefetch = 0 : i64, scratch_operands = 5 : i64, tpu.core_type = #tpu.core_type<sc_vector_subcore>, window_params = [{transform_indices = #map}, {transform_indices = #map1}, {transform_indices = #map}, {transform_indices = #map}]} {
    %mul3A = arith.constant 96 : i32
    %mul3A_0 = arith.muli %arg0, %mul3A : i32
    %mul3A_1 = arith.constant 640 : i32
    %mul3A_2 = arith.muli %arg1, %mul3A_1 : i32
    %mul3A_3 = arith.constant 640 : i32
    %mul3A_4 = arith.muli %arg1, %mul3A_3 : i32
    "tpu.region"() ({
      %run_scoped3A = tpu.sem_alloc : memref<!tpu.dma_semaphore, #tpu.memory_space<semaphore_mem>>
      %dma_start3A_75 = arith.constant 0 : i32
      %dma_start3A_76 = tpu.memref_slice %arg8[%mul3A_4, %dma_start3A_75] : memref<10240x96xf32, #tpu.memory_space<vmem_shared>> -> memref<640x96xf32, #tpu.memory_space<vmem_shared>>
      %dma_start3A_77 = arith.constant 0 : i32
      %dma_start3A_78 = tpu.memref_slice %arg4[%mul3A_2, %dma_start3A_77] : memref<10240x96xf32, #tpu.memory_space<hbm>> -> memref<640x96xf32, #tpu.memory_space<hbm>>
      tpu.enqueue_dma source(%dma_start3A_78 : memref<640x96xf32, #tpu.memory_space<hbm>>) target(%dma_start3A_76 : memref<640x96xf32, #tpu.memory_space<vmem_shared>>) target_semaphore(%run_scoped3A : memref<!tpu.dma_semaphore, #tpu.memory_space<semaphore_mem>>)
      %dma_wait3A_79 = arith.constant 0 : i32
      %dma_wait3A_80 = tpu.memref_slice %arg8[%mul3A_4, %dma_wait3A_79] : memref<10240x96xf32, #tpu.memory_space<vmem_shared>> -> memref<640x96xf32, #tpu.memory_space<vmem_shared>>
      %dma_wait3A_81 = arith.constant 0 : i32
      %dma_wait3A_82 = tpu.memref_slice %arg4[%mul3A_2, %dma_wait3A_81] : memref<10240x96xf32, #tpu.memory_space<hbm>> -> memref<640x96xf32, #tpu.memory_space<hbm>>
      tpu.wait_dma2 semaphore(%run_scoped3A : memref<!tpu.dma_semaphore, #tpu.memory_space<semaphore_mem>>) src(%dma_wait3A_82 : memref<640x96xf32, #tpu.memory_space<hbm>>) dst(%dma_wait3A_80 : memref<640x96xf32, #tpu.memory_space<vmem_shared>>)
      tpu.yield
    }) : () -> ()
    "tpu.region"() ({
      %run_scoped3A = tpu.sem_alloc : memref<!tpu.dma_semaphore, #tpu.memory_space<semaphore_mem>>
      %dma_start3A_75 = arith.constant 0 : i32
      %dma_start3A_76 = arith.constant 0 : i32
      %dma_start3A_77 = tpu.memref_slice %arg3[%arg1, %dma_start3A_75, %dma_start3A_76] : memref<16x80x128xi32, #tpu.memory_space<hbm>> -> memref<1x80x128xi32, #tpu.memory_space<hbm>>
      %dma_start3A_78 = tpu.memref_squeeze %dma_start3A_77 : memref<1x80x128xi32, #tpu.memory_space<hbm>> -> memref<80x128xi32, #tpu.memory_space<hbm>>
      %dma_start3A_79 = arith.constant 0 : i32
      %dma_start3A_80 = arith.constant 0 : i32
      %dma_start3A_81 = tpu.memref_slice %arg3[%arg1, %dma_start3A_79, %dma_start3A_80] : memref<16x80x128xi32, #tpu.memory_space<hbm>> -> memref<1x80x128xi32, #tpu.memory_space<hbm>>
      %dma_start3A_82 = tpu.memref_squeeze %dma_start3A_81 : memref<1x80x128xi32, #tpu.memory_space<hbm>> -> memref<80x128xi32, #tpu.memory_space<hbm>>
      tpu.enqueue_dma source(%dma_start3A_82 : memref<80x128xi32, #tpu.memory_space<hbm>>) target(%arg6 : memref<80x128xi32, #tpu.memory_space<vmem>>) target_semaphore(%run_scoped3A : memref<!tpu.dma_semaphore, #tpu.memory_space<semaphore_mem>>)
      %dma_wait3A_83 = arith.constant 0 : i32
      %dma_wait3A_84 = arith.constant 0 : i32
      %dma_wait3A_85 = tpu.memref_slice %arg3[%arg1, %dma_wait3A_83, %dma_wait3A_84] : memref<16x80x128xi32, #tpu.memory_space<hbm>> -> memref<1x80x128xi32, #tpu.memory_space<hbm>>
      %dma_wait3A_86 = tpu.memref_squeeze %dma_wait3A_85 : memref<1x80x128xi32, #tpu.memory_space<hbm>> -> memref<80x128xi32, #tpu.memory_space<hbm>>
      %dma_wait3A_87 = arith.constant 0 : i32
      %dma_wait3A_88 = arith.constant 0 : i32
      %dma_wait3A_89 = tpu.memref_slice %arg3[%arg1, %dma_wait3A_87, %dma_wait3A_88] : memref<16x80x128xi32, #tpu.memory_space<hbm>> -> memref<1x80x128xi32, #tpu.memory_space<hbm>>
      %dma_wait3A_90 = tpu.memref_squeeze %dma_wait3A_89 : memref<1x80x128xi32, #tpu.memory_space<hbm>> -> memref<80x128xi32, #tpu.memory_space<hbm>>
      tpu.wait_dma2 semaphore(%run_scoped3A : memref<!tpu.dma_semaphore, #tpu.memory_space<semaphore_mem>>) src(%dma_wait3A_90 : memref<80x128xi32, #tpu.memory_space<hbm>>) dst(%arg6 : memref<80x128xi32, #tpu.memory_space<vmem>>)
      tpu.yield
    }) : () -> ()
    %barrier3A = arith.constant 0 : index
    tpu.barrier barrier_id(%barrier3A)
    %mul3A_5 = arith.constant 10240 : i32
    %mul3A_6 = arith.muli %arg1, %mul3A_5 : i32
    %add3A = arith.constant 0 : i32
    %add3A_7 = arith.addi %mul3A_6, %add3A : i32
    %dma_start3A = arith.constant 0 : i32
    %dma_start3A_8 = arith.constant 0 : i32
    %dma_start3A_9 = arith.constant 0 : i32
    %dma_start3A_10 = arith.constant 0 : i32
    %dma_start3A_11 = tpu.memref_slice %arg7[%dma_start3A, %dma_start3A_8, %dma_start3A_9, %dma_start3A_10] : memref<2x2x128x96xf32, #tpu.memory_space<vmem>> -> memref<1x1x128x96xf32, #tpu.memory_space<vmem>>
    %dma_start3A_12 = tpu.memref_squeeze %dma_start3A_11 : memref<1x1x128x96xf32, #tpu.memory_space<vmem>> -> memref<128x96xf32, #tpu.memory_space<vmem>>
    %dma_start3A_13 = tpu.memref_slice %arg2[%add3A_7, %mul3A_0] : memref<163840x192xf32, #tpu.memory_space<hbm>> -> memref<128x96xf32, #tpu.memory_space<hbm>>
    %dma_start3A_14 = arith.constant 0 : i32
    %dma_start3A_15 = arith.constant 0 : i32
    %dma_start3A_16 = tpu.memref_slice %arg7[%dma_start3A, %dma_start3A_8, %dma_start3A_14, %dma_start3A_15] : memref<2x2x128x96xf32, #tpu.memory_space<vmem>> -> memref<1x1x128x96xf32, #tpu.memory_space<vmem>>
    %dma_start3A_17 = tpu.memref_squeeze %dma_start3A_16 : memref<1x1x128x96xf32, #tpu.memory_space<vmem>> -> memref<128x96xf32, #tpu.memory_space<vmem>>
    %dma_start3A_18 = tpu.memref_slice %arg2[%add3A_7, %mul3A_0] : memref<163840x192xf32, #tpu.memory_space<hbm>> -> memref<128x96xf32, #tpu.memory_space<hbm>>
    tpu.enqueue_dma source(%dma_start3A_18 : memref<128x96xf32, #tpu.memory_space<hbm>>) target(%dma_start3A_17 : memref<128x96xf32, #tpu.memory_space<vmem>>) target_semaphore(%arg9 : memref<!tpu.dma_semaphore, #tpu.memory_space<semaphore_mem>>)
    %add3A_19 = arith.constant 128 : i32
    %add3A_20 = arith.addi %mul3A_6, %add3A_19 : i32
    %dma_start3A_21 = arith.constant 0 : i32
    %dma_start3A_22 = arith.constant 1 : i32
    %dma_start3A_23 = arith.constant 0 : i32
    %dma_start3A_24 = arith.constant 0 : i32
    %dma_start3A_25 = tpu.memref_slice %arg7[%dma_start3A_21, %dma_start3A_22, %dma_start3A_23, %dma_start3A_24] : memref<2x2x128x96xf32, #tpu.memory_space<vmem>> -> memref<1x1x128x96xf32, #tpu.memory_space<vmem>>
    %dma_start3A_26 = tpu.memref_squeeze %dma_start3A_25 : memref<1x1x128x96xf32, #tpu.memory_space<vmem>> -> memref<128x96xf32, #tpu.memory_space<vmem>>
    %dma_start3A_27 = tpu.memref_slice %arg2[%add3A_20, %mul3A_0] : memref<163840x192xf32, #tpu.memory_space<hbm>> -> memref<128x96xf32, #tpu.memory_space<hbm>>
    %dma_start3A_28 = arith.constant 0 : i32
    %dma_start3A_29 = arith.constant 0 : i32
    %dma_start3A_30 = tpu.memref_slice %arg7[%dma_start3A_21, %dma_start3A_22, %dma_start3A_28, %dma_start3A_29] : memref<2x2x128x96xf32, #tpu.memory_space<vmem>> -> memref<1x1x128x96xf32, #tpu.memory_space<vmem>>
    %dma_start3A_31 = tpu.memref_squeeze %dma_start3A_30 : memref<1x1x128x96xf32, #tpu.memory_space<vmem>> -> memref<128x96xf32, #tpu.memory_space<vmem>>
    %dma_start3A_32 = tpu.memref_slice %arg2[%add3A_20, %mul3A_0] : memref<163840x192xf32, #tpu.memory_space<hbm>> -> memref<128x96xf32, #tpu.memory_space<hbm>>
    tpu.enqueue_dma source(%dma_start3A_32 : memref<128x96xf32, #tpu.memory_space<hbm>>) target(%dma_start3A_31 : memref<128x96xf32, #tpu.memory_space<vmem>>) target_semaphore(%arg9 : memref<!tpu.dma_semaphore, #tpu.memory_space<semaphore_mem>>)
    %scan3A = arith.constant 0 : i32
    %scan3A_33 = arith.constant 0 : i32
    %scan3A_34 = arith.constant 40 : i32
    %scan3A_35 = arith.addi %scan3A_33, %scan3A_34 : i32
    %scan3A_36 = arith.constant 1 : i32
    %scan3A_37 = scf.for %scan3A_75 = %scan3A_33 to %scan3A_35 step %scan3A_36 iter_args(%scan3A_76 = %scan3A) -> (i32)  : i32 {
      %rem3A = arith.constant 2 : i32
      %rem3A_77 = arith.remsi %scan3A_75, %rem3A : i32
      %dma_wait3A_78 = arith.constant 0 : i32
      %dma_wait3A_79 = arith.constant 0 : i32
      %dma_wait3A_80 = arith.constant 0 : i32
      %dma_wait3A_81 = arith.constant 0 : i32
      %dma_wait3A_82 = tpu.memref_slice %arg7[%dma_wait3A_78, %dma_wait3A_79, %dma_wait3A_80, %dma_wait3A_81] : memref<2x2x128x96xf32, #tpu.memory_space<vmem>> -> memref<1x1x128x96xf32, #tpu.memory_space<vmem>>
      %dma_wait3A_83 = tpu.memref_squeeze %dma_wait3A_82 : memref<1x1x128x96xf32, #tpu.memory_space<vmem>> -> memref<128x96xf32, #tpu.memory_space<vmem>>
      %dma_wait3A_84 = arith.constant 0 : i32
      %dma_wait3A_85 = arith.constant 0 : i32
      %dma_wait3A_86 = tpu.memref_slice %arg8[%dma_wait3A_84, %dma_wait3A_85] : memref<10240x96xf32, #tpu.memory_space<vmem_shared>> -> memref<128x96xf32, #tpu.memory_space<vmem_shared>>
      %dma_wait3A_87 = arith.constant 0 : i32
      %dma_wait3A_88 = arith.constant 0 : i32
      %dma_wait3A_89 = tpu.memref_slice %arg8[%dma_wait3A_87, %dma_wait3A_88] : memref<10240x96xf32, #tpu.memory_space<vmem_shared>> -> memref<128x96xf32, #tpu.memory_space<vmem_shared>>
      %dma_wait3A_90 = arith.constant 0 : i32
      %dma_wait3A_91 = arith.constant 0 : i32
      %dma_wait3A_92 = tpu.memref_slice %arg7[%dma_wait3A_78, %dma_wait3A_79, %dma_wait3A_90, %dma_wait3A_91] : memref<2x2x128x96xf32, #tpu.memory_space<vmem>> -> memref<1x1x128x96xf32, #tpu.memory_space<vmem>>
      %dma_wait3A_93 = tpu.memref_squeeze %dma_wait3A_92 : memref<1x1x128x96xf32, #tpu.memory_space<vmem>> -> memref<128x96xf32, #tpu.memory_space<vmem>>
      tpu.wait_dma2 semaphore(%arg9 : memref<!tpu.dma_semaphore, #tpu.memory_space<semaphore_mem>>) src(%dma_wait3A_93 : memref<128x96xf32, #tpu.memory_space<vmem>>) dst(%dma_wait3A_89 : memref<128x96xf32, #tpu.memory_space<vmem_shared>>)
      %dma_wait3A_94 = arith.constant 0 : i32
      %dma_wait3A_95 = arith.constant 0 : i32
      %dma_wait3A_96 = arith.constant 0 : i32
      %dma_wait3A_97 = arith.constant 0 : i32
      %dma_wait3A_98 = tpu.memref_slice %arg7[%dma_wait3A_94, %dma_wait3A_95, %dma_wait3A_96, %dma_wait3A_97] : memref<2x2x128x96xf32, #tpu.memory_space<vmem>> -> memref<1x1x128x96xf32, #tpu.memory_space<vmem>>
      %dma_wait3A_99 = tpu.memref_squeeze %dma_wait3A_98 : memref<1x1x128x96xf32, #tpu.memory_space<vmem>> -> memref<128x96xf32, #tpu.memory_space<vmem>>
      %dma_wait3A_100 = arith.constant 0 : i32
      %dma_wait3A_101 = arith.constant 0 : i32
      %dma_wait3A_102 = tpu.memref_slice %arg8[%dma_wait3A_100, %dma_wait3A_101] : memref<10240x96xf32, #tpu.memory_space<vmem_shared>> -> memref<128x96xf32, #tpu.memory_space<vmem_shared>>
      %dma_wait3A_103 = arith.constant 0 : i32
      %dma_wait3A_104 = arith.constant 0 : i32
      %dma_wait3A_105 = tpu.memref_slice %arg8[%dma_wait3A_103, %dma_wait3A_104] : memref<10240x96xf32, #tpu.memory_space<vmem_shared>> -> memref<128x96xf32, #tpu.memory_space<vmem_shared>>
      %dma_wait3A_106 = arith.constant 0 : i32
      %dma_wait3A_107 = arith.constant 0 : i32
      %dma_wait3A_108 = tpu.memref_slice %arg7[%dma_wait3A_94, %dma_wait3A_95, %dma_wait3A_106, %dma_wait3A_107] : memref<2x2x128x96xf32, #tpu.memory_space<vmem>> -> memref<1x1x128x96xf32, #tpu.memory_space<vmem>>
      %dma_wait3A_109 = tpu.memref_squeeze %dma_wait3A_108 : memref<1x1x128x96xf32, #tpu.memory_space<vmem>> -> memref<128x96xf32, #tpu.memory_space<vmem>>
      tpu.wait_dma2 semaphore(%arg9 : memref<!tpu.dma_semaphore, #tpu.memory_space<semaphore_mem>>) src(%dma_wait3A_109 : memref<128x96xf32, #tpu.memory_space<vmem>>) dst(%dma_wait3A_105 : memref<128x96xf32, #tpu.memory_space<vmem_shared>>)
      %gt3A = arith.constant 0 : i32
      %gt3A_110 = arith.cmpi sgt, %scan3A_75, %gt3A : i32
      %convert_element_type3A = arith.extui %gt3A_110 : i1 to i32
      %cond3A = arith.constant 0 : i32
      %cond3A_111 = arith.cmpi ne, %convert_element_type3A, %cond3A : i32
      scf.if %cond3A_111 {
        %dma_wait3A_149 = arith.constant 0 : i32
        %dma_wait3A_150 = arith.constant 0 : i32
        %dma_wait3A_151 = arith.constant 0 : i32
        %dma_wait3A_152 = arith.constant 0 : i32
        %dma_wait3A_153 = tpu.memref_slice %arg7[%dma_wait3A_149, %dma_wait3A_150, %dma_wait3A_151, %dma_wait3A_152] : memref<2x2x128x96xf32, #tpu.memory_space<vmem>> -> memref<1x1x128x96xf32, #tpu.memory_space<vmem>>
        %dma_wait3A_154 = tpu.memref_squeeze %dma_wait3A_153 : memref<1x1x128x96xf32, #tpu.memory_space<vmem>> -> memref<128x96xf32, #tpu.memory_space<vmem>>
        %dma_wait3A_155 = arith.constant 0 : i32
        %dma_wait3A_156 = arith.constant 0 : i32
        %dma_wait3A_157 = tpu.memref_slice %arg8[%dma_wait3A_155, %dma_wait3A_156] : memref<10240x96xf32, #tpu.memory_space<vmem_shared>> -> memref<128x96xf32, #tpu.memory_space<vmem_shared>>
        %dma_wait3A_158 = arith.constant 0 : i32
        %dma_wait3A_159 = arith.constant 0 : i32
        %dma_wait3A_160 = tpu.memref_slice %arg8[%dma_wait3A_158, %dma_wait3A_159] : memref<10240x96xf32, #tpu.memory_space<vmem_shared>> -> memref<128x96xf32, #tpu.memory_space<vmem_shared>>
        %dma_wait3A_161 = arith.constant 0 : i32
        %dma_wait3A_162 = arith.constant 0 : i32
        %dma_wait3A_163 = tpu.memref_slice %arg7[%dma_wait3A_149, %dma_wait3A_150, %dma_wait3A_161, %dma_wait3A_162] : memref<2x2x128x96xf32, #tpu.memory_space<vmem>> -> memref<1x1x128x96xf32, #tpu.memory_space<vmem>>
        %dma_wait3A_164 = tpu.memref_squeeze %dma_wait3A_163 : memref<1x1x128x96xf32, #tpu.memory_space<vmem>> -> memref<128x96xf32, #tpu.memory_space<vmem>>
        tpu.wait_dma2 semaphore(%arg10 : memref<!tpu.dma_semaphore, #tpu.memory_space<semaphore_mem>>) src(%dma_wait3A_164 : memref<128x96xf32, #tpu.memory_space<vmem>>) dst(%dma_wait3A_160 : memref<128x96xf32, #tpu.memory_space<vmem_shared>>)
        %dma_wait3A_165 = arith.constant 0 : i32
        %dma_wait3A_166 = arith.constant 0 : i32
        %dma_wait3A_167 = arith.constant 0 : i32
        %dma_wait3A_168 = arith.constant 0 : i32
        %dma_wait3A_169 = tpu.memref_slice %arg7[%dma_wait3A_165, %dma_wait3A_166, %dma_wait3A_167, %dma_wait3A_168] : memref<2x2x128x96xf32, #tpu.memory_space<vmem>> -> memref<1x1x128x96xf32, #tpu.memory_space<vmem>>
        %dma_wait3A_170 = tpu.memref_squeeze %dma_wait3A_169 : memref<1x1x128x96xf32, #tpu.memory_space<vmem>> -> memref<128x96xf32, #tpu.memory_space<vmem>>
        %dma_wait3A_171 = arith.constant 0 : i32
        %dma_wait3A_172 = arith.constant 0 : i32
        %dma_wait3A_173 = tpu.memref_slice %arg8[%dma_wait3A_171, %dma_wait3A_172] : memref<10240x96xf32, #tpu.memory_space<vmem_shared>> -> memref<128x96xf32, #tpu.memory_space<vmem_shared>>
        %dma_wait3A_174 = arith.constant 0 : i32
        %dma_wait3A_175 = arith.constant 0 : i32
        %dma_wait3A_176 = tpu.memref_slice %arg8[%dma_wait3A_174, %dma_wait3A_175] : memref<10240x96xf32, #tpu.memory_space<vmem_shared>> -> memref<128x96xf32, #tpu.memory_space<vmem_shared>>
        %dma_wait3A_177 = arith.constant 0 : i32
        %dma_wait3A_178 = arith.constant 0 : i32
        %dma_wait3A_179 = tpu.memref_slice %arg7[%dma_wait3A_165, %dma_wait3A_166, %dma_wait3A_177, %dma_wait3A_178] : memref<2x2x128x96xf32, #tpu.memory_space<vmem>> -> memref<1x1x128x96xf32, #tpu.memory_space<vmem>>
        %dma_wait3A_180 = tpu.memref_squeeze %dma_wait3A_179 : memref<1x1x128x96xf32, #tpu.memory_space<vmem>> -> memref<128x96xf32, #tpu.memory_space<vmem>>
        tpu.wait_dma2 semaphore(%arg10 : memref<!tpu.dma_semaphore, #tpu.memory_space<semaphore_mem>>) src(%dma_wait3A_180 : memref<128x96xf32, #tpu.memory_space<vmem>>) dst(%dma_wait3A_176 : memref<128x96xf32, #tpu.memory_space<vmem_shared>>)
      } else {
      }
      %add3A_112 = arith.constant 1 : i32
      %add3A_113 = arith.addi %scan3A_75, %add3A_112 : i32
      %lt3A = arith.constant 40 : i32
      %lt3A_114 = arith.cmpi slt, %add3A_113, %lt3A : i32
      %convert_element_type3A_115 = arith.extui %lt3A_114 : i1 to i32
      %cond3A_116 = arith.constant 0 : i32
      %cond3A_117 = arith.cmpi ne, %convert_element_type3A_115, %cond3A_116 : i32
      scf.if %cond3A_117 {
        %add3A_149 = arith.constant 1 : i32
        %add3A_150 = arith.addi %scan3A_75, %add3A_149 : i32
        %sub3A = arith.constant 1 : i32
        %sub3A_151 = arith.subi %sub3A, %rem3A_77 : i32
        %mul3A_152 = arith.constant 2 : i32
        %mul3A_153 = arith.muli %add3A_150, %mul3A_152 : i32
        %add3A_154 = arith.constant 0 : i32
        %add3A_155 = arith.addi %mul3A_153, %add3A_154 : i32
        %mul3A_156 = arith.constant 128 : i32
        %mul3A_157 = arith.muli %add3A_155, %mul3A_156 : i32
        %add3A_158 = arith.addi %mul3A_6, %mul3A_157 : i32
        %dma_start3A_159 = arith.constant 0 : i32
        %dma_start3A_160 = arith.constant 0 : i32
        %dma_start3A_161 = arith.constant 0 : i32
        %dma_start3A_162 = tpu.memref_slice %arg7[%sub3A_151, %dma_start3A_159, %dma_start3A_160, %dma_start3A_161] : memref<2x2x128x96xf32, #tpu.memory_space<vmem>> -> memref<1x1x128x96xf32, #tpu.memory_space<vmem>>
        %dma_start3A_163 = tpu.memref_squeeze %dma_start3A_162 : memref<1x1x128x96xf32, #tpu.memory_space<vmem>> -> memref<128x96xf32, #tpu.memory_space<vmem>>
        %dma_start3A_164 = tpu.memref_slice %arg2[%add3A_158, %mul3A_0] : memref<163840x192xf32, #tpu.memory_space<hbm>> -> memref<128x96xf32, #tpu.memory_space<hbm>>
        %dma_start3A_165 = arith.constant 0 : i32
        %dma_start3A_166 = arith.constant 0 : i32
        %dma_start3A_167 = tpu.memref_slice %arg7[%sub3A_151, %dma_start3A_159, %dma_start3A_165, %dma_start3A_166] : memref<2x2x128x96xf32, #tpu.memory_space<vmem>> -> memref<1x1x128x96xf32, #tpu.memory_space<vmem>>
        %dma_start3A_168 = tpu.memref_squeeze %dma_start3A_167 : memref<1x1x128x96xf32, #tpu.memory_space<vmem>> -> memref<128x96xf32, #tpu.memory_space<vmem>>
        %dma_start3A_169 = tpu.memref_slice %arg2[%add3A_158, %mul3A_0] : memref<163840x192xf32, #tpu.memory_space<hbm>> -> memref<128x96xf32, #tpu.memory_space<hbm>>
        tpu.enqueue_dma source(%dma_start3A_169 : memref<128x96xf32, #tpu.memory_space<hbm>>) target(%dma_start3A_168 : memref<128x96xf32, #tpu.memory_space<vmem>>) target_semaphore(%arg9 : memref<!tpu.dma_semaphore, #tpu.memory_space<semaphore_mem>>)
        %mul3A_170 = arith.constant 2 : i32
        %mul3A_171 = arith.muli %add3A_150, %mul3A_170 : i32
        %add3A_172 = arith.constant 1 : i32
        %add3A_173 = arith.addi %mul3A_171, %add3A_172 : i32
        %mul3A_174 = arith.constant 128 : i32
        %mul3A_175 = arith.muli %add3A_173, %mul3A_174 : i32
        %add3A_176 = arith.addi %mul3A_6, %mul3A_175 : i32
        %dma_start3A_177 = arith.constant 1 : i32
        %dma_start3A_178 = arith.constant 0 : i32
        %dma_start3A_179 = arith.constant 0 : i32
        %dma_start3A_180 = tpu.memref_slice %arg7[%sub3A_151, %dma_start3A_177, %dma_start3A_178, %dma_start3A_179] : memref<2x2x128x96xf32, #tpu.memory_space<vmem>> -> memref<1x1x128x96xf32, #tpu.memory_space<vmem>>
        %dma_start3A_181 = tpu.memref_squeeze %dma_start3A_180 : memref<1x1x128x96xf32, #tpu.memory_space<vmem>> -> memref<128x96xf32, #tpu.memory_space<vmem>>
        %dma_start3A_182 = tpu.memref_slice %arg2[%add3A_176, %mul3A_0] : memref<163840x192xf32, #tpu.memory_space<hbm>> -> memref<128x96xf32, #tpu.memory_space<hbm>>
        %dma_start3A_183 = arith.constant 0 : i32
        %dma_start3A_184 = arith.constant 0 : i32
        %dma_start3A_185 = tpu.memref_slice %arg7[%sub3A_151, %dma_start3A_177, %dma_start3A_183, %dma_start3A_184] : memref<2x2x128x96xf32, #tpu.memory_space<vmem>> -> memref<1x1x128x96xf32, #tpu.memory_space<vmem>>
        %dma_start3A_186 = tpu.memref_squeeze %dma_start3A_185 : memref<1x1x128x96xf32, #tpu.memory_space<vmem>> -> memref<128x96xf32, #tpu.memory_space<vmem>>
        %dma_start3A_187 = tpu.memref_slice %arg2[%add3A_176, %mul3A_0] : memref<163840x192xf32, #tpu.memory_space<hbm>> -> memref<128x96xf32, #tpu.memory_space<hbm>>
        tpu.enqueue_dma source(%dma_start3A_187 : memref<128x96xf32, #tpu.memory_space<hbm>>) target(%dma_start3A_186 : memref<128x96xf32, #tpu.memory_space<vmem>>) target_semaphore(%arg9 : memref<!tpu.dma_semaphore, #tpu.memory_space<semaphore_mem>>)
      } else {
      }
      %mul3A_118 = arith.constant 2 : i32
      %mul3A_119 = arith.muli %scan3A_75, %mul3A_118 : i32
      %add3A_120 = arith.constant 0 : i32
      %add3A_121 = arith.addi %mul3A_119, %add3A_120 : i32
      %dma_start3A_122 = arith.constant 0 : i32
      %dma_start3A_123 = arith.constant 0 : i32
      %dma_start3A_124 = arith.constant 0 : i32
      %dma_start3A_125 = tpu.memref_slice %arg7[%rem3A_77, %dma_start3A_122, %dma_start3A_123, %dma_start3A_124] : memref<2x2x128x96xf32, #tpu.memory_space<vmem>> -> memref<1x1x128x96xf32, #tpu.memory_space<vmem>>
      %dma_start3A_126 = tpu.memref_squeeze %dma_start3A_125 : memref<1x1x128x96xf32, #tpu.memory_space<vmem>> -> memref<128x96xf32, #tpu.memory_space<vmem>>
      %dma_start3A_127 = arith.constant 0 : i32
      %dma_start3A_128 = tpu.memref_slice %arg6[%add3A_121, %dma_start3A_127] : memref<80x128xi32, #tpu.memory_space<vmem>> -> memref<1x128xi32, #tpu.memory_space<vmem>>
      %dma_start3A_129 = tpu.memref_squeeze %dma_start3A_128 : memref<1x128xi32, #tpu.memory_space<vmem>> -> memref<128xi32, #tpu.memory_space<vmem>>
      %dma_start3A_130 = arith.constant 0 : i32
      %dma_start3A_131 = arith.constant 0 : i32
      %dma_start3A_132 = tpu.memref_slice %arg8[%dma_start3A_130, %dma_start3A_131] : memref<10240x96xf32, #tpu.memory_space<vmem_shared>> -> memref<10240x96xf32, #tpu.memory_space<vmem_shared>>
      tpu.enqueue_indirect_dma source(%dma_start3A_126 : memref<128x96xf32, #tpu.memory_space<vmem>>) target(%dma_start3A_132 : memref<10240x96xf32, #tpu.memory_space<vmem_shared>>) offsets(%dma_start3A_129 : memref<128xi32, #tpu.memory_space<vmem>>) semaphore(%arg10 : memref<!tpu.dma_semaphore, #tpu.memory_space<semaphore_mem>>) {add = true}
      %mul3A_133 = arith.constant 2 : i32
      %mul3A_134 = arith.muli %scan3A_75, %mul3A_133 : i32
      %add3A_135 = arith.constant 1 : i32
      %add3A_136 = arith.addi %mul3A_134, %add3A_135 : i32
      %dma_start3A_137 = arith.constant 1 : i32
      %dma_start3A_138 = arith.constant 0 : i32
      %dma_start3A_139 = arith.constant 0 : i32
      %dma_start3A_140 = tpu.memref_slice %arg7[%rem3A_77, %dma_start3A_137, %dma_start3A_138, %dma_start3A_139] : memref<2x2x128x96xf32, #tpu.memory_space<vmem>> -> memref<1x1x128x96xf32, #tpu.memory_space<vmem>>
      %dma_start3A_141 = tpu.memref_squeeze %dma_start3A_140 : memref<1x1x128x96xf32, #tpu.memory_space<vmem>> -> memref<128x96xf32, #tpu.memory_space<vmem>>
      %dma_start3A_142 = arith.constant 0 : i32
      %dma_start3A_143 = tpu.memref_slice %arg6[%add3A_136, %dma_start3A_142] : memref<80x128xi32, #tpu.memory_space<vmem>> -> memref<1x128xi32, #tpu.memory_space<vmem>>
      %dma_start3A_144 = tpu.memref_squeeze %dma_start3A_143 : memref<1x128xi32, #tpu.memory_space<vmem>> -> memref<128xi32, #tpu.memory_space<vmem>>
      %dma_start3A_145 = arith.constant 0 : i32
      %dma_start3A_146 = arith.constant 0 : i32
      %dma_start3A_147 = tpu.memref_slice %arg8[%dma_start3A_145, %dma_start3A_146] : memref<10240x96xf32, #tpu.memory_space<vmem_shared>> -> memref<10240x96xf32, #tpu.memory_space<vmem_shared>>
      tpu.enqueue_indirect_dma source(%dma_start3A_141 : memref<128x96xf32, #tpu.memory_space<vmem>>) target(%dma_start3A_147 : memref<10240x96xf32, #tpu.memory_space<vmem_shared>>) offsets(%dma_start3A_144 : memref<128xi32, #tpu.memory_space<vmem>>) semaphore(%arg10 : memref<!tpu.dma_semaphore, #tpu.memory_space<semaphore_mem>>) {add = true}
      %scan3A_148 = arith.constant 0 : i32
      scf.yield %scan3A_148 : i32
    }
    %scan3A_38 = arith.constant 40 : i32
    %dma_wait3A = arith.constant 0 : i32
    %dma_wait3A_39 = arith.constant 0 : i32
    %dma_wait3A_40 = arith.constant 0 : i32
    %dma_wait3A_41 = arith.constant 0 : i32
    %dma_wait3A_42 = tpu.memref_slice %arg7[%dma_wait3A, %dma_wait3A_39, %dma_wait3A_40, %dma_wait3A_41] : memref<2x2x128x96xf32, #tpu.memory_space<vmem>> -> memref<1x1x128x96xf32, #tpu.memory_space<vmem>>
    %dma_wait3A_43 = tpu.memref_squeeze %dma_wait3A_42 : memref<1x1x128x96xf32, #tpu.memory_space<vmem>> -> memref<128x96xf32, #tpu.memory_space<vmem>>
    %dma_wait3A_44 = arith.constant 0 : i32
    %dma_wait3A_45 = arith.constant 0 : i32
    %dma_wait3A_46 = tpu.memref_slice %arg8[%dma_wait3A_44, %dma_wait3A_45] : memref<10240x96xf32, #tpu.memory_space<vmem_shared>> -> memref<128x96xf32, #tpu.memory_space<vmem_shared>>
    %dma_wait3A_47 = arith.constant 0 : i32
    %dma_wait3A_48 = arith.constant 0 : i32
    %dma_wait3A_49 = tpu.memref_slice %arg8[%dma_wait3A_47, %dma_wait3A_48] : memref<10240x96xf32, #tpu.memory_space<vmem_shared>> -> memref<128x96xf32, #tpu.memory_space<vmem_shared>>
    %dma_wait3A_50 = arith.constant 0 : i32
    %dma_wait3A_51 = arith.constant 0 : i32
    %dma_wait3A_52 = tpu.memref_slice %arg7[%dma_wait3A, %dma_wait3A_39, %dma_wait3A_50, %dma_wait3A_51] : memref<2x2x128x96xf32, #tpu.memory_space<vmem>> -> memref<1x1x128x96xf32, #tpu.memory_space<vmem>>
    %dma_wait3A_53 = tpu.memref_squeeze %dma_wait3A_52 : memref<1x1x128x96xf32, #tpu.memory_space<vmem>> -> memref<128x96xf32, #tpu.memory_space<vmem>>
    tpu.wait_dma2 semaphore(%arg10 : memref<!tpu.dma_semaphore, #tpu.memory_space<semaphore_mem>>) src(%dma_wait3A_53 : memref<128x96xf32, #tpu.memory_space<vmem>>) dst(%dma_wait3A_49 : memref<128x96xf32, #tpu.memory_space<vmem_shared>>)
    %dma_wait3A_54 = arith.constant 0 : i32
    %dma_wait3A_55 = arith.constant 0 : i32
    %dma_wait3A_56 = arith.constant 0 : i32
    %dma_wait3A_57 = arith.constant 0 : i32
    %dma_wait3A_58 = tpu.memref_slice %arg7[%dma_wait3A_54, %dma_wait3A_55, %dma_wait3A_56, %dma_wait3A_57] : memref<2x2x128x96xf32, #tpu.memory_space<vmem>> -> memref<1x1x128x96xf32, #tpu.memory_space<vmem>>
    %dma_wait3A_59 = tpu.memref_squeeze %dma_wait3A_58 : memref<1x1x128x96xf32, #tpu.memory_space<vmem>> -> memref<128x96xf32, #tpu.memory_space<vmem>>
    %dma_wait3A_60 = arith.constant 0 : i32
    %dma_wait3A_61 = arith.constant 0 : i32
    %dma_wait3A_62 = tpu.memref_slice %arg8[%dma_wait3A_60, %dma_wait3A_61] : memref<10240x96xf32, #tpu.memory_space<vmem_shared>> -> memref<128x96xf32, #tpu.memory_space<vmem_shared>>
    %dma_wait3A_63 = arith.constant 0 : i32
    %dma_wait3A_64 = arith.constant 0 : i32
    %dma_wait3A_65 = tpu.memref_slice %arg8[%dma_wait3A_63, %dma_wait3A_64] : memref<10240x96xf32, #tpu.memory_space<vmem_shared>> -> memref<128x96xf32, #tpu.memory_space<vmem_shared>>
    %dma_wait3A_66 = arith.constant 0 : i32
    %dma_wait3A_67 = arith.constant 0 : i32
    %dma_wait3A_68 = tpu.memref_slice %arg7[%dma_wait3A_54, %dma_wait3A_55, %dma_wait3A_66, %dma_wait3A_67] : memref<2x2x128x96xf32, #tpu.memory_space<vmem>> -> memref<1x1x128x96xf32, #tpu.memory_space<vmem>>
    %dma_wait3A_69 = tpu.memref_squeeze %dma_wait3A_68 : memref<1x1x128x96xf32, #tpu.memory_space<vmem>> -> memref<128x96xf32, #tpu.memory_space<vmem>>
    tpu.wait_dma2 semaphore(%arg10 : memref<!tpu.dma_semaphore, #tpu.memory_space<semaphore_mem>>) src(%dma_wait3A_69 : memref<128x96xf32, #tpu.memory_space<vmem>>) dst(%dma_wait3A_65 : memref<128x96xf32, #tpu.memory_space<vmem_shared>>)
    %barrier3A_70 = arith.constant 0 : index
    tpu.barrier barrier_id(%barrier3A_70)
    %mul3A_71 = arith.constant 640 : i32
    %mul3A_72 = arith.muli %arg1, %mul3A_71 : i32
    %mul3A_73 = arith.constant 640 : i32
    %mul3A_74 = arith.muli %arg1, %mul3A_73 : i32
    "tpu.region"() ({
      %run_scoped3A = tpu.sem_alloc : memref<!tpu.dma_semaphore, #tpu.memory_space<semaphore_mem>>
      %dma_start3A_75 = tpu.memref_slice %arg5[%mul3A_74, %mul3A_0] : memref<10240x192xf32, #tpu.memory_space<hbm>> -> memref<640x96xf32, #tpu.memory_space<hbm>>
      %dma_start3A_76 = arith.constant 0 : i32
      %dma_start3A_77 = tpu.memref_slice %arg8[%mul3A_72, %dma_start3A_76] : memref<10240x96xf32, #tpu.memory_space<vmem_shared>> -> memref<640x96xf32, #tpu.memory_space<vmem_shared>>
      tpu.enqueue_dma source(%dma_start3A_77 : memref<640x96xf32, #tpu.memory_space<vmem_shared>>) target(%dma_start3A_75 : memref<640x96xf32, #tpu.memory_space<hbm>>) target_semaphore(%run_scoped3A : memref<!tpu.dma_semaphore, #tpu.memory_space<semaphore_mem>>)
      %dma_wait3A_78 = tpu.memref_slice %arg5[%mul3A_74, %mul3A_0] : memref<10240x192xf32, #tpu.memory_space<hbm>> -> memref<640x96xf32, #tpu.memory_space<hbm>>
      %dma_wait3A_79 = arith.constant 0 : i32
      %dma_wait3A_80 = tpu.memref_slice %arg8[%mul3A_72, %dma_wait3A_79] : memref<10240x96xf32, #tpu.memory_space<vmem_shared>> -> memref<640x96xf32, #tpu.memory_space<vmem_shared>>
      tpu.wait_dma2 semaphore(%run_scoped3A : memref<!tpu.dma_semaphore, #tpu.memory_space<semaphore_mem>>) src(%dma_wait3A_80 : memref<640x96xf32, #tpu.memory_space<vmem_shared>>) dst(%dma_wait3A_78 : memref<640x96xf32, #tpu.memory_space<hbm>>)
      tpu.yield
    }) : () -> ()
    return
  }
}

#map = affine_map<(d0, d1) -> (0, 0)>
#map1 = affine_map<(d0, d1) -> (0, 0, 0)>
module attributes {stable_mosaic.version = 14 : i64} {
  func.func @k(%arg0: i32, %arg1: i32, %arg2: memref<10000x128xbf16, #tpu.memory_space<hbm>>, %arg3: memref<32x120x128xi32, #tpu.memory_space<hbm>>, %arg4: memref<491520x128xbf16, #tpu.memory_space<hbm>>, %arg5: memref<120x128xi32, #tpu.memory_space<vmem>>, %arg6: memref<8x128x128xbf16, #tpu.memory_space<vmem>>, %arg7: memref<10000x128xbf16, #tpu.memory_space<vmem_shared>>, %arg8: memref<!tpu.dma_semaphore, #tpu.memory_space<semaphore_mem>>, %arg9: memref<!tpu.dma_semaphore, #tpu.memory_space<semaphore_mem>>) attributes {dimension_semantics = [#tpu.dimension_semantics<core_parallel>, #tpu.dimension_semantics<subcore_parallel>], iteration_bounds = array<i64: 2, 16>, scalar_prefetch = 0 : i64, scratch_operands = 5 : i64, tpu.core_type = #tpu.core_type<sc_vector_subcore>, window_params = [{transform_indices = #map}, {transform_indices = #map1}, {transform_indices = #map}]} {
    %mul3A = arith.constant 2 : i32
    %mul3A_0 = arith.muli %arg1, %mul3A : i32
    %add3A = arith.addi %mul3A_0, %arg0 : i32
    %mul3A_1 = arith.constant 15360 : i32
    %mul3A_2 = arith.muli %add3A, %mul3A_1 : i32
    %mul3A_3 = arith.constant 625 : i32
    %mul3A_4 = arith.muli %arg1, %mul3A_3 : i32
    %mul3A_5 = arith.constant 625 : i32
    %mul3A_6 = arith.muli %arg1, %mul3A_5 : i32
    "tpu.region"() ({
      %run_scoped3A = tpu.sem_alloc : memref<!tpu.dma_semaphore, #tpu.memory_space<semaphore_mem>>
      %dma_start3A = arith.constant 0 : i32
      %dma_start3A_13 = tpu.memref_slice %arg7[%mul3A_6, %dma_start3A] : memref<10000x128xbf16, #tpu.memory_space<vmem_shared>> -> memref<625x128xbf16, #tpu.memory_space<vmem_shared>>
      %dma_start3A_14 = arith.constant 0 : i32
      %dma_start3A_15 = tpu.memref_slice %arg2[%mul3A_4, %dma_start3A_14] : memref<10000x128xbf16, #tpu.memory_space<hbm>> -> memref<625x128xbf16, #tpu.memory_space<hbm>>
      tpu.enqueue_dma source(%dma_start3A_15 : memref<625x128xbf16, #tpu.memory_space<hbm>>) target(%dma_start3A_13 : memref<625x128xbf16, #tpu.memory_space<vmem_shared>>) target_semaphore(%run_scoped3A : memref<!tpu.dma_semaphore, #tpu.memory_space<semaphore_mem>>)
      %dma_wait3A = arith.constant 0 : i32
      %dma_wait3A_16 = tpu.memref_slice %arg7[%mul3A_6, %dma_wait3A] : memref<10000x128xbf16, #tpu.memory_space<vmem_shared>> -> memref<625x128xbf16, #tpu.memory_space<vmem_shared>>
      %dma_wait3A_17 = arith.constant 0 : i32
      %dma_wait3A_18 = tpu.memref_slice %arg2[%mul3A_4, %dma_wait3A_17] : memref<10000x128xbf16, #tpu.memory_space<hbm>> -> memref<625x128xbf16, #tpu.memory_space<hbm>>
      tpu.wait_dma2 semaphore(%run_scoped3A : memref<!tpu.dma_semaphore, #tpu.memory_space<semaphore_mem>>) src(%dma_wait3A_18 : memref<625x128xbf16, #tpu.memory_space<hbm>>) dst(%dma_wait3A_16 : memref<625x128xbf16, #tpu.memory_space<vmem_shared>>)
      tpu.yield
    }) : () -> ()
    "tpu.region"() ({
      %run_scoped3A = tpu.sem_alloc : memref<!tpu.dma_semaphore, #tpu.memory_space<semaphore_mem>>
      %dma_start3A = arith.constant 0 : i32
      %dma_start3A_13 = arith.constant 0 : i32
      %dma_start3A_14 = tpu.memref_slice %arg3[%add3A, %dma_start3A, %dma_start3A_13] : memref<32x120x128xi32, #tpu.memory_space<hbm>> -> memref<1x120x128xi32, #tpu.memory_space<hbm>>
      %dma_start3A_15 = tpu.memref_squeeze %dma_start3A_14 : memref<1x120x128xi32, #tpu.memory_space<hbm>> -> memref<120x128xi32, #tpu.memory_space<hbm>>
      %dma_start3A_16 = arith.constant 0 : i32
      %dma_start3A_17 = arith.constant 0 : i32
      %dma_start3A_18 = tpu.memref_slice %arg3[%add3A, %dma_start3A_16, %dma_start3A_17] : memref<32x120x128xi32, #tpu.memory_space<hbm>> -> memref<1x120x128xi32, #tpu.memory_space<hbm>>
      %dma_start3A_19 = tpu.memref_squeeze %dma_start3A_18 : memref<1x120x128xi32, #tpu.memory_space<hbm>> -> memref<120x128xi32, #tpu.memory_space<hbm>>
      tpu.enqueue_dma source(%dma_start3A_19 : memref<120x128xi32, #tpu.memory_space<hbm>>) target(%arg5 : memref<120x128xi32, #tpu.memory_space<vmem>>) target_semaphore(%run_scoped3A : memref<!tpu.dma_semaphore, #tpu.memory_space<semaphore_mem>>)
      %dma_wait3A = arith.constant 0 : i32
      %dma_wait3A_20 = arith.constant 0 : i32
      %dma_wait3A_21 = tpu.memref_slice %arg3[%add3A, %dma_wait3A, %dma_wait3A_20] : memref<32x120x128xi32, #tpu.memory_space<hbm>> -> memref<1x120x128xi32, #tpu.memory_space<hbm>>
      %dma_wait3A_22 = tpu.memref_squeeze %dma_wait3A_21 : memref<1x120x128xi32, #tpu.memory_space<hbm>> -> memref<120x128xi32, #tpu.memory_space<hbm>>
      %dma_wait3A_23 = arith.constant 0 : i32
      %dma_wait3A_24 = arith.constant 0 : i32
      %dma_wait3A_25 = tpu.memref_slice %arg3[%add3A, %dma_wait3A_23, %dma_wait3A_24] : memref<32x120x128xi32, #tpu.memory_space<hbm>> -> memref<1x120x128xi32, #tpu.memory_space<hbm>>
      %dma_wait3A_26 = tpu.memref_squeeze %dma_wait3A_25 : memref<1x120x128xi32, #tpu.memory_space<hbm>> -> memref<120x128xi32, #tpu.memory_space<hbm>>
      tpu.wait_dma2 semaphore(%run_scoped3A : memref<!tpu.dma_semaphore, #tpu.memory_space<semaphore_mem>>) src(%dma_wait3A_26 : memref<120x128xi32, #tpu.memory_space<hbm>>) dst(%arg5 : memref<120x128xi32, #tpu.memory_space<vmem>>)
      tpu.yield
    }) : () -> ()
    %barrier3A = arith.constant 0 : index
    tpu.barrier barrier_id(%barrier3A)
    %scan3A = arith.constant 0 : i32
    %scan3A_7 = arith.constant 0 : i32
    %scan3A_8 = arith.constant 15 : i32
    %scan3A_9 = arith.addi %scan3A_7, %scan3A_8 : i32
    %scan3A_10 = arith.constant 1 : i32
    %scan3A_11 = scf.for %scan3A_13 = %scan3A_7 to %scan3A_9 step %scan3A_10 iter_args(%scan3A_14 = %scan3A) -> (i32)  : i32 {
      %mul3A_15 = arith.constant 8 : i32
      %mul3A_16 = arith.muli %scan3A_13, %mul3A_15 : i32
      %add3A_17 = arith.constant 0 : i32
      %add3A_18 = arith.addi %mul3A_16, %add3A_17 : i32
      %dma_start3A = arith.constant 0 : i32
      %dma_start3A_19 = arith.constant 0 : i32
      %dma_start3A_20 = arith.constant 0 : i32
      %dma_start3A_21 = tpu.memref_slice %arg6[%dma_start3A, %dma_start3A_19, %dma_start3A_20] : memref<8x128x128xbf16, #tpu.memory_space<vmem>> -> memref<1x128x128xbf16, #tpu.memory_space<vmem>>
      %dma_start3A_22 = tpu.memref_squeeze %dma_start3A_21 : memref<1x128x128xbf16, #tpu.memory_space<vmem>> -> memref<128x128xbf16, #tpu.memory_space<vmem>>
      %dma_start3A_23 = arith.constant 0 : i32
      %dma_start3A_24 = tpu.memref_slice %arg5[%add3A_18, %dma_start3A_23] : memref<120x128xi32, #tpu.memory_space<vmem>> -> memref<1x128xi32, #tpu.memory_space<vmem>>
      %dma_start3A_25 = tpu.memref_squeeze %dma_start3A_24 : memref<1x128xi32, #tpu.memory_space<vmem>> -> memref<128xi32, #tpu.memory_space<vmem>>
      %dma_start3A_26 = arith.constant 0 : i32
      %dma_start3A_27 = arith.constant 0 : i32
      %dma_start3A_28 = tpu.memref_slice %arg7[%dma_start3A_26, %dma_start3A_27] : memref<10000x128xbf16, #tpu.memory_space<vmem_shared>> -> memref<10000x128xbf16, #tpu.memory_space<vmem_shared>>
      tpu.enqueue_indirect_dma source(%dma_start3A_28 : memref<10000x128xbf16, #tpu.memory_space<vmem_shared>>) target(%dma_start3A_22 : memref<128x128xbf16, #tpu.memory_space<vmem>>) offsets(%dma_start3A_25 : memref<128xi32, #tpu.memory_space<vmem>>) semaphore(%arg8 : memref<!tpu.dma_semaphore, #tpu.memory_space<semaphore_mem>>)
      %mul3A_29 = arith.constant 8 : i32
      %mul3A_30 = arith.muli %scan3A_13, %mul3A_29 : i32
      %add3A_31 = arith.constant 1 : i32
      %add3A_32 = arith.addi %mul3A_30, %add3A_31 : i32
      %dma_start3A_33 = arith.constant 1 : i32
      %dma_start3A_34 = arith.constant 0 : i32
      %dma_start3A_35 = arith.constant 0 : i32
      %dma_start3A_36 = tpu.memref_slice %arg6[%dma_start3A_33, %dma_start3A_34, %dma_start3A_35] : memref<8x128x128xbf16, #tpu.memory_space<vmem>> -> memref<1x128x128xbf16, #tpu.memory_space<vmem>>
      %dma_start3A_37 = tpu.memref_squeeze %dma_start3A_36 : memref<1x128x128xbf16, #tpu.memory_space<vmem>> -> memref<128x128xbf16, #tpu.memory_space<vmem>>
      %dma_start3A_38 = arith.constant 0 : i32
      %dma_start3A_39 = tpu.memref_slice %arg5[%add3A_32, %dma_start3A_38] : memref<120x128xi32, #tpu.memory_space<vmem>> -> memref<1x128xi32, #tpu.memory_space<vmem>>
      %dma_start3A_40 = tpu.memref_squeeze %dma_start3A_39 : memref<1x128xi32, #tpu.memory_space<vmem>> -> memref<128xi32, #tpu.memory_space<vmem>>
      %dma_start3A_41 = arith.constant 0 : i32
      %dma_start3A_42 = arith.constant 0 : i32
      %dma_start3A_43 = tpu.memref_slice %arg7[%dma_start3A_41, %dma_start3A_42] : memref<10000x128xbf16, #tpu.memory_space<vmem_shared>> -> memref<10000x128xbf16, #tpu.memory_space<vmem_shared>>
      tpu.enqueue_indirect_dma source(%dma_start3A_43 : memref<10000x128xbf16, #tpu.memory_space<vmem_shared>>) target(%dma_start3A_37 : memref<128x128xbf16, #tpu.memory_space<vmem>>) offsets(%dma_start3A_40 : memref<128xi32, #tpu.memory_space<vmem>>) semaphore(%arg8 : memref<!tpu.dma_semaphore, #tpu.memory_space<semaphore_mem>>)
      %mul3A_44 = arith.constant 8 : i32
      %mul3A_45 = arith.muli %scan3A_13, %mul3A_44 : i32
      %add3A_46 = arith.constant 2 : i32
      %add3A_47 = arith.addi %mul3A_45, %add3A_46 : i32
      %dma_start3A_48 = arith.constant 2 : i32
      %dma_start3A_49 = arith.constant 0 : i32
      %dma_start3A_50 = arith.constant 0 : i32
      %dma_start3A_51 = tpu.memref_slice %arg6[%dma_start3A_48, %dma_start3A_49, %dma_start3A_50] : memref<8x128x128xbf16, #tpu.memory_space<vmem>> -> memref<1x128x128xbf16, #tpu.memory_space<vmem>>
      %dma_start3A_52 = tpu.memref_squeeze %dma_start3A_51 : memref<1x128x128xbf16, #tpu.memory_space<vmem>> -> memref<128x128xbf16, #tpu.memory_space<vmem>>
      %dma_start3A_53 = arith.constant 0 : i32
      %dma_start3A_54 = tpu.memref_slice %arg5[%add3A_47, %dma_start3A_53] : memref<120x128xi32, #tpu.memory_space<vmem>> -> memref<1x128xi32, #tpu.memory_space<vmem>>
      %dma_start3A_55 = tpu.memref_squeeze %dma_start3A_54 : memref<1x128xi32, #tpu.memory_space<vmem>> -> memref<128xi32, #tpu.memory_space<vmem>>
      %dma_start3A_56 = arith.constant 0 : i32
      %dma_start3A_57 = arith.constant 0 : i32
      %dma_start3A_58 = tpu.memref_slice %arg7[%dma_start3A_56, %dma_start3A_57] : memref<10000x128xbf16, #tpu.memory_space<vmem_shared>> -> memref<10000x128xbf16, #tpu.memory_space<vmem_shared>>
      tpu.enqueue_indirect_dma source(%dma_start3A_58 : memref<10000x128xbf16, #tpu.memory_space<vmem_shared>>) target(%dma_start3A_52 : memref<128x128xbf16, #tpu.memory_space<vmem>>) offsets(%dma_start3A_55 : memref<128xi32, #tpu.memory_space<vmem>>) semaphore(%arg8 : memref<!tpu.dma_semaphore, #tpu.memory_space<semaphore_mem>>)
      %mul3A_59 = arith.constant 8 : i32
      %mul3A_60 = arith.muli %scan3A_13, %mul3A_59 : i32
      %add3A_61 = arith.constant 3 : i32
      %add3A_62 = arith.addi %mul3A_60, %add3A_61 : i32
      %dma_start3A_63 = arith.constant 3 : i32
      %dma_start3A_64 = arith.constant 0 : i32
      %dma_start3A_65 = arith.constant 0 : i32
      %dma_start3A_66 = tpu.memref_slice %arg6[%dma_start3A_63, %dma_start3A_64, %dma_start3A_65] : memref<8x128x128xbf16, #tpu.memory_space<vmem>> -> memref<1x128x128xbf16, #tpu.memory_space<vmem>>
      %dma_start3A_67 = tpu.memref_squeeze %dma_start3A_66 : memref<1x128x128xbf16, #tpu.memory_space<vmem>> -> memref<128x128xbf16, #tpu.memory_space<vmem>>
      %dma_start3A_68 = arith.constant 0 : i32
      %dma_start3A_69 = tpu.memref_slice %arg5[%add3A_62, %dma_start3A_68] : memref<120x128xi32, #tpu.memory_space<vmem>> -> memref<1x128xi32, #tpu.memory_space<vmem>>
      %dma_start3A_70 = tpu.memref_squeeze %dma_start3A_69 : memref<1x128xi32, #tpu.memory_space<vmem>> -> memref<128xi32, #tpu.memory_space<vmem>>
      %dma_start3A_71 = arith.constant 0 : i32
      %dma_start3A_72 = arith.constant 0 : i32
      %dma_start3A_73 = tpu.memref_slice %arg7[%dma_start3A_71, %dma_start3A_72] : memref<10000x128xbf16, #tpu.memory_space<vmem_shared>> -> memref<10000x128xbf16, #tpu.memory_space<vmem_shared>>
      tpu.enqueue_indirect_dma source(%dma_start3A_73 : memref<10000x128xbf16, #tpu.memory_space<vmem_shared>>) target(%dma_start3A_67 : memref<128x128xbf16, #tpu.memory_space<vmem>>) offsets(%dma_start3A_70 : memref<128xi32, #tpu.memory_space<vmem>>) semaphore(%arg8 : memref<!tpu.dma_semaphore, #tpu.memory_space<semaphore_mem>>)
      %mul3A_74 = arith.constant 8 : i32
      %mul3A_75 = arith.muli %scan3A_13, %mul3A_74 : i32
      %add3A_76 = arith.constant 4 : i32
      %add3A_77 = arith.addi %mul3A_75, %add3A_76 : i32
      %dma_start3A_78 = arith.constant 4 : i32
      %dma_start3A_79 = arith.constant 0 : i32
      %dma_start3A_80 = arith.constant 0 : i32
      %dma_start3A_81 = tpu.memref_slice %arg6[%dma_start3A_78, %dma_start3A_79, %dma_start3A_80] : memref<8x128x128xbf16, #tpu.memory_space<vmem>> -> memref<1x128x128xbf16, #tpu.memory_space<vmem>>
      %dma_start3A_82 = tpu.memref_squeeze %dma_start3A_81 : memref<1x128x128xbf16, #tpu.memory_space<vmem>> -> memref<128x128xbf16, #tpu.memory_space<vmem>>
      %dma_start3A_83 = arith.constant 0 : i32
      %dma_start3A_84 = tpu.memref_slice %arg5[%add3A_77, %dma_start3A_83] : memref<120x128xi32, #tpu.memory_space<vmem>> -> memref<1x128xi32, #tpu.memory_space<vmem>>
      %dma_start3A_85 = tpu.memref_squeeze %dma_start3A_84 : memref<1x128xi32, #tpu.memory_space<vmem>> -> memref<128xi32, #tpu.memory_space<vmem>>
      %dma_start3A_86 = arith.constant 0 : i32
      %dma_start3A_87 = arith.constant 0 : i32
      %dma_start3A_88 = tpu.memref_slice %arg7[%dma_start3A_86, %dma_start3A_87] : memref<10000x128xbf16, #tpu.memory_space<vmem_shared>> -> memref<10000x128xbf16, #tpu.memory_space<vmem_shared>>
      tpu.enqueue_indirect_dma source(%dma_start3A_88 : memref<10000x128xbf16, #tpu.memory_space<vmem_shared>>) target(%dma_start3A_82 : memref<128x128xbf16, #tpu.memory_space<vmem>>) offsets(%dma_start3A_85 : memref<128xi32, #tpu.memory_space<vmem>>) semaphore(%arg8 : memref<!tpu.dma_semaphore, #tpu.memory_space<semaphore_mem>>)
      %mul3A_89 = arith.constant 8 : i32
      %mul3A_90 = arith.muli %scan3A_13, %mul3A_89 : i32
      %add3A_91 = arith.constant 5 : i32
      %add3A_92 = arith.addi %mul3A_90, %add3A_91 : i32
      %dma_start3A_93 = arith.constant 5 : i32
      %dma_start3A_94 = arith.constant 0 : i32
      %dma_start3A_95 = arith.constant 0 : i32
      %dma_start3A_96 = tpu.memref_slice %arg6[%dma_start3A_93, %dma_start3A_94, %dma_start3A_95] : memref<8x128x128xbf16, #tpu.memory_space<vmem>> -> memref<1x128x128xbf16, #tpu.memory_space<vmem>>
      %dma_start3A_97 = tpu.memref_squeeze %dma_start3A_96 : memref<1x128x128xbf16, #tpu.memory_space<vmem>> -> memref<128x128xbf16, #tpu.memory_space<vmem>>
      %dma_start3A_98 = arith.constant 0 : i32
      %dma_start3A_99 = tpu.memref_slice %arg5[%add3A_92, %dma_start3A_98] : memref<120x128xi32, #tpu.memory_space<vmem>> -> memref<1x128xi32, #tpu.memory_space<vmem>>
      %dma_start3A_100 = tpu.memref_squeeze %dma_start3A_99 : memref<1x128xi32, #tpu.memory_space<vmem>> -> memref<128xi32, #tpu.memory_space<vmem>>
      %dma_start3A_101 = arith.constant 0 : i32
      %dma_start3A_102 = arith.constant 0 : i32
      %dma_start3A_103 = tpu.memref_slice %arg7[%dma_start3A_101, %dma_start3A_102] : memref<10000x128xbf16, #tpu.memory_space<vmem_shared>> -> memref<10000x128xbf16, #tpu.memory_space<vmem_shared>>
      tpu.enqueue_indirect_dma source(%dma_start3A_103 : memref<10000x128xbf16, #tpu.memory_space<vmem_shared>>) target(%dma_start3A_97 : memref<128x128xbf16, #tpu.memory_space<vmem>>) offsets(%dma_start3A_100 : memref<128xi32, #tpu.memory_space<vmem>>) semaphore(%arg8 : memref<!tpu.dma_semaphore, #tpu.memory_space<semaphore_mem>>)
      %mul3A_104 = arith.constant 8 : i32
      %mul3A_105 = arith.muli %scan3A_13, %mul3A_104 : i32
      %add3A_106 = arith.constant 6 : i32
      %add3A_107 = arith.addi %mul3A_105, %add3A_106 : i32
      %dma_start3A_108 = arith.constant 6 : i32
      %dma_start3A_109 = arith.constant 0 : i32
      %dma_start3A_110 = arith.constant 0 : i32
      %dma_start3A_111 = tpu.memref_slice %arg6[%dma_start3A_108, %dma_start3A_109, %dma_start3A_110] : memref<8x128x128xbf16, #tpu.memory_space<vmem>> -> memref<1x128x128xbf16, #tpu.memory_space<vmem>>
      %dma_start3A_112 = tpu.memref_squeeze %dma_start3A_111 : memref<1x128x128xbf16, #tpu.memory_space<vmem>> -> memref<128x128xbf16, #tpu.memory_space<vmem>>
      %dma_start3A_113 = arith.constant 0 : i32
      %dma_start3A_114 = tpu.memref_slice %arg5[%add3A_107, %dma_start3A_113] : memref<120x128xi32, #tpu.memory_space<vmem>> -> memref<1x128xi32, #tpu.memory_space<vmem>>
      %dma_start3A_115 = tpu.memref_squeeze %dma_start3A_114 : memref<1x128xi32, #tpu.memory_space<vmem>> -> memref<128xi32, #tpu.memory_space<vmem>>
      %dma_start3A_116 = arith.constant 0 : i32
      %dma_start3A_117 = arith.constant 0 : i32
      %dma_start3A_118 = tpu.memref_slice %arg7[%dma_start3A_116, %dma_start3A_117] : memref<10000x128xbf16, #tpu.memory_space<vmem_shared>> -> memref<10000x128xbf16, #tpu.memory_space<vmem_shared>>
      tpu.enqueue_indirect_dma source(%dma_start3A_118 : memref<10000x128xbf16, #tpu.memory_space<vmem_shared>>) target(%dma_start3A_112 : memref<128x128xbf16, #tpu.memory_space<vmem>>) offsets(%dma_start3A_115 : memref<128xi32, #tpu.memory_space<vmem>>) semaphore(%arg8 : memref<!tpu.dma_semaphore, #tpu.memory_space<semaphore_mem>>)
      %mul3A_119 = arith.constant 8 : i32
      %mul3A_120 = arith.muli %scan3A_13, %mul3A_119 : i32
      %add3A_121 = arith.constant 7 : i32
      %add3A_122 = arith.addi %mul3A_120, %add3A_121 : i32
      %dma_start3A_123 = arith.constant 7 : i32
      %dma_start3A_124 = arith.constant 0 : i32
      %dma_start3A_125 = arith.constant 0 : i32
      %dma_start3A_126 = tpu.memref_slice %arg6[%dma_start3A_123, %dma_start3A_124, %dma_start3A_125] : memref<8x128x128xbf16, #tpu.memory_space<vmem>> -> memref<1x128x128xbf16, #tpu.memory_space<vmem>>
      %dma_start3A_127 = tpu.memref_squeeze %dma_start3A_126 : memref<1x128x128xbf16, #tpu.memory_space<vmem>> -> memref<128x128xbf16, #tpu.memory_space<vmem>>
      %dma_start3A_128 = arith.constant 0 : i32
      %dma_start3A_129 = tpu.memref_slice %arg5[%add3A_122, %dma_start3A_128] : memref<120x128xi32, #tpu.memory_space<vmem>> -> memref<1x128xi32, #tpu.memory_space<vmem>>
      %dma_start3A_130 = tpu.memref_squeeze %dma_start3A_129 : memref<1x128xi32, #tpu.memory_space<vmem>> -> memref<128xi32, #tpu.memory_space<vmem>>
      %dma_start3A_131 = arith.constant 0 : i32
      %dma_start3A_132 = arith.constant 0 : i32
      %dma_start3A_133 = tpu.memref_slice %arg7[%dma_start3A_131, %dma_start3A_132] : memref<10000x128xbf16, #tpu.memory_space<vmem_shared>> -> memref<10000x128xbf16, #tpu.memory_space<vmem_shared>>
      tpu.enqueue_indirect_dma source(%dma_start3A_133 : memref<10000x128xbf16, #tpu.memory_space<vmem_shared>>) target(%dma_start3A_127 : memref<128x128xbf16, #tpu.memory_space<vmem>>) offsets(%dma_start3A_130 : memref<128xi32, #tpu.memory_space<vmem>>) semaphore(%arg8 : memref<!tpu.dma_semaphore, #tpu.memory_space<semaphore_mem>>)
      %dma_wait3A = arith.constant 0 : i32
      %dma_wait3A_134 = arith.constant 0 : i32
      %dma_wait3A_135 = arith.constant 0 : i32
      %dma_wait3A_136 = tpu.memref_slice %arg6[%dma_wait3A, %dma_wait3A_134, %dma_wait3A_135] : memref<8x128x128xbf16, #tpu.memory_space<vmem>> -> memref<1x128x128xbf16, #tpu.memory_space<vmem>>
      %dma_wait3A_137 = tpu.memref_squeeze %dma_wait3A_136 : memref<1x128x128xbf16, #tpu.memory_space<vmem>> -> memref<128x128xbf16, #tpu.memory_space<vmem>>
      %dma_wait3A_138 = arith.constant 0 : i32
      %dma_wait3A_139 = tpu.memref_slice %arg5[%add3A_18, %dma_wait3A_138] : memref<120x128xi32, #tpu.memory_space<vmem>> -> memref<1x128xi32, #tpu.memory_space<vmem>>
      %dma_wait3A_140 = tpu.memref_squeeze %dma_wait3A_139 : memref<1x128xi32, #tpu.memory_space<vmem>> -> memref<128xi32, #tpu.memory_space<vmem>>
      %dma_wait3A_141 = arith.constant 0 : i32
      %dma_wait3A_142 = arith.constant 0 : i32
      %dma_wait3A_143 = tpu.memref_slice %arg7[%dma_wait3A_141, %dma_wait3A_142] : memref<10000x128xbf16, #tpu.memory_space<vmem_shared>> -> memref<10000x128xbf16, #tpu.memory_space<vmem_shared>>
      tpu.wait_indirect_dma semaphore(%arg8 : memref<!tpu.dma_semaphore, #tpu.memory_space<semaphore_mem>>) src(%dma_wait3A_143 : memref<10000x128xbf16, #tpu.memory_space<vmem_shared>>) dst(%dma_wait3A_137 : memref<128x128xbf16, #tpu.memory_space<vmem>>)
      %dma_wait3A_144 = arith.constant 1 : i32
      %dma_wait3A_145 = arith.constant 0 : i32
      %dma_wait3A_146 = arith.constant 0 : i32
      %dma_wait3A_147 = tpu.memref_slice %arg6[%dma_wait3A_144, %dma_wait3A_145, %dma_wait3A_146] : memref<8x128x128xbf16, #tpu.memory_space<vmem>> -> memref<1x128x128xbf16, #tpu.memory_space<vmem>>
      %dma_wait3A_148 = tpu.memref_squeeze %dma_wait3A_147 : memref<1x128x128xbf16, #tpu.memory_space<vmem>> -> memref<128x128xbf16, #tpu.memory_space<vmem>>
      %dma_wait3A_149 = arith.constant 0 : i32
      %dma_wait3A_150 = tpu.memref_slice %arg5[%add3A_32, %dma_wait3A_149] : memref<120x128xi32, #tpu.memory_space<vmem>> -> memref<1x128xi32, #tpu.memory_space<vmem>>
      %dma_wait3A_151 = tpu.memref_squeeze %dma_wait3A_150 : memref<1x128xi32, #tpu.memory_space<vmem>> -> memref<128xi32, #tpu.memory_space<vmem>>
      %dma_wait3A_152 = arith.constant 0 : i32
      %dma_wait3A_153 = arith.constant 0 : i32
      %dma_wait3A_154 = tpu.memref_slice %arg7[%dma_wait3A_152, %dma_wait3A_153] : memref<10000x128xbf16, #tpu.memory_space<vmem_shared>> -> memref<10000x128xbf16, #tpu.memory_space<vmem_shared>>
      tpu.wait_indirect_dma semaphore(%arg8 : memref<!tpu.dma_semaphore, #tpu.memory_space<semaphore_mem>>) src(%dma_wait3A_154 : memref<10000x128xbf16, #tpu.memory_space<vmem_shared>>) dst(%dma_wait3A_148 : memref<128x128xbf16, #tpu.memory_space<vmem>>)
      %dma_wait3A_155 = arith.constant 2 : i32
      %dma_wait3A_156 = arith.constant 0 : i32
      %dma_wait3A_157 = arith.constant 0 : i32
      %dma_wait3A_158 = tpu.memref_slice %arg6[%dma_wait3A_155, %dma_wait3A_156, %dma_wait3A_157] : memref<8x128x128xbf16, #tpu.memory_space<vmem>> -> memref<1x128x128xbf16, #tpu.memory_space<vmem>>
      %dma_wait3A_159 = tpu.memref_squeeze %dma_wait3A_158 : memref<1x128x128xbf16, #tpu.memory_space<vmem>> -> memref<128x128xbf16, #tpu.memory_space<vmem>>
      %dma_wait3A_160 = arith.constant 0 : i32
      %dma_wait3A_161 = tpu.memref_slice %arg5[%add3A_47, %dma_wait3A_160] : memref<120x128xi32, #tpu.memory_space<vmem>> -> memref<1x128xi32, #tpu.memory_space<vmem>>
      %dma_wait3A_162 = tpu.memref_squeeze %dma_wait3A_161 : memref<1x128xi32, #tpu.memory_space<vmem>> -> memref<128xi32, #tpu.memory_space<vmem>>
      %dma_wait3A_163 = arith.constant 0 : i32
      %dma_wait3A_164 = arith.constant 0 : i32
      %dma_wait3A_165 = tpu.memref_slice %arg7[%dma_wait3A_163, %dma_wait3A_164] : memref<10000x128xbf16, #tpu.memory_space<vmem_shared>> -> memref<10000x128xbf16, #tpu.memory_space<vmem_shared>>
      tpu.wait_indirect_dma semaphore(%arg8 : memref<!tpu.dma_semaphore, #tpu.memory_space<semaphore_mem>>) src(%dma_wait3A_165 : memref<10000x128xbf16, #tpu.memory_space<vmem_shared>>) dst(%dma_wait3A_159 : memref<128x128xbf16, #tpu.memory_space<vmem>>)
      %dma_wait3A_166 = arith.constant 3 : i32
      %dma_wait3A_167 = arith.constant 0 : i32
      %dma_wait3A_168 = arith.constant 0 : i32
      %dma_wait3A_169 = tpu.memref_slice %arg6[%dma_wait3A_166, %dma_wait3A_167, %dma_wait3A_168] : memref<8x128x128xbf16, #tpu.memory_space<vmem>> -> memref<1x128x128xbf16, #tpu.memory_space<vmem>>
      %dma_wait3A_170 = tpu.memref_squeeze %dma_wait3A_169 : memref<1x128x128xbf16, #tpu.memory_space<vmem>> -> memref<128x128xbf16, #tpu.memory_space<vmem>>
      %dma_wait3A_171 = arith.constant 0 : i32
      %dma_wait3A_172 = tpu.memref_slice %arg5[%add3A_62, %dma_wait3A_171] : memref<120x128xi32, #tpu.memory_space<vmem>> -> memref<1x128xi32, #tpu.memory_space<vmem>>
      %dma_wait3A_173 = tpu.memref_squeeze %dma_wait3A_172 : memref<1x128xi32, #tpu.memory_space<vmem>> -> memref<128xi32, #tpu.memory_space<vmem>>
      %dma_wait3A_174 = arith.constant 0 : i32
      %dma_wait3A_175 = arith.constant 0 : i32
      %dma_wait3A_176 = tpu.memref_slice %arg7[%dma_wait3A_174, %dma_wait3A_175] : memref<10000x128xbf16, #tpu.memory_space<vmem_shared>> -> memref<10000x128xbf16, #tpu.memory_space<vmem_shared>>
      tpu.wait_indirect_dma semaphore(%arg8 : memref<!tpu.dma_semaphore, #tpu.memory_space<semaphore_mem>>) src(%dma_wait3A_176 : memref<10000x128xbf16, #tpu.memory_space<vmem_shared>>) dst(%dma_wait3A_170 : memref<128x128xbf16, #tpu.memory_space<vmem>>)
      %dma_wait3A_177 = arith.constant 4 : i32
      %dma_wait3A_178 = arith.constant 0 : i32
      %dma_wait3A_179 = arith.constant 0 : i32
      %dma_wait3A_180 = tpu.memref_slice %arg6[%dma_wait3A_177, %dma_wait3A_178, %dma_wait3A_179] : memref<8x128x128xbf16, #tpu.memory_space<vmem>> -> memref<1x128x128xbf16, #tpu.memory_space<vmem>>
      %dma_wait3A_181 = tpu.memref_squeeze %dma_wait3A_180 : memref<1x128x128xbf16, #tpu.memory_space<vmem>> -> memref<128x128xbf16, #tpu.memory_space<vmem>>
      %dma_wait3A_182 = arith.constant 0 : i32
      %dma_wait3A_183 = tpu.memref_slice %arg5[%add3A_77, %dma_wait3A_182] : memref<120x128xi32, #tpu.memory_space<vmem>> -> memref<1x128xi32, #tpu.memory_space<vmem>>
      %dma_wait3A_184 = tpu.memref_squeeze %dma_wait3A_183 : memref<1x128xi32, #tpu.memory_space<vmem>> -> memref<128xi32, #tpu.memory_space<vmem>>
      %dma_wait3A_185 = arith.constant 0 : i32
      %dma_wait3A_186 = arith.constant 0 : i32
      %dma_wait3A_187 = tpu.memref_slice %arg7[%dma_wait3A_185, %dma_wait3A_186] : memref<10000x128xbf16, #tpu.memory_space<vmem_shared>> -> memref<10000x128xbf16, #tpu.memory_space<vmem_shared>>
      tpu.wait_indirect_dma semaphore(%arg8 : memref<!tpu.dma_semaphore, #tpu.memory_space<semaphore_mem>>) src(%dma_wait3A_187 : memref<10000x128xbf16, #tpu.memory_space<vmem_shared>>) dst(%dma_wait3A_181 : memref<128x128xbf16, #tpu.memory_space<vmem>>)
      %dma_wait3A_188 = arith.constant 5 : i32
      %dma_wait3A_189 = arith.constant 0 : i32
      %dma_wait3A_190 = arith.constant 0 : i32
      %dma_wait3A_191 = tpu.memref_slice %arg6[%dma_wait3A_188, %dma_wait3A_189, %dma_wait3A_190] : memref<8x128x128xbf16, #tpu.memory_space<vmem>> -> memref<1x128x128xbf16, #tpu.memory_space<vmem>>
      %dma_wait3A_192 = tpu.memref_squeeze %dma_wait3A_191 : memref<1x128x128xbf16, #tpu.memory_space<vmem>> -> memref<128x128xbf16, #tpu.memory_space<vmem>>
      %dma_wait3A_193 = arith.constant 0 : i32
      %dma_wait3A_194 = tpu.memref_slice %arg5[%add3A_92, %dma_wait3A_193] : memref<120x128xi32, #tpu.memory_space<vmem>> -> memref<1x128xi32, #tpu.memory_space<vmem>>
      %dma_wait3A_195 = tpu.memref_squeeze %dma_wait3A_194 : memref<1x128xi32, #tpu.memory_space<vmem>> -> memref<128xi32, #tpu.memory_space<vmem>>
      %dma_wait3A_196 = arith.constant 0 : i32
      %dma_wait3A_197 = arith.constant 0 : i32
      %dma_wait3A_198 = tpu.memref_slice %arg7[%dma_wait3A_196, %dma_wait3A_197] : memref<10000x128xbf16, #tpu.memory_space<vmem_shared>> -> memref<10000x128xbf16, #tpu.memory_space<vmem_shared>>
      tpu.wait_indirect_dma semaphore(%arg8 : memref<!tpu.dma_semaphore, #tpu.memory_space<semaphore_mem>>) src(%dma_wait3A_198 : memref<10000x128xbf16, #tpu.memory_space<vmem_shared>>) dst(%dma_wait3A_192 : memref<128x128xbf16, #tpu.memory_space<vmem>>)
      %dma_wait3A_199 = arith.constant 6 : i32
      %dma_wait3A_200 = arith.constant 0 : i32
      %dma_wait3A_201 = arith.constant 0 : i32
      %dma_wait3A_202 = tpu.memref_slice %arg6[%dma_wait3A_199, %dma_wait3A_200, %dma_wait3A_201] : memref<8x128x128xbf16, #tpu.memory_space<vmem>> -> memref<1x128x128xbf16, #tpu.memory_space<vmem>>
      %dma_wait3A_203 = tpu.memref_squeeze %dma_wait3A_202 : memref<1x128x128xbf16, #tpu.memory_space<vmem>> -> memref<128x128xbf16, #tpu.memory_space<vmem>>
      %dma_wait3A_204 = arith.constant 0 : i32
      %dma_wait3A_205 = tpu.memref_slice %arg5[%add3A_107, %dma_wait3A_204] : memref<120x128xi32, #tpu.memory_space<vmem>> -> memref<1x128xi32, #tpu.memory_space<vmem>>
      %dma_wait3A_206 = tpu.memref_squeeze %dma_wait3A_205 : memref<1x128xi32, #tpu.memory_space<vmem>> -> memref<128xi32, #tpu.memory_space<vmem>>
      %dma_wait3A_207 = arith.constant 0 : i32
      %dma_wait3A_208 = arith.constant 0 : i32
      %dma_wait3A_209 = tpu.memref_slice %arg7[%dma_wait3A_207, %dma_wait3A_208] : memref<10000x128xbf16, #tpu.memory_space<vmem_shared>> -> memref<10000x128xbf16, #tpu.memory_space<vmem_shared>>
      tpu.wait_indirect_dma semaphore(%arg8 : memref<!tpu.dma_semaphore, #tpu.memory_space<semaphore_mem>>) src(%dma_wait3A_209 : memref<10000x128xbf16, #tpu.memory_space<vmem_shared>>) dst(%dma_wait3A_203 : memref<128x128xbf16, #tpu.memory_space<vmem>>)
      %dma_wait3A_210 = arith.constant 7 : i32
      %dma_wait3A_211 = arith.constant 0 : i32
      %dma_wait3A_212 = arith.constant 0 : i32
      %dma_wait3A_213 = tpu.memref_slice %arg6[%dma_wait3A_210, %dma_wait3A_211, %dma_wait3A_212] : memref<8x128x128xbf16, #tpu.memory_space<vmem>> -> memref<1x128x128xbf16, #tpu.memory_space<vmem>>
      %dma_wait3A_214 = tpu.memref_squeeze %dma_wait3A_213 : memref<1x128x128xbf16, #tpu.memory_space<vmem>> -> memref<128x128xbf16, #tpu.memory_space<vmem>>
      %dma_wait3A_215 = arith.constant 0 : i32
      %dma_wait3A_216 = tpu.memref_slice %arg5[%add3A_122, %dma_wait3A_215] : memref<120x128xi32, #tpu.memory_space<vmem>> -> memref<1x128xi32, #tpu.memory_space<vmem>>
      %dma_wait3A_217 = tpu.memref_squeeze %dma_wait3A_216 : memref<1x128xi32, #tpu.memory_space<vmem>> -> memref<128xi32, #tpu.memory_space<vmem>>
      %dma_wait3A_218 = arith.constant 0 : i32
      %dma_wait3A_219 = arith.constant 0 : i32
      %dma_wait3A_220 = tpu.memref_slice %arg7[%dma_wait3A_218, %dma_wait3A_219] : memref<10000x128xbf16, #tpu.memory_space<vmem_shared>> -> memref<10000x128xbf16, #tpu.memory_space<vmem_shared>>
      tpu.wait_indirect_dma semaphore(%arg8 : memref<!tpu.dma_semaphore, #tpu.memory_space<semaphore_mem>>) src(%dma_wait3A_220 : memref<10000x128xbf16, #tpu.memory_space<vmem_shared>>) dst(%dma_wait3A_214 : memref<128x128xbf16, #tpu.memory_space<vmem>>)
      %mul3A_221 = arith.constant 8 : i32
      %mul3A_222 = arith.muli %scan3A_13, %mul3A_221 : i32
      %add3A_223 = arith.constant 0 : i32
      %add3A_224 = arith.addi %mul3A_222, %add3A_223 : i32
      %mul3A_225 = arith.constant 128 : i32
      %mul3A_226 = arith.muli %add3A_224, %mul3A_225 : i32
      %add3A_227 = arith.addi %mul3A_2, %mul3A_226 : i32
      %dma_start3A_228 = arith.constant 0 : i32
      %dma_start3A_229 = arith.constant 0 : i32
      %dma_start3A_230 = arith.constant 0 : i32
      %dma_start3A_231 = tpu.memref_slice %arg6[%dma_start3A_228, %dma_start3A_229, %dma_start3A_230] : memref<8x128x128xbf16, #tpu.memory_space<vmem>> -> memref<1x128x128xbf16, #tpu.memory_space<vmem>>
      %dma_start3A_232 = tpu.memref_squeeze %dma_start3A_231 : memref<1x128x128xbf16, #tpu.memory_space<vmem>> -> memref<128x128xbf16, #tpu.memory_space<vmem>>
      %dma_start3A_233 = arith.constant 0 : i32
      %dma_start3A_234 = tpu.memref_slice %arg4[%add3A_227, %dma_start3A_233] : memref<491520x128xbf16, #tpu.memory_space<hbm>> -> memref<128x128xbf16, #tpu.memory_space<hbm>>
      %dma_start3A_235 = arith.constant 0 : i32
      %dma_start3A_236 = tpu.memref_slice %arg4[%add3A_227, %dma_start3A_235] : memref<491520x128xbf16, #tpu.memory_space<hbm>> -> memref<128x128xbf16, #tpu.memory_space<hbm>>
      %dma_start3A_237 = arith.constant 0 : i32
      %dma_start3A_238 = arith.constant 0 : i32
      %dma_start3A_239 = tpu.memref_slice %arg6[%dma_start3A_228, %dma_start3A_237, %dma_start3A_238] : memref<8x128x128xbf16, #tpu.memory_space<vmem>> -> memref<1x128x128xbf16, #tpu.memory_space<vmem>>
      %dma_start3A_240 = tpu.memref_squeeze %dma_start3A_239 : memref<1x128x128xbf16, #tpu.memory_space<vmem>> -> memref<128x128xbf16, #tpu.memory_space<vmem>>
      tpu.enqueue_dma source(%dma_start3A_240 : memref<128x128xbf16, #tpu.memory_space<vmem>>) target(%dma_start3A_236 : memref<128x128xbf16, #tpu.memory_space<hbm>>) target_semaphore(%arg9 : memref<!tpu.dma_semaphore, #tpu.memory_space<semaphore_mem>>)
      %mul3A_241 = arith.constant 8 : i32
      %mul3A_242 = arith.muli %scan3A_13, %mul3A_241 : i32
      %add3A_243 = arith.constant 1 : i32
      %add3A_244 = arith.addi %mul3A_242, %add3A_243 : i32
      %mul3A_245 = arith.constant 128 : i32
      %mul3A_246 = arith.muli %add3A_244, %mul3A_245 : i32
      %add3A_247 = arith.addi %mul3A_2, %mul3A_246 : i32
      %dma_start3A_248 = arith.constant 1 : i32
      %dma_start3A_249 = arith.constant 0 : i32
      %dma_start3A_250 = arith.constant 0 : i32
      %dma_start3A_251 = tpu.memref_slice %arg6[%dma_start3A_248, %dma_start3A_249, %dma_start3A_250] : memref<8x128x128xbf16, #tpu.memory_space<vmem>> -> memref<1x128x128xbf16, #tpu.memory_space<vmem>>
      %dma_start3A_252 = tpu.memref_squeeze %dma_start3A_251 : memref<1x128x128xbf16, #tpu.memory_space<vmem>> -> memref<128x128xbf16, #tpu.memory_space<vmem>>
      %dma_start3A_253 = arith.constant 0 : i32
      %dma_start3A_254 = tpu.memref_slice %arg4[%add3A_247, %dma_start3A_253] : memref<491520x128xbf16, #tpu.memory_space<hbm>> -> memref<128x128xbf16, #tpu.memory_space<hbm>>
      %dma_start3A_255 = arith.constant 0 : i32
      %dma_start3A_256 = tpu.memref_slice %arg4[%add3A_247, %dma_start3A_255] : memref<491520x128xbf16, #tpu.memory_space<hbm>> -> memref<128x128xbf16, #tpu.memory_space<hbm>>
      %dma_start3A_257 = arith.constant 0 : i32
      %dma_start3A_258 = arith.constant 0 : i32
      %dma_start3A_259 = tpu.memref_slice %arg6[%dma_start3A_248, %dma_start3A_257, %dma_start3A_258] : memref<8x128x128xbf16, #tpu.memory_space<vmem>> -> memref<1x128x128xbf16, #tpu.memory_space<vmem>>
      %dma_start3A_260 = tpu.memref_squeeze %dma_start3A_259 : memref<1x128x128xbf16, #tpu.memory_space<vmem>> -> memref<128x128xbf16, #tpu.memory_space<vmem>>
      tpu.enqueue_dma source(%dma_start3A_260 : memref<128x128xbf16, #tpu.memory_space<vmem>>) target(%dma_start3A_256 : memref<128x128xbf16, #tpu.memory_space<hbm>>) target_semaphore(%arg9 : memref<!tpu.dma_semaphore, #tpu.memory_space<semaphore_mem>>)
      %mul3A_261 = arith.constant 8 : i32
      %mul3A_262 = arith.muli %scan3A_13, %mul3A_261 : i32
      %add3A_263 = arith.constant 2 : i32
      %add3A_264 = arith.addi %mul3A_262, %add3A_263 : i32
      %mul3A_265 = arith.constant 128 : i32
      %mul3A_266 = arith.muli %add3A_264, %mul3A_265 : i32
      %add3A_267 = arith.addi %mul3A_2, %mul3A_266 : i32
      %dma_start3A_268 = arith.constant 2 : i32
      %dma_start3A_269 = arith.constant 0 : i32
      %dma_start3A_270 = arith.constant 0 : i32
      %dma_start3A_271 = tpu.memref_slice %arg6[%dma_start3A_268, %dma_start3A_269, %dma_start3A_270] : memref<8x128x128xbf16, #tpu.memory_space<vmem>> -> memref<1x128x128xbf16, #tpu.memory_space<vmem>>
      %dma_start3A_272 = tpu.memref_squeeze %dma_start3A_271 : memref<1x128x128xbf16, #tpu.memory_space<vmem>> -> memref<128x128xbf16, #tpu.memory_space<vmem>>
      %dma_start3A_273 = arith.constant 0 : i32
      %dma_start3A_274 = tpu.memref_slice %arg4[%add3A_267, %dma_start3A_273] : memref<491520x128xbf16, #tpu.memory_space<hbm>> -> memref<128x128xbf16, #tpu.memory_space<hbm>>
      %dma_start3A_275 = arith.constant 0 : i32
      %dma_start3A_276 = tpu.memref_slice %arg4[%add3A_267, %dma_start3A_275] : memref<491520x128xbf16, #tpu.memory_space<hbm>> -> memref<128x128xbf16, #tpu.memory_space<hbm>>
      %dma_start3A_277 = arith.constant 0 : i32
      %dma_start3A_278 = arith.constant 0 : i32
      %dma_start3A_279 = tpu.memref_slice %arg6[%dma_start3A_268, %dma_start3A_277, %dma_start3A_278] : memref<8x128x128xbf16, #tpu.memory_space<vmem>> -> memref<1x128x128xbf16, #tpu.memory_space<vmem>>
      %dma_start3A_280 = tpu.memref_squeeze %dma_start3A_279 : memref<1x128x128xbf16, #tpu.memory_space<vmem>> -> memref<128x128xbf16, #tpu.memory_space<vmem>>
      tpu.enqueue_dma source(%dma_start3A_280 : memref<128x128xbf16, #tpu.memory_space<vmem>>) target(%dma_start3A_276 : memref<128x128xbf16, #tpu.memory_space<hbm>>) target_semaphore(%arg9 : memref<!tpu.dma_semaphore, #tpu.memory_space<semaphore_mem>>)
      %mul3A_281 = arith.constant 8 : i32
      %mul3A_282 = arith.muli %scan3A_13, %mul3A_281 : i32
      %add3A_283 = arith.constant 3 : i32
      %add3A_284 = arith.addi %mul3A_282, %add3A_283 : i32
      %mul3A_285 = arith.constant 128 : i32
      %mul3A_286 = arith.muli %add3A_284, %mul3A_285 : i32
      %add3A_287 = arith.addi %mul3A_2, %mul3A_286 : i32
      %dma_start3A_288 = arith.constant 3 : i32
      %dma_start3A_289 = arith.constant 0 : i32
      %dma_start3A_290 = arith.constant 0 : i32
      %dma_start3A_291 = tpu.memref_slice %arg6[%dma_start3A_288, %dma_start3A_289, %dma_start3A_290] : memref<8x128x128xbf16, #tpu.memory_space<vmem>> -> memref<1x128x128xbf16, #tpu.memory_space<vmem>>
      %dma_start3A_292 = tpu.memref_squeeze %dma_start3A_291 : memref<1x128x128xbf16, #tpu.memory_space<vmem>> -> memref<128x128xbf16, #tpu.memory_space<vmem>>
      %dma_start3A_293 = arith.constant 0 : i32
      %dma_start3A_294 = tpu.memref_slice %arg4[%add3A_287, %dma_start3A_293] : memref<491520x128xbf16, #tpu.memory_space<hbm>> -> memref<128x128xbf16, #tpu.memory_space<hbm>>
      %dma_start3A_295 = arith.constant 0 : i32
      %dma_start3A_296 = tpu.memref_slice %arg4[%add3A_287, %dma_start3A_295] : memref<491520x128xbf16, #tpu.memory_space<hbm>> -> memref<128x128xbf16, #tpu.memory_space<hbm>>
      %dma_start3A_297 = arith.constant 0 : i32
      %dma_start3A_298 = arith.constant 0 : i32
      %dma_start3A_299 = tpu.memref_slice %arg6[%dma_start3A_288, %dma_start3A_297, %dma_start3A_298] : memref<8x128x128xbf16, #tpu.memory_space<vmem>> -> memref<1x128x128xbf16, #tpu.memory_space<vmem>>
      %dma_start3A_300 = tpu.memref_squeeze %dma_start3A_299 : memref<1x128x128xbf16, #tpu.memory_space<vmem>> -> memref<128x128xbf16, #tpu.memory_space<vmem>>
      tpu.enqueue_dma source(%dma_start3A_300 : memref<128x128xbf16, #tpu.memory_space<vmem>>) target(%dma_start3A_296 : memref<128x128xbf16, #tpu.memory_space<hbm>>) target_semaphore(%arg9 : memref<!tpu.dma_semaphore, #tpu.memory_space<semaphore_mem>>)
      %mul3A_301 = arith.constant 8 : i32
      %mul3A_302 = arith.muli %scan3A_13, %mul3A_301 : i32
      %add3A_303 = arith.constant 4 : i32
      %add3A_304 = arith.addi %mul3A_302, %add3A_303 : i32
      %mul3A_305 = arith.constant 128 : i32
      %mul3A_306 = arith.muli %add3A_304, %mul3A_305 : i32
      %add3A_307 = arith.addi %mul3A_2, %mul3A_306 : i32
      %dma_start3A_308 = arith.constant 4 : i32
      %dma_start3A_309 = arith.constant 0 : i32
      %dma_start3A_310 = arith.constant 0 : i32
      %dma_start3A_311 = tpu.memref_slice %arg6[%dma_start3A_308, %dma_start3A_309, %dma_start3A_310] : memref<8x128x128xbf16, #tpu.memory_space<vmem>> -> memref<1x128x128xbf16, #tpu.memory_space<vmem>>
      %dma_start3A_312 = tpu.memref_squeeze %dma_start3A_311 : memref<1x128x128xbf16, #tpu.memory_space<vmem>> -> memref<128x128xbf16, #tpu.memory_space<vmem>>
      %dma_start3A_313 = arith.constant 0 : i32
      %dma_start3A_314 = tpu.memref_slice %arg4[%add3A_307, %dma_start3A_313] : memref<491520x128xbf16, #tpu.memory_space<hbm>> -> memref<128x128xbf16, #tpu.memory_space<hbm>>
      %dma_start3A_315 = arith.constant 0 : i32
      %dma_start3A_316 = tpu.memref_slice %arg4[%add3A_307, %dma_start3A_315] : memref<491520x128xbf16, #tpu.memory_space<hbm>> -> memref<128x128xbf16, #tpu.memory_space<hbm>>
      %dma_start3A_317 = arith.constant 0 : i32
      %dma_start3A_318 = arith.constant 0 : i32
      %dma_start3A_319 = tpu.memref_slice %arg6[%dma_start3A_308, %dma_start3A_317, %dma_start3A_318] : memref<8x128x128xbf16, #tpu.memory_space<vmem>> -> memref<1x128x128xbf16, #tpu.memory_space<vmem>>
      %dma_start3A_320 = tpu.memref_squeeze %dma_start3A_319 : memref<1x128x128xbf16, #tpu.memory_space<vmem>> -> memref<128x128xbf16, #tpu.memory_space<vmem>>
      tpu.enqueue_dma source(%dma_start3A_320 : memref<128x128xbf16, #tpu.memory_space<vmem>>) target(%dma_start3A_316 : memref<128x128xbf16, #tpu.memory_space<hbm>>) target_semaphore(%arg9 : memref<!tpu.dma_semaphore, #tpu.memory_space<semaphore_mem>>)
      %mul3A_321 = arith.constant 8 : i32
      %mul3A_322 = arith.muli %scan3A_13, %mul3A_321 : i32
      %add3A_323 = arith.constant 5 : i32
      %add3A_324 = arith.addi %mul3A_322, %add3A_323 : i32
      %mul3A_325 = arith.constant 128 : i32
      %mul3A_326 = arith.muli %add3A_324, %mul3A_325 : i32
      %add3A_327 = arith.addi %mul3A_2, %mul3A_326 : i32
      %dma_start3A_328 = arith.constant 5 : i32
      %dma_start3A_329 = arith.constant 0 : i32
      %dma_start3A_330 = arith.constant 0 : i32
      %dma_start3A_331 = tpu.memref_slice %arg6[%dma_start3A_328, %dma_start3A_329, %dma_start3A_330] : memref<8x128x128xbf16, #tpu.memory_space<vmem>> -> memref<1x128x128xbf16, #tpu.memory_space<vmem>>
      %dma_start3A_332 = tpu.memref_squeeze %dma_start3A_331 : memref<1x128x128xbf16, #tpu.memory_space<vmem>> -> memref<128x128xbf16, #tpu.memory_space<vmem>>
      %dma_start3A_333 = arith.constant 0 : i32
      %dma_start3A_334 = tpu.memref_slice %arg4[%add3A_327, %dma_start3A_333] : memref<491520x128xbf16, #tpu.memory_space<hbm>> -> memref<128x128xbf16, #tpu.memory_space<hbm>>
      %dma_start3A_335 = arith.constant 0 : i32
      %dma_start3A_336 = tpu.memref_slice %arg4[%add3A_327, %dma_start3A_335] : memref<491520x128xbf16, #tpu.memory_space<hbm>> -> memref<128x128xbf16, #tpu.memory_space<hbm>>
      %dma_start3A_337 = arith.constant 0 : i32
      %dma_start3A_338 = arith.constant 0 : i32
      %dma_start3A_339 = tpu.memref_slice %arg6[%dma_start3A_328, %dma_start3A_337, %dma_start3A_338] : memref<8x128x128xbf16, #tpu.memory_space<vmem>> -> memref<1x128x128xbf16, #tpu.memory_space<vmem>>
      %dma_start3A_340 = tpu.memref_squeeze %dma_start3A_339 : memref<1x128x128xbf16, #tpu.memory_space<vmem>> -> memref<128x128xbf16, #tpu.memory_space<vmem>>
      tpu.enqueue_dma source(%dma_start3A_340 : memref<128x128xbf16, #tpu.memory_space<vmem>>) target(%dma_start3A_336 : memref<128x128xbf16, #tpu.memory_space<hbm>>) target_semaphore(%arg9 : memref<!tpu.dma_semaphore, #tpu.memory_space<semaphore_mem>>)
      %mul3A_341 = arith.constant 8 : i32
      %mul3A_342 = arith.muli %scan3A_13, %mul3A_341 : i32
      %add3A_343 = arith.constant 6 : i32
      %add3A_344 = arith.addi %mul3A_342, %add3A_343 : i32
      %mul3A_345 = arith.constant 128 : i32
      %mul3A_346 = arith.muli %add3A_344, %mul3A_345 : i32
      %add3A_347 = arith.addi %mul3A_2, %mul3A_346 : i32
      %dma_start3A_348 = arith.constant 6 : i32
      %dma_start3A_349 = arith.constant 0 : i32
      %dma_start3A_350 = arith.constant 0 : i32
      %dma_start3A_351 = tpu.memref_slice %arg6[%dma_start3A_348, %dma_start3A_349, %dma_start3A_350] : memref<8x128x128xbf16, #tpu.memory_space<vmem>> -> memref<1x128x128xbf16, #tpu.memory_space<vmem>>
      %dma_start3A_352 = tpu.memref_squeeze %dma_start3A_351 : memref<1x128x128xbf16, #tpu.memory_space<vmem>> -> memref<128x128xbf16, #tpu.memory_space<vmem>>
      %dma_start3A_353 = arith.constant 0 : i32
      %dma_start3A_354 = tpu.memref_slice %arg4[%add3A_347, %dma_start3A_353] : memref<491520x128xbf16, #tpu.memory_space<hbm>> -> memref<128x128xbf16, #tpu.memory_space<hbm>>
      %dma_start3A_355 = arith.constant 0 : i32
      %dma_start3A_356 = tpu.memref_slice %arg4[%add3A_347, %dma_start3A_355] : memref<491520x128xbf16, #tpu.memory_space<hbm>> -> memref<128x128xbf16, #tpu.memory_space<hbm>>
      %dma_start3A_357 = arith.constant 0 : i32
      %dma_start3A_358 = arith.constant 0 : i32
      %dma_start3A_359 = tpu.memref_slice %arg6[%dma_start3A_348, %dma_start3A_357, %dma_start3A_358] : memref<8x128x128xbf16, #tpu.memory_space<vmem>> -> memref<1x128x128xbf16, #tpu.memory_space<vmem>>
      %dma_start3A_360 = tpu.memref_squeeze %dma_start3A_359 : memref<1x128x128xbf16, #tpu.memory_space<vmem>> -> memref<128x128xbf16, #tpu.memory_space<vmem>>
      tpu.enqueue_dma source(%dma_start3A_360 : memref<128x128xbf16, #tpu.memory_space<vmem>>) target(%dma_start3A_356 : memref<128x128xbf16, #tpu.memory_space<hbm>>) target_semaphore(%arg9 : memref<!tpu.dma_semaphore, #tpu.memory_space<semaphore_mem>>)
      %mul3A_361 = arith.constant 8 : i32
      %mul3A_362 = arith.muli %scan3A_13, %mul3A_361 : i32
      %add3A_363 = arith.constant 7 : i32
      %add3A_364 = arith.addi %mul3A_362, %add3A_363 : i32
      %mul3A_365 = arith.constant 128 : i32
      %mul3A_366 = arith.muli %add3A_364, %mul3A_365 : i32
      %add3A_367 = arith.addi %mul3A_2, %mul3A_366 : i32
      %dma_start3A_368 = arith.constant 7 : i32
      %dma_start3A_369 = arith.constant 0 : i32
      %dma_start3A_370 = arith.constant 0 : i32
      %dma_start3A_371 = tpu.memref_slice %arg6[%dma_start3A_368, %dma_start3A_369, %dma_start3A_370] : memref<8x128x128xbf16, #tpu.memory_space<vmem>> -> memref<1x128x128xbf16, #tpu.memory_space<vmem>>
      %dma_start3A_372 = tpu.memref_squeeze %dma_start3A_371 : memref<1x128x128xbf16, #tpu.memory_space<vmem>> -> memref<128x128xbf16, #tpu.memory_space<vmem>>
      %dma_start3A_373 = arith.constant 0 : i32
      %dma_start3A_374 = tpu.memref_slice %arg4[%add3A_367, %dma_start3A_373] : memref<491520x128xbf16, #tpu.memory_space<hbm>> -> memref<128x128xbf16, #tpu.memory_space<hbm>>
      %dma_start3A_375 = arith.constant 0 : i32
      %dma_start3A_376 = tpu.memref_slice %arg4[%add3A_367, %dma_start3A_375] : memref<491520x128xbf16, #tpu.memory_space<hbm>> -> memref<128x128xbf16, #tpu.memory_space<hbm>>
      %dma_start3A_377 = arith.constant 0 : i32
      %dma_start3A_378 = arith.constant 0 : i32
      %dma_start3A_379 = tpu.memref_slice %arg6[%dma_start3A_368, %dma_start3A_377, %dma_start3A_378] : memref<8x128x128xbf16, #tpu.memory_space<vmem>> -> memref<1x128x128xbf16, #tpu.memory_space<vmem>>
      %dma_start3A_380 = tpu.memref_squeeze %dma_start3A_379 : memref<1x128x128xbf16, #tpu.memory_space<vmem>> -> memref<128x128xbf16, #tpu.memory_space<vmem>>
      tpu.enqueue_dma source(%dma_start3A_380 : memref<128x128xbf16, #tpu.memory_space<vmem>>) target(%dma_start3A_376 : memref<128x128xbf16, #tpu.memory_space<hbm>>) target_semaphore(%arg9 : memref<!tpu.dma_semaphore, #tpu.memory_space<semaphore_mem>>)
      %dma_wait3A_381 = arith.constant 0 : i32
      %dma_wait3A_382 = arith.constant 0 : i32
      %dma_wait3A_383 = arith.constant 0 : i32
      %dma_wait3A_384 = tpu.memref_slice %arg6[%dma_wait3A_381, %dma_wait3A_382, %dma_wait3A_383] : memref<8x128x128xbf16, #tpu.memory_space<vmem>> -> memref<1x128x128xbf16, #tpu.memory_space<vmem>>
      %dma_wait3A_385 = tpu.memref_squeeze %dma_wait3A_384 : memref<1x128x128xbf16, #tpu.memory_space<vmem>> -> memref<128x128xbf16, #tpu.memory_space<vmem>>
      %dma_wait3A_386 = arith.constant 0 : i32
      %dma_wait3A_387 = tpu.memref_slice %arg4[%add3A_227, %dma_wait3A_386] : memref<491520x128xbf16, #tpu.memory_space<hbm>> -> memref<128x128xbf16, #tpu.memory_space<hbm>>
      %dma_wait3A_388 = arith.constant 0 : i32
      %dma_wait3A_389 = tpu.memref_slice %arg4[%add3A_227, %dma_wait3A_388] : memref<491520x128xbf16, #tpu.memory_space<hbm>> -> memref<128x128xbf16, #tpu.memory_space<hbm>>
      %dma_wait3A_390 = arith.constant 0 : i32
      %dma_wait3A_391 = arith.constant 0 : i32
      %dma_wait3A_392 = tpu.memref_slice %arg6[%dma_wait3A_381, %dma_wait3A_390, %dma_wait3A_391] : memref<8x128x128xbf16, #tpu.memory_space<vmem>> -> memref<1x128x128xbf16, #tpu.memory_space<vmem>>
      %dma_wait3A_393 = tpu.memref_squeeze %dma_wait3A_392 : memref<1x128x128xbf16, #tpu.memory_space<vmem>> -> memref<128x128xbf16, #tpu.memory_space<vmem>>
      tpu.wait_dma2 semaphore(%arg9 : memref<!tpu.dma_semaphore, #tpu.memory_space<semaphore_mem>>) src(%dma_wait3A_393 : memref<128x128xbf16, #tpu.memory_space<vmem>>) dst(%dma_wait3A_389 : memref<128x128xbf16, #tpu.memory_space<hbm>>)
      %dma_wait3A_394 = arith.constant 1 : i32
      %dma_wait3A_395 = arith.constant 0 : i32
      %dma_wait3A_396 = arith.constant 0 : i32
      %dma_wait3A_397 = tpu.memref_slice %arg6[%dma_wait3A_394, %dma_wait3A_395, %dma_wait3A_396] : memref<8x128x128xbf16, #tpu.memory_space<vmem>> -> memref<1x128x128xbf16, #tpu.memory_space<vmem>>
      %dma_wait3A_398 = tpu.memref_squeeze %dma_wait3A_397 : memref<1x128x128xbf16, #tpu.memory_space<vmem>> -> memref<128x128xbf16, #tpu.memory_space<vmem>>
      %dma_wait3A_399 = arith.constant 0 : i32
      %dma_wait3A_400 = tpu.memref_slice %arg4[%add3A_247, %dma_wait3A_399] : memref<491520x128xbf16, #tpu.memory_space<hbm>> -> memref<128x128xbf16, #tpu.memory_space<hbm>>
      %dma_wait3A_401 = arith.constant 0 : i32
      %dma_wait3A_402 = tpu.memref_slice %arg4[%add3A_247, %dma_wait3A_401] : memref<491520x128xbf16, #tpu.memory_space<hbm>> -> memref<128x128xbf16, #tpu.memory_space<hbm>>
      %dma_wait3A_403 = arith.constant 0 : i32
      %dma_wait3A_404 = arith.constant 0 : i32
      %dma_wait3A_405 = tpu.memref_slice %arg6[%dma_wait3A_394, %dma_wait3A_403, %dma_wait3A_404] : memref<8x128x128xbf16, #tpu.memory_space<vmem>> -> memref<1x128x128xbf16, #tpu.memory_space<vmem>>
      %dma_wait3A_406 = tpu.memref_squeeze %dma_wait3A_405 : memref<1x128x128xbf16, #tpu.memory_space<vmem>> -> memref<128x128xbf16, #tpu.memory_space<vmem>>
      tpu.wait_dma2 semaphore(%arg9 : memref<!tpu.dma_semaphore, #tpu.memory_space<semaphore_mem>>) src(%dma_wait3A_406 : memref<128x128xbf16, #tpu.memory_space<vmem>>) dst(%dma_wait3A_402 : memref<128x128xbf16, #tpu.memory_space<hbm>>)
      %dma_wait3A_407 = arith.constant 2 : i32
      %dma_wait3A_408 = arith.constant 0 : i32
      %dma_wait3A_409 = arith.constant 0 : i32
      %dma_wait3A_410 = tpu.memref_slice %arg6[%dma_wait3A_407, %dma_wait3A_408, %dma_wait3A_409] : memref<8x128x128xbf16, #tpu.memory_space<vmem>> -> memref<1x128x128xbf16, #tpu.memory_space<vmem>>
      %dma_wait3A_411 = tpu.memref_squeeze %dma_wait3A_410 : memref<1x128x128xbf16, #tpu.memory_space<vmem>> -> memref<128x128xbf16, #tpu.memory_space<vmem>>
      %dma_wait3A_412 = arith.constant 0 : i32
      %dma_wait3A_413 = tpu.memref_slice %arg4[%add3A_267, %dma_wait3A_412] : memref<491520x128xbf16, #tpu.memory_space<hbm>> -> memref<128x128xbf16, #tpu.memory_space<hbm>>
      %dma_wait3A_414 = arith.constant 0 : i32
      %dma_wait3A_415 = tpu.memref_slice %arg4[%add3A_267, %dma_wait3A_414] : memref<491520x128xbf16, #tpu.memory_space<hbm>> -> memref<128x128xbf16, #tpu.memory_space<hbm>>
      %dma_wait3A_416 = arith.constant 0 : i32
      %dma_wait3A_417 = arith.constant 0 : i32
      %dma_wait3A_418 = tpu.memref_slice %arg6[%dma_wait3A_407, %dma_wait3A_416, %dma_wait3A_417] : memref<8x128x128xbf16, #tpu.memory_space<vmem>> -> memref<1x128x128xbf16, #tpu.memory_space<vmem>>
      %dma_wait3A_419 = tpu.memref_squeeze %dma_wait3A_418 : memref<1x128x128xbf16, #tpu.memory_space<vmem>> -> memref<128x128xbf16, #tpu.memory_space<vmem>>
      tpu.wait_dma2 semaphore(%arg9 : memref<!tpu.dma_semaphore, #tpu.memory_space<semaphore_mem>>) src(%dma_wait3A_419 : memref<128x128xbf16, #tpu.memory_space<vmem>>) dst(%dma_wait3A_415 : memref<128x128xbf16, #tpu.memory_space<hbm>>)
      %dma_wait3A_420 = arith.constant 3 : i32
      %dma_wait3A_421 = arith.constant 0 : i32
      %dma_wait3A_422 = arith.constant 0 : i32
      %dma_wait3A_423 = tpu.memref_slice %arg6[%dma_wait3A_420, %dma_wait3A_421, %dma_wait3A_422] : memref<8x128x128xbf16, #tpu.memory_space<vmem>> -> memref<1x128x128xbf16, #tpu.memory_space<vmem>>
      %dma_wait3A_424 = tpu.memref_squeeze %dma_wait3A_423 : memref<1x128x128xbf16, #tpu.memory_space<vmem>> -> memref<128x128xbf16, #tpu.memory_space<vmem>>
      %dma_wait3A_425 = arith.constant 0 : i32
      %dma_wait3A_426 = tpu.memref_slice %arg4[%add3A_287, %dma_wait3A_425] : memref<491520x128xbf16, #tpu.memory_space<hbm>> -> memref<128x128xbf16, #tpu.memory_space<hbm>>
      %dma_wait3A_427 = arith.constant 0 : i32
      %dma_wait3A_428 = tpu.memref_slice %arg4[%add3A_287, %dma_wait3A_427] : memref<491520x128xbf16, #tpu.memory_space<hbm>> -> memref<128x128xbf16, #tpu.memory_space<hbm>>
      %dma_wait3A_429 = arith.constant 0 : i32
      %dma_wait3A_430 = arith.constant 0 : i32
      %dma_wait3A_431 = tpu.memref_slice %arg6[%dma_wait3A_420, %dma_wait3A_429, %dma_wait3A_430] : memref<8x128x128xbf16, #tpu.memory_space<vmem>> -> memref<1x128x128xbf16, #tpu.memory_space<vmem>>
      %dma_wait3A_432 = tpu.memref_squeeze %dma_wait3A_431 : memref<1x128x128xbf16, #tpu.memory_space<vmem>> -> memref<128x128xbf16, #tpu.memory_space<vmem>>
      tpu.wait_dma2 semaphore(%arg9 : memref<!tpu.dma_semaphore, #tpu.memory_space<semaphore_mem>>) src(%dma_wait3A_432 : memref<128x128xbf16, #tpu.memory_space<vmem>>) dst(%dma_wait3A_428 : memref<128x128xbf16, #tpu.memory_space<hbm>>)
      %dma_wait3A_433 = arith.constant 4 : i32
      %dma_wait3A_434 = arith.constant 0 : i32
      %dma_wait3A_435 = arith.constant 0 : i32
      %dma_wait3A_436 = tpu.memref_slice %arg6[%dma_wait3A_433, %dma_wait3A_434, %dma_wait3A_435] : memref<8x128x128xbf16, #tpu.memory_space<vmem>> -> memref<1x128x128xbf16, #tpu.memory_space<vmem>>
      %dma_wait3A_437 = tpu.memref_squeeze %dma_wait3A_436 : memref<1x128x128xbf16, #tpu.memory_space<vmem>> -> memref<128x128xbf16, #tpu.memory_space<vmem>>
      %dma_wait3A_438 = arith.constant 0 : i32
      %dma_wait3A_439 = tpu.memref_slice %arg4[%add3A_307, %dma_wait3A_438] : memref<491520x128xbf16, #tpu.memory_space<hbm>> -> memref<128x128xbf16, #tpu.memory_space<hbm>>
      %dma_wait3A_440 = arith.constant 0 : i32
      %dma_wait3A_441 = tpu.memref_slice %arg4[%add3A_307, %dma_wait3A_440] : memref<491520x128xbf16, #tpu.memory_space<hbm>> -> memref<128x128xbf16, #tpu.memory_space<hbm>>
      %dma_wait3A_442 = arith.constant 0 : i32
      %dma_wait3A_443 = arith.constant 0 : i32
      %dma_wait3A_444 = tpu.memref_slice %arg6[%dma_wait3A_433, %dma_wait3A_442, %dma_wait3A_443] : memref<8x128x128xbf16, #tpu.memory_space<vmem>> -> memref<1x128x128xbf16, #tpu.memory_space<vmem>>
      %dma_wait3A_445 = tpu.memref_squeeze %dma_wait3A_444 : memref<1x128x128xbf16, #tpu.memory_space<vmem>> -> memref<128x128xbf16, #tpu.memory_space<vmem>>
      tpu.wait_dma2 semaphore(%arg9 : memref<!tpu.dma_semaphore, #tpu.memory_space<semaphore_mem>>) src(%dma_wait3A_445 : memref<128x128xbf16, #tpu.memory_space<vmem>>) dst(%dma_wait3A_441 : memref<128x128xbf16, #tpu.memory_space<hbm>>)
      %dma_wait3A_446 = arith.constant 5 : i32
      %dma_wait3A_447 = arith.constant 0 : i32
      %dma_wait3A_448 = arith.constant 0 : i32
      %dma_wait3A_449 = tpu.memref_slice %arg6[%dma_wait3A_446, %dma_wait3A_447, %dma_wait3A_448] : memref<8x128x128xbf16, #tpu.memory_space<vmem>> -> memref<1x128x128xbf16, #tpu.memory_space<vmem>>
      %dma_wait3A_450 = tpu.memref_squeeze %dma_wait3A_449 : memref<1x128x128xbf16, #tpu.memory_space<vmem>> -> memref<128x128xbf16, #tpu.memory_space<vmem>>
      %dma_wait3A_451 = arith.constant 0 : i32
      %dma_wait3A_452 = tpu.memref_slice %arg4[%add3A_327, %dma_wait3A_451] : memref<491520x128xbf16, #tpu.memory_space<hbm>> -> memref<128x128xbf16, #tpu.memory_space<hbm>>
      %dma_wait3A_453 = arith.constant 0 : i32
      %dma_wait3A_454 = tpu.memref_slice %arg4[%add3A_327, %dma_wait3A_453] : memref<491520x128xbf16, #tpu.memory_space<hbm>> -> memref<128x128xbf16, #tpu.memory_space<hbm>>
      %dma_wait3A_455 = arith.constant 0 : i32
      %dma_wait3A_456 = arith.constant 0 : i32
      %dma_wait3A_457 = tpu.memref_slice %arg6[%dma_wait3A_446, %dma_wait3A_455, %dma_wait3A_456] : memref<8x128x128xbf16, #tpu.memory_space<vmem>> -> memref<1x128x128xbf16, #tpu.memory_space<vmem>>
      %dma_wait3A_458 = tpu.memref_squeeze %dma_wait3A_457 : memref<1x128x128xbf16, #tpu.memory_space<vmem>> -> memref<128x128xbf16, #tpu.memory_space<vmem>>
      tpu.wait_dma2 semaphore(%arg9 : memref<!tpu.dma_semaphore, #tpu.memory_space<semaphore_mem>>) src(%dma_wait3A_458 : memref<128x128xbf16, #tpu.memory_space<vmem>>) dst(%dma_wait3A_454 : memref<128x128xbf16, #tpu.memory_space<hbm>>)
      %dma_wait3A_459 = arith.constant 6 : i32
      %dma_wait3A_460 = arith.constant 0 : i32
      %dma_wait3A_461 = arith.constant 0 : i32
      %dma_wait3A_462 = tpu.memref_slice %arg6[%dma_wait3A_459, %dma_wait3A_460, %dma_wait3A_461] : memref<8x128x128xbf16, #tpu.memory_space<vmem>> -> memref<1x128x128xbf16, #tpu.memory_space<vmem>>
      %dma_wait3A_463 = tpu.memref_squeeze %dma_wait3A_462 : memref<1x128x128xbf16, #tpu.memory_space<vmem>> -> memref<128x128xbf16, #tpu.memory_space<vmem>>
      %dma_wait3A_464 = arith.constant 0 : i32
      %dma_wait3A_465 = tpu.memref_slice %arg4[%add3A_347, %dma_wait3A_464] : memref<491520x128xbf16, #tpu.memory_space<hbm>> -> memref<128x128xbf16, #tpu.memory_space<hbm>>
      %dma_wait3A_466 = arith.constant 0 : i32
      %dma_wait3A_467 = tpu.memref_slice %arg4[%add3A_347, %dma_wait3A_466] : memref<491520x128xbf16, #tpu.memory_space<hbm>> -> memref<128x128xbf16, #tpu.memory_space<hbm>>
      %dma_wait3A_468 = arith.constant 0 : i32
      %dma_wait3A_469 = arith.constant 0 : i32
      %dma_wait3A_470 = tpu.memref_slice %arg6[%dma_wait3A_459, %dma_wait3A_468, %dma_wait3A_469] : memref<8x128x128xbf16, #tpu.memory_space<vmem>> -> memref<1x128x128xbf16, #tpu.memory_space<vmem>>
      %dma_wait3A_471 = tpu.memref_squeeze %dma_wait3A_470 : memref<1x128x128xbf16, #tpu.memory_space<vmem>> -> memref<128x128xbf16, #tpu.memory_space<vmem>>
      tpu.wait_dma2 semaphore(%arg9 : memref<!tpu.dma_semaphore, #tpu.memory_space<semaphore_mem>>) src(%dma_wait3A_471 : memref<128x128xbf16, #tpu.memory_space<vmem>>) dst(%dma_wait3A_467 : memref<128x128xbf16, #tpu.memory_space<hbm>>)
      %dma_wait3A_472 = arith.constant 7 : i32
      %dma_wait3A_473 = arith.constant 0 : i32
      %dma_wait3A_474 = arith.constant 0 : i32
      %dma_wait3A_475 = tpu.memref_slice %arg6[%dma_wait3A_472, %dma_wait3A_473, %dma_wait3A_474] : memref<8x128x128xbf16, #tpu.memory_space<vmem>> -> memref<1x128x128xbf16, #tpu.memory_space<vmem>>
      %dma_wait3A_476 = tpu.memref_squeeze %dma_wait3A_475 : memref<1x128x128xbf16, #tpu.memory_space<vmem>> -> memref<128x128xbf16, #tpu.memory_space<vmem>>
      %dma_wait3A_477 = arith.constant 0 : i32
      %dma_wait3A_478 = tpu.memref_slice %arg4[%add3A_367, %dma_wait3A_477] : memref<491520x128xbf16, #tpu.memory_space<hbm>> -> memref<128x128xbf16, #tpu.memory_space<hbm>>
      %dma_wait3A_479 = arith.constant 0 : i32
      %dma_wait3A_480 = tpu.memref_slice %arg4[%add3A_367, %dma_wait3A_479] : memref<491520x128xbf16, #tpu.memory_space<hbm>> -> memref<128x128xbf16, #tpu.memory_space<hbm>>
      %dma_wait3A_481 = arith.constant 0 : i32
      %dma_wait3A_482 = arith.constant 0 : i32
      %dma_wait3A_483 = tpu.memref_slice %arg6[%dma_wait3A_472, %dma_wait3A_481, %dma_wait3A_482] : memref<8x128x128xbf16, #tpu.memory_space<vmem>> -> memref<1x128x128xbf16, #tpu.memory_space<vmem>>
      %dma_wait3A_484 = tpu.memref_squeeze %dma_wait3A_483 : memref<1x128x128xbf16, #tpu.memory_space<vmem>> -> memref<128x128xbf16, #tpu.memory_space<vmem>>
      tpu.wait_dma2 semaphore(%arg9 : memref<!tpu.dma_semaphore, #tpu.memory_space<semaphore_mem>>) src(%dma_wait3A_484 : memref<128x128xbf16, #tpu.memory_space<vmem>>) dst(%dma_wait3A_480 : memref<128x128xbf16, #tpu.memory_space<hbm>>)
      %scan3A_485 = arith.constant 0 : i32
      scf.yield %scan3A_485 : i32
    }
    %scan3A_12 = arith.constant 15 : i32
    return
  }
}

#map = affine_map<(d0, d1) -> (0, 0)>
#map1 = affine_map<(d0, d1) -> (0, 0, 0)>
module attributes {stable_mosaic.version = 14 : i64} {
  func.func @k(%arg0: i32, %arg1: i32, %arg2: memref<10000x16xi32, #tpu.memory_space<hbm>>, %arg3: memref<32x40x128xi32, #tpu.memory_space<hbm>>, %arg4: memref<163840x16xi32, #tpu.memory_space<hbm>>, %arg5: memref<40x128xi32, #tpu.memory_space<vmem>>, %arg6: memref<8x128x16xi32, #tpu.memory_space<vmem>>, %arg7: memref<10000x16xi32, #tpu.memory_space<vmem_shared>>, %arg8: memref<!tpu.dma_semaphore, #tpu.memory_space<semaphore_mem>>, %arg9: memref<!tpu.dma_semaphore, #tpu.memory_space<semaphore_mem>>) attributes {dimension_semantics = [#tpu.dimension_semantics<core_parallel>, #tpu.dimension_semantics<subcore_parallel>], iteration_bounds = array<i64: 2, 16>, scalar_prefetch = 0 : i64, scratch_operands = 5 : i64, tpu.core_type = #tpu.core_type<sc_vector_subcore>, window_params = [{transform_indices = #map}, {transform_indices = #map1}, {transform_indices = #map}]} {
    %mul3A = arith.constant 2 : i32
    %mul3A_0 = arith.muli %arg1, %mul3A : i32
    %add3A = arith.addi %mul3A_0, %arg0 : i32
    %mul3A_1 = arith.constant 5120 : i32
    %mul3A_2 = arith.muli %add3A, %mul3A_1 : i32
    %mul3A_3 = arith.constant 625 : i32
    %mul3A_4 = arith.muli %arg1, %mul3A_3 : i32
    %mul3A_5 = arith.constant 625 : i32
    %mul3A_6 = arith.muli %arg1, %mul3A_5 : i32
    "tpu.region"() ({
      %run_scoped3A = tpu.sem_alloc : memref<!tpu.dma_semaphore, #tpu.memory_space<semaphore_mem>>
      %dma_start3A = arith.constant 0 : i32
      %dma_start3A_13 = tpu.memref_slice %arg7[%mul3A_6, %dma_start3A] : memref<10000x16xi32, #tpu.memory_space<vmem_shared>> -> memref<625x16xi32, #tpu.memory_space<vmem_shared>>
      %dma_start3A_14 = arith.constant 0 : i32
      %dma_start3A_15 = tpu.memref_slice %arg2[%mul3A_4, %dma_start3A_14] : memref<10000x16xi32, #tpu.memory_space<hbm>> -> memref<625x16xi32, #tpu.memory_space<hbm>>
      tpu.enqueue_dma source(%dma_start3A_15 : memref<625x16xi32, #tpu.memory_space<hbm>>) target(%dma_start3A_13 : memref<625x16xi32, #tpu.memory_space<vmem_shared>>) target_semaphore(%run_scoped3A : memref<!tpu.dma_semaphore, #tpu.memory_space<semaphore_mem>>)
      %dma_wait3A = arith.constant 0 : i32
      %dma_wait3A_16 = tpu.memref_slice %arg7[%mul3A_6, %dma_wait3A] : memref<10000x16xi32, #tpu.memory_space<vmem_shared>> -> memref<625x16xi32, #tpu.memory_space<vmem_shared>>
      %dma_wait3A_17 = arith.constant 0 : i32
      %dma_wait3A_18 = tpu.memref_slice %arg2[%mul3A_4, %dma_wait3A_17] : memref<10000x16xi32, #tpu.memory_space<hbm>> -> memref<625x16xi32, #tpu.memory_space<hbm>>
      tpu.wait_dma2 semaphore(%run_scoped3A : memref<!tpu.dma_semaphore, #tpu.memory_space<semaphore_mem>>) src(%dma_wait3A_18 : memref<625x16xi32, #tpu.memory_space<hbm>>) dst(%dma_wait3A_16 : memref<625x16xi32, #tpu.memory_space<vmem_shared>>)
      tpu.yield
    }) : () -> ()
    "tpu.region"() ({
      %run_scoped3A = tpu.sem_alloc : memref<!tpu.dma_semaphore, #tpu.memory_space<semaphore_mem>>
      %dma_start3A = arith.constant 0 : i32
      %dma_start3A_13 = arith.constant 0 : i32
      %dma_start3A_14 = tpu.memref_slice %arg3[%add3A, %dma_start3A, %dma_start3A_13] : memref<32x40x128xi32, #tpu.memory_space<hbm>> -> memref<1x40x128xi32, #tpu.memory_space<hbm>>
      %dma_start3A_15 = tpu.memref_squeeze %dma_start3A_14 : memref<1x40x128xi32, #tpu.memory_space<hbm>> -> memref<40x128xi32, #tpu.memory_space<hbm>>
      %dma_start3A_16 = arith.constant 0 : i32
      %dma_start3A_17 = arith.constant 0 : i32
      %dma_start3A_18 = tpu.memref_slice %arg3[%add3A, %dma_start3A_16, %dma_start3A_17] : memref<32x40x128xi32, #tpu.memory_space<hbm>> -> memref<1x40x128xi32, #tpu.memory_space<hbm>>
      %dma_start3A_19 = tpu.memref_squeeze %dma_start3A_18 : memref<1x40x128xi32, #tpu.memory_space<hbm>> -> memref<40x128xi32, #tpu.memory_space<hbm>>
      tpu.enqueue_dma source(%dma_start3A_19 : memref<40x128xi32, #tpu.memory_space<hbm>>) target(%arg5 : memref<40x128xi32, #tpu.memory_space<vmem>>) target_semaphore(%run_scoped3A : memref<!tpu.dma_semaphore, #tpu.memory_space<semaphore_mem>>)
      %dma_wait3A = arith.constant 0 : i32
      %dma_wait3A_20 = arith.constant 0 : i32
      %dma_wait3A_21 = tpu.memref_slice %arg3[%add3A, %dma_wait3A, %dma_wait3A_20] : memref<32x40x128xi32, #tpu.memory_space<hbm>> -> memref<1x40x128xi32, #tpu.memory_space<hbm>>
      %dma_wait3A_22 = tpu.memref_squeeze %dma_wait3A_21 : memref<1x40x128xi32, #tpu.memory_space<hbm>> -> memref<40x128xi32, #tpu.memory_space<hbm>>
      %dma_wait3A_23 = arith.constant 0 : i32
      %dma_wait3A_24 = arith.constant 0 : i32
      %dma_wait3A_25 = tpu.memref_slice %arg3[%add3A, %dma_wait3A_23, %dma_wait3A_24] : memref<32x40x128xi32, #tpu.memory_space<hbm>> -> memref<1x40x128xi32, #tpu.memory_space<hbm>>
      %dma_wait3A_26 = tpu.memref_squeeze %dma_wait3A_25 : memref<1x40x128xi32, #tpu.memory_space<hbm>> -> memref<40x128xi32, #tpu.memory_space<hbm>>
      tpu.wait_dma2 semaphore(%run_scoped3A : memref<!tpu.dma_semaphore, #tpu.memory_space<semaphore_mem>>) src(%dma_wait3A_26 : memref<40x128xi32, #tpu.memory_space<hbm>>) dst(%arg5 : memref<40x128xi32, #tpu.memory_space<vmem>>)
      tpu.yield
    }) : () -> ()
    %barrier3A = arith.constant 0 : index
    tpu.barrier barrier_id(%barrier3A)
    %scan3A = arith.constant 0 : i32
    %scan3A_7 = arith.constant 0 : i32
    %scan3A_8 = arith.constant 5 : i32
    %scan3A_9 = arith.addi %scan3A_7, %scan3A_8 : i32
    %scan3A_10 = arith.constant 1 : i32
    %scan3A_11 = scf.for %scan3A_13 = %scan3A_7 to %scan3A_9 step %scan3A_10 iter_args(%scan3A_14 = %scan3A) -> (i32)  : i32 {
      %mul3A_15 = arith.constant 8 : i32
      %mul3A_16 = arith.muli %scan3A_13, %mul3A_15 : i32
      %add3A_17 = arith.constant 0 : i32
      %add3A_18 = arith.addi %mul3A_16, %add3A_17 : i32
      %dma_start3A = arith.constant 0 : i32
      %dma_start3A_19 = arith.constant 0 : i32
      %dma_start3A_20 = arith.constant 0 : i32
      %dma_start3A_21 = tpu.memref_slice %arg6[%dma_start3A, %dma_start3A_19, %dma_start3A_20] : memref<8x128x16xi32, #tpu.memory_space<vmem>> -> memref<1x128x16xi32, #tpu.memory_space<vmem>>
      %dma_start3A_22 = tpu.memref_squeeze %dma_start3A_21 : memref<1x128x16xi32, #tpu.memory_space<vmem>> -> memref<128x16xi32, #tpu.memory_space<vmem>>
      %dma_start3A_23 = arith.constant 0 : i32
      %dma_start3A_24 = tpu.memref_slice %arg5[%add3A_18, %dma_start3A_23] : memref<40x128xi32, #tpu.memory_space<vmem>> -> memref<1x128xi32, #tpu.memory_space<vmem>>
      %dma_start3A_25 = tpu.memref_squeeze %dma_start3A_24 : memref<1x128xi32, #tpu.memory_space<vmem>> -> memref<128xi32, #tpu.memory_space<vmem>>
      %dma_start3A_26 = arith.constant 0 : i32
      %dma_start3A_27 = arith.constant 0 : i32
      %dma_start3A_28 = tpu.memref_slice %arg7[%dma_start3A_26, %dma_start3A_27] : memref<10000x16xi32, #tpu.memory_space<vmem_shared>> -> memref<10000x16xi32, #tpu.memory_space<vmem_shared>>
      tpu.enqueue_indirect_dma source(%dma_start3A_28 : memref<10000x16xi32, #tpu.memory_space<vmem_shared>>) target(%dma_start3A_22 : memref<128x16xi32, #tpu.memory_space<vmem>>) offsets(%dma_start3A_25 : memref<128xi32, #tpu.memory_space<vmem>>) semaphore(%arg8 : memref<!tpu.dma_semaphore, #tpu.memory_space<semaphore_mem>>)
      %mul3A_29 = arith.constant 8 : i32
      %mul3A_30 = arith.muli %scan3A_13, %mul3A_29 : i32
      %add3A_31 = arith.constant 1 : i32
      %add3A_32 = arith.addi %mul3A_30, %add3A_31 : i32
      %dma_start3A_33 = arith.constant 1 : i32
      %dma_start3A_34 = arith.constant 0 : i32
      %dma_start3A_35 = arith.constant 0 : i32
      %dma_start3A_36 = tpu.memref_slice %arg6[%dma_start3A_33, %dma_start3A_34, %dma_start3A_35] : memref<8x128x16xi32, #tpu.memory_space<vmem>> -> memref<1x128x16xi32, #tpu.memory_space<vmem>>
      %dma_start3A_37 = tpu.memref_squeeze %dma_start3A_36 : memref<1x128x16xi32, #tpu.memory_space<vmem>> -> memref<128x16xi32, #tpu.memory_space<vmem>>
      %dma_start3A_38 = arith.constant 0 : i32
      %dma_start3A_39 = tpu.memref_slice %arg5[%add3A_32, %dma_start3A_38] : memref<40x128xi32, #tpu.memory_space<vmem>> -> memref<1x128xi32, #tpu.memory_space<vmem>>
      %dma_start3A_40 = tpu.memref_squeeze %dma_start3A_39 : memref<1x128xi32, #tpu.memory_space<vmem>> -> memref<128xi32, #tpu.memory_space<vmem>>
      %dma_start3A_41 = arith.constant 0 : i32
      %dma_start3A_42 = arith.constant 0 : i32
      %dma_start3A_43 = tpu.memref_slice %arg7[%dma_start3A_41, %dma_start3A_42] : memref<10000x16xi32, #tpu.memory_space<vmem_shared>> -> memref<10000x16xi32, #tpu.memory_space<vmem_shared>>
      tpu.enqueue_indirect_dma source(%dma_start3A_43 : memref<10000x16xi32, #tpu.memory_space<vmem_shared>>) target(%dma_start3A_37 : memref<128x16xi32, #tpu.memory_space<vmem>>) offsets(%dma_start3A_40 : memref<128xi32, #tpu.memory_space<vmem>>) semaphore(%arg8 : memref<!tpu.dma_semaphore, #tpu.memory_space<semaphore_mem>>)
      %mul3A_44 = arith.constant 8 : i32
      %mul3A_45 = arith.muli %scan3A_13, %mul3A_44 : i32
      %add3A_46 = arith.constant 2 : i32
      %add3A_47 = arith.addi %mul3A_45, %add3A_46 : i32
      %dma_start3A_48 = arith.constant 2 : i32
      %dma_start3A_49 = arith.constant 0 : i32
      %dma_start3A_50 = arith.constant 0 : i32
      %dma_start3A_51 = tpu.memref_slice %arg6[%dma_start3A_48, %dma_start3A_49, %dma_start3A_50] : memref<8x128x16xi32, #tpu.memory_space<vmem>> -> memref<1x128x16xi32, #tpu.memory_space<vmem>>
      %dma_start3A_52 = tpu.memref_squeeze %dma_start3A_51 : memref<1x128x16xi32, #tpu.memory_space<vmem>> -> memref<128x16xi32, #tpu.memory_space<vmem>>
      %dma_start3A_53 = arith.constant 0 : i32
      %dma_start3A_54 = tpu.memref_slice %arg5[%add3A_47, %dma_start3A_53] : memref<40x128xi32, #tpu.memory_space<vmem>> -> memref<1x128xi32, #tpu.memory_space<vmem>>
      %dma_start3A_55 = tpu.memref_squeeze %dma_start3A_54 : memref<1x128xi32, #tpu.memory_space<vmem>> -> memref<128xi32, #tpu.memory_space<vmem>>
      %dma_start3A_56 = arith.constant 0 : i32
      %dma_start3A_57 = arith.constant 0 : i32
      %dma_start3A_58 = tpu.memref_slice %arg7[%dma_start3A_56, %dma_start3A_57] : memref<10000x16xi32, #tpu.memory_space<vmem_shared>> -> memref<10000x16xi32, #tpu.memory_space<vmem_shared>>
      tpu.enqueue_indirect_dma source(%dma_start3A_58 : memref<10000x16xi32, #tpu.memory_space<vmem_shared>>) target(%dma_start3A_52 : memref<128x16xi32, #tpu.memory_space<vmem>>) offsets(%dma_start3A_55 : memref<128xi32, #tpu.memory_space<vmem>>) semaphore(%arg8 : memref<!tpu.dma_semaphore, #tpu.memory_space<semaphore_mem>>)
      %mul3A_59 = arith.constant 8 : i32
      %mul3A_60 = arith.muli %scan3A_13, %mul3A_59 : i32
      %add3A_61 = arith.constant 3 : i32
      %add3A_62 = arith.addi %mul3A_60, %add3A_61 : i32
      %dma_start3A_63 = arith.constant 3 : i32
      %dma_start3A_64 = arith.constant 0 : i32
      %dma_start3A_65 = arith.constant 0 : i32
      %dma_start3A_66 = tpu.memref_slice %arg6[%dma_start3A_63, %dma_start3A_64, %dma_start3A_65] : memref<8x128x16xi32, #tpu.memory_space<vmem>> -> memref<1x128x16xi32, #tpu.memory_space<vmem>>
      %dma_start3A_67 = tpu.memref_squeeze %dma_start3A_66 : memref<1x128x16xi32, #tpu.memory_space<vmem>> -> memref<128x16xi32, #tpu.memory_space<vmem>>
      %dma_start3A_68 = arith.constant 0 : i32
      %dma_start3A_69 = tpu.memref_slice %arg5[%add3A_62, %dma_start3A_68] : memref<40x128xi32, #tpu.memory_space<vmem>> -> memref<1x128xi32, #tpu.memory_space<vmem>>
      %dma_start3A_70 = tpu.memref_squeeze %dma_start3A_69 : memref<1x128xi32, #tpu.memory_space<vmem>> -> memref<128xi32, #tpu.memory_space<vmem>>
      %dma_start3A_71 = arith.constant 0 : i32
      %dma_start3A_72 = arith.constant 0 : i32
      %dma_start3A_73 = tpu.memref_slice %arg7[%dma_start3A_71, %dma_start3A_72] : memref<10000x16xi32, #tpu.memory_space<vmem_shared>> -> memref<10000x16xi32, #tpu.memory_space<vmem_shared>>
      tpu.enqueue_indirect_dma source(%dma_start3A_73 : memref<10000x16xi32, #tpu.memory_space<vmem_shared>>) target(%dma_start3A_67 : memref<128x16xi32, #tpu.memory_space<vmem>>) offsets(%dma_start3A_70 : memref<128xi32, #tpu.memory_space<vmem>>) semaphore(%arg8 : memref<!tpu.dma_semaphore, #tpu.memory_space<semaphore_mem>>)
      %mul3A_74 = arith.constant 8 : i32
      %mul3A_75 = arith.muli %scan3A_13, %mul3A_74 : i32
      %add3A_76 = arith.constant 4 : i32
      %add3A_77 = arith.addi %mul3A_75, %add3A_76 : i32
      %dma_start3A_78 = arith.constant 4 : i32
      %dma_start3A_79 = arith.constant 0 : i32
      %dma_start3A_80 = arith.constant 0 : i32
      %dma_start3A_81 = tpu.memref_slice %arg6[%dma_start3A_78, %dma_start3A_79, %dma_start3A_80] : memref<8x128x16xi32, #tpu.memory_space<vmem>> -> memref<1x128x16xi32, #tpu.memory_space<vmem>>
      %dma_start3A_82 = tpu.memref_squeeze %dma_start3A_81 : memref<1x128x16xi32, #tpu.memory_space<vmem>> -> memref<128x16xi32, #tpu.memory_space<vmem>>
      %dma_start3A_83 = arith.constant 0 : i32
      %dma_start3A_84 = tpu.memref_slice %arg5[%add3A_77, %dma_start3A_83] : memref<40x128xi32, #tpu.memory_space<vmem>> -> memref<1x128xi32, #tpu.memory_space<vmem>>
      %dma_start3A_85 = tpu.memref_squeeze %dma_start3A_84 : memref<1x128xi32, #tpu.memory_space<vmem>> -> memref<128xi32, #tpu.memory_space<vmem>>
      %dma_start3A_86 = arith.constant 0 : i32
      %dma_start3A_87 = arith.constant 0 : i32
      %dma_start3A_88 = tpu.memref_slice %arg7[%dma_start3A_86, %dma_start3A_87] : memref<10000x16xi32, #tpu.memory_space<vmem_shared>> -> memref<10000x16xi32, #tpu.memory_space<vmem_shared>>
      tpu.enqueue_indirect_dma source(%dma_start3A_88 : memref<10000x16xi32, #tpu.memory_space<vmem_shared>>) target(%dma_start3A_82 : memref<128x16xi32, #tpu.memory_space<vmem>>) offsets(%dma_start3A_85 : memref<128xi32, #tpu.memory_space<vmem>>) semaphore(%arg8 : memref<!tpu.dma_semaphore, #tpu.memory_space<semaphore_mem>>)
      %mul3A_89 = arith.constant 8 : i32
      %mul3A_90 = arith.muli %scan3A_13, %mul3A_89 : i32
      %add3A_91 = arith.constant 5 : i32
      %add3A_92 = arith.addi %mul3A_90, %add3A_91 : i32
      %dma_start3A_93 = arith.constant 5 : i32
      %dma_start3A_94 = arith.constant 0 : i32
      %dma_start3A_95 = arith.constant 0 : i32
      %dma_start3A_96 = tpu.memref_slice %arg6[%dma_start3A_93, %dma_start3A_94, %dma_start3A_95] : memref<8x128x16xi32, #tpu.memory_space<vmem>> -> memref<1x128x16xi32, #tpu.memory_space<vmem>>
      %dma_start3A_97 = tpu.memref_squeeze %dma_start3A_96 : memref<1x128x16xi32, #tpu.memory_space<vmem>> -> memref<128x16xi32, #tpu.memory_space<vmem>>
      %dma_start3A_98 = arith.constant 0 : i32
      %dma_start3A_99 = tpu.memref_slice %arg5[%add3A_92, %dma_start3A_98] : memref<40x128xi32, #tpu.memory_space<vmem>> -> memref<1x128xi32, #tpu.memory_space<vmem>>
      %dma_start3A_100 = tpu.memref_squeeze %dma_start3A_99 : memref<1x128xi32, #tpu.memory_space<vmem>> -> memref<128xi32, #tpu.memory_space<vmem>>
      %dma_start3A_101 = arith.constant 0 : i32
      %dma_start3A_102 = arith.constant 0 : i32
      %dma_start3A_103 = tpu.memref_slice %arg7[%dma_start3A_101, %dma_start3A_102] : memref<10000x16xi32, #tpu.memory_space<vmem_shared>> -> memref<10000x16xi32, #tpu.memory_space<vmem_shared>>
      tpu.enqueue_indirect_dma source(%dma_start3A_103 : memref<10000x16xi32, #tpu.memory_space<vmem_shared>>) target(%dma_start3A_97 : memref<128x16xi32, #tpu.memory_space<vmem>>) offsets(%dma_start3A_100 : memref<128xi32, #tpu.memory_space<vmem>>) semaphore(%arg8 : memref<!tpu.dma_semaphore, #tpu.memory_space<semaphore_mem>>)
      %mul3A_104 = arith.constant 8 : i32
      %mul3A_105 = arith.muli %scan3A_13, %mul3A_104 : i32
      %add3A_106 = arith.constant 6 : i32
      %add3A_107 = arith.addi %mul3A_105, %add3A_106 : i32
      %dma_start3A_108 = arith.constant 6 : i32
      %dma_start3A_109 = arith.constant 0 : i32
      %dma_start3A_110 = arith.constant 0 : i32
      %dma_start3A_111 = tpu.memref_slice %arg6[%dma_start3A_108, %dma_start3A_109, %dma_start3A_110] : memref<8x128x16xi32, #tpu.memory_space<vmem>> -> memref<1x128x16xi32, #tpu.memory_space<vmem>>
      %dma_start3A_112 = tpu.memref_squeeze %dma_start3A_111 : memref<1x128x16xi32, #tpu.memory_space<vmem>> -> memref<128x16xi32, #tpu.memory_space<vmem>>
      %dma_start3A_113 = arith.constant 0 : i32
      %dma_start3A_114 = tpu.memref_slice %arg5[%add3A_107, %dma_start3A_113] : memref<40x128xi32, #tpu.memory_space<vmem>> -> memref<1x128xi32, #tpu.memory_space<vmem>>
      %dma_start3A_115 = tpu.memref_squeeze %dma_start3A_114 : memref<1x128xi32, #tpu.memory_space<vmem>> -> memref<128xi32, #tpu.memory_space<vmem>>
      %dma_start3A_116 = arith.constant 0 : i32
      %dma_start3A_117 = arith.constant 0 : i32
      %dma_start3A_118 = tpu.memref_slice %arg7[%dma_start3A_116, %dma_start3A_117] : memref<10000x16xi32, #tpu.memory_space<vmem_shared>> -> memref<10000x16xi32, #tpu.memory_space<vmem_shared>>
      tpu.enqueue_indirect_dma source(%dma_start3A_118 : memref<10000x16xi32, #tpu.memory_space<vmem_shared>>) target(%dma_start3A_112 : memref<128x16xi32, #tpu.memory_space<vmem>>) offsets(%dma_start3A_115 : memref<128xi32, #tpu.memory_space<vmem>>) semaphore(%arg8 : memref<!tpu.dma_semaphore, #tpu.memory_space<semaphore_mem>>)
      %mul3A_119 = arith.constant 8 : i32
      %mul3A_120 = arith.muli %scan3A_13, %mul3A_119 : i32
      %add3A_121 = arith.constant 7 : i32
      %add3A_122 = arith.addi %mul3A_120, %add3A_121 : i32
      %dma_start3A_123 = arith.constant 7 : i32
      %dma_start3A_124 = arith.constant 0 : i32
      %dma_start3A_125 = arith.constant 0 : i32
      %dma_start3A_126 = tpu.memref_slice %arg6[%dma_start3A_123, %dma_start3A_124, %dma_start3A_125] : memref<8x128x16xi32, #tpu.memory_space<vmem>> -> memref<1x128x16xi32, #tpu.memory_space<vmem>>
      %dma_start3A_127 = tpu.memref_squeeze %dma_start3A_126 : memref<1x128x16xi32, #tpu.memory_space<vmem>> -> memref<128x16xi32, #tpu.memory_space<vmem>>
      %dma_start3A_128 = arith.constant 0 : i32
      %dma_start3A_129 = tpu.memref_slice %arg5[%add3A_122, %dma_start3A_128] : memref<40x128xi32, #tpu.memory_space<vmem>> -> memref<1x128xi32, #tpu.memory_space<vmem>>
      %dma_start3A_130 = tpu.memref_squeeze %dma_start3A_129 : memref<1x128xi32, #tpu.memory_space<vmem>> -> memref<128xi32, #tpu.memory_space<vmem>>
      %dma_start3A_131 = arith.constant 0 : i32
      %dma_start3A_132 = arith.constant 0 : i32
      %dma_start3A_133 = tpu.memref_slice %arg7[%dma_start3A_131, %dma_start3A_132] : memref<10000x16xi32, #tpu.memory_space<vmem_shared>> -> memref<10000x16xi32, #tpu.memory_space<vmem_shared>>
      tpu.enqueue_indirect_dma source(%dma_start3A_133 : memref<10000x16xi32, #tpu.memory_space<vmem_shared>>) target(%dma_start3A_127 : memref<128x16xi32, #tpu.memory_space<vmem>>) offsets(%dma_start3A_130 : memref<128xi32, #tpu.memory_space<vmem>>) semaphore(%arg8 : memref<!tpu.dma_semaphore, #tpu.memory_space<semaphore_mem>>)
      %dma_wait3A = arith.constant 0 : i32
      %dma_wait3A_134 = arith.constant 0 : i32
      %dma_wait3A_135 = arith.constant 0 : i32
      %dma_wait3A_136 = tpu.memref_slice %arg6[%dma_wait3A, %dma_wait3A_134, %dma_wait3A_135] : memref<8x128x16xi32, #tpu.memory_space<vmem>> -> memref<1x128x16xi32, #tpu.memory_space<vmem>>
      %dma_wait3A_137 = tpu.memref_squeeze %dma_wait3A_136 : memref<1x128x16xi32, #tpu.memory_space<vmem>> -> memref<128x16xi32, #tpu.memory_space<vmem>>
      %dma_wait3A_138 = arith.constant 0 : i32
      %dma_wait3A_139 = tpu.memref_slice %arg5[%add3A_18, %dma_wait3A_138] : memref<40x128xi32, #tpu.memory_space<vmem>> -> memref<1x128xi32, #tpu.memory_space<vmem>>
      %dma_wait3A_140 = tpu.memref_squeeze %dma_wait3A_139 : memref<1x128xi32, #tpu.memory_space<vmem>> -> memref<128xi32, #tpu.memory_space<vmem>>
      %dma_wait3A_141 = arith.constant 0 : i32
      %dma_wait3A_142 = arith.constant 0 : i32
      %dma_wait3A_143 = tpu.memref_slice %arg7[%dma_wait3A_141, %dma_wait3A_142] : memref<10000x16xi32, #tpu.memory_space<vmem_shared>> -> memref<10000x16xi32, #tpu.memory_space<vmem_shared>>
      tpu.wait_indirect_dma semaphore(%arg8 : memref<!tpu.dma_semaphore, #tpu.memory_space<semaphore_mem>>) src(%dma_wait3A_143 : memref<10000x16xi32, #tpu.memory_space<vmem_shared>>) dst(%dma_wait3A_137 : memref<128x16xi32, #tpu.memory_space<vmem>>)
      %dma_wait3A_144 = arith.constant 1 : i32
      %dma_wait3A_145 = arith.constant 0 : i32
      %dma_wait3A_146 = arith.constant 0 : i32
      %dma_wait3A_147 = tpu.memref_slice %arg6[%dma_wait3A_144, %dma_wait3A_145, %dma_wait3A_146] : memref<8x128x16xi32, #tpu.memory_space<vmem>> -> memref<1x128x16xi32, #tpu.memory_space<vmem>>
      %dma_wait3A_148 = tpu.memref_squeeze %dma_wait3A_147 : memref<1x128x16xi32, #tpu.memory_space<vmem>> -> memref<128x16xi32, #tpu.memory_space<vmem>>
      %dma_wait3A_149 = arith.constant 0 : i32
      %dma_wait3A_150 = tpu.memref_slice %arg5[%add3A_32, %dma_wait3A_149] : memref<40x128xi32, #tpu.memory_space<vmem>> -> memref<1x128xi32, #tpu.memory_space<vmem>>
      %dma_wait3A_151 = tpu.memref_squeeze %dma_wait3A_150 : memref<1x128xi32, #tpu.memory_space<vmem>> -> memref<128xi32, #tpu.memory_space<vmem>>
      %dma_wait3A_152 = arith.constant 0 : i32
      %dma_wait3A_153 = arith.constant 0 : i32
      %dma_wait3A_154 = tpu.memref_slice %arg7[%dma_wait3A_152, %dma_wait3A_153] : memref<10000x16xi32, #tpu.memory_space<vmem_shared>> -> memref<10000x16xi32, #tpu.memory_space<vmem_shared>>
      tpu.wait_indirect_dma semaphore(%arg8 : memref<!tpu.dma_semaphore, #tpu.memory_space<semaphore_mem>>) src(%dma_wait3A_154 : memref<10000x16xi32, #tpu.memory_space<vmem_shared>>) dst(%dma_wait3A_148 : memref<128x16xi32, #tpu.memory_space<vmem>>)
      %dma_wait3A_155 = arith.constant 2 : i32
      %dma_wait3A_156 = arith.constant 0 : i32
      %dma_wait3A_157 = arith.constant 0 : i32
      %dma_wait3A_158 = tpu.memref_slice %arg6[%dma_wait3A_155, %dma_wait3A_156, %dma_wait3A_157] : memref<8x128x16xi32, #tpu.memory_space<vmem>> -> memref<1x128x16xi32, #tpu.memory_space<vmem>>
      %dma_wait3A_159 = tpu.memref_squeeze %dma_wait3A_158 : memref<1x128x16xi32, #tpu.memory_space<vmem>> -> memref<128x16xi32, #tpu.memory_space<vmem>>
      %dma_wait3A_160 = arith.constant 0 : i32
      %dma_wait3A_161 = tpu.memref_slice %arg5[%add3A_47, %dma_wait3A_160] : memref<40x128xi32, #tpu.memory_space<vmem>> -> memref<1x128xi32, #tpu.memory_space<vmem>>
      %dma_wait3A_162 = tpu.memref_squeeze %dma_wait3A_161 : memref<1x128xi32, #tpu.memory_space<vmem>> -> memref<128xi32, #tpu.memory_space<vmem>>
      %dma_wait3A_163 = arith.constant 0 : i32
      %dma_wait3A_164 = arith.constant 0 : i32
      %dma_wait3A_165 = tpu.memref_slice %arg7[%dma_wait3A_163, %dma_wait3A_164] : memref<10000x16xi32, #tpu.memory_space<vmem_shared>> -> memref<10000x16xi32, #tpu.memory_space<vmem_shared>>
      tpu.wait_indirect_dma semaphore(%arg8 : memref<!tpu.dma_semaphore, #tpu.memory_space<semaphore_mem>>) src(%dma_wait3A_165 : memref<10000x16xi32, #tpu.memory_space<vmem_shared>>) dst(%dma_wait3A_159 : memref<128x16xi32, #tpu.memory_space<vmem>>)
      %dma_wait3A_166 = arith.constant 3 : i32
      %dma_wait3A_167 = arith.constant 0 : i32
      %dma_wait3A_168 = arith.constant 0 : i32
      %dma_wait3A_169 = tpu.memref_slice %arg6[%dma_wait3A_166, %dma_wait3A_167, %dma_wait3A_168] : memref<8x128x16xi32, #tpu.memory_space<vmem>> -> memref<1x128x16xi32, #tpu.memory_space<vmem>>
      %dma_wait3A_170 = tpu.memref_squeeze %dma_wait3A_169 : memref<1x128x16xi32, #tpu.memory_space<vmem>> -> memref<128x16xi32, #tpu.memory_space<vmem>>
      %dma_wait3A_171 = arith.constant 0 : i32
      %dma_wait3A_172 = tpu.memref_slice %arg5[%add3A_62, %dma_wait3A_171] : memref<40x128xi32, #tpu.memory_space<vmem>> -> memref<1x128xi32, #tpu.memory_space<vmem>>
      %dma_wait3A_173 = tpu.memref_squeeze %dma_wait3A_172 : memref<1x128xi32, #tpu.memory_space<vmem>> -> memref<128xi32, #tpu.memory_space<vmem>>
      %dma_wait3A_174 = arith.constant 0 : i32
      %dma_wait3A_175 = arith.constant 0 : i32
      %dma_wait3A_176 = tpu.memref_slice %arg7[%dma_wait3A_174, %dma_wait3A_175] : memref<10000x16xi32, #tpu.memory_space<vmem_shared>> -> memref<10000x16xi32, #tpu.memory_space<vmem_shared>>
      tpu.wait_indirect_dma semaphore(%arg8 : memref<!tpu.dma_semaphore, #tpu.memory_space<semaphore_mem>>) src(%dma_wait3A_176 : memref<10000x16xi32, #tpu.memory_space<vmem_shared>>) dst(%dma_wait3A_170 : memref<128x16xi32, #tpu.memory_space<vmem>>)
      %dma_wait3A_177 = arith.constant 4 : i32
      %dma_wait3A_178 = arith.constant 0 : i32
      %dma_wait3A_179 = arith.constant 0 : i32
      %dma_wait3A_180 = tpu.memref_slice %arg6[%dma_wait3A_177, %dma_wait3A_178, %dma_wait3A_179] : memref<8x128x16xi32, #tpu.memory_space<vmem>> -> memref<1x128x16xi32, #tpu.memory_space<vmem>>
      %dma_wait3A_181 = tpu.memref_squeeze %dma_wait3A_180 : memref<1x128x16xi32, #tpu.memory_space<vmem>> -> memref<128x16xi32, #tpu.memory_space<vmem>>
      %dma_wait3A_182 = arith.constant 0 : i32
      %dma_wait3A_183 = tpu.memref_slice %arg5[%add3A_77, %dma_wait3A_182] : memref<40x128xi32, #tpu.memory_space<vmem>> -> memref<1x128xi32, #tpu.memory_space<vmem>>
      %dma_wait3A_184 = tpu.memref_squeeze %dma_wait3A_183 : memref<1x128xi32, #tpu.memory_space<vmem>> -> memref<128xi32, #tpu.memory_space<vmem>>
      %dma_wait3A_185 = arith.constant 0 : i32
      %dma_wait3A_186 = arith.constant 0 : i32
      %dma_wait3A_187 = tpu.memref_slice %arg7[%dma_wait3A_185, %dma_wait3A_186] : memref<10000x16xi32, #tpu.memory_space<vmem_shared>> -> memref<10000x16xi32, #tpu.memory_space<vmem_shared>>
      tpu.wait_indirect_dma semaphore(%arg8 : memref<!tpu.dma_semaphore, #tpu.memory_space<semaphore_mem>>) src(%dma_wait3A_187 : memref<10000x16xi32, #tpu.memory_space<vmem_shared>>) dst(%dma_wait3A_181 : memref<128x16xi32, #tpu.memory_space<vmem>>)
      %dma_wait3A_188 = arith.constant 5 : i32
      %dma_wait3A_189 = arith.constant 0 : i32
      %dma_wait3A_190 = arith.constant 0 : i32
      %dma_wait3A_191 = tpu.memref_slice %arg6[%dma_wait3A_188, %dma_wait3A_189, %dma_wait3A_190] : memref<8x128x16xi32, #tpu.memory_space<vmem>> -> memref<1x128x16xi32, #tpu.memory_space<vmem>>
      %dma_wait3A_192 = tpu.memref_squeeze %dma_wait3A_191 : memref<1x128x16xi32, #tpu.memory_space<vmem>> -> memref<128x16xi32, #tpu.memory_space<vmem>>
      %dma_wait3A_193 = arith.constant 0 : i32
      %dma_wait3A_194 = tpu.memref_slice %arg5[%add3A_92, %dma_wait3A_193] : memref<40x128xi32, #tpu.memory_space<vmem>> -> memref<1x128xi32, #tpu.memory_space<vmem>>
      %dma_wait3A_195 = tpu.memref_squeeze %dma_wait3A_194 : memref<1x128xi32, #tpu.memory_space<vmem>> -> memref<128xi32, #tpu.memory_space<vmem>>
      %dma_wait3A_196 = arith.constant 0 : i32
      %dma_wait3A_197 = arith.constant 0 : i32
      %dma_wait3A_198 = tpu.memref_slice %arg7[%dma_wait3A_196, %dma_wait3A_197] : memref<10000x16xi32, #tpu.memory_space<vmem_shared>> -> memref<10000x16xi32, #tpu.memory_space<vmem_shared>>
      tpu.wait_indirect_dma semaphore(%arg8 : memref<!tpu.dma_semaphore, #tpu.memory_space<semaphore_mem>>) src(%dma_wait3A_198 : memref<10000x16xi32, #tpu.memory_space<vmem_shared>>) dst(%dma_wait3A_192 : memref<128x16xi32, #tpu.memory_space<vmem>>)
      %dma_wait3A_199 = arith.constant 6 : i32
      %dma_wait3A_200 = arith.constant 0 : i32
      %dma_wait3A_201 = arith.constant 0 : i32
      %dma_wait3A_202 = tpu.memref_slice %arg6[%dma_wait3A_199, %dma_wait3A_200, %dma_wait3A_201] : memref<8x128x16xi32, #tpu.memory_space<vmem>> -> memref<1x128x16xi32, #tpu.memory_space<vmem>>
      %dma_wait3A_203 = tpu.memref_squeeze %dma_wait3A_202 : memref<1x128x16xi32, #tpu.memory_space<vmem>> -> memref<128x16xi32, #tpu.memory_space<vmem>>
      %dma_wait3A_204 = arith.constant 0 : i32
      %dma_wait3A_205 = tpu.memref_slice %arg5[%add3A_107, %dma_wait3A_204] : memref<40x128xi32, #tpu.memory_space<vmem>> -> memref<1x128xi32, #tpu.memory_space<vmem>>
      %dma_wait3A_206 = tpu.memref_squeeze %dma_wait3A_205 : memref<1x128xi32, #tpu.memory_space<vmem>> -> memref<128xi32, #tpu.memory_space<vmem>>
      %dma_wait3A_207 = arith.constant 0 : i32
      %dma_wait3A_208 = arith.constant 0 : i32
      %dma_wait3A_209 = tpu.memref_slice %arg7[%dma_wait3A_207, %dma_wait3A_208] : memref<10000x16xi32, #tpu.memory_space<vmem_shared>> -> memref<10000x16xi32, #tpu.memory_space<vmem_shared>>
      tpu.wait_indirect_dma semaphore(%arg8 : memref<!tpu.dma_semaphore, #tpu.memory_space<semaphore_mem>>) src(%dma_wait3A_209 : memref<10000x16xi32, #tpu.memory_space<vmem_shared>>) dst(%dma_wait3A_203 : memref<128x16xi32, #tpu.memory_space<vmem>>)
      %dma_wait3A_210 = arith.constant 7 : i32
      %dma_wait3A_211 = arith.constant 0 : i32
      %dma_wait3A_212 = arith.constant 0 : i32
      %dma_wait3A_213 = tpu.memref_slice %arg6[%dma_wait3A_210, %dma_wait3A_211, %dma_wait3A_212] : memref<8x128x16xi32, #tpu.memory_space<vmem>> -> memref<1x128x16xi32, #tpu.memory_space<vmem>>
      %dma_wait3A_214 = tpu.memref_squeeze %dma_wait3A_213 : memref<1x128x16xi32, #tpu.memory_space<vmem>> -> memref<128x16xi32, #tpu.memory_space<vmem>>
      %dma_wait3A_215 = arith.constant 0 : i32
      %dma_wait3A_216 = tpu.memref_slice %arg5[%add3A_122, %dma_wait3A_215] : memref<40x128xi32, #tpu.memory_space<vmem>> -> memref<1x128xi32, #tpu.memory_space<vmem>>
      %dma_wait3A_217 = tpu.memref_squeeze %dma_wait3A_216 : memref<1x128xi32, #tpu.memory_space<vmem>> -> memref<128xi32, #tpu.memory_space<vmem>>
      %dma_wait3A_218 = arith.constant 0 : i32
      %dma_wait3A_219 = arith.constant 0 : i32
      %dma_wait3A_220 = tpu.memref_slice %arg7[%dma_wait3A_218, %dma_wait3A_219] : memref<10000x16xi32, #tpu.memory_space<vmem_shared>> -> memref<10000x16xi32, #tpu.memory_space<vmem_shared>>
      tpu.wait_indirect_dma semaphore(%arg8 : memref<!tpu.dma_semaphore, #tpu.memory_space<semaphore_mem>>) src(%dma_wait3A_220 : memref<10000x16xi32, #tpu.memory_space<vmem_shared>>) dst(%dma_wait3A_214 : memref<128x16xi32, #tpu.memory_space<vmem>>)
      %mul3A_221 = arith.constant 8 : i32
      %mul3A_222 = arith.muli %scan3A_13, %mul3A_221 : i32
      %add3A_223 = arith.constant 0 : i32
      %add3A_224 = arith.addi %mul3A_222, %add3A_223 : i32
      %mul3A_225 = arith.constant 128 : i32
      %mul3A_226 = arith.muli %add3A_224, %mul3A_225 : i32
      %add3A_227 = arith.addi %mul3A_2, %mul3A_226 : i32
      %dma_start3A_228 = arith.constant 0 : i32
      %dma_start3A_229 = arith.constant 0 : i32
      %dma_start3A_230 = arith.constant 0 : i32
      %dma_start3A_231 = tpu.memref_slice %arg6[%dma_start3A_228, %dma_start3A_229, %dma_start3A_230] : memref<8x128x16xi32, #tpu.memory_space<vmem>> -> memref<1x128x16xi32, #tpu.memory_space<vmem>>
      %dma_start3A_232 = tpu.memref_squeeze %dma_start3A_231 : memref<1x128x16xi32, #tpu.memory_space<vmem>> -> memref<128x16xi32, #tpu.memory_space<vmem>>
      %dma_start3A_233 = arith.constant 0 : i32
      %dma_start3A_234 = tpu.memref_slice %arg4[%add3A_227, %dma_start3A_233] : memref<163840x16xi32, #tpu.memory_space<hbm>> -> memref<128x16xi32, #tpu.memory_space<hbm>>
      %dma_start3A_235 = arith.constant 0 : i32
      %dma_start3A_236 = tpu.memref_slice %arg4[%add3A_227, %dma_start3A_235] : memref<163840x16xi32, #tpu.memory_space<hbm>> -> memref<128x16xi32, #tpu.memory_space<hbm>>
      %dma_start3A_237 = arith.constant 0 : i32
      %dma_start3A_238 = arith.constant 0 : i32
      %dma_start3A_239 = tpu.memref_slice %arg6[%dma_start3A_228, %dma_start3A_237, %dma_start3A_238] : memref<8x128x16xi32, #tpu.memory_space<vmem>> -> memref<1x128x16xi32, #tpu.memory_space<vmem>>
      %dma_start3A_240 = tpu.memref_squeeze %dma_start3A_239 : memref<1x128x16xi32, #tpu.memory_space<vmem>> -> memref<128x16xi32, #tpu.memory_space<vmem>>
      tpu.enqueue_dma source(%dma_start3A_240 : memref<128x16xi32, #tpu.memory_space<vmem>>) target(%dma_start3A_236 : memref<128x16xi32, #tpu.memory_space<hbm>>) target_semaphore(%arg9 : memref<!tpu.dma_semaphore, #tpu.memory_space<semaphore_mem>>)
      %mul3A_241 = arith.constant 8 : i32
      %mul3A_242 = arith.muli %scan3A_13, %mul3A_241 : i32
      %add3A_243 = arith.constant 1 : i32
      %add3A_244 = arith.addi %mul3A_242, %add3A_243 : i32
      %mul3A_245 = arith.constant 128 : i32
      %mul3A_246 = arith.muli %add3A_244, %mul3A_245 : i32
      %add3A_247 = arith.addi %mul3A_2, %mul3A_246 : i32
      %dma_start3A_248 = arith.constant 1 : i32
      %dma_start3A_249 = arith.constant 0 : i32
      %dma_start3A_250 = arith.constant 0 : i32
      %dma_start3A_251 = tpu.memref_slice %arg6[%dma_start3A_248, %dma_start3A_249, %dma_start3A_250] : memref<8x128x16xi32, #tpu.memory_space<vmem>> -> memref<1x128x16xi32, #tpu.memory_space<vmem>>
      %dma_start3A_252 = tpu.memref_squeeze %dma_start3A_251 : memref<1x128x16xi32, #tpu.memory_space<vmem>> -> memref<128x16xi32, #tpu.memory_space<vmem>>
      %dma_start3A_253 = arith.constant 0 : i32
      %dma_start3A_254 = tpu.memref_slice %arg4[%add3A_247, %dma_start3A_253] : memref<163840x16xi32, #tpu.memory_space<hbm>> -> memref<128x16xi32, #tpu.memory_space<hbm>>
      %dma_start3A_255 = arith.constant 0 : i32
      %dma_start3A_256 = tpu.memref_slice %arg4[%add3A_247, %dma_start3A_255] : memref<163840x16xi32, #tpu.memory_space<hbm>> -> memref<128x16xi32, #tpu.memory_space<hbm>>
      %dma_start3A_257 = arith.constant 0 : i32
      %dma_start3A_258 = arith.constant 0 : i32
      %dma_start3A_259 = tpu.memref_slice %arg6[%dma_start3A_248, %dma_start3A_257, %dma_start3A_258] : memref<8x128x16xi32, #tpu.memory_space<vmem>> -> memref<1x128x16xi32, #tpu.memory_space<vmem>>
      %dma_start3A_260 = tpu.memref_squeeze %dma_start3A_259 : memref<1x128x16xi32, #tpu.memory_space<vmem>> -> memref<128x16xi32, #tpu.memory_space<vmem>>
      tpu.enqueue_dma source(%dma_start3A_260 : memref<128x16xi32, #tpu.memory_space<vmem>>) target(%dma_start3A_256 : memref<128x16xi32, #tpu.memory_space<hbm>>) target_semaphore(%arg9 : memref<!tpu.dma_semaphore, #tpu.memory_space<semaphore_mem>>)
      %mul3A_261 = arith.constant 8 : i32
      %mul3A_262 = arith.muli %scan3A_13, %mul3A_261 : i32
      %add3A_263 = arith.constant 2 : i32
      %add3A_264 = arith.addi %mul3A_262, %add3A_263 : i32
      %mul3A_265 = arith.constant 128 : i32
      %mul3A_266 = arith.muli %add3A_264, %mul3A_265 : i32
      %add3A_267 = arith.addi %mul3A_2, %mul3A_266 : i32
      %dma_start3A_268 = arith.constant 2 : i32
      %dma_start3A_269 = arith.constant 0 : i32
      %dma_start3A_270 = arith.constant 0 : i32
      %dma_start3A_271 = tpu.memref_slice %arg6[%dma_start3A_268, %dma_start3A_269, %dma_start3A_270] : memref<8x128x16xi32, #tpu.memory_space<vmem>> -> memref<1x128x16xi32, #tpu.memory_space<vmem>>
      %dma_start3A_272 = tpu.memref_squeeze %dma_start3A_271 : memref<1x128x16xi32, #tpu.memory_space<vmem>> -> memref<128x16xi32, #tpu.memory_space<vmem>>
      %dma_start3A_273 = arith.constant 0 : i32
      %dma_start3A_274 = tpu.memref_slice %arg4[%add3A_267, %dma_start3A_273] : memref<163840x16xi32, #tpu.memory_space<hbm>> -> memref<128x16xi32, #tpu.memory_space<hbm>>
      %dma_start3A_275 = arith.constant 0 : i32
      %dma_start3A_276 = tpu.memref_slice %arg4[%add3A_267, %dma_start3A_275] : memref<163840x16xi32, #tpu.memory_space<hbm>> -> memref<128x16xi32, #tpu.memory_space<hbm>>
      %dma_start3A_277 = arith.constant 0 : i32
      %dma_start3A_278 = arith.constant 0 : i32
      %dma_start3A_279 = tpu.memref_slice %arg6[%dma_start3A_268, %dma_start3A_277, %dma_start3A_278] : memref<8x128x16xi32, #tpu.memory_space<vmem>> -> memref<1x128x16xi32, #tpu.memory_space<vmem>>
      %dma_start3A_280 = tpu.memref_squeeze %dma_start3A_279 : memref<1x128x16xi32, #tpu.memory_space<vmem>> -> memref<128x16xi32, #tpu.memory_space<vmem>>
      tpu.enqueue_dma source(%dma_start3A_280 : memref<128x16xi32, #tpu.memory_space<vmem>>) target(%dma_start3A_276 : memref<128x16xi32, #tpu.memory_space<hbm>>) target_semaphore(%arg9 : memref<!tpu.dma_semaphore, #tpu.memory_space<semaphore_mem>>)
      %mul3A_281 = arith.constant 8 : i32
      %mul3A_282 = arith.muli %scan3A_13, %mul3A_281 : i32
      %add3A_283 = arith.constant 3 : i32
      %add3A_284 = arith.addi %mul3A_282, %add3A_283 : i32
      %mul3A_285 = arith.constant 128 : i32
      %mul3A_286 = arith.muli %add3A_284, %mul3A_285 : i32
      %add3A_287 = arith.addi %mul3A_2, %mul3A_286 : i32
      %dma_start3A_288 = arith.constant 3 : i32
      %dma_start3A_289 = arith.constant 0 : i32
      %dma_start3A_290 = arith.constant 0 : i32
      %dma_start3A_291 = tpu.memref_slice %arg6[%dma_start3A_288, %dma_start3A_289, %dma_start3A_290] : memref<8x128x16xi32, #tpu.memory_space<vmem>> -> memref<1x128x16xi32, #tpu.memory_space<vmem>>
      %dma_start3A_292 = tpu.memref_squeeze %dma_start3A_291 : memref<1x128x16xi32, #tpu.memory_space<vmem>> -> memref<128x16xi32, #tpu.memory_space<vmem>>
      %dma_start3A_293 = arith.constant 0 : i32
      %dma_start3A_294 = tpu.memref_slice %arg4[%add3A_287, %dma_start3A_293] : memref<163840x16xi32, #tpu.memory_space<hbm>> -> memref<128x16xi32, #tpu.memory_space<hbm>>
      %dma_start3A_295 = arith.constant 0 : i32
      %dma_start3A_296 = tpu.memref_slice %arg4[%add3A_287, %dma_start3A_295] : memref<163840x16xi32, #tpu.memory_space<hbm>> -> memref<128x16xi32, #tpu.memory_space<hbm>>
      %dma_start3A_297 = arith.constant 0 : i32
      %dma_start3A_298 = arith.constant 0 : i32
      %dma_start3A_299 = tpu.memref_slice %arg6[%dma_start3A_288, %dma_start3A_297, %dma_start3A_298] : memref<8x128x16xi32, #tpu.memory_space<vmem>> -> memref<1x128x16xi32, #tpu.memory_space<vmem>>
      %dma_start3A_300 = tpu.memref_squeeze %dma_start3A_299 : memref<1x128x16xi32, #tpu.memory_space<vmem>> -> memref<128x16xi32, #tpu.memory_space<vmem>>
      tpu.enqueue_dma source(%dma_start3A_300 : memref<128x16xi32, #tpu.memory_space<vmem>>) target(%dma_start3A_296 : memref<128x16xi32, #tpu.memory_space<hbm>>) target_semaphore(%arg9 : memref<!tpu.dma_semaphore, #tpu.memory_space<semaphore_mem>>)
      %mul3A_301 = arith.constant 8 : i32
      %mul3A_302 = arith.muli %scan3A_13, %mul3A_301 : i32
      %add3A_303 = arith.constant 4 : i32
      %add3A_304 = arith.addi %mul3A_302, %add3A_303 : i32
      %mul3A_305 = arith.constant 128 : i32
      %mul3A_306 = arith.muli %add3A_304, %mul3A_305 : i32
      %add3A_307 = arith.addi %mul3A_2, %mul3A_306 : i32
      %dma_start3A_308 = arith.constant 4 : i32
      %dma_start3A_309 = arith.constant 0 : i32
      %dma_start3A_310 = arith.constant 0 : i32
      %dma_start3A_311 = tpu.memref_slice %arg6[%dma_start3A_308, %dma_start3A_309, %dma_start3A_310] : memref<8x128x16xi32, #tpu.memory_space<vmem>> -> memref<1x128x16xi32, #tpu.memory_space<vmem>>
      %dma_start3A_312 = tpu.memref_squeeze %dma_start3A_311 : memref<1x128x16xi32, #tpu.memory_space<vmem>> -> memref<128x16xi32, #tpu.memory_space<vmem>>
      %dma_start3A_313 = arith.constant 0 : i32
      %dma_start3A_314 = tpu.memref_slice %arg4[%add3A_307, %dma_start3A_313] : memref<163840x16xi32, #tpu.memory_space<hbm>> -> memref<128x16xi32, #tpu.memory_space<hbm>>
      %dma_start3A_315 = arith.constant 0 : i32
      %dma_start3A_316 = tpu.memref_slice %arg4[%add3A_307, %dma_start3A_315] : memref<163840x16xi32, #tpu.memory_space<hbm>> -> memref<128x16xi32, #tpu.memory_space<hbm>>
      %dma_start3A_317 = arith.constant 0 : i32
      %dma_start3A_318 = arith.constant 0 : i32
      %dma_start3A_319 = tpu.memref_slice %arg6[%dma_start3A_308, %dma_start3A_317, %dma_start3A_318] : memref<8x128x16xi32, #tpu.memory_space<vmem>> -> memref<1x128x16xi32, #tpu.memory_space<vmem>>
      %dma_start3A_320 = tpu.memref_squeeze %dma_start3A_319 : memref<1x128x16xi32, #tpu.memory_space<vmem>> -> memref<128x16xi32, #tpu.memory_space<vmem>>
      tpu.enqueue_dma source(%dma_start3A_320 : memref<128x16xi32, #tpu.memory_space<vmem>>) target(%dma_start3A_316 : memref<128x16xi32, #tpu.memory_space<hbm>>) target_semaphore(%arg9 : memref<!tpu.dma_semaphore, #tpu.memory_space<semaphore_mem>>)
      %mul3A_321 = arith.constant 8 : i32
      %mul3A_322 = arith.muli %scan3A_13, %mul3A_321 : i32
      %add3A_323 = arith.constant 5 : i32
      %add3A_324 = arith.addi %mul3A_322, %add3A_323 : i32
      %mul3A_325 = arith.constant 128 : i32
      %mul3A_326 = arith.muli %add3A_324, %mul3A_325 : i32
      %add3A_327 = arith.addi %mul3A_2, %mul3A_326 : i32
      %dma_start3A_328 = arith.constant 5 : i32
      %dma_start3A_329 = arith.constant 0 : i32
      %dma_start3A_330 = arith.constant 0 : i32
      %dma_start3A_331 = tpu.memref_slice %arg6[%dma_start3A_328, %dma_start3A_329, %dma_start3A_330] : memref<8x128x16xi32, #tpu.memory_space<vmem>> -> memref<1x128x16xi32, #tpu.memory_space<vmem>>
      %dma_start3A_332 = tpu.memref_squeeze %dma_start3A_331 : memref<1x128x16xi32, #tpu.memory_space<vmem>> -> memref<128x16xi32, #tpu.memory_space<vmem>>
      %dma_start3A_333 = arith.constant 0 : i32
      %dma_start3A_334 = tpu.memref_slice %arg4[%add3A_327, %dma_start3A_333] : memref<163840x16xi32, #tpu.memory_space<hbm>> -> memref<128x16xi32, #tpu.memory_space<hbm>>
      %dma_start3A_335 = arith.constant 0 : i32
      %dma_start3A_336 = tpu.memref_slice %arg4[%add3A_327, %dma_start3A_335] : memref<163840x16xi32, #tpu.memory_space<hbm>> -> memref<128x16xi32, #tpu.memory_space<hbm>>
      %dma_start3A_337 = arith.constant 0 : i32
      %dma_start3A_338 = arith.constant 0 : i32
      %dma_start3A_339 = tpu.memref_slice %arg6[%dma_start3A_328, %dma_start3A_337, %dma_start3A_338] : memref<8x128x16xi32, #tpu.memory_space<vmem>> -> memref<1x128x16xi32, #tpu.memory_space<vmem>>
      %dma_start3A_340 = tpu.memref_squeeze %dma_start3A_339 : memref<1x128x16xi32, #tpu.memory_space<vmem>> -> memref<128x16xi32, #tpu.memory_space<vmem>>
      tpu.enqueue_dma source(%dma_start3A_340 : memref<128x16xi32, #tpu.memory_space<vmem>>) target(%dma_start3A_336 : memref<128x16xi32, #tpu.memory_space<hbm>>) target_semaphore(%arg9 : memref<!tpu.dma_semaphore, #tpu.memory_space<semaphore_mem>>)
      %mul3A_341 = arith.constant 8 : i32
      %mul3A_342 = arith.muli %scan3A_13, %mul3A_341 : i32
      %add3A_343 = arith.constant 6 : i32
      %add3A_344 = arith.addi %mul3A_342, %add3A_343 : i32
      %mul3A_345 = arith.constant 128 : i32
      %mul3A_346 = arith.muli %add3A_344, %mul3A_345 : i32
      %add3A_347 = arith.addi %mul3A_2, %mul3A_346 : i32
      %dma_start3A_348 = arith.constant 6 : i32
      %dma_start3A_349 = arith.constant 0 : i32
      %dma_start3A_350 = arith.constant 0 : i32
      %dma_start3A_351 = tpu.memref_slice %arg6[%dma_start3A_348, %dma_start3A_349, %dma_start3A_350] : memref<8x128x16xi32, #tpu.memory_space<vmem>> -> memref<1x128x16xi32, #tpu.memory_space<vmem>>
      %dma_start3A_352 = tpu.memref_squeeze %dma_start3A_351 : memref<1x128x16xi32, #tpu.memory_space<vmem>> -> memref<128x16xi32, #tpu.memory_space<vmem>>
      %dma_start3A_353 = arith.constant 0 : i32
      %dma_start3A_354 = tpu.memref_slice %arg4[%add3A_347, %dma_start3A_353] : memref<163840x16xi32, #tpu.memory_space<hbm>> -> memref<128x16xi32, #tpu.memory_space<hbm>>
      %dma_start3A_355 = arith.constant 0 : i32
      %dma_start3A_356 = tpu.memref_slice %arg4[%add3A_347, %dma_start3A_355] : memref<163840x16xi32, #tpu.memory_space<hbm>> -> memref<128x16xi32, #tpu.memory_space<hbm>>
      %dma_start3A_357 = arith.constant 0 : i32
      %dma_start3A_358 = arith.constant 0 : i32
      %dma_start3A_359 = tpu.memref_slice %arg6[%dma_start3A_348, %dma_start3A_357, %dma_start3A_358] : memref<8x128x16xi32, #tpu.memory_space<vmem>> -> memref<1x128x16xi32, #tpu.memory_space<vmem>>
      %dma_start3A_360 = tpu.memref_squeeze %dma_start3A_359 : memref<1x128x16xi32, #tpu.memory_space<vmem>> -> memref<128x16xi32, #tpu.memory_space<vmem>>
      tpu.enqueue_dma source(%dma_start3A_360 : memref<128x16xi32, #tpu.memory_space<vmem>>) target(%dma_start3A_356 : memref<128x16xi32, #tpu.memory_space<hbm>>) target_semaphore(%arg9 : memref<!tpu.dma_semaphore, #tpu.memory_space<semaphore_mem>>)
      %mul3A_361 = arith.constant 8 : i32
      %mul3A_362 = arith.muli %scan3A_13, %mul3A_361 : i32
      %add3A_363 = arith.constant 7 : i32
      %add3A_364 = arith.addi %mul3A_362, %add3A_363 : i32
      %mul3A_365 = arith.constant 128 : i32
      %mul3A_366 = arith.muli %add3A_364, %mul3A_365 : i32
      %add3A_367 = arith.addi %mul3A_2, %mul3A_366 : i32
      %dma_start3A_368 = arith.constant 7 : i32
      %dma_start3A_369 = arith.constant 0 : i32
      %dma_start3A_370 = arith.constant 0 : i32
      %dma_start3A_371 = tpu.memref_slice %arg6[%dma_start3A_368, %dma_start3A_369, %dma_start3A_370] : memref<8x128x16xi32, #tpu.memory_space<vmem>> -> memref<1x128x16xi32, #tpu.memory_space<vmem>>
      %dma_start3A_372 = tpu.memref_squeeze %dma_start3A_371 : memref<1x128x16xi32, #tpu.memory_space<vmem>> -> memref<128x16xi32, #tpu.memory_space<vmem>>
      %dma_start3A_373 = arith.constant 0 : i32
      %dma_start3A_374 = tpu.memref_slice %arg4[%add3A_367, %dma_start3A_373] : memref<163840x16xi32, #tpu.memory_space<hbm>> -> memref<128x16xi32, #tpu.memory_space<hbm>>
      %dma_start3A_375 = arith.constant 0 : i32
      %dma_start3A_376 = tpu.memref_slice %arg4[%add3A_367, %dma_start3A_375] : memref<163840x16xi32, #tpu.memory_space<hbm>> -> memref<128x16xi32, #tpu.memory_space<hbm>>
      %dma_start3A_377 = arith.constant 0 : i32
      %dma_start3A_378 = arith.constant 0 : i32
      %dma_start3A_379 = tpu.memref_slice %arg6[%dma_start3A_368, %dma_start3A_377, %dma_start3A_378] : memref<8x128x16xi32, #tpu.memory_space<vmem>> -> memref<1x128x16xi32, #tpu.memory_space<vmem>>
      %dma_start3A_380 = tpu.memref_squeeze %dma_start3A_379 : memref<1x128x16xi32, #tpu.memory_space<vmem>> -> memref<128x16xi32, #tpu.memory_space<vmem>>
      tpu.enqueue_dma source(%dma_start3A_380 : memref<128x16xi32, #tpu.memory_space<vmem>>) target(%dma_start3A_376 : memref<128x16xi32, #tpu.memory_space<hbm>>) target_semaphore(%arg9 : memref<!tpu.dma_semaphore, #tpu.memory_space<semaphore_mem>>)
      %dma_wait3A_381 = arith.constant 0 : i32
      %dma_wait3A_382 = arith.constant 0 : i32
      %dma_wait3A_383 = arith.constant 0 : i32
      %dma_wait3A_384 = tpu.memref_slice %arg6[%dma_wait3A_381, %dma_wait3A_382, %dma_wait3A_383] : memref<8x128x16xi32, #tpu.memory_space<vmem>> -> memref<1x128x16xi32, #tpu.memory_space<vmem>>
      %dma_wait3A_385 = tpu.memref_squeeze %dma_wait3A_384 : memref<1x128x16xi32, #tpu.memory_space<vmem>> -> memref<128x16xi32, #tpu.memory_space<vmem>>
      %dma_wait3A_386 = arith.constant 0 : i32
      %dma_wait3A_387 = tpu.memref_slice %arg4[%add3A_227, %dma_wait3A_386] : memref<163840x16xi32, #tpu.memory_space<hbm>> -> memref<128x16xi32, #tpu.memory_space<hbm>>
      %dma_wait3A_388 = arith.constant 0 : i32
      %dma_wait3A_389 = tpu.memref_slice %arg4[%add3A_227, %dma_wait3A_388] : memref<163840x16xi32, #tpu.memory_space<hbm>> -> memref<128x16xi32, #tpu.memory_space<hbm>>
      %dma_wait3A_390 = arith.constant 0 : i32
      %dma_wait3A_391 = arith.constant 0 : i32
      %dma_wait3A_392 = tpu.memref_slice %arg6[%dma_wait3A_381, %dma_wait3A_390, %dma_wait3A_391] : memref<8x128x16xi32, #tpu.memory_space<vmem>> -> memref<1x128x16xi32, #tpu.memory_space<vmem>>
      %dma_wait3A_393 = tpu.memref_squeeze %dma_wait3A_392 : memref<1x128x16xi32, #tpu.memory_space<vmem>> -> memref<128x16xi32, #tpu.memory_space<vmem>>
      tpu.wait_dma2 semaphore(%arg9 : memref<!tpu.dma_semaphore, #tpu.memory_space<semaphore_mem>>) src(%dma_wait3A_393 : memref<128x16xi32, #tpu.memory_space<vmem>>) dst(%dma_wait3A_389 : memref<128x16xi32, #tpu.memory_space<hbm>>)
      %dma_wait3A_394 = arith.constant 1 : i32
      %dma_wait3A_395 = arith.constant 0 : i32
      %dma_wait3A_396 = arith.constant 0 : i32
      %dma_wait3A_397 = tpu.memref_slice %arg6[%dma_wait3A_394, %dma_wait3A_395, %dma_wait3A_396] : memref<8x128x16xi32, #tpu.memory_space<vmem>> -> memref<1x128x16xi32, #tpu.memory_space<vmem>>
      %dma_wait3A_398 = tpu.memref_squeeze %dma_wait3A_397 : memref<1x128x16xi32, #tpu.memory_space<vmem>> -> memref<128x16xi32, #tpu.memory_space<vmem>>
      %dma_wait3A_399 = arith.constant 0 : i32
      %dma_wait3A_400 = tpu.memref_slice %arg4[%add3A_247, %dma_wait3A_399] : memref<163840x16xi32, #tpu.memory_space<hbm>> -> memref<128x16xi32, #tpu.memory_space<hbm>>
      %dma_wait3A_401 = arith.constant 0 : i32
      %dma_wait3A_402 = tpu.memref_slice %arg4[%add3A_247, %dma_wait3A_401] : memref<163840x16xi32, #tpu.memory_space<hbm>> -> memref<128x16xi32, #tpu.memory_space<hbm>>
      %dma_wait3A_403 = arith.constant 0 : i32
      %dma_wait3A_404 = arith.constant 0 : i32
      %dma_wait3A_405 = tpu.memref_slice %arg6[%dma_wait3A_394, %dma_wait3A_403, %dma_wait3A_404] : memref<8x128x16xi32, #tpu.memory_space<vmem>> -> memref<1x128x16xi32, #tpu.memory_space<vmem>>
      %dma_wait3A_406 = tpu.memref_squeeze %dma_wait3A_405 : memref<1x128x16xi32, #tpu.memory_space<vmem>> -> memref<128x16xi32, #tpu.memory_space<vmem>>
      tpu.wait_dma2 semaphore(%arg9 : memref<!tpu.dma_semaphore, #tpu.memory_space<semaphore_mem>>) src(%dma_wait3A_406 : memref<128x16xi32, #tpu.memory_space<vmem>>) dst(%dma_wait3A_402 : memref<128x16xi32, #tpu.memory_space<hbm>>)
      %dma_wait3A_407 = arith.constant 2 : i32
      %dma_wait3A_408 = arith.constant 0 : i32
      %dma_wait3A_409 = arith.constant 0 : i32
      %dma_wait3A_410 = tpu.memref_slice %arg6[%dma_wait3A_407, %dma_wait3A_408, %dma_wait3A_409] : memref<8x128x16xi32, #tpu.memory_space<vmem>> -> memref<1x128x16xi32, #tpu.memory_space<vmem>>
      %dma_wait3A_411 = tpu.memref_squeeze %dma_wait3A_410 : memref<1x128x16xi32, #tpu.memory_space<vmem>> -> memref<128x16xi32, #tpu.memory_space<vmem>>
      %dma_wait3A_412 = arith.constant 0 : i32
      %dma_wait3A_413 = tpu.memref_slice %arg4[%add3A_267, %dma_wait3A_412] : memref<163840x16xi32, #tpu.memory_space<hbm>> -> memref<128x16xi32, #tpu.memory_space<hbm>>
      %dma_wait3A_414 = arith.constant 0 : i32
      %dma_wait3A_415 = tpu.memref_slice %arg4[%add3A_267, %dma_wait3A_414] : memref<163840x16xi32, #tpu.memory_space<hbm>> -> memref<128x16xi32, #tpu.memory_space<hbm>>
      %dma_wait3A_416 = arith.constant 0 : i32
      %dma_wait3A_417 = arith.constant 0 : i32
      %dma_wait3A_418 = tpu.memref_slice %arg6[%dma_wait3A_407, %dma_wait3A_416, %dma_wait3A_417] : memref<8x128x16xi32, #tpu.memory_space<vmem>> -> memref<1x128x16xi32, #tpu.memory_space<vmem>>
      %dma_wait3A_419 = tpu.memref_squeeze %dma_wait3A_418 : memref<1x128x16xi32, #tpu.memory_space<vmem>> -> memref<128x16xi32, #tpu.memory_space<vmem>>
      tpu.wait_dma2 semaphore(%arg9 : memref<!tpu.dma_semaphore, #tpu.memory_space<semaphore_mem>>) src(%dma_wait3A_419 : memref<128x16xi32, #tpu.memory_space<vmem>>) dst(%dma_wait3A_415 : memref<128x16xi32, #tpu.memory_space<hbm>>)
      %dma_wait3A_420 = arith.constant 3 : i32
      %dma_wait3A_421 = arith.constant 0 : i32
      %dma_wait3A_422 = arith.constant 0 : i32
      %dma_wait3A_423 = tpu.memref_slice %arg6[%dma_wait3A_420, %dma_wait3A_421, %dma_wait3A_422] : memref<8x128x16xi32, #tpu.memory_space<vmem>> -> memref<1x128x16xi32, #tpu.memory_space<vmem>>
      %dma_wait3A_424 = tpu.memref_squeeze %dma_wait3A_423 : memref<1x128x16xi32, #tpu.memory_space<vmem>> -> memref<128x16xi32, #tpu.memory_space<vmem>>
      %dma_wait3A_425 = arith.constant 0 : i32
      %dma_wait3A_426 = tpu.memref_slice %arg4[%add3A_287, %dma_wait3A_425] : memref<163840x16xi32, #tpu.memory_space<hbm>> -> memref<128x16xi32, #tpu.memory_space<hbm>>
      %dma_wait3A_427 = arith.constant 0 : i32
      %dma_wait3A_428 = tpu.memref_slice %arg4[%add3A_287, %dma_wait3A_427] : memref<163840x16xi32, #tpu.memory_space<hbm>> -> memref<128x16xi32, #tpu.memory_space<hbm>>
      %dma_wait3A_429 = arith.constant 0 : i32
      %dma_wait3A_430 = arith.constant 0 : i32
      %dma_wait3A_431 = tpu.memref_slice %arg6[%dma_wait3A_420, %dma_wait3A_429, %dma_wait3A_430] : memref<8x128x16xi32, #tpu.memory_space<vmem>> -> memref<1x128x16xi32, #tpu.memory_space<vmem>>
      %dma_wait3A_432 = tpu.memref_squeeze %dma_wait3A_431 : memref<1x128x16xi32, #tpu.memory_space<vmem>> -> memref<128x16xi32, #tpu.memory_space<vmem>>
      tpu.wait_dma2 semaphore(%arg9 : memref<!tpu.dma_semaphore, #tpu.memory_space<semaphore_mem>>) src(%dma_wait3A_432 : memref<128x16xi32, #tpu.memory_space<vmem>>) dst(%dma_wait3A_428 : memref<128x16xi32, #tpu.memory_space<hbm>>)
      %dma_wait3A_433 = arith.constant 4 : i32
      %dma_wait3A_434 = arith.constant 0 : i32
      %dma_wait3A_435 = arith.constant 0 : i32
      %dma_wait3A_436 = tpu.memref_slice %arg6[%dma_wait3A_433, %dma_wait3A_434, %dma_wait3A_435] : memref<8x128x16xi32, #tpu.memory_space<vmem>> -> memref<1x128x16xi32, #tpu.memory_space<vmem>>
      %dma_wait3A_437 = tpu.memref_squeeze %dma_wait3A_436 : memref<1x128x16xi32, #tpu.memory_space<vmem>> -> memref<128x16xi32, #tpu.memory_space<vmem>>
      %dma_wait3A_438 = arith.constant 0 : i32
      %dma_wait3A_439 = tpu.memref_slice %arg4[%add3A_307, %dma_wait3A_438] : memref<163840x16xi32, #tpu.memory_space<hbm>> -> memref<128x16xi32, #tpu.memory_space<hbm>>
      %dma_wait3A_440 = arith.constant 0 : i32
      %dma_wait3A_441 = tpu.memref_slice %arg4[%add3A_307, %dma_wait3A_440] : memref<163840x16xi32, #tpu.memory_space<hbm>> -> memref<128x16xi32, #tpu.memory_space<hbm>>
      %dma_wait3A_442 = arith.constant 0 : i32
      %dma_wait3A_443 = arith.constant 0 : i32
      %dma_wait3A_444 = tpu.memref_slice %arg6[%dma_wait3A_433, %dma_wait3A_442, %dma_wait3A_443] : memref<8x128x16xi32, #tpu.memory_space<vmem>> -> memref<1x128x16xi32, #tpu.memory_space<vmem>>
      %dma_wait3A_445 = tpu.memref_squeeze %dma_wait3A_444 : memref<1x128x16xi32, #tpu.memory_space<vmem>> -> memref<128x16xi32, #tpu.memory_space<vmem>>
      tpu.wait_dma2 semaphore(%arg9 : memref<!tpu.dma_semaphore, #tpu.memory_space<semaphore_mem>>) src(%dma_wait3A_445 : memref<128x16xi32, #tpu.memory_space<vmem>>) dst(%dma_wait3A_441 : memref<128x16xi32, #tpu.memory_space<hbm>>)
      %dma_wait3A_446 = arith.constant 5 : i32
      %dma_wait3A_447 = arith.constant 0 : i32
      %dma_wait3A_448 = arith.constant 0 : i32
      %dma_wait3A_449 = tpu.memref_slice %arg6[%dma_wait3A_446, %dma_wait3A_447, %dma_wait3A_448] : memref<8x128x16xi32, #tpu.memory_space<vmem>> -> memref<1x128x16xi32, #tpu.memory_space<vmem>>
      %dma_wait3A_450 = tpu.memref_squeeze %dma_wait3A_449 : memref<1x128x16xi32, #tpu.memory_space<vmem>> -> memref<128x16xi32, #tpu.memory_space<vmem>>
      %dma_wait3A_451 = arith.constant 0 : i32
      %dma_wait3A_452 = tpu.memref_slice %arg4[%add3A_327, %dma_wait3A_451] : memref<163840x16xi32, #tpu.memory_space<hbm>> -> memref<128x16xi32, #tpu.memory_space<hbm>>
      %dma_wait3A_453 = arith.constant 0 : i32
      %dma_wait3A_454 = tpu.memref_slice %arg4[%add3A_327, %dma_wait3A_453] : memref<163840x16xi32, #tpu.memory_space<hbm>> -> memref<128x16xi32, #tpu.memory_space<hbm>>
      %dma_wait3A_455 = arith.constant 0 : i32
      %dma_wait3A_456 = arith.constant 0 : i32
      %dma_wait3A_457 = tpu.memref_slice %arg6[%dma_wait3A_446, %dma_wait3A_455, %dma_wait3A_456] : memref<8x128x16xi32, #tpu.memory_space<vmem>> -> memref<1x128x16xi32, #tpu.memory_space<vmem>>
      %dma_wait3A_458 = tpu.memref_squeeze %dma_wait3A_457 : memref<1x128x16xi32, #tpu.memory_space<vmem>> -> memref<128x16xi32, #tpu.memory_space<vmem>>
      tpu.wait_dma2 semaphore(%arg9 : memref<!tpu.dma_semaphore, #tpu.memory_space<semaphore_mem>>) src(%dma_wait3A_458 : memref<128x16xi32, #tpu.memory_space<vmem>>) dst(%dma_wait3A_454 : memref<128x16xi32, #tpu.memory_space<hbm>>)
      %dma_wait3A_459 = arith.constant 6 : i32
      %dma_wait3A_460 = arith.constant 0 : i32
      %dma_wait3A_461 = arith.constant 0 : i32
      %dma_wait3A_462 = tpu.memref_slice %arg6[%dma_wait3A_459, %dma_wait3A_460, %dma_wait3A_461] : memref<8x128x16xi32, #tpu.memory_space<vmem>> -> memref<1x128x16xi32, #tpu.memory_space<vmem>>
      %dma_wait3A_463 = tpu.memref_squeeze %dma_wait3A_462 : memref<1x128x16xi32, #tpu.memory_space<vmem>> -> memref<128x16xi32, #tpu.memory_space<vmem>>
      %dma_wait3A_464 = arith.constant 0 : i32
      %dma_wait3A_465 = tpu.memref_slice %arg4[%add3A_347, %dma_wait3A_464] : memref<163840x16xi32, #tpu.memory_space<hbm>> -> memref<128x16xi32, #tpu.memory_space<hbm>>
      %dma_wait3A_466 = arith.constant 0 : i32
      %dma_wait3A_467 = tpu.memref_slice %arg4[%add3A_347, %dma_wait3A_466] : memref<163840x16xi32, #tpu.memory_space<hbm>> -> memref<128x16xi32, #tpu.memory_space<hbm>>
      %dma_wait3A_468 = arith.constant 0 : i32
      %dma_wait3A_469 = arith.constant 0 : i32
      %dma_wait3A_470 = tpu.memref_slice %arg6[%dma_wait3A_459, %dma_wait3A_468, %dma_wait3A_469] : memref<8x128x16xi32, #tpu.memory_space<vmem>> -> memref<1x128x16xi32, #tpu.memory_space<vmem>>
      %dma_wait3A_471 = tpu.memref_squeeze %dma_wait3A_470 : memref<1x128x16xi32, #tpu.memory_space<vmem>> -> memref<128x16xi32, #tpu.memory_space<vmem>>
      tpu.wait_dma2 semaphore(%arg9 : memref<!tpu.dma_semaphore, #tpu.memory_space<semaphore_mem>>) src(%dma_wait3A_471 : memref<128x16xi32, #tpu.memory_space<vmem>>) dst(%dma_wait3A_467 : memref<128x16xi32, #tpu.memory_space<hbm>>)
      %dma_wait3A_472 = arith.constant 7 : i32
      %dma_wait3A_473 = arith.constant 0 : i32
      %dma_wait3A_474 = arith.constant 0 : i32
      %dma_wait3A_475 = tpu.memref_slice %arg6[%dma_wait3A_472, %dma_wait3A_473, %dma_wait3A_474] : memref<8x128x16xi32, #tpu.memory_space<vmem>> -> memref<1x128x16xi32, #tpu.memory_space<vmem>>
      %dma_wait3A_476 = tpu.memref_squeeze %dma_wait3A_475 : memref<1x128x16xi32, #tpu.memory_space<vmem>> -> memref<128x16xi32, #tpu.memory_space<vmem>>
      %dma_wait3A_477 = arith.constant 0 : i32
      %dma_wait3A_478 = tpu.memref_slice %arg4[%add3A_367, %dma_wait3A_477] : memref<163840x16xi32, #tpu.memory_space<hbm>> -> memref<128x16xi32, #tpu.memory_space<hbm>>
      %dma_wait3A_479 = arith.constant 0 : i32
      %dma_wait3A_480 = tpu.memref_slice %arg4[%add3A_367, %dma_wait3A_479] : memref<163840x16xi32, #tpu.memory_space<hbm>> -> memref<128x16xi32, #tpu.memory_space<hbm>>
      %dma_wait3A_481 = arith.constant 0 : i32
      %dma_wait3A_482 = arith.constant 0 : i32
      %dma_wait3A_483 = tpu.memref_slice %arg6[%dma_wait3A_472, %dma_wait3A_481, %dma_wait3A_482] : memref<8x128x16xi32, #tpu.memory_space<vmem>> -> memref<1x128x16xi32, #tpu.memory_space<vmem>>
      %dma_wait3A_484 = tpu.memref_squeeze %dma_wait3A_483 : memref<1x128x16xi32, #tpu.memory_space<vmem>> -> memref<128x16xi32, #tpu.memory_space<vmem>>
      tpu.wait_dma2 semaphore(%arg9 : memref<!tpu.dma_semaphore, #tpu.memory_space<semaphore_mem>>) src(%dma_wait3A_484 : memref<128x16xi32, #tpu.memory_space<vmem>>) dst(%dma_wait3A_480 : memref<128x16xi32, #tpu.memory_space<hbm>>)
      %scan3A_485 = arith.constant 0 : i32
      scf.yield %scan3A_485 : i32
    }
    %scan3A_12 = arith.constant 5 : i32
    return
  }
}

#map = affine_map<(d0, d1) -> (0, 0)>
#map1 = affine_map<(d0, d1) -> (0, 0, 0)>
module attributes {stable_mosaic.version = 14 : i64} {
  func.func @k(%arg0: i32, %arg1: i32, %arg2: memref<10000x128xbf16, #tpu.memory_space<hbm>>, %arg3: memref<32x120x128xi32, #tpu.memory_space<hbm>>, %arg4: memref<491520x128xbf16, #tpu.memory_space<hbm>>, %arg5: memref<120x128xi32, #tpu.memory_space<vmem>>, %arg6: memref<8x128x128xbf16, #tpu.memory_space<vmem>>, %arg7: memref<10000x128xbf16, #tpu.memory_space<vmem_shared>>, %arg8: memref<!tpu.dma_semaphore, #tpu.memory_space<semaphore_mem>>, %arg9: memref<!tpu.dma_semaphore, #tpu.memory_space<semaphore_mem>>) attributes {dimension_semantics = [#tpu.dimension_semantics<core_parallel>, #tpu.dimension_semantics<subcore_parallel>], iteration_bounds = array<i64: 2, 16>, scalar_prefetch = 0 : i64, scratch_operands = 5 : i64, tpu.core_type = #tpu.core_type<sc_vector_subcore>, window_params = [{transform_indices = #map}, {transform_indices = #map1}, {transform_indices = #map}]} {
    %mul3A = arith.constant 2 : i32
    %mul3A_0 = arith.muli %arg1, %mul3A : i32
    %add3A = arith.addi %mul3A_0, %arg0 : i32
    %mul3A_1 = arith.constant 15360 : i32
    %mul3A_2 = arith.muli %add3A, %mul3A_1 : i32
    %mul3A_3 = arith.constant 625 : i32
    %mul3A_4 = arith.muli %arg1, %mul3A_3 : i32
    %mul3A_5 = arith.constant 625 : i32
    %mul3A_6 = arith.muli %arg1, %mul3A_5 : i32
    "tpu.region"() ({
      %run_scoped3A = tpu.sem_alloc : memref<!tpu.dma_semaphore, #tpu.memory_space<semaphore_mem>>
      %dma_start3A = arith.constant 0 : i32
      %dma_start3A_13 = tpu.memref_slice %arg7[%mul3A_6, %dma_start3A] : memref<10000x128xbf16, #tpu.memory_space<vmem_shared>> -> memref<625x128xbf16, #tpu.memory_space<vmem_shared>>
      %dma_start3A_14 = arith.constant 0 : i32
      %dma_start3A_15 = tpu.memref_slice %arg2[%mul3A_4, %dma_start3A_14] : memref<10000x128xbf16, #tpu.memory_space<hbm>> -> memref<625x128xbf16, #tpu.memory_space<hbm>>
      tpu.enqueue_dma source(%dma_start3A_15 : memref<625x128xbf16, #tpu.memory_space<hbm>>) target(%dma_start3A_13 : memref<625x128xbf16, #tpu.memory_space<vmem_shared>>) target_semaphore(%run_scoped3A : memref<!tpu.dma_semaphore, #tpu.memory_space<semaphore_mem>>)
      %dma_wait3A = arith.constant 0 : i32
      %dma_wait3A_16 = tpu.memref_slice %arg7[%mul3A_6, %dma_wait3A] : memref<10000x128xbf16, #tpu.memory_space<vmem_shared>> -> memref<625x128xbf16, #tpu.memory_space<vmem_shared>>
      %dma_wait3A_17 = arith.constant 0 : i32
      %dma_wait3A_18 = tpu.memref_slice %arg2[%mul3A_4, %dma_wait3A_17] : memref<10000x128xbf16, #tpu.memory_space<hbm>> -> memref<625x128xbf16, #tpu.memory_space<hbm>>
      tpu.wait_dma2 semaphore(%run_scoped3A : memref<!tpu.dma_semaphore, #tpu.memory_space<semaphore_mem>>) src(%dma_wait3A_18 : memref<625x128xbf16, #tpu.memory_space<hbm>>) dst(%dma_wait3A_16 : memref<625x128xbf16, #tpu.memory_space<vmem_shared>>)
      tpu.yield
    }) : () -> ()
    "tpu.region"() ({
      %run_scoped3A = tpu.sem_alloc : memref<!tpu.dma_semaphore, #tpu.memory_space<semaphore_mem>>
      %dma_start3A = arith.constant 0 : i32
      %dma_start3A_13 = arith.constant 0 : i32
      %dma_start3A_14 = tpu.memref_slice %arg3[%add3A, %dma_start3A, %dma_start3A_13] : memref<32x120x128xi32, #tpu.memory_space<hbm>> -> memref<1x120x128xi32, #tpu.memory_space<hbm>>
      %dma_start3A_15 = tpu.memref_squeeze %dma_start3A_14 : memref<1x120x128xi32, #tpu.memory_space<hbm>> -> memref<120x128xi32, #tpu.memory_space<hbm>>
      %dma_start3A_16 = arith.constant 0 : i32
      %dma_start3A_17 = arith.constant 0 : i32
      %dma_start3A_18 = tpu.memref_slice %arg3[%add3A, %dma_start3A_16, %dma_start3A_17] : memref<32x120x128xi32, #tpu.memory_space<hbm>> -> memref<1x120x128xi32, #tpu.memory_space<hbm>>
      %dma_start3A_19 = tpu.memref_squeeze %dma_start3A_18 : memref<1x120x128xi32, #tpu.memory_space<hbm>> -> memref<120x128xi32, #tpu.memory_space<hbm>>
      tpu.enqueue_dma source(%dma_start3A_19 : memref<120x128xi32, #tpu.memory_space<hbm>>) target(%arg5 : memref<120x128xi32, #tpu.memory_space<vmem>>) target_semaphore(%run_scoped3A : memref<!tpu.dma_semaphore, #tpu.memory_space<semaphore_mem>>)
      %dma_wait3A = arith.constant 0 : i32
      %dma_wait3A_20 = arith.constant 0 : i32
      %dma_wait3A_21 = tpu.memref_slice %arg3[%add3A, %dma_wait3A, %dma_wait3A_20] : memref<32x120x128xi32, #tpu.memory_space<hbm>> -> memref<1x120x128xi32, #tpu.memory_space<hbm>>
      %dma_wait3A_22 = tpu.memref_squeeze %dma_wait3A_21 : memref<1x120x128xi32, #tpu.memory_space<hbm>> -> memref<120x128xi32, #tpu.memory_space<hbm>>
      %dma_wait3A_23 = arith.constant 0 : i32
      %dma_wait3A_24 = arith.constant 0 : i32
      %dma_wait3A_25 = tpu.memref_slice %arg3[%add3A, %dma_wait3A_23, %dma_wait3A_24] : memref<32x120x128xi32, #tpu.memory_space<hbm>> -> memref<1x120x128xi32, #tpu.memory_space<hbm>>
      %dma_wait3A_26 = tpu.memref_squeeze %dma_wait3A_25 : memref<1x120x128xi32, #tpu.memory_space<hbm>> -> memref<120x128xi32, #tpu.memory_space<hbm>>
      tpu.wait_dma2 semaphore(%run_scoped3A : memref<!tpu.dma_semaphore, #tpu.memory_space<semaphore_mem>>) src(%dma_wait3A_26 : memref<120x128xi32, #tpu.memory_space<hbm>>) dst(%arg5 : memref<120x128xi32, #tpu.memory_space<vmem>>)
      tpu.yield
    }) : () -> ()
    %barrier3A = arith.constant 0 : index
    tpu.barrier barrier_id(%barrier3A)
    %scan3A = arith.constant 0 : i32
    %scan3A_7 = arith.constant 0 : i32
    %scan3A_8 = arith.constant 15 : i32
    %scan3A_9 = arith.addi %scan3A_7, %scan3A_8 : i32
    %scan3A_10 = arith.constant 1 : i32
    %scan3A_11 = scf.for %scan3A_13 = %scan3A_7 to %scan3A_9 step %scan3A_10 iter_args(%scan3A_14 = %scan3A) -> (i32)  : i32 {
      %mul3A_15 = arith.constant 8 : i32
      %mul3A_16 = arith.muli %scan3A_13, %mul3A_15 : i32
      %add3A_17 = arith.constant 0 : i32
      %add3A_18 = arith.addi %mul3A_16, %add3A_17 : i32
      %dma_start3A = arith.constant 0 : i32
      %dma_start3A_19 = arith.constant 0 : i32
      %dma_start3A_20 = arith.constant 0 : i32
      %dma_start3A_21 = tpu.memref_slice %arg6[%dma_start3A, %dma_start3A_19, %dma_start3A_20] : memref<8x128x128xbf16, #tpu.memory_space<vmem>> -> memref<1x128x128xbf16, #tpu.memory_space<vmem>>
      %dma_start3A_22 = tpu.memref_squeeze %dma_start3A_21 : memref<1x128x128xbf16, #tpu.memory_space<vmem>> -> memref<128x128xbf16, #tpu.memory_space<vmem>>
      %dma_start3A_23 = arith.constant 0 : i32
      %dma_start3A_24 = tpu.memref_slice %arg5[%add3A_18, %dma_start3A_23] : memref<120x128xi32, #tpu.memory_space<vmem>> -> memref<1x128xi32, #tpu.memory_space<vmem>>
      %dma_start3A_25 = tpu.memref_squeeze %dma_start3A_24 : memref<1x128xi32, #tpu.memory_space<vmem>> -> memref<128xi32, #tpu.memory_space<vmem>>
      %dma_start3A_26 = arith.constant 0 : i32
      %dma_start3A_27 = arith.constant 0 : i32
      %dma_start3A_28 = tpu.memref_slice %arg7[%dma_start3A_26, %dma_start3A_27] : memref<10000x128xbf16, #tpu.memory_space<vmem_shared>> -> memref<10000x128xbf16, #tpu.memory_space<vmem_shared>>
      tpu.enqueue_indirect_dma source(%dma_start3A_28 : memref<10000x128xbf16, #tpu.memory_space<vmem_shared>>) target(%dma_start3A_22 : memref<128x128xbf16, #tpu.memory_space<vmem>>) offsets(%dma_start3A_25 : memref<128xi32, #tpu.memory_space<vmem>>) semaphore(%arg8 : memref<!tpu.dma_semaphore, #tpu.memory_space<semaphore_mem>>)
      %mul3A_29 = arith.constant 8 : i32
      %mul3A_30 = arith.muli %scan3A_13, %mul3A_29 : i32
      %add3A_31 = arith.constant 1 : i32
      %add3A_32 = arith.addi %mul3A_30, %add3A_31 : i32
      %dma_start3A_33 = arith.constant 1 : i32
      %dma_start3A_34 = arith.constant 0 : i32
      %dma_start3A_35 = arith.constant 0 : i32
      %dma_start3A_36 = tpu.memref_slice %arg6[%dma_start3A_33, %dma_start3A_34, %dma_start3A_35] : memref<8x128x128xbf16, #tpu.memory_space<vmem>> -> memref<1x128x128xbf16, #tpu.memory_space<vmem>>
      %dma_start3A_37 = tpu.memref_squeeze %dma_start3A_36 : memref<1x128x128xbf16, #tpu.memory_space<vmem>> -> memref<128x128xbf16, #tpu.memory_space<vmem>>
      %dma_start3A_38 = arith.constant 0 : i32
      %dma_start3A_39 = tpu.memref_slice %arg5[%add3A_32, %dma_start3A_38] : memref<120x128xi32, #tpu.memory_space<vmem>> -> memref<1x128xi32, #tpu.memory_space<vmem>>
      %dma_start3A_40 = tpu.memref_squeeze %dma_start3A_39 : memref<1x128xi32, #tpu.memory_space<vmem>> -> memref<128xi32, #tpu.memory_space<vmem>>
      %dma_start3A_41 = arith.constant 0 : i32
      %dma_start3A_42 = arith.constant 0 : i32
      %dma_start3A_43 = tpu.memref_slice %arg7[%dma_start3A_41, %dma_start3A_42] : memref<10000x128xbf16, #tpu.memory_space<vmem_shared>> -> memref<10000x128xbf16, #tpu.memory_space<vmem_shared>>
      tpu.enqueue_indirect_dma source(%dma_start3A_43 : memref<10000x128xbf16, #tpu.memory_space<vmem_shared>>) target(%dma_start3A_37 : memref<128x128xbf16, #tpu.memory_space<vmem>>) offsets(%dma_start3A_40 : memref<128xi32, #tpu.memory_space<vmem>>) semaphore(%arg8 : memref<!tpu.dma_semaphore, #tpu.memory_space<semaphore_mem>>)
      %mul3A_44 = arith.constant 8 : i32
      %mul3A_45 = arith.muli %scan3A_13, %mul3A_44 : i32
      %add3A_46 = arith.constant 2 : i32
      %add3A_47 = arith.addi %mul3A_45, %add3A_46 : i32
      %dma_start3A_48 = arith.constant 2 : i32
      %dma_start3A_49 = arith.constant 0 : i32
      %dma_start3A_50 = arith.constant 0 : i32
      %dma_start3A_51 = tpu.memref_slice %arg6[%dma_start3A_48, %dma_start3A_49, %dma_start3A_50] : memref<8x128x128xbf16, #tpu.memory_space<vmem>> -> memref<1x128x128xbf16, #tpu.memory_space<vmem>>
      %dma_start3A_52 = tpu.memref_squeeze %dma_start3A_51 : memref<1x128x128xbf16, #tpu.memory_space<vmem>> -> memref<128x128xbf16, #tpu.memory_space<vmem>>
      %dma_start3A_53 = arith.constant 0 : i32
      %dma_start3A_54 = tpu.memref_slice %arg5[%add3A_47, %dma_start3A_53] : memref<120x128xi32, #tpu.memory_space<vmem>> -> memref<1x128xi32, #tpu.memory_space<vmem>>
      %dma_start3A_55 = tpu.memref_squeeze %dma_start3A_54 : memref<1x128xi32, #tpu.memory_space<vmem>> -> memref<128xi32, #tpu.memory_space<vmem>>
      %dma_start3A_56 = arith.constant 0 : i32
      %dma_start3A_57 = arith.constant 0 : i32
      %dma_start3A_58 = tpu.memref_slice %arg7[%dma_start3A_56, %dma_start3A_57] : memref<10000x128xbf16, #tpu.memory_space<vmem_shared>> -> memref<10000x128xbf16, #tpu.memory_space<vmem_shared>>
      tpu.enqueue_indirect_dma source(%dma_start3A_58 : memref<10000x128xbf16, #tpu.memory_space<vmem_shared>>) target(%dma_start3A_52 : memref<128x128xbf16, #tpu.memory_space<vmem>>) offsets(%dma_start3A_55 : memref<128xi32, #tpu.memory_space<vmem>>) semaphore(%arg8 : memref<!tpu.dma_semaphore, #tpu.memory_space<semaphore_mem>>)
      %mul3A_59 = arith.constant 8 : i32
      %mul3A_60 = arith.muli %scan3A_13, %mul3A_59 : i32
      %add3A_61 = arith.constant 3 : i32
      %add3A_62 = arith.addi %mul3A_60, %add3A_61 : i32
      %dma_start3A_63 = arith.constant 3 : i32
      %dma_start3A_64 = arith.constant 0 : i32
      %dma_start3A_65 = arith.constant 0 : i32
      %dma_start3A_66 = tpu.memref_slice %arg6[%dma_start3A_63, %dma_start3A_64, %dma_start3A_65] : memref<8x128x128xbf16, #tpu.memory_space<vmem>> -> memref<1x128x128xbf16, #tpu.memory_space<vmem>>
      %dma_start3A_67 = tpu.memref_squeeze %dma_start3A_66 : memref<1x128x128xbf16, #tpu.memory_space<vmem>> -> memref<128x128xbf16, #tpu.memory_space<vmem>>
      %dma_start3A_68 = arith.constant 0 : i32
      %dma_start3A_69 = tpu.memref_slice %arg5[%add3A_62, %dma_start3A_68] : memref<120x128xi32, #tpu.memory_space<vmem>> -> memref<1x128xi32, #tpu.memory_space<vmem>>
      %dma_start3A_70 = tpu.memref_squeeze %dma_start3A_69 : memref<1x128xi32, #tpu.memory_space<vmem>> -> memref<128xi32, #tpu.memory_space<vmem>>
      %dma_start3A_71 = arith.constant 0 : i32
      %dma_start3A_72 = arith.constant 0 : i32
      %dma_start3A_73 = tpu.memref_slice %arg7[%dma_start3A_71, %dma_start3A_72] : memref<10000x128xbf16, #tpu.memory_space<vmem_shared>> -> memref<10000x128xbf16, #tpu.memory_space<vmem_shared>>
      tpu.enqueue_indirect_dma source(%dma_start3A_73 : memref<10000x128xbf16, #tpu.memory_space<vmem_shared>>) target(%dma_start3A_67 : memref<128x128xbf16, #tpu.memory_space<vmem>>) offsets(%dma_start3A_70 : memref<128xi32, #tpu.memory_space<vmem>>) semaphore(%arg8 : memref<!tpu.dma_semaphore, #tpu.memory_space<semaphore_mem>>)
      %mul3A_74 = arith.constant 8 : i32
      %mul3A_75 = arith.muli %scan3A_13, %mul3A_74 : i32
      %add3A_76 = arith.constant 4 : i32
      %add3A_77 = arith.addi %mul3A_75, %add3A_76 : i32
      %dma_start3A_78 = arith.constant 4 : i32
      %dma_start3A_79 = arith.constant 0 : i32
      %dma_start3A_80 = arith.constant 0 : i32
      %dma_start3A_81 = tpu.memref_slice %arg6[%dma_start3A_78, %dma_start3A_79, %dma_start3A_80] : memref<8x128x128xbf16, #tpu.memory_space<vmem>> -> memref<1x128x128xbf16, #tpu.memory_space<vmem>>
      %dma_start3A_82 = tpu.memref_squeeze %dma_start3A_81 : memref<1x128x128xbf16, #tpu.memory_space<vmem>> -> memref<128x128xbf16, #tpu.memory_space<vmem>>
      %dma_start3A_83 = arith.constant 0 : i32
      %dma_start3A_84 = tpu.memref_slice %arg5[%add3A_77, %dma_start3A_83] : memref<120x128xi32, #tpu.memory_space<vmem>> -> memref<1x128xi32, #tpu.memory_space<vmem>>
      %dma_start3A_85 = tpu.memref_squeeze %dma_start3A_84 : memref<1x128xi32, #tpu.memory_space<vmem>> -> memref<128xi32, #tpu.memory_space<vmem>>
      %dma_start3A_86 = arith.constant 0 : i32
      %dma_start3A_87 = arith.constant 0 : i32
      %dma_start3A_88 = tpu.memref_slice %arg7[%dma_start3A_86, %dma_start3A_87] : memref<10000x128xbf16, #tpu.memory_space<vmem_shared>> -> memref<10000x128xbf16, #tpu.memory_space<vmem_shared>>
      tpu.enqueue_indirect_dma source(%dma_start3A_88 : memref<10000x128xbf16, #tpu.memory_space<vmem_shared>>) target(%dma_start3A_82 : memref<128x128xbf16, #tpu.memory_space<vmem>>) offsets(%dma_start3A_85 : memref<128xi32, #tpu.memory_space<vmem>>) semaphore(%arg8 : memref<!tpu.dma_semaphore, #tpu.memory_space<semaphore_mem>>)
      %mul3A_89 = arith.constant 8 : i32
      %mul3A_90 = arith.muli %scan3A_13, %mul3A_89 : i32
      %add3A_91 = arith.constant 5 : i32
      %add3A_92 = arith.addi %mul3A_90, %add3A_91 : i32
      %dma_start3A_93 = arith.constant 5 : i32
      %dma_start3A_94 = arith.constant 0 : i32
      %dma_start3A_95 = arith.constant 0 : i32
      %dma_start3A_96 = tpu.memref_slice %arg6[%dma_start3A_93, %dma_start3A_94, %dma_start3A_95] : memref<8x128x128xbf16, #tpu.memory_space<vmem>> -> memref<1x128x128xbf16, #tpu.memory_space<vmem>>
      %dma_start3A_97 = tpu.memref_squeeze %dma_start3A_96 : memref<1x128x128xbf16, #tpu.memory_space<vmem>> -> memref<128x128xbf16, #tpu.memory_space<vmem>>
      %dma_start3A_98 = arith.constant 0 : i32
      %dma_start3A_99 = tpu.memref_slice %arg5[%add3A_92, %dma_start3A_98] : memref<120x128xi32, #tpu.memory_space<vmem>> -> memref<1x128xi32, #tpu.memory_space<vmem>>
      %dma_start3A_100 = tpu.memref_squeeze %dma_start3A_99 : memref<1x128xi32, #tpu.memory_space<vmem>> -> memref<128xi32, #tpu.memory_space<vmem>>
      %dma_start3A_101 = arith.constant 0 : i32
      %dma_start3A_102 = arith.constant 0 : i32
      %dma_start3A_103 = tpu.memref_slice %arg7[%dma_start3A_101, %dma_start3A_102] : memref<10000x128xbf16, #tpu.memory_space<vmem_shared>> -> memref<10000x128xbf16, #tpu.memory_space<vmem_shared>>
      tpu.enqueue_indirect_dma source(%dma_start3A_103 : memref<10000x128xbf16, #tpu.memory_space<vmem_shared>>) target(%dma_start3A_97 : memref<128x128xbf16, #tpu.memory_space<vmem>>) offsets(%dma_start3A_100 : memref<128xi32, #tpu.memory_space<vmem>>) semaphore(%arg8 : memref<!tpu.dma_semaphore, #tpu.memory_space<semaphore_mem>>)
      %mul3A_104 = arith.constant 8 : i32
      %mul3A_105 = arith.muli %scan3A_13, %mul3A_104 : i32
      %add3A_106 = arith.constant 6 : i32
      %add3A_107 = arith.addi %mul3A_105, %add3A_106 : i32
      %dma_start3A_108 = arith.constant 6 : i32
      %dma_start3A_109 = arith.constant 0 : i32
      %dma_start3A_110 = arith.constant 0 : i32
      %dma_start3A_111 = tpu.memref_slice %arg6[%dma_start3A_108, %dma_start3A_109, %dma_start3A_110] : memref<8x128x128xbf16, #tpu.memory_space<vmem>> -> memref<1x128x128xbf16, #tpu.memory_space<vmem>>
      %dma_start3A_112 = tpu.memref_squeeze %dma_start3A_111 : memref<1x128x128xbf16, #tpu.memory_space<vmem>> -> memref<128x128xbf16, #tpu.memory_space<vmem>>
      %dma_start3A_113 = arith.constant 0 : i32
      %dma_start3A_114 = tpu.memref_slice %arg5[%add3A_107, %dma_start3A_113] : memref<120x128xi32, #tpu.memory_space<vmem>> -> memref<1x128xi32, #tpu.memory_space<vmem>>
      %dma_start3A_115 = tpu.memref_squeeze %dma_start3A_114 : memref<1x128xi32, #tpu.memory_space<vmem>> -> memref<128xi32, #tpu.memory_space<vmem>>
      %dma_start3A_116 = arith.constant 0 : i32
      %dma_start3A_117 = arith.constant 0 : i32
      %dma_start3A_118 = tpu.memref_slice %arg7[%dma_start3A_116, %dma_start3A_117] : memref<10000x128xbf16, #tpu.memory_space<vmem_shared>> -> memref<10000x128xbf16, #tpu.memory_space<vmem_shared>>
      tpu.enqueue_indirect_dma source(%dma_start3A_118 : memref<10000x128xbf16, #tpu.memory_space<vmem_shared>>) target(%dma_start3A_112 : memref<128x128xbf16, #tpu.memory_space<vmem>>) offsets(%dma_start3A_115 : memref<128xi32, #tpu.memory_space<vmem>>) semaphore(%arg8 : memref<!tpu.dma_semaphore, #tpu.memory_space<semaphore_mem>>)
      %mul3A_119 = arith.constant 8 : i32
      %mul3A_120 = arith.muli %scan3A_13, %mul3A_119 : i32
      %add3A_121 = arith.constant 7 : i32
      %add3A_122 = arith.addi %mul3A_120, %add3A_121 : i32
      %dma_start3A_123 = arith.constant 7 : i32
      %dma_start3A_124 = arith.constant 0 : i32
      %dma_start3A_125 = arith.constant 0 : i32
      %dma_start3A_126 = tpu.memref_slice %arg6[%dma_start3A_123, %dma_start3A_124, %dma_start3A_125] : memref<8x128x128xbf16, #tpu.memory_space<vmem>> -> memref<1x128x128xbf16, #tpu.memory_space<vmem>>
      %dma_start3A_127 = tpu.memref_squeeze %dma_start3A_126 : memref<1x128x128xbf16, #tpu.memory_space<vmem>> -> memref<128x128xbf16, #tpu.memory_space<vmem>>
      %dma_start3A_128 = arith.constant 0 : i32
      %dma_start3A_129 = tpu.memref_slice %arg5[%add3A_122, %dma_start3A_128] : memref<120x128xi32, #tpu.memory_space<vmem>> -> memref<1x128xi32, #tpu.memory_space<vmem>>
      %dma_start3A_130 = tpu.memref_squeeze %dma_start3A_129 : memref<1x128xi32, #tpu.memory_space<vmem>> -> memref<128xi32, #tpu.memory_space<vmem>>
      %dma_start3A_131 = arith.constant 0 : i32
      %dma_start3A_132 = arith.constant 0 : i32
      %dma_start3A_133 = tpu.memref_slice %arg7[%dma_start3A_131, %dma_start3A_132] : memref<10000x128xbf16, #tpu.memory_space<vmem_shared>> -> memref<10000x128xbf16, #tpu.memory_space<vmem_shared>>
      tpu.enqueue_indirect_dma source(%dma_start3A_133 : memref<10000x128xbf16, #tpu.memory_space<vmem_shared>>) target(%dma_start3A_127 : memref<128x128xbf16, #tpu.memory_space<vmem>>) offsets(%dma_start3A_130 : memref<128xi32, #tpu.memory_space<vmem>>) semaphore(%arg8 : memref<!tpu.dma_semaphore, #tpu.memory_space<semaphore_mem>>)
      %dma_wait3A = arith.constant 0 : i32
      %dma_wait3A_134 = arith.constant 0 : i32
      %dma_wait3A_135 = arith.constant 0 : i32
      %dma_wait3A_136 = tpu.memref_slice %arg6[%dma_wait3A, %dma_wait3A_134, %dma_wait3A_135] : memref<8x128x128xbf16, #tpu.memory_space<vmem>> -> memref<1x128x128xbf16, #tpu.memory_space<vmem>>
      %dma_wait3A_137 = tpu.memref_squeeze %dma_wait3A_136 : memref<1x128x128xbf16, #tpu.memory_space<vmem>> -> memref<128x128xbf16, #tpu.memory_space<vmem>>
      %dma_wait3A_138 = arith.constant 0 : i32
      %dma_wait3A_139 = tpu.memref_slice %arg5[%add3A_18, %dma_wait3A_138] : memref<120x128xi32, #tpu.memory_space<vmem>> -> memref<1x128xi32, #tpu.memory_space<vmem>>
      %dma_wait3A_140 = tpu.memref_squeeze %dma_wait3A_139 : memref<1x128xi32, #tpu.memory_space<vmem>> -> memref<128xi32, #tpu.memory_space<vmem>>
      %dma_wait3A_141 = arith.constant 0 : i32
      %dma_wait3A_142 = arith.constant 0 : i32
      %dma_wait3A_143 = tpu.memref_slice %arg7[%dma_wait3A_141, %dma_wait3A_142] : memref<10000x128xbf16, #tpu.memory_space<vmem_shared>> -> memref<10000x128xbf16, #tpu.memory_space<vmem_shared>>
      tpu.wait_indirect_dma semaphore(%arg8 : memref<!tpu.dma_semaphore, #tpu.memory_space<semaphore_mem>>) src(%dma_wait3A_143 : memref<10000x128xbf16, #tpu.memory_space<vmem_shared>>) dst(%dma_wait3A_137 : memref<128x128xbf16, #tpu.memory_space<vmem>>)
      %dma_wait3A_144 = arith.constant 1 : i32
      %dma_wait3A_145 = arith.constant 0 : i32
      %dma_wait3A_146 = arith.constant 0 : i32
      %dma_wait3A_147 = tpu.memref_slice %arg6[%dma_wait3A_144, %dma_wait3A_145, %dma_wait3A_146] : memref<8x128x128xbf16, #tpu.memory_space<vmem>> -> memref<1x128x128xbf16, #tpu.memory_space<vmem>>
      %dma_wait3A_148 = tpu.memref_squeeze %dma_wait3A_147 : memref<1x128x128xbf16, #tpu.memory_space<vmem>> -> memref<128x128xbf16, #tpu.memory_space<vmem>>
      %dma_wait3A_149 = arith.constant 0 : i32
      %dma_wait3A_150 = tpu.memref_slice %arg5[%add3A_32, %dma_wait3A_149] : memref<120x128xi32, #tpu.memory_space<vmem>> -> memref<1x128xi32, #tpu.memory_space<vmem>>
      %dma_wait3A_151 = tpu.memref_squeeze %dma_wait3A_150 : memref<1x128xi32, #tpu.memory_space<vmem>> -> memref<128xi32, #tpu.memory_space<vmem>>
      %dma_wait3A_152 = arith.constant 0 : i32
      %dma_wait3A_153 = arith.constant 0 : i32
      %dma_wait3A_154 = tpu.memref_slice %arg7[%dma_wait3A_152, %dma_wait3A_153] : memref<10000x128xbf16, #tpu.memory_space<vmem_shared>> -> memref<10000x128xbf16, #tpu.memory_space<vmem_shared>>
      tpu.wait_indirect_dma semaphore(%arg8 : memref<!tpu.dma_semaphore, #tpu.memory_space<semaphore_mem>>) src(%dma_wait3A_154 : memref<10000x128xbf16, #tpu.memory_space<vmem_shared>>) dst(%dma_wait3A_148 : memref<128x128xbf16, #tpu.memory_space<vmem>>)
      %dma_wait3A_155 = arith.constant 2 : i32
      %dma_wait3A_156 = arith.constant 0 : i32
      %dma_wait3A_157 = arith.constant 0 : i32
      %dma_wait3A_158 = tpu.memref_slice %arg6[%dma_wait3A_155, %dma_wait3A_156, %dma_wait3A_157] : memref<8x128x128xbf16, #tpu.memory_space<vmem>> -> memref<1x128x128xbf16, #tpu.memory_space<vmem>>
      %dma_wait3A_159 = tpu.memref_squeeze %dma_wait3A_158 : memref<1x128x128xbf16, #tpu.memory_space<vmem>> -> memref<128x128xbf16, #tpu.memory_space<vmem>>
      %dma_wait3A_160 = arith.constant 0 : i32
      %dma_wait3A_161 = tpu.memref_slice %arg5[%add3A_47, %dma_wait3A_160] : memref<120x128xi32, #tpu.memory_space<vmem>> -> memref<1x128xi32, #tpu.memory_space<vmem>>
      %dma_wait3A_162 = tpu.memref_squeeze %dma_wait3A_161 : memref<1x128xi32, #tpu.memory_space<vmem>> -> memref<128xi32, #tpu.memory_space<vmem>>
      %dma_wait3A_163 = arith.constant 0 : i32
      %dma_wait3A_164 = arith.constant 0 : i32
      %dma_wait3A_165 = tpu.memref_slice %arg7[%dma_wait3A_163, %dma_wait3A_164] : memref<10000x128xbf16, #tpu.memory_space<vmem_shared>> -> memref<10000x128xbf16, #tpu.memory_space<vmem_shared>>
      tpu.wait_indirect_dma semaphore(%arg8 : memref<!tpu.dma_semaphore, #tpu.memory_space<semaphore_mem>>) src(%dma_wait3A_165 : memref<10000x128xbf16, #tpu.memory_space<vmem_shared>>) dst(%dma_wait3A_159 : memref<128x128xbf16, #tpu.memory_space<vmem>>)
      %dma_wait3A_166 = arith.constant 3 : i32
      %dma_wait3A_167 = arith.constant 0 : i32
      %dma_wait3A_168 = arith.constant 0 : i32
      %dma_wait3A_169 = tpu.memref_slice %arg6[%dma_wait3A_166, %dma_wait3A_167, %dma_wait3A_168] : memref<8x128x128xbf16, #tpu.memory_space<vmem>> -> memref<1x128x128xbf16, #tpu.memory_space<vmem>>
      %dma_wait3A_170 = tpu.memref_squeeze %dma_wait3A_169 : memref<1x128x128xbf16, #tpu.memory_space<vmem>> -> memref<128x128xbf16, #tpu.memory_space<vmem>>
      %dma_wait3A_171 = arith.constant 0 : i32
      %dma_wait3A_172 = tpu.memref_slice %arg5[%add3A_62, %dma_wait3A_171] : memref<120x128xi32, #tpu.memory_space<vmem>> -> memref<1x128xi32, #tpu.memory_space<vmem>>
      %dma_wait3A_173 = tpu.memref_squeeze %dma_wait3A_172 : memref<1x128xi32, #tpu.memory_space<vmem>> -> memref<128xi32, #tpu.memory_space<vmem>>
      %dma_wait3A_174 = arith.constant 0 : i32
      %dma_wait3A_175 = arith.constant 0 : i32
      %dma_wait3A_176 = tpu.memref_slice %arg7[%dma_wait3A_174, %dma_wait3A_175] : memref<10000x128xbf16, #tpu.memory_space<vmem_shared>> -> memref<10000x128xbf16, #tpu.memory_space<vmem_shared>>
      tpu.wait_indirect_dma semaphore(%arg8 : memref<!tpu.dma_semaphore, #tpu.memory_space<semaphore_mem>>) src(%dma_wait3A_176 : memref<10000x128xbf16, #tpu.memory_space<vmem_shared>>) dst(%dma_wait3A_170 : memref<128x128xbf16, #tpu.memory_space<vmem>>)
      %dma_wait3A_177 = arith.constant 4 : i32
      %dma_wait3A_178 = arith.constant 0 : i32
      %dma_wait3A_179 = arith.constant 0 : i32
      %dma_wait3A_180 = tpu.memref_slice %arg6[%dma_wait3A_177, %dma_wait3A_178, %dma_wait3A_179] : memref<8x128x128xbf16, #tpu.memory_space<vmem>> -> memref<1x128x128xbf16, #tpu.memory_space<vmem>>
      %dma_wait3A_181 = tpu.memref_squeeze %dma_wait3A_180 : memref<1x128x128xbf16, #tpu.memory_space<vmem>> -> memref<128x128xbf16, #tpu.memory_space<vmem>>
      %dma_wait3A_182 = arith.constant 0 : i32
      %dma_wait3A_183 = tpu.memref_slice %arg5[%add3A_77, %dma_wait3A_182] : memref<120x128xi32, #tpu.memory_space<vmem>> -> memref<1x128xi32, #tpu.memory_space<vmem>>
      %dma_wait3A_184 = tpu.memref_squeeze %dma_wait3A_183 : memref<1x128xi32, #tpu.memory_space<vmem>> -> memref<128xi32, #tpu.memory_space<vmem>>
      %dma_wait3A_185 = arith.constant 0 : i32
      %dma_wait3A_186 = arith.constant 0 : i32
      %dma_wait3A_187 = tpu.memref_slice %arg7[%dma_wait3A_185, %dma_wait3A_186] : memref<10000x128xbf16, #tpu.memory_space<vmem_shared>> -> memref<10000x128xbf16, #tpu.memory_space<vmem_shared>>
      tpu.wait_indirect_dma semaphore(%arg8 : memref<!tpu.dma_semaphore, #tpu.memory_space<semaphore_mem>>) src(%dma_wait3A_187 : memref<10000x128xbf16, #tpu.memory_space<vmem_shared>>) dst(%dma_wait3A_181 : memref<128x128xbf16, #tpu.memory_space<vmem>>)
      %dma_wait3A_188 = arith.constant 5 : i32
      %dma_wait3A_189 = arith.constant 0 : i32
      %dma_wait3A_190 = arith.constant 0 : i32
      %dma_wait3A_191 = tpu.memref_slice %arg6[%dma_wait3A_188, %dma_wait3A_189, %dma_wait3A_190] : memref<8x128x128xbf16, #tpu.memory_space<vmem>> -> memref<1x128x128xbf16, #tpu.memory_space<vmem>>
      %dma_wait3A_192 = tpu.memref_squeeze %dma_wait3A_191 : memref<1x128x128xbf16, #tpu.memory_space<vmem>> -> memref<128x128xbf16, #tpu.memory_space<vmem>>
      %dma_wait3A_193 = arith.constant 0 : i32
      %dma_wait3A_194 = tpu.memref_slice %arg5[%add3A_92, %dma_wait3A_193] : memref<120x128xi32, #tpu.memory_space<vmem>> -> memref<1x128xi32, #tpu.memory_space<vmem>>
      %dma_wait3A_195 = tpu.memref_squeeze %dma_wait3A_194 : memref<1x128xi32, #tpu.memory_space<vmem>> -> memref<128xi32, #tpu.memory_space<vmem>>
      %dma_wait3A_196 = arith.constant 0 : i32
      %dma_wait3A_197 = arith.constant 0 : i32
      %dma_wait3A_198 = tpu.memref_slice %arg7[%dma_wait3A_196, %dma_wait3A_197] : memref<10000x128xbf16, #tpu.memory_space<vmem_shared>> -> memref<10000x128xbf16, #tpu.memory_space<vmem_shared>>
      tpu.wait_indirect_dma semaphore(%arg8 : memref<!tpu.dma_semaphore, #tpu.memory_space<semaphore_mem>>) src(%dma_wait3A_198 : memref<10000x128xbf16, #tpu.memory_space<vmem_shared>>) dst(%dma_wait3A_192 : memref<128x128xbf16, #tpu.memory_space<vmem>>)
      %dma_wait3A_199 = arith.constant 6 : i32
      %dma_wait3A_200 = arith.constant 0 : i32
      %dma_wait3A_201 = arith.constant 0 : i32
      %dma_wait3A_202 = tpu.memref_slice %arg6[%dma_wait3A_199, %dma_wait3A_200, %dma_wait3A_201] : memref<8x128x128xbf16, #tpu.memory_space<vmem>> -> memref<1x128x128xbf16, #tpu.memory_space<vmem>>
      %dma_wait3A_203 = tpu.memref_squeeze %dma_wait3A_202 : memref<1x128x128xbf16, #tpu.memory_space<vmem>> -> memref<128x128xbf16, #tpu.memory_space<vmem>>
      %dma_wait3A_204 = arith.constant 0 : i32
      %dma_wait3A_205 = tpu.memref_slice %arg5[%add3A_107, %dma_wait3A_204] : memref<120x128xi32, #tpu.memory_space<vmem>> -> memref<1x128xi32, #tpu.memory_space<vmem>>
      %dma_wait3A_206 = tpu.memref_squeeze %dma_wait3A_205 : memref<1x128xi32, #tpu.memory_space<vmem>> -> memref<128xi32, #tpu.memory_space<vmem>>
      %dma_wait3A_207 = arith.constant 0 : i32
      %dma_wait3A_208 = arith.constant 0 : i32
      %dma_wait3A_209 = tpu.memref_slice %arg7[%dma_wait3A_207, %dma_wait3A_208] : memref<10000x128xbf16, #tpu.memory_space<vmem_shared>> -> memref<10000x128xbf16, #tpu.memory_space<vmem_shared>>
      tpu.wait_indirect_dma semaphore(%arg8 : memref<!tpu.dma_semaphore, #tpu.memory_space<semaphore_mem>>) src(%dma_wait3A_209 : memref<10000x128xbf16, #tpu.memory_space<vmem_shared>>) dst(%dma_wait3A_203 : memref<128x128xbf16, #tpu.memory_space<vmem>>)
      %dma_wait3A_210 = arith.constant 7 : i32
      %dma_wait3A_211 = arith.constant 0 : i32
      %dma_wait3A_212 = arith.constant 0 : i32
      %dma_wait3A_213 = tpu.memref_slice %arg6[%dma_wait3A_210, %dma_wait3A_211, %dma_wait3A_212] : memref<8x128x128xbf16, #tpu.memory_space<vmem>> -> memref<1x128x128xbf16, #tpu.memory_space<vmem>>
      %dma_wait3A_214 = tpu.memref_squeeze %dma_wait3A_213 : memref<1x128x128xbf16, #tpu.memory_space<vmem>> -> memref<128x128xbf16, #tpu.memory_space<vmem>>
      %dma_wait3A_215 = arith.constant 0 : i32
      %dma_wait3A_216 = tpu.memref_slice %arg5[%add3A_122, %dma_wait3A_215] : memref<120x128xi32, #tpu.memory_space<vmem>> -> memref<1x128xi32, #tpu.memory_space<vmem>>
      %dma_wait3A_217 = tpu.memref_squeeze %dma_wait3A_216 : memref<1x128xi32, #tpu.memory_space<vmem>> -> memref<128xi32, #tpu.memory_space<vmem>>
      %dma_wait3A_218 = arith.constant 0 : i32
      %dma_wait3A_219 = arith.constant 0 : i32
      %dma_wait3A_220 = tpu.memref_slice %arg7[%dma_wait3A_218, %dma_wait3A_219] : memref<10000x128xbf16, #tpu.memory_space<vmem_shared>> -> memref<10000x128xbf16, #tpu.memory_space<vmem_shared>>
      tpu.wait_indirect_dma semaphore(%arg8 : memref<!tpu.dma_semaphore, #tpu.memory_space<semaphore_mem>>) src(%dma_wait3A_220 : memref<10000x128xbf16, #tpu.memory_space<vmem_shared>>) dst(%dma_wait3A_214 : memref<128x128xbf16, #tpu.memory_space<vmem>>)
      %mul3A_221 = arith.constant 8 : i32
      %mul3A_222 = arith.muli %scan3A_13, %mul3A_221 : i32
      %add3A_223 = arith.constant 0 : i32
      %add3A_224 = arith.addi %mul3A_222, %add3A_223 : i32
      %mul3A_225 = arith.constant 128 : i32
      %mul3A_226 = arith.muli %add3A_224, %mul3A_225 : i32
      %add3A_227 = arith.addi %mul3A_2, %mul3A_226 : i32
      %dma_start3A_228 = arith.constant 0 : i32
      %dma_start3A_229 = arith.constant 0 : i32
      %dma_start3A_230 = arith.constant 0 : i32
      %dma_start3A_231 = tpu.memref_slice %arg6[%dma_start3A_228, %dma_start3A_229, %dma_start3A_230] : memref<8x128x128xbf16, #tpu.memory_space<vmem>> -> memref<1x128x128xbf16, #tpu.memory_space<vmem>>
      %dma_start3A_232 = tpu.memref_squeeze %dma_start3A_231 : memref<1x128x128xbf16, #tpu.memory_space<vmem>> -> memref<128x128xbf16, #tpu.memory_space<vmem>>
      %dma_start3A_233 = arith.constant 0 : i32
      %dma_start3A_234 = tpu.memref_slice %arg4[%add3A_227, %dma_start3A_233] : memref<491520x128xbf16, #tpu.memory_space<hbm>> -> memref<128x128xbf16, #tpu.memory_space<hbm>>
      %dma_start3A_235 = arith.constant 0 : i32
      %dma_start3A_236 = tpu.memref_slice %arg4[%add3A_227, %dma_start3A_235] : memref<491520x128xbf16, #tpu.memory_space<hbm>> -> memref<128x128xbf16, #tpu.memory_space<hbm>>
      %dma_start3A_237 = arith.constant 0 : i32
      %dma_start3A_238 = arith.constant 0 : i32
      %dma_start3A_239 = tpu.memref_slice %arg6[%dma_start3A_228, %dma_start3A_237, %dma_start3A_238] : memref<8x128x128xbf16, #tpu.memory_space<vmem>> -> memref<1x128x128xbf16, #tpu.memory_space<vmem>>
      %dma_start3A_240 = tpu.memref_squeeze %dma_start3A_239 : memref<1x128x128xbf16, #tpu.memory_space<vmem>> -> memref<128x128xbf16, #tpu.memory_space<vmem>>
      tpu.enqueue_dma source(%dma_start3A_240 : memref<128x128xbf16, #tpu.memory_space<vmem>>) target(%dma_start3A_236 : memref<128x128xbf16, #tpu.memory_space<hbm>>) target_semaphore(%arg9 : memref<!tpu.dma_semaphore, #tpu.memory_space<semaphore_mem>>)
      %mul3A_241 = arith.constant 8 : i32
      %mul3A_242 = arith.muli %scan3A_13, %mul3A_241 : i32
      %add3A_243 = arith.constant 1 : i32
      %add3A_244 = arith.addi %mul3A_242, %add3A_243 : i32
      %mul3A_245 = arith.constant 128 : i32
      %mul3A_246 = arith.muli %add3A_244, %mul3A_245 : i32
      %add3A_247 = arith.addi %mul3A_2, %mul3A_246 : i32
      %dma_start3A_248 = arith.constant 1 : i32
      %dma_start3A_249 = arith.constant 0 : i32
      %dma_start3A_250 = arith.constant 0 : i32
      %dma_start3A_251 = tpu.memref_slice %arg6[%dma_start3A_248, %dma_start3A_249, %dma_start3A_250] : memref<8x128x128xbf16, #tpu.memory_space<vmem>> -> memref<1x128x128xbf16, #tpu.memory_space<vmem>>
      %dma_start3A_252 = tpu.memref_squeeze %dma_start3A_251 : memref<1x128x128xbf16, #tpu.memory_space<vmem>> -> memref<128x128xbf16, #tpu.memory_space<vmem>>
      %dma_start3A_253 = arith.constant 0 : i32
      %dma_start3A_254 = tpu.memref_slice %arg4[%add3A_247, %dma_start3A_253] : memref<491520x128xbf16, #tpu.memory_space<hbm>> -> memref<128x128xbf16, #tpu.memory_space<hbm>>
      %dma_start3A_255 = arith.constant 0 : i32
      %dma_start3A_256 = tpu.memref_slice %arg4[%add3A_247, %dma_start3A_255] : memref<491520x128xbf16, #tpu.memory_space<hbm>> -> memref<128x128xbf16, #tpu.memory_space<hbm>>
      %dma_start3A_257 = arith.constant 0 : i32
      %dma_start3A_258 = arith.constant 0 : i32
      %dma_start3A_259 = tpu.memref_slice %arg6[%dma_start3A_248, %dma_start3A_257, %dma_start3A_258] : memref<8x128x128xbf16, #tpu.memory_space<vmem>> -> memref<1x128x128xbf16, #tpu.memory_space<vmem>>
      %dma_start3A_260 = tpu.memref_squeeze %dma_start3A_259 : memref<1x128x128xbf16, #tpu.memory_space<vmem>> -> memref<128x128xbf16, #tpu.memory_space<vmem>>
      tpu.enqueue_dma source(%dma_start3A_260 : memref<128x128xbf16, #tpu.memory_space<vmem>>) target(%dma_start3A_256 : memref<128x128xbf16, #tpu.memory_space<hbm>>) target_semaphore(%arg9 : memref<!tpu.dma_semaphore, #tpu.memory_space<semaphore_mem>>)
      %mul3A_261 = arith.constant 8 : i32
      %mul3A_262 = arith.muli %scan3A_13, %mul3A_261 : i32
      %add3A_263 = arith.constant 2 : i32
      %add3A_264 = arith.addi %mul3A_262, %add3A_263 : i32
      %mul3A_265 = arith.constant 128 : i32
      %mul3A_266 = arith.muli %add3A_264, %mul3A_265 : i32
      %add3A_267 = arith.addi %mul3A_2, %mul3A_266 : i32
      %dma_start3A_268 = arith.constant 2 : i32
      %dma_start3A_269 = arith.constant 0 : i32
      %dma_start3A_270 = arith.constant 0 : i32
      %dma_start3A_271 = tpu.memref_slice %arg6[%dma_start3A_268, %dma_start3A_269, %dma_start3A_270] : memref<8x128x128xbf16, #tpu.memory_space<vmem>> -> memref<1x128x128xbf16, #tpu.memory_space<vmem>>
      %dma_start3A_272 = tpu.memref_squeeze %dma_start3A_271 : memref<1x128x128xbf16, #tpu.memory_space<vmem>> -> memref<128x128xbf16, #tpu.memory_space<vmem>>
      %dma_start3A_273 = arith.constant 0 : i32
      %dma_start3A_274 = tpu.memref_slice %arg4[%add3A_267, %dma_start3A_273] : memref<491520x128xbf16, #tpu.memory_space<hbm>> -> memref<128x128xbf16, #tpu.memory_space<hbm>>
      %dma_start3A_275 = arith.constant 0 : i32
      %dma_start3A_276 = tpu.memref_slice %arg4[%add3A_267, %dma_start3A_275] : memref<491520x128xbf16, #tpu.memory_space<hbm>> -> memref<128x128xbf16, #tpu.memory_space<hbm>>
      %dma_start3A_277 = arith.constant 0 : i32
      %dma_start3A_278 = arith.constant 0 : i32
      %dma_start3A_279 = tpu.memref_slice %arg6[%dma_start3A_268, %dma_start3A_277, %dma_start3A_278] : memref<8x128x128xbf16, #tpu.memory_space<vmem>> -> memref<1x128x128xbf16, #tpu.memory_space<vmem>>
      %dma_start3A_280 = tpu.memref_squeeze %dma_start3A_279 : memref<1x128x128xbf16, #tpu.memory_space<vmem>> -> memref<128x128xbf16, #tpu.memory_space<vmem>>
      tpu.enqueue_dma source(%dma_start3A_280 : memref<128x128xbf16, #tpu.memory_space<vmem>>) target(%dma_start3A_276 : memref<128x128xbf16, #tpu.memory_space<hbm>>) target_semaphore(%arg9 : memref<!tpu.dma_semaphore, #tpu.memory_space<semaphore_mem>>)
      %mul3A_281 = arith.constant 8 : i32
      %mul3A_282 = arith.muli %scan3A_13, %mul3A_281 : i32
      %add3A_283 = arith.constant 3 : i32
      %add3A_284 = arith.addi %mul3A_282, %add3A_283 : i32
      %mul3A_285 = arith.constant 128 : i32
      %mul3A_286 = arith.muli %add3A_284, %mul3A_285 : i32
      %add3A_287 = arith.addi %mul3A_2, %mul3A_286 : i32
      %dma_start3A_288 = arith.constant 3 : i32
      %dma_start3A_289 = arith.constant 0 : i32
      %dma_start3A_290 = arith.constant 0 : i32
      %dma_start3A_291 = tpu.memref_slice %arg6[%dma_start3A_288, %dma_start3A_289, %dma_start3A_290] : memref<8x128x128xbf16, #tpu.memory_space<vmem>> -> memref<1x128x128xbf16, #tpu.memory_space<vmem>>
      %dma_start3A_292 = tpu.memref_squeeze %dma_start3A_291 : memref<1x128x128xbf16, #tpu.memory_space<vmem>> -> memref<128x128xbf16, #tpu.memory_space<vmem>>
      %dma_start3A_293 = arith.constant 0 : i32
      %dma_start3A_294 = tpu.memref_slice %arg4[%add3A_287, %dma_start3A_293] : memref<491520x128xbf16, #tpu.memory_space<hbm>> -> memref<128x128xbf16, #tpu.memory_space<hbm>>
      %dma_start3A_295 = arith.constant 0 : i32
      %dma_start3A_296 = tpu.memref_slice %arg4[%add3A_287, %dma_start3A_295] : memref<491520x128xbf16, #tpu.memory_space<hbm>> -> memref<128x128xbf16, #tpu.memory_space<hbm>>
      %dma_start3A_297 = arith.constant 0 : i32
      %dma_start3A_298 = arith.constant 0 : i32
      %dma_start3A_299 = tpu.memref_slice %arg6[%dma_start3A_288, %dma_start3A_297, %dma_start3A_298] : memref<8x128x128xbf16, #tpu.memory_space<vmem>> -> memref<1x128x128xbf16, #tpu.memory_space<vmem>>
      %dma_start3A_300 = tpu.memref_squeeze %dma_start3A_299 : memref<1x128x128xbf16, #tpu.memory_space<vmem>> -> memref<128x128xbf16, #tpu.memory_space<vmem>>
      tpu.enqueue_dma source(%dma_start3A_300 : memref<128x128xbf16, #tpu.memory_space<vmem>>) target(%dma_start3A_296 : memref<128x128xbf16, #tpu.memory_space<hbm>>) target_semaphore(%arg9 : memref<!tpu.dma_semaphore, #tpu.memory_space<semaphore_mem>>)
      %mul3A_301 = arith.constant 8 : i32
      %mul3A_302 = arith.muli %scan3A_13, %mul3A_301 : i32
      %add3A_303 = arith.constant 4 : i32
      %add3A_304 = arith.addi %mul3A_302, %add3A_303 : i32
      %mul3A_305 = arith.constant 128 : i32
      %mul3A_306 = arith.muli %add3A_304, %mul3A_305 : i32
      %add3A_307 = arith.addi %mul3A_2, %mul3A_306 : i32
      %dma_start3A_308 = arith.constant 4 : i32
      %dma_start3A_309 = arith.constant 0 : i32
      %dma_start3A_310 = arith.constant 0 : i32
      %dma_start3A_311 = tpu.memref_slice %arg6[%dma_start3A_308, %dma_start3A_309, %dma_start3A_310] : memref<8x128x128xbf16, #tpu.memory_space<vmem>> -> memref<1x128x128xbf16, #tpu.memory_space<vmem>>
      %dma_start3A_312 = tpu.memref_squeeze %dma_start3A_311 : memref<1x128x128xbf16, #tpu.memory_space<vmem>> -> memref<128x128xbf16, #tpu.memory_space<vmem>>
      %dma_start3A_313 = arith.constant 0 : i32
      %dma_start3A_314 = tpu.memref_slice %arg4[%add3A_307, %dma_start3A_313] : memref<491520x128xbf16, #tpu.memory_space<hbm>> -> memref<128x128xbf16, #tpu.memory_space<hbm>>
      %dma_start3A_315 = arith.constant 0 : i32
      %dma_start3A_316 = tpu.memref_slice %arg4[%add3A_307, %dma_start3A_315] : memref<491520x128xbf16, #tpu.memory_space<hbm>> -> memref<128x128xbf16, #tpu.memory_space<hbm>>
      %dma_start3A_317 = arith.constant 0 : i32
      %dma_start3A_318 = arith.constant 0 : i32
      %dma_start3A_319 = tpu.memref_slice %arg6[%dma_start3A_308, %dma_start3A_317, %dma_start3A_318] : memref<8x128x128xbf16, #tpu.memory_space<vmem>> -> memref<1x128x128xbf16, #tpu.memory_space<vmem>>
      %dma_start3A_320 = tpu.memref_squeeze %dma_start3A_319 : memref<1x128x128xbf16, #tpu.memory_space<vmem>> -> memref<128x128xbf16, #tpu.memory_space<vmem>>
      tpu.enqueue_dma source(%dma_start3A_320 : memref<128x128xbf16, #tpu.memory_space<vmem>>) target(%dma_start3A_316 : memref<128x128xbf16, #tpu.memory_space<hbm>>) target_semaphore(%arg9 : memref<!tpu.dma_semaphore, #tpu.memory_space<semaphore_mem>>)
      %mul3A_321 = arith.constant 8 : i32
      %mul3A_322 = arith.muli %scan3A_13, %mul3A_321 : i32
      %add3A_323 = arith.constant 5 : i32
      %add3A_324 = arith.addi %mul3A_322, %add3A_323 : i32
      %mul3A_325 = arith.constant 128 : i32
      %mul3A_326 = arith.muli %add3A_324, %mul3A_325 : i32
      %add3A_327 = arith.addi %mul3A_2, %mul3A_326 : i32
      %dma_start3A_328 = arith.constant 5 : i32
      %dma_start3A_329 = arith.constant 0 : i32
      %dma_start3A_330 = arith.constant 0 : i32
      %dma_start3A_331 = tpu.memref_slice %arg6[%dma_start3A_328, %dma_start3A_329, %dma_start3A_330] : memref<8x128x128xbf16, #tpu.memory_space<vmem>> -> memref<1x128x128xbf16, #tpu.memory_space<vmem>>
      %dma_start3A_332 = tpu.memref_squeeze %dma_start3A_331 : memref<1x128x128xbf16, #tpu.memory_space<vmem>> -> memref<128x128xbf16, #tpu.memory_space<vmem>>
      %dma_start3A_333 = arith.constant 0 : i32
      %dma_start3A_334 = tpu.memref_slice %arg4[%add3A_327, %dma_start3A_333] : memref<491520x128xbf16, #tpu.memory_space<hbm>> -> memref<128x128xbf16, #tpu.memory_space<hbm>>
      %dma_start3A_335 = arith.constant 0 : i32
      %dma_start3A_336 = tpu.memref_slice %arg4[%add3A_327, %dma_start3A_335] : memref<491520x128xbf16, #tpu.memory_space<hbm>> -> memref<128x128xbf16, #tpu.memory_space<hbm>>
      %dma_start3A_337 = arith.constant 0 : i32
      %dma_start3A_338 = arith.constant 0 : i32
      %dma_start3A_339 = tpu.memref_slice %arg6[%dma_start3A_328, %dma_start3A_337, %dma_start3A_338] : memref<8x128x128xbf16, #tpu.memory_space<vmem>> -> memref<1x128x128xbf16, #tpu.memory_space<vmem>>
      %dma_start3A_340 = tpu.memref_squeeze %dma_start3A_339 : memref<1x128x128xbf16, #tpu.memory_space<vmem>> -> memref<128x128xbf16, #tpu.memory_space<vmem>>
      tpu.enqueue_dma source(%dma_start3A_340 : memref<128x128xbf16, #tpu.memory_space<vmem>>) target(%dma_start3A_336 : memref<128x128xbf16, #tpu.memory_space<hbm>>) target_semaphore(%arg9 : memref<!tpu.dma_semaphore, #tpu.memory_space<semaphore_mem>>)
      %mul3A_341 = arith.constant 8 : i32
      %mul3A_342 = arith.muli %scan3A_13, %mul3A_341 : i32
      %add3A_343 = arith.constant 6 : i32
      %add3A_344 = arith.addi %mul3A_342, %add3A_343 : i32
      %mul3A_345 = arith.constant 128 : i32
      %mul3A_346 = arith.muli %add3A_344, %mul3A_345 : i32
      %add3A_347 = arith.addi %mul3A_2, %mul3A_346 : i32
      %dma_start3A_348 = arith.constant 6 : i32
      %dma_start3A_349 = arith.constant 0 : i32
      %dma_start3A_350 = arith.constant 0 : i32
      %dma_start3A_351 = tpu.memref_slice %arg6[%dma_start3A_348, %dma_start3A_349, %dma_start3A_350] : memref<8x128x128xbf16, #tpu.memory_space<vmem>> -> memref<1x128x128xbf16, #tpu.memory_space<vmem>>
      %dma_start3A_352 = tpu.memref_squeeze %dma_start3A_351 : memref<1x128x128xbf16, #tpu.memory_space<vmem>> -> memref<128x128xbf16, #tpu.memory_space<vmem>>
      %dma_start3A_353 = arith.constant 0 : i32
      %dma_start3A_354 = tpu.memref_slice %arg4[%add3A_347, %dma_start3A_353] : memref<491520x128xbf16, #tpu.memory_space<hbm>> -> memref<128x128xbf16, #tpu.memory_space<hbm>>
      %dma_start3A_355 = arith.constant 0 : i32
      %dma_start3A_356 = tpu.memref_slice %arg4[%add3A_347, %dma_start3A_355] : memref<491520x128xbf16, #tpu.memory_space<hbm>> -> memref<128x128xbf16, #tpu.memory_space<hbm>>
      %dma_start3A_357 = arith.constant 0 : i32
      %dma_start3A_358 = arith.constant 0 : i32
      %dma_start3A_359 = tpu.memref_slice %arg6[%dma_start3A_348, %dma_start3A_357, %dma_start3A_358] : memref<8x128x128xbf16, #tpu.memory_space<vmem>> -> memref<1x128x128xbf16, #tpu.memory_space<vmem>>
      %dma_start3A_360 = tpu.memref_squeeze %dma_start3A_359 : memref<1x128x128xbf16, #tpu.memory_space<vmem>> -> memref<128x128xbf16, #tpu.memory_space<vmem>>
      tpu.enqueue_dma source(%dma_start3A_360 : memref<128x128xbf16, #tpu.memory_space<vmem>>) target(%dma_start3A_356 : memref<128x128xbf16, #tpu.memory_space<hbm>>) target_semaphore(%arg9 : memref<!tpu.dma_semaphore, #tpu.memory_space<semaphore_mem>>)
      %mul3A_361 = arith.constant 8 : i32
      %mul3A_362 = arith.muli %scan3A_13, %mul3A_361 : i32
      %add3A_363 = arith.constant 7 : i32
      %add3A_364 = arith.addi %mul3A_362, %add3A_363 : i32
      %mul3A_365 = arith.constant 128 : i32
      %mul3A_366 = arith.muli %add3A_364, %mul3A_365 : i32
      %add3A_367 = arith.addi %mul3A_2, %mul3A_366 : i32
      %dma_start3A_368 = arith.constant 7 : i32
      %dma_start3A_369 = arith.constant 0 : i32
      %dma_start3A_370 = arith.constant 0 : i32
      %dma_start3A_371 = tpu.memref_slice %arg6[%dma_start3A_368, %dma_start3A_369, %dma_start3A_370] : memref<8x128x128xbf16, #tpu.memory_space<vmem>> -> memref<1x128x128xbf16, #tpu.memory_space<vmem>>
      %dma_start3A_372 = tpu.memref_squeeze %dma_start3A_371 : memref<1x128x128xbf16, #tpu.memory_space<vmem>> -> memref<128x128xbf16, #tpu.memory_space<vmem>>
      %dma_start3A_373 = arith.constant 0 : i32
      %dma_start3A_374 = tpu.memref_slice %arg4[%add3A_367, %dma_start3A_373] : memref<491520x128xbf16, #tpu.memory_space<hbm>> -> memref<128x128xbf16, #tpu.memory_space<hbm>>
      %dma_start3A_375 = arith.constant 0 : i32
      %dma_start3A_376 = tpu.memref_slice %arg4[%add3A_367, %dma_start3A_375] : memref<491520x128xbf16, #tpu.memory_space<hbm>> -> memref<128x128xbf16, #tpu.memory_space<hbm>>
      %dma_start3A_377 = arith.constant 0 : i32
      %dma_start3A_378 = arith.constant 0 : i32
      %dma_start3A_379 = tpu.memref_slice %arg6[%dma_start3A_368, %dma_start3A_377, %dma_start3A_378] : memref<8x128x128xbf16, #tpu.memory_space<vmem>> -> memref<1x128x128xbf16, #tpu.memory_space<vmem>>
      %dma_start3A_380 = tpu.memref_squeeze %dma_start3A_379 : memref<1x128x128xbf16, #tpu.memory_space<vmem>> -> memref<128x128xbf16, #tpu.memory_space<vmem>>
      tpu.enqueue_dma source(%dma_start3A_380 : memref<128x128xbf16, #tpu.memory_space<vmem>>) target(%dma_start3A_376 : memref<128x128xbf16, #tpu.memory_space<hbm>>) target_semaphore(%arg9 : memref<!tpu.dma_semaphore, #tpu.memory_space<semaphore_mem>>)
      %dma_wait3A_381 = arith.constant 0 : i32
      %dma_wait3A_382 = arith.constant 0 : i32
      %dma_wait3A_383 = arith.constant 0 : i32
      %dma_wait3A_384 = tpu.memref_slice %arg6[%dma_wait3A_381, %dma_wait3A_382, %dma_wait3A_383] : memref<8x128x128xbf16, #tpu.memory_space<vmem>> -> memref<1x128x128xbf16, #tpu.memory_space<vmem>>
      %dma_wait3A_385 = tpu.memref_squeeze %dma_wait3A_384 : memref<1x128x128xbf16, #tpu.memory_space<vmem>> -> memref<128x128xbf16, #tpu.memory_space<vmem>>
      %dma_wait3A_386 = arith.constant 0 : i32
      %dma_wait3A_387 = tpu.memref_slice %arg4[%add3A_227, %dma_wait3A_386] : memref<491520x128xbf16, #tpu.memory_space<hbm>> -> memref<128x128xbf16, #tpu.memory_space<hbm>>
      %dma_wait3A_388 = arith.constant 0 : i32
      %dma_wait3A_389 = tpu.memref_slice %arg4[%add3A_227, %dma_wait3A_388] : memref<491520x128xbf16, #tpu.memory_space<hbm>> -> memref<128x128xbf16, #tpu.memory_space<hbm>>
      %dma_wait3A_390 = arith.constant 0 : i32
      %dma_wait3A_391 = arith.constant 0 : i32
      %dma_wait3A_392 = tpu.memref_slice %arg6[%dma_wait3A_381, %dma_wait3A_390, %dma_wait3A_391] : memref<8x128x128xbf16, #tpu.memory_space<vmem>> -> memref<1x128x128xbf16, #tpu.memory_space<vmem>>
      %dma_wait3A_393 = tpu.memref_squeeze %dma_wait3A_392 : memref<1x128x128xbf16, #tpu.memory_space<vmem>> -> memref<128x128xbf16, #tpu.memory_space<vmem>>
      tpu.wait_dma2 semaphore(%arg9 : memref<!tpu.dma_semaphore, #tpu.memory_space<semaphore_mem>>) src(%dma_wait3A_393 : memref<128x128xbf16, #tpu.memory_space<vmem>>) dst(%dma_wait3A_389 : memref<128x128xbf16, #tpu.memory_space<hbm>>)
      %dma_wait3A_394 = arith.constant 1 : i32
      %dma_wait3A_395 = arith.constant 0 : i32
      %dma_wait3A_396 = arith.constant 0 : i32
      %dma_wait3A_397 = tpu.memref_slice %arg6[%dma_wait3A_394, %dma_wait3A_395, %dma_wait3A_396] : memref<8x128x128xbf16, #tpu.memory_space<vmem>> -> memref<1x128x128xbf16, #tpu.memory_space<vmem>>
      %dma_wait3A_398 = tpu.memref_squeeze %dma_wait3A_397 : memref<1x128x128xbf16, #tpu.memory_space<vmem>> -> memref<128x128xbf16, #tpu.memory_space<vmem>>
      %dma_wait3A_399 = arith.constant 0 : i32
      %dma_wait3A_400 = tpu.memref_slice %arg4[%add3A_247, %dma_wait3A_399] : memref<491520x128xbf16, #tpu.memory_space<hbm>> -> memref<128x128xbf16, #tpu.memory_space<hbm>>
      %dma_wait3A_401 = arith.constant 0 : i32
      %dma_wait3A_402 = tpu.memref_slice %arg4[%add3A_247, %dma_wait3A_401] : memref<491520x128xbf16, #tpu.memory_space<hbm>> -> memref<128x128xbf16, #tpu.memory_space<hbm>>
      %dma_wait3A_403 = arith.constant 0 : i32
      %dma_wait3A_404 = arith.constant 0 : i32
      %dma_wait3A_405 = tpu.memref_slice %arg6[%dma_wait3A_394, %dma_wait3A_403, %dma_wait3A_404] : memref<8x128x128xbf16, #tpu.memory_space<vmem>> -> memref<1x128x128xbf16, #tpu.memory_space<vmem>>
      %dma_wait3A_406 = tpu.memref_squeeze %dma_wait3A_405 : memref<1x128x128xbf16, #tpu.memory_space<vmem>> -> memref<128x128xbf16, #tpu.memory_space<vmem>>
      tpu.wait_dma2 semaphore(%arg9 : memref<!tpu.dma_semaphore, #tpu.memory_space<semaphore_mem>>) src(%dma_wait3A_406 : memref<128x128xbf16, #tpu.memory_space<vmem>>) dst(%dma_wait3A_402 : memref<128x128xbf16, #tpu.memory_space<hbm>>)
      %dma_wait3A_407 = arith.constant 2 : i32
      %dma_wait3A_408 = arith.constant 0 : i32
      %dma_wait3A_409 = arith.constant 0 : i32
      %dma_wait3A_410 = tpu.memref_slice %arg6[%dma_wait3A_407, %dma_wait3A_408, %dma_wait3A_409] : memref<8x128x128xbf16, #tpu.memory_space<vmem>> -> memref<1x128x128xbf16, #tpu.memory_space<vmem>>
      %dma_wait3A_411 = tpu.memref_squeeze %dma_wait3A_410 : memref<1x128x128xbf16, #tpu.memory_space<vmem>> -> memref<128x128xbf16, #tpu.memory_space<vmem>>
      %dma_wait3A_412 = arith.constant 0 : i32
      %dma_wait3A_413 = tpu.memref_slice %arg4[%add3A_267, %dma_wait3A_412] : memref<491520x128xbf16, #tpu.memory_space<hbm>> -> memref<128x128xbf16, #tpu.memory_space<hbm>>
      %dma_wait3A_414 = arith.constant 0 : i32
      %dma_wait3A_415 = tpu.memref_slice %arg4[%add3A_267, %dma_wait3A_414] : memref<491520x128xbf16, #tpu.memory_space<hbm>> -> memref<128x128xbf16, #tpu.memory_space<hbm>>
      %dma_wait3A_416 = arith.constant 0 : i32
      %dma_wait3A_417 = arith.constant 0 : i32
      %dma_wait3A_418 = tpu.memref_slice %arg6[%dma_wait3A_407, %dma_wait3A_416, %dma_wait3A_417] : memref<8x128x128xbf16, #tpu.memory_space<vmem>> -> memref<1x128x128xbf16, #tpu.memory_space<vmem>>
      %dma_wait3A_419 = tpu.memref_squeeze %dma_wait3A_418 : memref<1x128x128xbf16, #tpu.memory_space<vmem>> -> memref<128x128xbf16, #tpu.memory_space<vmem>>
      tpu.wait_dma2 semaphore(%arg9 : memref<!tpu.dma_semaphore, #tpu.memory_space<semaphore_mem>>) src(%dma_wait3A_419 : memref<128x128xbf16, #tpu.memory_space<vmem>>) dst(%dma_wait3A_415 : memref<128x128xbf16, #tpu.memory_space<hbm>>)
      %dma_wait3A_420 = arith.constant 3 : i32
      %dma_wait3A_421 = arith.constant 0 : i32
      %dma_wait3A_422 = arith.constant 0 : i32
      %dma_wait3A_423 = tpu.memref_slice %arg6[%dma_wait3A_420, %dma_wait3A_421, %dma_wait3A_422] : memref<8x128x128xbf16, #tpu.memory_space<vmem>> -> memref<1x128x128xbf16, #tpu.memory_space<vmem>>
      %dma_wait3A_424 = tpu.memref_squeeze %dma_wait3A_423 : memref<1x128x128xbf16, #tpu.memory_space<vmem>> -> memref<128x128xbf16, #tpu.memory_space<vmem>>
      %dma_wait3A_425 = arith.constant 0 : i32
      %dma_wait3A_426 = tpu.memref_slice %arg4[%add3A_287, %dma_wait3A_425] : memref<491520x128xbf16, #tpu.memory_space<hbm>> -> memref<128x128xbf16, #tpu.memory_space<hbm>>
      %dma_wait3A_427 = arith.constant 0 : i32
      %dma_wait3A_428 = tpu.memref_slice %arg4[%add3A_287, %dma_wait3A_427] : memref<491520x128xbf16, #tpu.memory_space<hbm>> -> memref<128x128xbf16, #tpu.memory_space<hbm>>
      %dma_wait3A_429 = arith.constant 0 : i32
      %dma_wait3A_430 = arith.constant 0 : i32
      %dma_wait3A_431 = tpu.memref_slice %arg6[%dma_wait3A_420, %dma_wait3A_429, %dma_wait3A_430] : memref<8x128x128xbf16, #tpu.memory_space<vmem>> -> memref<1x128x128xbf16, #tpu.memory_space<vmem>>
      %dma_wait3A_432 = tpu.memref_squeeze %dma_wait3A_431 : memref<1x128x128xbf16, #tpu.memory_space<vmem>> -> memref<128x128xbf16, #tpu.memory_space<vmem>>
      tpu.wait_dma2 semaphore(%arg9 : memref<!tpu.dma_semaphore, #tpu.memory_space<semaphore_mem>>) src(%dma_wait3A_432 : memref<128x128xbf16, #tpu.memory_space<vmem>>) dst(%dma_wait3A_428 : memref<128x128xbf16, #tpu.memory_space<hbm>>)
      %dma_wait3A_433 = arith.constant 4 : i32
      %dma_wait3A_434 = arith.constant 0 : i32
      %dma_wait3A_435 = arith.constant 0 : i32
      %dma_wait3A_436 = tpu.memref_slice %arg6[%dma_wait3A_433, %dma_wait3A_434, %dma_wait3A_435] : memref<8x128x128xbf16, #tpu.memory_space<vmem>> -> memref<1x128x128xbf16, #tpu.memory_space<vmem>>
      %dma_wait3A_437 = tpu.memref_squeeze %dma_wait3A_436 : memref<1x128x128xbf16, #tpu.memory_space<vmem>> -> memref<128x128xbf16, #tpu.memory_space<vmem>>
      %dma_wait3A_438 = arith.constant 0 : i32
      %dma_wait3A_439 = tpu.memref_slice %arg4[%add3A_307, %dma_wait3A_438] : memref<491520x128xbf16, #tpu.memory_space<hbm>> -> memref<128x128xbf16, #tpu.memory_space<hbm>>
      %dma_wait3A_440 = arith.constant 0 : i32
      %dma_wait3A_441 = tpu.memref_slice %arg4[%add3A_307, %dma_wait3A_440] : memref<491520x128xbf16, #tpu.memory_space<hbm>> -> memref<128x128xbf16, #tpu.memory_space<hbm>>
      %dma_wait3A_442 = arith.constant 0 : i32
      %dma_wait3A_443 = arith.constant 0 : i32
      %dma_wait3A_444 = tpu.memref_slice %arg6[%dma_wait3A_433, %dma_wait3A_442, %dma_wait3A_443] : memref<8x128x128xbf16, #tpu.memory_space<vmem>> -> memref<1x128x128xbf16, #tpu.memory_space<vmem>>
      %dma_wait3A_445 = tpu.memref_squeeze %dma_wait3A_444 : memref<1x128x128xbf16, #tpu.memory_space<vmem>> -> memref<128x128xbf16, #tpu.memory_space<vmem>>
      tpu.wait_dma2 semaphore(%arg9 : memref<!tpu.dma_semaphore, #tpu.memory_space<semaphore_mem>>) src(%dma_wait3A_445 : memref<128x128xbf16, #tpu.memory_space<vmem>>) dst(%dma_wait3A_441 : memref<128x128xbf16, #tpu.memory_space<hbm>>)
      %dma_wait3A_446 = arith.constant 5 : i32
      %dma_wait3A_447 = arith.constant 0 : i32
      %dma_wait3A_448 = arith.constant 0 : i32
      %dma_wait3A_449 = tpu.memref_slice %arg6[%dma_wait3A_446, %dma_wait3A_447, %dma_wait3A_448] : memref<8x128x128xbf16, #tpu.memory_space<vmem>> -> memref<1x128x128xbf16, #tpu.memory_space<vmem>>
      %dma_wait3A_450 = tpu.memref_squeeze %dma_wait3A_449 : memref<1x128x128xbf16, #tpu.memory_space<vmem>> -> memref<128x128xbf16, #tpu.memory_space<vmem>>
      %dma_wait3A_451 = arith.constant 0 : i32
      %dma_wait3A_452 = tpu.memref_slice %arg4[%add3A_327, %dma_wait3A_451] : memref<491520x128xbf16, #tpu.memory_space<hbm>> -> memref<128x128xbf16, #tpu.memory_space<hbm>>
      %dma_wait3A_453 = arith.constant 0 : i32
      %dma_wait3A_454 = tpu.memref_slice %arg4[%add3A_327, %dma_wait3A_453] : memref<491520x128xbf16, #tpu.memory_space<hbm>> -> memref<128x128xbf16, #tpu.memory_space<hbm>>
      %dma_wait3A_455 = arith.constant 0 : i32
      %dma_wait3A_456 = arith.constant 0 : i32
      %dma_wait3A_457 = tpu.memref_slice %arg6[%dma_wait3A_446, %dma_wait3A_455, %dma_wait3A_456] : memref<8x128x128xbf16, #tpu.memory_space<vmem>> -> memref<1x128x128xbf16, #tpu.memory_space<vmem>>
      %dma_wait3A_458 = tpu.memref_squeeze %dma_wait3A_457 : memref<1x128x128xbf16, #tpu.memory_space<vmem>> -> memref<128x128xbf16, #tpu.memory_space<vmem>>
      tpu.wait_dma2 semaphore(%arg9 : memref<!tpu.dma_semaphore, #tpu.memory_space<semaphore_mem>>) src(%dma_wait3A_458 : memref<128x128xbf16, #tpu.memory_space<vmem>>) dst(%dma_wait3A_454 : memref<128x128xbf16, #tpu.memory_space<hbm>>)
      %dma_wait3A_459 = arith.constant 6 : i32
      %dma_wait3A_460 = arith.constant 0 : i32
      %dma_wait3A_461 = arith.constant 0 : i32
      %dma_wait3A_462 = tpu.memref_slice %arg6[%dma_wait3A_459, %dma_wait3A_460, %dma_wait3A_461] : memref<8x128x128xbf16, #tpu.memory_space<vmem>> -> memref<1x128x128xbf16, #tpu.memory_space<vmem>>
      %dma_wait3A_463 = tpu.memref_squeeze %dma_wait3A_462 : memref<1x128x128xbf16, #tpu.memory_space<vmem>> -> memref<128x128xbf16, #tpu.memory_space<vmem>>
      %dma_wait3A_464 = arith.constant 0 : i32
      %dma_wait3A_465 = tpu.memref_slice %arg4[%add3A_347, %dma_wait3A_464] : memref<491520x128xbf16, #tpu.memory_space<hbm>> -> memref<128x128xbf16, #tpu.memory_space<hbm>>
      %dma_wait3A_466 = arith.constant 0 : i32
      %dma_wait3A_467 = tpu.memref_slice %arg4[%add3A_347, %dma_wait3A_466] : memref<491520x128xbf16, #tpu.memory_space<hbm>> -> memref<128x128xbf16, #tpu.memory_space<hbm>>
      %dma_wait3A_468 = arith.constant 0 : i32
      %dma_wait3A_469 = arith.constant 0 : i32
      %dma_wait3A_470 = tpu.memref_slice %arg6[%dma_wait3A_459, %dma_wait3A_468, %dma_wait3A_469] : memref<8x128x128xbf16, #tpu.memory_space<vmem>> -> memref<1x128x128xbf16, #tpu.memory_space<vmem>>
      %dma_wait3A_471 = tpu.memref_squeeze %dma_wait3A_470 : memref<1x128x128xbf16, #tpu.memory_space<vmem>> -> memref<128x128xbf16, #tpu.memory_space<vmem>>
      tpu.wait_dma2 semaphore(%arg9 : memref<!tpu.dma_semaphore, #tpu.memory_space<semaphore_mem>>) src(%dma_wait3A_471 : memref<128x128xbf16, #tpu.memory_space<vmem>>) dst(%dma_wait3A_467 : memref<128x128xbf16, #tpu.memory_space<hbm>>)
      %dma_wait3A_472 = arith.constant 7 : i32
      %dma_wait3A_473 = arith.constant 0 : i32
      %dma_wait3A_474 = arith.constant 0 : i32
      %dma_wait3A_475 = tpu.memref_slice %arg6[%dma_wait3A_472, %dma_wait3A_473, %dma_wait3A_474] : memref<8x128x128xbf16, #tpu.memory_space<vmem>> -> memref<1x128x128xbf16, #tpu.memory_space<vmem>>
      %dma_wait3A_476 = tpu.memref_squeeze %dma_wait3A_475 : memref<1x128x128xbf16, #tpu.memory_space<vmem>> -> memref<128x128xbf16, #tpu.memory_space<vmem>>
      %dma_wait3A_477 = arith.constant 0 : i32
      %dma_wait3A_478 = tpu.memref_slice %arg4[%add3A_367, %dma_wait3A_477] : memref<491520x128xbf16, #tpu.memory_space<hbm>> -> memref<128x128xbf16, #tpu.memory_space<hbm>>
      %dma_wait3A_479 = arith.constant 0 : i32
      %dma_wait3A_480 = tpu.memref_slice %arg4[%add3A_367, %dma_wait3A_479] : memref<491520x128xbf16, #tpu.memory_space<hbm>> -> memref<128x128xbf16, #tpu.memory_space<hbm>>
      %dma_wait3A_481 = arith.constant 0 : i32
      %dma_wait3A_482 = arith.constant 0 : i32
      %dma_wait3A_483 = tpu.memref_slice %arg6[%dma_wait3A_472, %dma_wait3A_481, %dma_wait3A_482] : memref<8x128x128xbf16, #tpu.memory_space<vmem>> -> memref<1x128x128xbf16, #tpu.memory_space<vmem>>
      %dma_wait3A_484 = tpu.memref_squeeze %dma_wait3A_483 : memref<1x128x128xbf16, #tpu.memory_space<vmem>> -> memref<128x128xbf16, #tpu.memory_space<vmem>>
      tpu.wait_dma2 semaphore(%arg9 : memref<!tpu.dma_semaphore, #tpu.memory_space<semaphore_mem>>) src(%dma_wait3A_484 : memref<128x128xbf16, #tpu.memory_space<vmem>>) dst(%dma_wait3A_480 : memref<128x128xbf16, #tpu.memory_space<hbm>>)
      %scan3A_485 = arith.constant 0 : i32
      scf.yield %scan3A_485 : i32
    }
    %scan3A_12 = arith.constant 15 : i32
    return
  }
}

#map = affine_map<(d0, d1) -> (0, 0)>
#map1 = affine_map<(d0, d1) -> (0, 0, 0)>
module attributes {stable_mosaic.version = 14 : i64} {
  func.func @k(%arg0: i32, %arg1: i32, %arg2: memref<163840x192xf32, #tpu.memory_space<hbm>>, %arg3: memref<16x80x128xi32, #tpu.memory_space<hbm>>, %arg4: memref<10240x96xf32, #tpu.memory_space<hbm>>, %arg5: memref<10240x192xf32, #tpu.memory_space<hbm>>, %arg6: memref<80x128xi32, #tpu.memory_space<vmem>>, %arg7: memref<2x2x128x96xf32, #tpu.memory_space<vmem>>, %arg8: memref<10240x96xf32, #tpu.memory_space<vmem_shared>>, %arg9: memref<!tpu.dma_semaphore, #tpu.memory_space<semaphore_mem>>, %arg10: memref<!tpu.dma_semaphore, #tpu.memory_space<semaphore_mem>>) attributes {dimension_semantics = [#tpu.dimension_semantics<core_parallel>, #tpu.dimension_semantics<subcore_parallel>], iteration_bounds = array<i64: 2, 16>, scalar_prefetch = 0 : i64, scratch_operands = 5 : i64, tpu.core_type = #tpu.core_type<sc_vector_subcore>, window_params = [{transform_indices = #map}, {transform_indices = #map1}, {transform_indices = #map}, {transform_indices = #map}]} {
    %mul3A = arith.constant 96 : i32
    %mul3A_0 = arith.muli %arg0, %mul3A : i32
    %mul3A_1 = arith.constant 640 : i32
    %mul3A_2 = arith.muli %arg1, %mul3A_1 : i32
    %mul3A_3 = arith.constant 640 : i32
    %mul3A_4 = arith.muli %arg1, %mul3A_3 : i32
    "tpu.region"() ({
      %run_scoped3A = tpu.sem_alloc : memref<!tpu.dma_semaphore, #tpu.memory_space<semaphore_mem>>
      %dma_start3A_75 = arith.constant 0 : i32
      %dma_start3A_76 = tpu.memref_slice %arg8[%mul3A_4, %dma_start3A_75] : memref<10240x96xf32, #tpu.memory_space<vmem_shared>> -> memref<640x96xf32, #tpu.memory_space<vmem_shared>>
      %dma_start3A_77 = arith.constant 0 : i32
      %dma_start3A_78 = tpu.memref_slice %arg4[%mul3A_2, %dma_start3A_77] : memref<10240x96xf32, #tpu.memory_space<hbm>> -> memref<640x96xf32, #tpu.memory_space<hbm>>
      tpu.enqueue_dma source(%dma_start3A_78 : memref<640x96xf32, #tpu.memory_space<hbm>>) target(%dma_start3A_76 : memref<640x96xf32, #tpu.memory_space<vmem_shared>>) target_semaphore(%run_scoped3A : memref<!tpu.dma_semaphore, #tpu.memory_space<semaphore_mem>>)
      %dma_wait3A_79 = arith.constant 0 : i32
      %dma_wait3A_80 = tpu.memref_slice %arg8[%mul3A_4, %dma_wait3A_79] : memref<10240x96xf32, #tpu.memory_space<vmem_shared>> -> memref<640x96xf32, #tpu.memory_space<vmem_shared>>
      %dma_wait3A_81 = arith.constant 0 : i32
      %dma_wait3A_82 = tpu.memref_slice %arg4[%mul3A_2, %dma_wait3A_81] : memref<10240x96xf32, #tpu.memory_space<hbm>> -> memref<640x96xf32, #tpu.memory_space<hbm>>
      tpu.wait_dma2 semaphore(%run_scoped3A : memref<!tpu.dma_semaphore, #tpu.memory_space<semaphore_mem>>) src(%dma_wait3A_82 : memref<640x96xf32, #tpu.memory_space<hbm>>) dst(%dma_wait3A_80 : memref<640x96xf32, #tpu.memory_space<vmem_shared>>)
      tpu.yield
    }) : () -> ()
    "tpu.region"() ({
      %run_scoped3A = tpu.sem_alloc : memref<!tpu.dma_semaphore, #tpu.memory_space<semaphore_mem>>
      %dma_start3A_75 = arith.constant 0 : i32
      %dma_start3A_76 = arith.constant 0 : i32
      %dma_start3A_77 = tpu.memref_slice %arg3[%arg1, %dma_start3A_75, %dma_start3A_76] : memref<16x80x128xi32, #tpu.memory_space<hbm>> -> memref<1x80x128xi32, #tpu.memory_space<hbm>>
      %dma_start3A_78 = tpu.memref_squeeze %dma_start3A_77 : memref<1x80x128xi32, #tpu.memory_space<hbm>> -> memref<80x128xi32, #tpu.memory_space<hbm>>
      %dma_start3A_79 = arith.constant 0 : i32
      %dma_start3A_80 = arith.constant 0 : i32
      %dma_start3A_81 = tpu.memref_slice %arg3[%arg1, %dma_start3A_79, %dma_start3A_80] : memref<16x80x128xi32, #tpu.memory_space<hbm>> -> memref<1x80x128xi32, #tpu.memory_space<hbm>>
      %dma_start3A_82 = tpu.memref_squeeze %dma_start3A_81 : memref<1x80x128xi32, #tpu.memory_space<hbm>> -> memref<80x128xi32, #tpu.memory_space<hbm>>
      tpu.enqueue_dma source(%dma_start3A_82 : memref<80x128xi32, #tpu.memory_space<hbm>>) target(%arg6 : memref<80x128xi32, #tpu.memory_space<vmem>>) target_semaphore(%run_scoped3A : memref<!tpu.dma_semaphore, #tpu.memory_space<semaphore_mem>>)
      %dma_wait3A_83 = arith.constant 0 : i32
      %dma_wait3A_84 = arith.constant 0 : i32
      %dma_wait3A_85 = tpu.memref_slice %arg3[%arg1, %dma_wait3A_83, %dma_wait3A_84] : memref<16x80x128xi32, #tpu.memory_space<hbm>> -> memref<1x80x128xi32, #tpu.memory_space<hbm>>
      %dma_wait3A_86 = tpu.memref_squeeze %dma_wait3A_85 : memref<1x80x128xi32, #tpu.memory_space<hbm>> -> memref<80x128xi32, #tpu.memory_space<hbm>>
      %dma_wait3A_87 = arith.constant 0 : i32
      %dma_wait3A_88 = arith.constant 0 : i32
      %dma_wait3A_89 = tpu.memref_slice %arg3[%arg1, %dma_wait3A_87, %dma_wait3A_88] : memref<16x80x128xi32, #tpu.memory_space<hbm>> -> memref<1x80x128xi32, #tpu.memory_space<hbm>>
      %dma_wait3A_90 = tpu.memref_squeeze %dma_wait3A_89 : memref<1x80x128xi32, #tpu.memory_space<hbm>> -> memref<80x128xi32, #tpu.memory_space<hbm>>
      tpu.wait_dma2 semaphore(%run_scoped3A : memref<!tpu.dma_semaphore, #tpu.memory_space<semaphore_mem>>) src(%dma_wait3A_90 : memref<80x128xi32, #tpu.memory_space<hbm>>) dst(%arg6 : memref<80x128xi32, #tpu.memory_space<vmem>>)
      tpu.yield
    }) : () -> ()
    %barrier3A = arith.constant 0 : index
    tpu.barrier barrier_id(%barrier3A)
    %mul3A_5 = arith.constant 10240 : i32
    %mul3A_6 = arith.muli %arg1, %mul3A_5 : i32
    %add3A = arith.constant 0 : i32
    %add3A_7 = arith.addi %mul3A_6, %add3A : i32
    %dma_start3A = arith.constant 0 : i32
    %dma_start3A_8 = arith.constant 0 : i32
    %dma_start3A_9 = arith.constant 0 : i32
    %dma_start3A_10 = arith.constant 0 : i32
    %dma_start3A_11 = tpu.memref_slice %arg7[%dma_start3A, %dma_start3A_8, %dma_start3A_9, %dma_start3A_10] : memref<2x2x128x96xf32, #tpu.memory_space<vmem>> -> memref<1x1x128x96xf32, #tpu.memory_space<vmem>>
    %dma_start3A_12 = tpu.memref_squeeze %dma_start3A_11 : memref<1x1x128x96xf32, #tpu.memory_space<vmem>> -> memref<128x96xf32, #tpu.memory_space<vmem>>
    %dma_start3A_13 = tpu.memref_slice %arg2[%add3A_7, %mul3A_0] : memref<163840x192xf32, #tpu.memory_space<hbm>> -> memref<128x96xf32, #tpu.memory_space<hbm>>
    %dma_start3A_14 = arith.constant 0 : i32
    %dma_start3A_15 = arith.constant 0 : i32
    %dma_start3A_16 = tpu.memref_slice %arg7[%dma_start3A, %dma_start3A_8, %dma_start3A_14, %dma_start3A_15] : memref<2x2x128x96xf32, #tpu.memory_space<vmem>> -> memref<1x1x128x96xf32, #tpu.memory_space<vmem>>
    %dma_start3A_17 = tpu.memref_squeeze %dma_start3A_16 : memref<1x1x128x96xf32, #tpu.memory_space<vmem>> -> memref<128x96xf32, #tpu.memory_space<vmem>>
    %dma_start3A_18 = tpu.memref_slice %arg2[%add3A_7, %mul3A_0] : memref<163840x192xf32, #tpu.memory_space<hbm>> -> memref<128x96xf32, #tpu.memory_space<hbm>>
    tpu.enqueue_dma source(%dma_start3A_18 : memref<128x96xf32, #tpu.memory_space<hbm>>) target(%dma_start3A_17 : memref<128x96xf32, #tpu.memory_space<vmem>>) target_semaphore(%arg9 : memref<!tpu.dma_semaphore, #tpu.memory_space<semaphore_mem>>)
    %add3A_19 = arith.constant 128 : i32
    %add3A_20 = arith.addi %mul3A_6, %add3A_19 : i32
    %dma_start3A_21 = arith.constant 0 : i32
    %dma_start3A_22 = arith.constant 1 : i32
    %dma_start3A_23 = arith.constant 0 : i32
    %dma_start3A_24 = arith.constant 0 : i32
    %dma_start3A_25 = tpu.memref_slice %arg7[%dma_start3A_21, %dma_start3A_22, %dma_start3A_23, %dma_start3A_24] : memref<2x2x128x96xf32, #tpu.memory_space<vmem>> -> memref<1x1x128x96xf32, #tpu.memory_space<vmem>>
    %dma_start3A_26 = tpu.memref_squeeze %dma_start3A_25 : memref<1x1x128x96xf32, #tpu.memory_space<vmem>> -> memref<128x96xf32, #tpu.memory_space<vmem>>
    %dma_start3A_27 = tpu.memref_slice %arg2[%add3A_20, %mul3A_0] : memref<163840x192xf32, #tpu.memory_space<hbm>> -> memref<128x96xf32, #tpu.memory_space<hbm>>
    %dma_start3A_28 = arith.constant 0 : i32
    %dma_start3A_29 = arith.constant 0 : i32
    %dma_start3A_30 = tpu.memref_slice %arg7[%dma_start3A_21, %dma_start3A_22, %dma_start3A_28, %dma_start3A_29] : memref<2x2x128x96xf32, #tpu.memory_space<vmem>> -> memref<1x1x128x96xf32, #tpu.memory_space<vmem>>
    %dma_start3A_31 = tpu.memref_squeeze %dma_start3A_30 : memref<1x1x128x96xf32, #tpu.memory_space<vmem>> -> memref<128x96xf32, #tpu.memory_space<vmem>>
    %dma_start3A_32 = tpu.memref_slice %arg2[%add3A_20, %mul3A_0] : memref<163840x192xf32, #tpu.memory_space<hbm>> -> memref<128x96xf32, #tpu.memory_space<hbm>>
    tpu.enqueue_dma source(%dma_start3A_32 : memref<128x96xf32, #tpu.memory_space<hbm>>) target(%dma_start3A_31 : memref<128x96xf32, #tpu.memory_space<vmem>>) target_semaphore(%arg9 : memref<!tpu.dma_semaphore, #tpu.memory_space<semaphore_mem>>)
    %scan3A = arith.constant 0 : i32
    %scan3A_33 = arith.constant 0 : i32
    %scan3A_34 = arith.constant 40 : i32
    %scan3A_35 = arith.addi %scan3A_33, %scan3A_34 : i32
    %scan3A_36 = arith.constant 1 : i32
    %scan3A_37 = scf.for %scan3A_75 = %scan3A_33 to %scan3A_35 step %scan3A_36 iter_args(%scan3A_76 = %scan3A) -> (i32)  : i32 {
      %rem3A = arith.constant 2 : i32
      %rem3A_77 = arith.remsi %scan3A_75, %rem3A : i32
      %dma_wait3A_78 = arith.constant 0 : i32
      %dma_wait3A_79 = arith.constant 0 : i32
      %dma_wait3A_80 = arith.constant 0 : i32
      %dma_wait3A_81 = arith.constant 0 : i32
      %dma_wait3A_82 = tpu.memref_slice %arg7[%dma_wait3A_78, %dma_wait3A_79, %dma_wait3A_80, %dma_wait3A_81] : memref<2x2x128x96xf32, #tpu.memory_space<vmem>> -> memref<1x1x128x96xf32, #tpu.memory_space<vmem>>
      %dma_wait3A_83 = tpu.memref_squeeze %dma_wait3A_82 : memref<1x1x128x96xf32, #tpu.memory_space<vmem>> -> memref<128x96xf32, #tpu.memory_space<vmem>>
      %dma_wait3A_84 = arith.constant 0 : i32
      %dma_wait3A_85 = arith.constant 0 : i32
      %dma_wait3A_86 = tpu.memref_slice %arg8[%dma_wait3A_84, %dma_wait3A_85] : memref<10240x96xf32, #tpu.memory_space<vmem_shared>> -> memref<128x96xf32, #tpu.memory_space<vmem_shared>>
      %dma_wait3A_87 = arith.constant 0 : i32
      %dma_wait3A_88 = arith.constant 0 : i32
      %dma_wait3A_89 = tpu.memref_slice %arg8[%dma_wait3A_87, %dma_wait3A_88] : memref<10240x96xf32, #tpu.memory_space<vmem_shared>> -> memref<128x96xf32, #tpu.memory_space<vmem_shared>>
      %dma_wait3A_90 = arith.constant 0 : i32
      %dma_wait3A_91 = arith.constant 0 : i32
      %dma_wait3A_92 = tpu.memref_slice %arg7[%dma_wait3A_78, %dma_wait3A_79, %dma_wait3A_90, %dma_wait3A_91] : memref<2x2x128x96xf32, #tpu.memory_space<vmem>> -> memref<1x1x128x96xf32, #tpu.memory_space<vmem>>
      %dma_wait3A_93 = tpu.memref_squeeze %dma_wait3A_92 : memref<1x1x128x96xf32, #tpu.memory_space<vmem>> -> memref<128x96xf32, #tpu.memory_space<vmem>>
      tpu.wait_dma2 semaphore(%arg9 : memref<!tpu.dma_semaphore, #tpu.memory_space<semaphore_mem>>) src(%dma_wait3A_93 : memref<128x96xf32, #tpu.memory_space<vmem>>) dst(%dma_wait3A_89 : memref<128x96xf32, #tpu.memory_space<vmem_shared>>)
      %dma_wait3A_94 = arith.constant 0 : i32
      %dma_wait3A_95 = arith.constant 0 : i32
      %dma_wait3A_96 = arith.constant 0 : i32
      %dma_wait3A_97 = arith.constant 0 : i32
      %dma_wait3A_98 = tpu.memref_slice %arg7[%dma_wait3A_94, %dma_wait3A_95, %dma_wait3A_96, %dma_wait3A_97] : memref<2x2x128x96xf32, #tpu.memory_space<vmem>> -> memref<1x1x128x96xf32, #tpu.memory_space<vmem>>
      %dma_wait3A_99 = tpu.memref_squeeze %dma_wait3A_98 : memref<1x1x128x96xf32, #tpu.memory_space<vmem>> -> memref<128x96xf32, #tpu.memory_space<vmem>>
      %dma_wait3A_100 = arith.constant 0 : i32
      %dma_wait3A_101 = arith.constant 0 : i32
      %dma_wait3A_102 = tpu.memref_slice %arg8[%dma_wait3A_100, %dma_wait3A_101] : memref<10240x96xf32, #tpu.memory_space<vmem_shared>> -> memref<128x96xf32, #tpu.memory_space<vmem_shared>>
      %dma_wait3A_103 = arith.constant 0 : i32
      %dma_wait3A_104 = arith.constant 0 : i32
      %dma_wait3A_105 = tpu.memref_slice %arg8[%dma_wait3A_103, %dma_wait3A_104] : memref<10240x96xf32, #tpu.memory_space<vmem_shared>> -> memref<128x96xf32, #tpu.memory_space<vmem_shared>>
      %dma_wait3A_106 = arith.constant 0 : i32
      %dma_wait3A_107 = arith.constant 0 : i32
      %dma_wait3A_108 = tpu.memref_slice %arg7[%dma_wait3A_94, %dma_wait3A_95, %dma_wait3A_106, %dma_wait3A_107] : memref<2x2x128x96xf32, #tpu.memory_space<vmem>> -> memref<1x1x128x96xf32, #tpu.memory_space<vmem>>
      %dma_wait3A_109 = tpu.memref_squeeze %dma_wait3A_108 : memref<1x1x128x96xf32, #tpu.memory_space<vmem>> -> memref<128x96xf32, #tpu.memory_space<vmem>>
      tpu.wait_dma2 semaphore(%arg9 : memref<!tpu.dma_semaphore, #tpu.memory_space<semaphore_mem>>) src(%dma_wait3A_109 : memref<128x96xf32, #tpu.memory_space<vmem>>) dst(%dma_wait3A_105 : memref<128x96xf32, #tpu.memory_space<vmem_shared>>)
      %gt3A = arith.constant 0 : i32
      %gt3A_110 = arith.cmpi sgt, %scan3A_75, %gt3A : i32
      %convert_element_type3A = arith.extui %gt3A_110 : i1 to i32
      %cond3A = arith.constant 0 : i32
      %cond3A_111 = arith.cmpi ne, %convert_element_type3A, %cond3A : i32
      scf.if %cond3A_111 {
        %dma_wait3A_149 = arith.constant 0 : i32
        %dma_wait3A_150 = arith.constant 0 : i32
        %dma_wait3A_151 = arith.constant 0 : i32
        %dma_wait3A_152 = arith.constant 0 : i32
        %dma_wait3A_153 = tpu.memref_slice %arg7[%dma_wait3A_149, %dma_wait3A_150, %dma_wait3A_151, %dma_wait3A_152] : memref<2x2x128x96xf32, #tpu.memory_space<vmem>> -> memref<1x1x128x96xf32, #tpu.memory_space<vmem>>
        %dma_wait3A_154 = tpu.memref_squeeze %dma_wait3A_153 : memref<1x1x128x96xf32, #tpu.memory_space<vmem>> -> memref<128x96xf32, #tpu.memory_space<vmem>>
        %dma_wait3A_155 = arith.constant 0 : i32
        %dma_wait3A_156 = arith.constant 0 : i32
        %dma_wait3A_157 = tpu.memref_slice %arg8[%dma_wait3A_155, %dma_wait3A_156] : memref<10240x96xf32, #tpu.memory_space<vmem_shared>> -> memref<128x96xf32, #tpu.memory_space<vmem_shared>>
        %dma_wait3A_158 = arith.constant 0 : i32
        %dma_wait3A_159 = arith.constant 0 : i32
        %dma_wait3A_160 = tpu.memref_slice %arg8[%dma_wait3A_158, %dma_wait3A_159] : memref<10240x96xf32, #tpu.memory_space<vmem_shared>> -> memref<128x96xf32, #tpu.memory_space<vmem_shared>>
        %dma_wait3A_161 = arith.constant 0 : i32
        %dma_wait3A_162 = arith.constant 0 : i32
        %dma_wait3A_163 = tpu.memref_slice %arg7[%dma_wait3A_149, %dma_wait3A_150, %dma_wait3A_161, %dma_wait3A_162] : memref<2x2x128x96xf32, #tpu.memory_space<vmem>> -> memref<1x1x128x96xf32, #tpu.memory_space<vmem>>
        %dma_wait3A_164 = tpu.memref_squeeze %dma_wait3A_163 : memref<1x1x128x96xf32, #tpu.memory_space<vmem>> -> memref<128x96xf32, #tpu.memory_space<vmem>>
        tpu.wait_dma2 semaphore(%arg10 : memref<!tpu.dma_semaphore, #tpu.memory_space<semaphore_mem>>) src(%dma_wait3A_164 : memref<128x96xf32, #tpu.memory_space<vmem>>) dst(%dma_wait3A_160 : memref<128x96xf32, #tpu.memory_space<vmem_shared>>)
        %dma_wait3A_165 = arith.constant 0 : i32
        %dma_wait3A_166 = arith.constant 0 : i32
        %dma_wait3A_167 = arith.constant 0 : i32
        %dma_wait3A_168 = arith.constant 0 : i32
        %dma_wait3A_169 = tpu.memref_slice %arg7[%dma_wait3A_165, %dma_wait3A_166, %dma_wait3A_167, %dma_wait3A_168] : memref<2x2x128x96xf32, #tpu.memory_space<vmem>> -> memref<1x1x128x96xf32, #tpu.memory_space<vmem>>
        %dma_wait3A_170 = tpu.memref_squeeze %dma_wait3A_169 : memref<1x1x128x96xf32, #tpu.memory_space<vmem>> -> memref<128x96xf32, #tpu.memory_space<vmem>>
        %dma_wait3A_171 = arith.constant 0 : i32
        %dma_wait3A_172 = arith.constant 0 : i32
        %dma_wait3A_173 = tpu.memref_slice %arg8[%dma_wait3A_171, %dma_wait3A_172] : memref<10240x96xf32, #tpu.memory_space<vmem_shared>> -> memref<128x96xf32, #tpu.memory_space<vmem_shared>>
        %dma_wait3A_174 = arith.constant 0 : i32
        %dma_wait3A_175 = arith.constant 0 : i32
        %dma_wait3A_176 = tpu.memref_slice %arg8[%dma_wait3A_174, %dma_wait3A_175] : memref<10240x96xf32, #tpu.memory_space<vmem_shared>> -> memref<128x96xf32, #tpu.memory_space<vmem_shared>>
        %dma_wait3A_177 = arith.constant 0 : i32
        %dma_wait3A_178 = arith.constant 0 : i32
        %dma_wait3A_179 = tpu.memref_slice %arg7[%dma_wait3A_165, %dma_wait3A_166, %dma_wait3A_177, %dma_wait3A_178] : memref<2x2x128x96xf32, #tpu.memory_space<vmem>> -> memref<1x1x128x96xf32, #tpu.memory_space<vmem>>
        %dma_wait3A_180 = tpu.memref_squeeze %dma_wait3A_179 : memref<1x1x128x96xf32, #tpu.memory_space<vmem>> -> memref<128x96xf32, #tpu.memory_space<vmem>>
        tpu.wait_dma2 semaphore(%arg10 : memref<!tpu.dma_semaphore, #tpu.memory_space<semaphore_mem>>) src(%dma_wait3A_180 : memref<128x96xf32, #tpu.memory_space<vmem>>) dst(%dma_wait3A_176 : memref<128x96xf32, #tpu.memory_space<vmem_shared>>)
      } else {
      }
      %add3A_112 = arith.constant 1 : i32
      %add3A_113 = arith.addi %scan3A_75, %add3A_112 : i32
      %lt3A = arith.constant 40 : i32
      %lt3A_114 = arith.cmpi slt, %add3A_113, %lt3A : i32
      %convert_element_type3A_115 = arith.extui %lt3A_114 : i1 to i32
      %cond3A_116 = arith.constant 0 : i32
      %cond3A_117 = arith.cmpi ne, %convert_element_type3A_115, %cond3A_116 : i32
      scf.if %cond3A_117 {
        %add3A_149 = arith.constant 1 : i32
        %add3A_150 = arith.addi %scan3A_75, %add3A_149 : i32
        %sub3A = arith.constant 1 : i32
        %sub3A_151 = arith.subi %sub3A, %rem3A_77 : i32
        %mul3A_152 = arith.constant 2 : i32
        %mul3A_153 = arith.muli %add3A_150, %mul3A_152 : i32
        %add3A_154 = arith.constant 0 : i32
        %add3A_155 = arith.addi %mul3A_153, %add3A_154 : i32
        %mul3A_156 = arith.constant 128 : i32
        %mul3A_157 = arith.muli %add3A_155, %mul3A_156 : i32
        %add3A_158 = arith.addi %mul3A_6, %mul3A_157 : i32
        %dma_start3A_159 = arith.constant 0 : i32
        %dma_start3A_160 = arith.constant 0 : i32
        %dma_start3A_161 = arith.constant 0 : i32
        %dma_start3A_162 = tpu.memref_slice %arg7[%sub3A_151, %dma_start3A_159, %dma_start3A_160, %dma_start3A_161] : memref<2x2x128x96xf32, #tpu.memory_space<vmem>> -> memref<1x1x128x96xf32, #tpu.memory_space<vmem>>
        %dma_start3A_163 = tpu.memref_squeeze %dma_start3A_162 : memref<1x1x128x96xf32, #tpu.memory_space<vmem>> -> memref<128x96xf32, #tpu.memory_space<vmem>>
        %dma_start3A_164 = tpu.memref_slice %arg2[%add3A_158, %mul3A_0] : memref<163840x192xf32, #tpu.memory_space<hbm>> -> memref<128x96xf32, #tpu.memory_space<hbm>>
        %dma_start3A_165 = arith.constant 0 : i32
        %dma_start3A_166 = arith.constant 0 : i32
        %dma_start3A_167 = tpu.memref_slice %arg7[%sub3A_151, %dma_start3A_159, %dma_start3A_165, %dma_start3A_166] : memref<2x2x128x96xf32, #tpu.memory_space<vmem>> -> memref<1x1x128x96xf32, #tpu.memory_space<vmem>>
        %dma_start3A_168 = tpu.memref_squeeze %dma_start3A_167 : memref<1x1x128x96xf32, #tpu.memory_space<vmem>> -> memref<128x96xf32, #tpu.memory_space<vmem>>
        %dma_start3A_169 = tpu.memref_slice %arg2[%add3A_158, %mul3A_0] : memref<163840x192xf32, #tpu.memory_space<hbm>> -> memref<128x96xf32, #tpu.memory_space<hbm>>
        tpu.enqueue_dma source(%dma_start3A_169 : memref<128x96xf32, #tpu.memory_space<hbm>>) target(%dma_start3A_168 : memref<128x96xf32, #tpu.memory_space<vmem>>) target_semaphore(%arg9 : memref<!tpu.dma_semaphore, #tpu.memory_space<semaphore_mem>>)
        %mul3A_170 = arith.constant 2 : i32
        %mul3A_171 = arith.muli %add3A_150, %mul3A_170 : i32
        %add3A_172 = arith.constant 1 : i32
        %add3A_173 = arith.addi %mul3A_171, %add3A_172 : i32
        %mul3A_174 = arith.constant 128 : i32
        %mul3A_175 = arith.muli %add3A_173, %mul3A_174 : i32
        %add3A_176 = arith.addi %mul3A_6, %mul3A_175 : i32
        %dma_start3A_177 = arith.constant 1 : i32
        %dma_start3A_178 = arith.constant 0 : i32
        %dma_start3A_179 = arith.constant 0 : i32
        %dma_start3A_180 = tpu.memref_slice %arg7[%sub3A_151, %dma_start3A_177, %dma_start3A_178, %dma_start3A_179] : memref<2x2x128x96xf32, #tpu.memory_space<vmem>> -> memref<1x1x128x96xf32, #tpu.memory_space<vmem>>
        %dma_start3A_181 = tpu.memref_squeeze %dma_start3A_180 : memref<1x1x128x96xf32, #tpu.memory_space<vmem>> -> memref<128x96xf32, #tpu.memory_space<vmem>>
        %dma_start3A_182 = tpu.memref_slice %arg2[%add3A_176, %mul3A_0] : memref<163840x192xf32, #tpu.memory_space<hbm>> -> memref<128x96xf32, #tpu.memory_space<hbm>>
        %dma_start3A_183 = arith.constant 0 : i32
        %dma_start3A_184 = arith.constant 0 : i32
        %dma_start3A_185 = tpu.memref_slice %arg7[%sub3A_151, %dma_start3A_177, %dma_start3A_183, %dma_start3A_184] : memref<2x2x128x96xf32, #tpu.memory_space<vmem>> -> memref<1x1x128x96xf32, #tpu.memory_space<vmem>>
        %dma_start3A_186 = tpu.memref_squeeze %dma_start3A_185 : memref<1x1x128x96xf32, #tpu.memory_space<vmem>> -> memref<128x96xf32, #tpu.memory_space<vmem>>
        %dma_start3A_187 = tpu.memref_slice %arg2[%add3A_176, %mul3A_0] : memref<163840x192xf32, #tpu.memory_space<hbm>> -> memref<128x96xf32, #tpu.memory_space<hbm>>
        tpu.enqueue_dma source(%dma_start3A_187 : memref<128x96xf32, #tpu.memory_space<hbm>>) target(%dma_start3A_186 : memref<128x96xf32, #tpu.memory_space<vmem>>) target_semaphore(%arg9 : memref<!tpu.dma_semaphore, #tpu.memory_space<semaphore_mem>>)
      } else {
      }
      %mul3A_118 = arith.constant 2 : i32
      %mul3A_119 = arith.muli %scan3A_75, %mul3A_118 : i32
      %add3A_120 = arith.constant 0 : i32
      %add3A_121 = arith.addi %mul3A_119, %add3A_120 : i32
      %dma_start3A_122 = arith.constant 0 : i32
      %dma_start3A_123 = arith.constant 0 : i32
      %dma_start3A_124 = arith.constant 0 : i32
      %dma_start3A_125 = tpu.memref_slice %arg7[%rem3A_77, %dma_start3A_122, %dma_start3A_123, %dma_start3A_124] : memref<2x2x128x96xf32, #tpu.memory_space<vmem>> -> memref<1x1x128x96xf32, #tpu.memory_space<vmem>>
      %dma_start3A_126 = tpu.memref_squeeze %dma_start3A_125 : memref<1x1x128x96xf32, #tpu.memory_space<vmem>> -> memref<128x96xf32, #tpu.memory_space<vmem>>
      %dma_start3A_127 = arith.constant 0 : i32
      %dma_start3A_128 = tpu.memref_slice %arg6[%add3A_121, %dma_start3A_127] : memref<80x128xi32, #tpu.memory_space<vmem>> -> memref<1x128xi32, #tpu.memory_space<vmem>>
      %dma_start3A_129 = tpu.memref_squeeze %dma_start3A_128 : memref<1x128xi32, #tpu.memory_space<vmem>> -> memref<128xi32, #tpu.memory_space<vmem>>
      %dma_start3A_130 = arith.constant 0 : i32
      %dma_start3A_131 = arith.constant 0 : i32
      %dma_start3A_132 = tpu.memref_slice %arg8[%dma_start3A_130, %dma_start3A_131] : memref<10240x96xf32, #tpu.memory_space<vmem_shared>> -> memref<10240x96xf32, #tpu.memory_space<vmem_shared>>
      tpu.enqueue_indirect_dma source(%dma_start3A_126 : memref<128x96xf32, #tpu.memory_space<vmem>>) target(%dma_start3A_132 : memref<10240x96xf32, #tpu.memory_space<vmem_shared>>) offsets(%dma_start3A_129 : memref<128xi32, #tpu.memory_space<vmem>>) semaphore(%arg10 : memref<!tpu.dma_semaphore, #tpu.memory_space<semaphore_mem>>) {add = true}
      %mul3A_133 = arith.constant 2 : i32
      %mul3A_134 = arith.muli %scan3A_75, %mul3A_133 : i32
      %add3A_135 = arith.constant 1 : i32
      %add3A_136 = arith.addi %mul3A_134, %add3A_135 : i32
      %dma_start3A_137 = arith.constant 1 : i32
      %dma_start3A_138 = arith.constant 0 : i32
      %dma_start3A_139 = arith.constant 0 : i32
      %dma_start3A_140 = tpu.memref_slice %arg7[%rem3A_77, %dma_start3A_137, %dma_start3A_138, %dma_start3A_139] : memref<2x2x128x96xf32, #tpu.memory_space<vmem>> -> memref<1x1x128x96xf32, #tpu.memory_space<vmem>>
      %dma_start3A_141 = tpu.memref_squeeze %dma_start3A_140 : memref<1x1x128x96xf32, #tpu.memory_space<vmem>> -> memref<128x96xf32, #tpu.memory_space<vmem>>
      %dma_start3A_142 = arith.constant 0 : i32
      %dma_start3A_143 = tpu.memref_slice %arg6[%add3A_136, %dma_start3A_142] : memref<80x128xi32, #tpu.memory_space<vmem>> -> memref<1x128xi32, #tpu.memory_space<vmem>>
      %dma_start3A_144 = tpu.memref_squeeze %dma_start3A_143 : memref<1x128xi32, #tpu.memory_space<vmem>> -> memref<128xi32, #tpu.memory_space<vmem>>
      %dma_start3A_145 = arith.constant 0 : i32
      %dma_start3A_146 = arith.constant 0 : i32
      %dma_start3A_147 = tpu.memref_slice %arg8[%dma_start3A_145, %dma_start3A_146] : memref<10240x96xf32, #tpu.memory_space<vmem_shared>> -> memref<10240x96xf32, #tpu.memory_space<vmem_shared>>
      tpu.enqueue_indirect_dma source(%dma_start3A_141 : memref<128x96xf32, #tpu.memory_space<vmem>>) target(%dma_start3A_147 : memref<10240x96xf32, #tpu.memory_space<vmem_shared>>) offsets(%dma_start3A_144 : memref<128xi32, #tpu.memory_space<vmem>>) semaphore(%arg10 : memref<!tpu.dma_semaphore, #tpu.memory_space<semaphore_mem>>) {add = true}
      %scan3A_148 = arith.constant 0 : i32
      scf.yield %scan3A_148 : i32
    }
    %scan3A_38 = arith.constant 40 : i32
    %dma_wait3A = arith.constant 0 : i32
    %dma_wait3A_39 = arith.constant 0 : i32
    %dma_wait3A_40 = arith.constant 0 : i32
    %dma_wait3A_41 = arith.constant 0 : i32
    %dma_wait3A_42 = tpu.memref_slice %arg7[%dma_wait3A, %dma_wait3A_39, %dma_wait3A_40, %dma_wait3A_41] : memref<2x2x128x96xf32, #tpu.memory_space<vmem>> -> memref<1x1x128x96xf32, #tpu.memory_space<vmem>>
    %dma_wait3A_43 = tpu.memref_squeeze %dma_wait3A_42 : memref<1x1x128x96xf32, #tpu.memory_space<vmem>> -> memref<128x96xf32, #tpu.memory_space<vmem>>
    %dma_wait3A_44 = arith.constant 0 : i32
    %dma_wait3A_45 = arith.constant 0 : i32
    %dma_wait3A_46 = tpu.memref_slice %arg8[%dma_wait3A_44, %dma_wait3A_45] : memref<10240x96xf32, #tpu.memory_space<vmem_shared>> -> memref<128x96xf32, #tpu.memory_space<vmem_shared>>
    %dma_wait3A_47 = arith.constant 0 : i32
    %dma_wait3A_48 = arith.constant 0 : i32
    %dma_wait3A_49 = tpu.memref_slice %arg8[%dma_wait3A_47, %dma_wait3A_48] : memref<10240x96xf32, #tpu.memory_space<vmem_shared>> -> memref<128x96xf32, #tpu.memory_space<vmem_shared>>
    %dma_wait3A_50 = arith.constant 0 : i32
    %dma_wait3A_51 = arith.constant 0 : i32
    %dma_wait3A_52 = tpu.memref_slice %arg7[%dma_wait3A, %dma_wait3A_39, %dma_wait3A_50, %dma_wait3A_51] : memref<2x2x128x96xf32, #tpu.memory_space<vmem>> -> memref<1x1x128x96xf32, #tpu.memory_space<vmem>>
    %dma_wait3A_53 = tpu.memref_squeeze %dma_wait3A_52 : memref<1x1x128x96xf32, #tpu.memory_space<vmem>> -> memref<128x96xf32, #tpu.memory_space<vmem>>
    tpu.wait_dma2 semaphore(%arg10 : memref<!tpu.dma_semaphore, #tpu.memory_space<semaphore_mem>>) src(%dma_wait3A_53 : memref<128x96xf32, #tpu.memory_space<vmem>>) dst(%dma_wait3A_49 : memref<128x96xf32, #tpu.memory_space<vmem_shared>>)
    %dma_wait3A_54 = arith.constant 0 : i32
    %dma_wait3A_55 = arith.constant 0 : i32
    %dma_wait3A_56 = arith.constant 0 : i32
    %dma_wait3A_57 = arith.constant 0 : i32
    %dma_wait3A_58 = tpu.memref_slice %arg7[%dma_wait3A_54, %dma_wait3A_55, %dma_wait3A_56, %dma_wait3A_57] : memref<2x2x128x96xf32, #tpu.memory_space<vmem>> -> memref<1x1x128x96xf32, #tpu.memory_space<vmem>>
    %dma_wait3A_59 = tpu.memref_squeeze %dma_wait3A_58 : memref<1x1x128x96xf32, #tpu.memory_space<vmem>> -> memref<128x96xf32, #tpu.memory_space<vmem>>
    %dma_wait3A_60 = arith.constant 0 : i32
    %dma_wait3A_61 = arith.constant 0 : i32
    %dma_wait3A_62 = tpu.memref_slice %arg8[%dma_wait3A_60, %dma_wait3A_61] : memref<10240x96xf32, #tpu.memory_space<vmem_shared>> -> memref<128x96xf32, #tpu.memory_space<vmem_shared>>
    %dma_wait3A_63 = arith.constant 0 : i32
    %dma_wait3A_64 = arith.constant 0 : i32
    %dma_wait3A_65 = tpu.memref_slice %arg8[%dma_wait3A_63, %dma_wait3A_64] : memref<10240x96xf32, #tpu.memory_space<vmem_shared>> -> memref<128x96xf32, #tpu.memory_space<vmem_shared>>
    %dma_wait3A_66 = arith.constant 0 : i32
    %dma_wait3A_67 = arith.constant 0 : i32
    %dma_wait3A_68 = tpu.memref_slice %arg7[%dma_wait3A_54, %dma_wait3A_55, %dma_wait3A_66, %dma_wait3A_67] : memref<2x2x128x96xf32, #tpu.memory_space<vmem>> -> memref<1x1x128x96xf32, #tpu.memory_space<vmem>>
    %dma_wait3A_69 = tpu.memref_squeeze %dma_wait3A_68 : memref<1x1x128x96xf32, #tpu.memory_space<vmem>> -> memref<128x96xf32, #tpu.memory_space<vmem>>
    tpu.wait_dma2 semaphore(%arg10 : memref<!tpu.dma_semaphore, #tpu.memory_space<semaphore_mem>>) src(%dma_wait3A_69 : memref<128x96xf32, #tpu.memory_space<vmem>>) dst(%dma_wait3A_65 : memref<128x96xf32, #tpu.memory_space<vmem_shared>>)
    %barrier3A_70 = arith.constant 0 : index
    tpu.barrier barrier_id(%barrier3A_70)
    %mul3A_71 = arith.constant 640 : i32
    %mul3A_72 = arith.muli %arg1, %mul3A_71 : i32
    %mul3A_73 = arith.constant 640 : i32
    %mul3A_74 = arith.muli %arg1, %mul3A_73 : i32
    "tpu.region"() ({
      %run_scoped3A = tpu.sem_alloc : memref<!tpu.dma_semaphore, #tpu.memory_space<semaphore_mem>>
      %dma_start3A_75 = tpu.memref_slice %arg5[%mul3A_74, %mul3A_0] : memref<10240x192xf32, #tpu.memory_space<hbm>> -> memref<640x96xf32, #tpu.memory_space<hbm>>
      %dma_start3A_76 = arith.constant 0 : i32
      %dma_start3A_77 = tpu.memref_slice %arg8[%mul3A_72, %dma_start3A_76] : memref<10240x96xf32, #tpu.memory_space<vmem_shared>> -> memref<640x96xf32, #tpu.memory_space<vmem_shared>>
      tpu.enqueue_dma source(%dma_start3A_77 : memref<640x96xf32, #tpu.memory_space<vmem_shared>>) target(%dma_start3A_75 : memref<640x96xf32, #tpu.memory_space<hbm>>) target_semaphore(%run_scoped3A : memref<!tpu.dma_semaphore, #tpu.memory_space<semaphore_mem>>)
      %dma_wait3A_78 = tpu.memref_slice %arg5[%mul3A_74, %mul3A_0] : memref<10240x192xf32, #tpu.memory_space<hbm>> -> memref<640x96xf32, #tpu.memory_space<hbm>>
      %dma_wait3A_79 = arith.constant 0 : i32
      %dma_wait3A_80 = tpu.memref_slice %arg8[%mul3A_72, %dma_wait3A_79] : memref<10240x96xf32, #tpu.memory_space<vmem_shared>> -> memref<640x96xf32, #tpu.memory_space<vmem_shared>>
      tpu.wait_dma2 semaphore(%run_scoped3A : memref<!tpu.dma_semaphore, #tpu.memory_space<semaphore_mem>>) src(%dma_wait3A_80 : memref<640x96xf32, #tpu.memory_space<vmem_shared>>) dst(%dma_wait3A_78 : memref<640x96xf32, #tpu.memory_space<hbm>>)
      tpu.yield
    }) : () -> ()
    return
  }
}

module attributes {stable_mosaic.version = 14 : i64} {
  func.func @body(%arg0: i32, %arg1: memref<640x128xbf16, #tpu.memory_space<vmem>>, %arg2: memref<640x128xbf16, #tpu.memory_space<vmem>>, %arg3: memref<640x128xbf16, #tpu.memory_space<vmem>>, %arg4: memref<640x32xf32, #tpu.memory_space<vmem>>, %arg5: memref<640x32xf32, #tpu.memory_space<vmem>>, %arg6: memref<640x1xf32, #tpu.memory_space<vmem>>, %arg7: memref<320x160xf32, #tpu.memory_space<vmem>>, %arg8: memref<160x80xf32, #tpu.memory_space<vmem>>, %arg9: memref<80x40xf32, #tpu.memory_space<vmem>>, %arg10: memref<40x16xf32, #tpu.memory_space<vmem>>, %arg11: memref<16x32xf32, #tpu.memory_space<vmem>>, %arg12: memref<32x64xf32, #tpu.memory_space<vmem>>, %arg13: memref<1x160xf32, #tpu.memory_space<vmem>>, %arg14: memref<1x80xf32, #tpu.memory_space<vmem>>, %arg15: memref<1x40xf32, #tpu.memory_space<vmem>>, %arg16: memref<1x16xf32, #tpu.memory_space<vmem>>, %arg17: memref<1x32xf32, #tpu.memory_space<vmem>>, %arg18: memref<1x64xf32, #tpu.memory_space<vmem>>, %arg19: memref<640x64xf32, #tpu.memory_space<vmem>>, %arg20: memref<640x192xf32, #tpu.memory_space<vmem>>) attributes {dimension_semantics = [#tpu.dimension_semantics<arbitrary>], iteration_bounds = array<i64: 256>, scalar_prefetch = 0 : i64, scratch_operands = 0 : i64, tpu.core_type = #tpu.core_type<tc>, window_params = [{transform_indices = @transform_0, window_bounds = array<i64: 640, 128>}, {transform_indices = @transform_1, window_bounds = array<i64: 640, 128>}, {transform_indices = @transform_2, window_bounds = array<i64: 640, 128>}, {transform_indices = @transform_3, window_bounds = array<i64: 640, 32>}, {transform_indices = @transform_4, window_bounds = array<i64: 640, 32>}, {transform_indices = @transform_5, window_bounds = array<i64: 640, 1>}, {pipeline_mode = #tpu.pipeline_mode<synchronous>, transform_indices = @transform_6, window_bounds = array<i64: 320, 160>}, {pipeline_mode = #tpu.pipeline_mode<synchronous>, transform_indices = @transform_7, window_bounds = array<i64: 160, 80>}, {pipeline_mode = #tpu.pipeline_mode<synchronous>, transform_indices = @transform_8, window_bounds = array<i64: 80, 40>}, {pipeline_mode = #tpu.pipeline_mode<synchronous>, transform_indices = @transform_9, window_bounds = array<i64: 40, 16>}, {pipeline_mode = #tpu.pipeline_mode<synchronous>, transform_indices = @transform_10, window_bounds = array<i64: 16, 32>}, {pipeline_mode = #tpu.pipeline_mode<synchronous>, transform_indices = @transform_11, window_bounds = array<i64: 32, 64>}, {pipeline_mode = #tpu.pipeline_mode<synchronous>, transform_indices = @transform_12, window_bounds = array<i64: 1, 160>}, {pipeline_mode = #tpu.pipeline_mode<synchronous>, transform_indices = @transform_13, window_bounds = array<i64: 1, 80>}, {pipeline_mode = #tpu.pipeline_mode<synchronous>, transform_indices = @transform_14, window_bounds = array<i64: 1, 40>}, {pipeline_mode = #tpu.pipeline_mode<synchronous>, transform_indices = @transform_15, window_bounds = array<i64: 1, 16>}, {pipeline_mode = #tpu.pipeline_mode<synchronous>, transform_indices = @transform_16, window_bounds = array<i64: 1, 32>}, {pipeline_mode = #tpu.pipeline_mode<synchronous>, transform_indices = @transform_17, window_bounds = array<i64: 1, 64>}, {transform_indices = @transform_18, window_bounds = array<i64: 640, 64>}, {transform_indices = @transform_19, window_bounds = array<i64: 640, 192>}]} {
    %get3A = arith.constant 0 : index
    %get3A_0 = arith.constant 0 : index
    %get3A_1 = vector.load %arg6[%get3A, %get3A_0] : memref<640x1xf32, #tpu.memory_space<vmem>>, vector<640x1xf32>
    %get3A_2 = arith.constant 0 : index
    %get3A_3 = arith.constant 0 : index
    %get3A_4 = vector.load %arg7[%get3A_2, %get3A_3] : memref<320x160xf32, #tpu.memory_space<vmem>>, vector<320x160xf32>
    %get3A_5 = arith.constant 0 : index
    %get3A_6 = arith.constant 0 : index
    %get3A_7 = vector.load %arg8[%get3A_5, %get3A_6] : memref<160x80xf32, #tpu.memory_space<vmem>>, vector<160x80xf32>
    %get3A_8 = arith.constant 0 : index
    %get3A_9 = arith.constant 0 : index
    %get3A_10 = vector.load %arg9[%get3A_8, %get3A_9] : memref<80x40xf32, #tpu.memory_space<vmem>>, vector<80x40xf32>
    %get3A_11 = arith.constant 0 : index
    %get3A_12 = arith.constant 0 : index
    %get3A_13 = vector.load %arg10[%get3A_11, %get3A_12] : memref<40x16xf32, #tpu.memory_space<vmem>>, vector<40x16xf32>
    %get3A_14 = arith.constant 0 : index
    %get3A_15 = arith.constant 0 : index
    %get3A_16 = vector.load %arg11[%get3A_14, %get3A_15] : memref<16x32xf32, #tpu.memory_space<vmem>>, vector<16x32xf32>
    %get3A_17 = arith.constant 0 : index
    %get3A_18 = arith.constant 0 : index
    %get3A_19 = vector.load %arg12[%get3A_17, %get3A_18] : memref<32x64xf32, #tpu.memory_space<vmem>>, vector<32x64xf32>
    %get3A_20 = arith.constant 0 : index
    %get3A_21 = arith.constant 0 : index
    %get3A_22 = vector.load %arg1[%get3A_20, %get3A_21] : memref<640x128xbf16, #tpu.memory_space<vmem>>, vector<640x128xbf16>
    %convert_element_type3A = arith.extf %get3A_22 : vector<640x128xbf16> to vector<640x128xf32>
    %get3A_23 = arith.constant 0 : index
    %get3A_24 = arith.constant 0 : index
    %get3A_25 = vector.load %arg2[%get3A_23, %get3A_24] : memref<640x128xbf16, #tpu.memory_space<vmem>>, vector<640x128xbf16>
    %convert_element_type3A_26 = arith.extf %get3A_25 : vector<640x128xbf16> to vector<640x128xf32>
    %slice3A = vector.extract_strided_slice %get3A_4 {offsets = [0, 0], sizes = [128, 160], strides = [1, 1]} : vector<320x160xf32> to vector<128x160xf32>
    %dot_general3A = arith.constant dense<0.000000e+00> : vector<640x160xf32>
    %dot_general3A_27 = tpu.matmul %convert_element_type3A, %slice3A, %dot_general3A {dimension_numbers = #tpu.dot_dimension_numbers<[1], [0], [0], [1], [0, 0, 1, 1], [], []>, transpose_lhs_hint = false} : vector<640x128xf32>, vector<128x160xf32>, vector<640x160xf32> -> vector<640x160xf32>
    %slice3A_28 = vector.extract_strided_slice %get3A_4 {offsets = [128, 0], sizes = [128, 160], strides = [1, 1]} : vector<320x160xf32> to vector<128x160xf32>
    %dot_general3A_29 = arith.constant dense<0.000000e+00> : vector<640x160xf32>
    %dot_general3A_30 = tpu.matmul %convert_element_type3A_26, %slice3A_28, %dot_general3A_29 {dimension_numbers = #tpu.dot_dimension_numbers<[1], [0], [0], [1], [0, 0, 1, 1], [], []>, transpose_lhs_hint = false} : vector<640x128xf32>, vector<128x160xf32>, vector<640x160xf32> -> vector<640x160xf32>
    %add3A = arith.addf %dot_general3A_27, %dot_general3A_30 : vector<640x160xf32>
    %get3A_31 = arith.constant 0 : index
    %get3A_32 = arith.constant 0 : index
    %get3A_33 = vector.load %arg4[%get3A_31, %get3A_32] : memref<640x32xf32, #tpu.memory_space<vmem>>, vector<640x32xf32>
    %slice3A_34 = vector.extract_strided_slice %get3A_4 {offsets = [256, 0], sizes = [32, 160], strides = [1, 1]} : vector<320x160xf32> to vector<32x160xf32>
    %dot_general3A_35 = arith.constant dense<0.000000e+00> : vector<640x160xf32>
    %dot_general3A_36 = tpu.matmul %get3A_33, %slice3A_34, %dot_general3A_35 {dimension_numbers = #tpu.dot_dimension_numbers<[1], [0], [0], [1], [0, 0, 1, 1], [], []>, transpose_lhs_hint = false} : vector<640x32xf32>, vector<32x160xf32>, vector<640x160xf32> -> vector<640x160xf32>
    %add3A_37 = arith.addf %add3A, %dot_general3A_36 : vector<640x160xf32>
    %get3A_38 = arith.constant 0 : index
    %get3A_39 = arith.constant 0 : index
    %get3A_40 = vector.load %arg5[%get3A_38, %get3A_39] : memref<640x32xf32, #tpu.memory_space<vmem>>, vector<640x32xf32>
    %slice3A_41 = vector.extract_strided_slice %get3A_4 {offsets = [288, 0], sizes = [32, 160], strides = [1, 1]} : vector<320x160xf32> to vector<32x160xf32>
    %dot_general3A_42 = arith.constant dense<0.000000e+00> : vector<640x160xf32>
    %dot_general3A_43 = tpu.matmul %get3A_40, %slice3A_41, %dot_general3A_42 {dimension_numbers = #tpu.dot_dimension_numbers<[1], [0], [0], [1], [0, 0, 1, 1], [], []>, transpose_lhs_hint = false} : vector<640x32xf32>, vector<32x160xf32>, vector<640x160xf32> -> vector<640x160xf32>
    %add3A_44 = arith.addf %add3A_37, %dot_general3A_43 : vector<640x160xf32>
    %get3A_45 = arith.constant 0 : index
    %get3A_46 = arith.constant 0 : index
    %get3A_47 = vector.load %arg13[%get3A_45, %get3A_46] : memref<1x160xf32, #tpu.memory_space<vmem>>, vector<1x160xf32>
    %add3A_48 = vector.broadcast %get3A_47 : vector<1x160xf32> to vector<640x160xf32>
    %add3A_49 = arith.addf %add3A_44, %add3A_48 : vector<640x160xf32>
    %max3A = arith.constant 0.000000e+00 : f32
    %max3A_50 = vector.broadcast %max3A : f32 to vector<640x160xf32>
    %max3A_51 = arith.maximumf %add3A_49, %max3A_50 : vector<640x160xf32>
    %dot_general3A_52 = arith.constant dense<0.000000e+00> : vector<640x80xf32>
    %dot_general3A_53 = tpu.matmul %max3A_51, %get3A_7, %dot_general3A_52 {dimension_numbers = #tpu.dot_dimension_numbers<[1], [0], [0], [1], [0, 0, 1, 1], [], []>, transpose_lhs_hint = false} : vector<640x160xf32>, vector<160x80xf32>, vector<640x80xf32> -> vector<640x80xf32>
    %get3A_54 = arith.constant 0 : index
    %get3A_55 = arith.constant 0 : index
    %get3A_56 = vector.load %arg14[%get3A_54, %get3A_55] : memref<1x80xf32, #tpu.memory_space<vmem>>, vector<1x80xf32>
    %add3A_57 = vector.broadcast %get3A_56 : vector<1x80xf32> to vector<640x80xf32>
    %add3A_58 = arith.addf %dot_general3A_53, %add3A_57 : vector<640x80xf32>
    %max3A_59 = arith.constant 0.000000e+00 : f32
    %max3A_60 = vector.broadcast %max3A_59 : f32 to vector<640x80xf32>
    %max3A_61 = arith.maximumf %add3A_58, %max3A_60 : vector<640x80xf32>
    %dot_general3A_62 = arith.constant dense<0.000000e+00> : vector<640x40xf32>
    %dot_general3A_63 = tpu.matmul %max3A_61, %get3A_10, %dot_general3A_62 {dimension_numbers = #tpu.dot_dimension_numbers<[1], [0], [0], [1], [0, 0, 1, 1], [], []>, transpose_lhs_hint = false} : vector<640x80xf32>, vector<80x40xf32>, vector<640x40xf32> -> vector<640x40xf32>
    %get3A_64 = arith.constant 0 : index
    %get3A_65 = arith.constant 0 : index
    %get3A_66 = vector.load %arg15[%get3A_64, %get3A_65] : memref<1x40xf32, #tpu.memory_space<vmem>>, vector<1x40xf32>
    %add3A_67 = vector.broadcast %get3A_66 : vector<1x40xf32> to vector<640x40xf32>
    %add3A_68 = arith.addf %dot_general3A_63, %add3A_67 : vector<640x40xf32>
    %max3A_69 = arith.constant 0.000000e+00 : f32
    %max3A_70 = vector.broadcast %max3A_69 : f32 to vector<640x40xf32>
    %max3A_71 = arith.maximumf %add3A_68, %max3A_70 : vector<640x40xf32>
    %dot_general3A_72 = arith.constant dense<0.000000e+00> : vector<640x16xf32>
    %dot_general3A_73 = tpu.matmul %max3A_71, %get3A_13, %dot_general3A_72 {dimension_numbers = #tpu.dot_dimension_numbers<[1], [0], [0], [1], [0, 0, 1, 1], [], []>, transpose_lhs_hint = false} : vector<640x40xf32>, vector<40x16xf32>, vector<640x16xf32> -> vector<640x16xf32>
    %get3A_74 = arith.constant 0 : index
    %get3A_75 = arith.constant 0 : index
    %get3A_76 = vector.load %arg16[%get3A_74, %get3A_75] : memref<1x16xf32, #tpu.memory_space<vmem>>, vector<1x16xf32>
    %add3A_77 = vector.broadcast %get3A_76 : vector<1x16xf32> to vector<640x16xf32>
    %add3A_78 = arith.addf %dot_general3A_73, %add3A_77 : vector<640x16xf32>
    %max3A_79 = arith.constant 0.000000e+00 : f32
    %max3A_80 = vector.broadcast %max3A_79 : f32 to vector<640x16xf32>
    %max3A_81 = arith.maximumf %add3A_78, %max3A_80 : vector<640x16xf32>
    %dot_general3A_82 = arith.constant dense<0.000000e+00> : vector<640x32xf32>
    %dot_general3A_83 = tpu.matmul %max3A_81, %get3A_16, %dot_general3A_82 {dimension_numbers = #tpu.dot_dimension_numbers<[1], [0], [0], [1], [0, 0, 1, 1], [], []>, transpose_lhs_hint = false} : vector<640x16xf32>, vector<16x32xf32>, vector<640x32xf32> -> vector<640x32xf32>
    %get3A_84 = arith.constant 0 : index
    %get3A_85 = arith.constant 0 : index
    %get3A_86 = vector.load %arg17[%get3A_84, %get3A_85] : memref<1x32xf32, #tpu.memory_space<vmem>>, vector<1x32xf32>
    %add3A_87 = vector.broadcast %get3A_86 : vector<1x32xf32> to vector<640x32xf32>
    %add3A_88 = arith.addf %dot_general3A_83, %add3A_87 : vector<640x32xf32>
    %max3A_89 = arith.constant 0.000000e+00 : f32
    %max3A_90 = vector.broadcast %max3A_89 : f32 to vector<640x32xf32>
    %max3A_91 = arith.maximumf %add3A_88, %max3A_90 : vector<640x32xf32>
    %dot_general3A_92 = arith.constant dense<0.000000e+00> : vector<640x64xf32>
    %dot_general3A_93 = tpu.matmul %max3A_91, %get3A_19, %dot_general3A_92 {dimension_numbers = #tpu.dot_dimension_numbers<[1], [0], [0], [1], [0, 0, 1, 1], [], []>, transpose_lhs_hint = false} : vector<640x32xf32>, vector<32x64xf32>, vector<640x64xf32> -> vector<640x64xf32>
    %get3A_94 = arith.constant 0 : index
    %get3A_95 = arith.constant 0 : index
    %get3A_96 = vector.load %arg18[%get3A_94, %get3A_95] : memref<1x64xf32, #tpu.memory_space<vmem>>, vector<1x64xf32>
    %add3A_97 = vector.broadcast %get3A_96 : vector<1x64xf32> to vector<640x64xf32>
    %add3A_98 = arith.addf %dot_general3A_93, %add3A_97 : vector<640x64xf32>
    %swap3A = arith.constant 0 : index
    %swap3A_99 = arith.constant 0 : index
    %swap3A_100 = vector.load %arg19[%swap3A, %swap3A_99] : memref<640x64xf32, #tpu.memory_space<vmem>>, vector<640x64xf32>
    tpu.vector_store %arg19[%swap3A, %swap3A_99], %add3A_98 {strides = array<i32>} : memref<640x64xf32, #tpu.memory_space<vmem>>, vector<640x64xf32>,
    %get3A_101 = arith.constant 0 : index
    %get3A_102 = arith.constant 0 : index
    %get3A_103 = vector.load %arg3[%get3A_101, %get3A_102] : memref<640x128xbf16, #tpu.memory_space<vmem>>, vector<640x128xbf16>
    %convert_element_type3A_104 = arith.extf %get3A_103 : vector<640x128xbf16> to vector<640x128xf32>
    %mul3A = vector.broadcast %get3A_1 : vector<640x1xf32> to vector<640x128xf32>
    %mul3A_105 = arith.mulf %convert_element_type3A_104, %mul3A : vector<640x128xf32>
    %swap3A_106 = arith.constant 0 : index
    %swap3A_107 = arith.constant 0 : index
    %swap3A_108 = vector.load %arg20[%swap3A_106, %swap3A_107] : memref<640x192xf32, #tpu.memory_space<vmem>>, vector<640x128xf32>
    tpu.vector_store %arg20[%swap3A_106, %swap3A_107], %mul3A_105 {strides = array<i32>} : memref<640x192xf32, #tpu.memory_space<vmem>>, vector<640x128xf32>,
    %get3A_109 = arith.constant 0 : index
    %get3A_110 = arith.constant 0 : index
    %get3A_111 = vector.load %arg4[%get3A_109, %get3A_110] : memref<640x32xf32, #tpu.memory_space<vmem>>, vector<640x32xf32>
    %mul3A_112 = vector.broadcast %get3A_1 : vector<640x1xf32> to vector<640x32xf32>
    %mul3A_113 = arith.mulf %get3A_111, %mul3A_112 : vector<640x32xf32>
    %swap3A_114 = arith.constant 0 : index
    %swap3A_115 = arith.constant 128 : index
    %swap3A_116 = vector.load %arg20[%swap3A_114, %swap3A_115] : memref<640x192xf32, #tpu.memory_space<vmem>>, vector<640x32xf32>
    tpu.vector_store %arg20[%swap3A_114, %swap3A_115], %mul3A_113 {strides = array<i32>} : memref<640x192xf32, #tpu.memory_space<vmem>>, vector<640x32xf32>,
    %get3A_117 = arith.constant 0 : index
    %get3A_118 = arith.constant 0 : index
    %get3A_119 = vector.load %arg5[%get3A_117, %get3A_118] : memref<640x32xf32, #tpu.memory_space<vmem>>, vector<640x32xf32>
    %mul3A_120 = vector.broadcast %get3A_1 : vector<640x1xf32> to vector<640x32xf32>
    %mul3A_121 = arith.mulf %get3A_119, %mul3A_120 : vector<640x32xf32>
    %swap3A_122 = arith.constant 0 : index
    %swap3A_123 = arith.constant 160 : index
    %swap3A_124 = vector.load %arg20[%swap3A_122, %swap3A_123] : memref<640x192xf32, #tpu.memory_space<vmem>>, vector<640x32xf32>
    tpu.vector_store %arg20[%swap3A_122, %swap3A_123], %mul3A_121 {strides = array<i32>} : memref<640x192xf32, #tpu.memory_space<vmem>>, vector<640x32xf32>,
    return
  }
  func.func @transform_0(%arg0: i32) -> (i32, i32) {
    %c0_i32 = arith.constant 0 : i32
    %c0_i32_0 = arith.constant 0 : i32
    return %arg0, %c0_i32 : i32, i32
  }
  func.func @transform_1(%arg0: i32) -> (i32, i32) {
    %c0_i32 = arith.constant 0 : i32
    %c0_i32_0 = arith.constant 0 : i32
    return %arg0, %c0_i32 : i32, i32
  }
  func.func @transform_2(%arg0: i32) -> (i32, i32) {
    %c0_i32 = arith.constant 0 : i32
    %c0_i32_0 = arith.constant 0 : i32
    return %arg0, %c0_i32 : i32, i32
  }
  func.func @transform_3(%arg0: i32) -> (i32, i32) {
    %c0_i32 = arith.constant 0 : i32
    %c0_i32_0 = arith.constant 0 : i32
    return %arg0, %c0_i32 : i32, i32
  }
  func.func @transform_4(%arg0: i32) -> (i32, i32) {
    %c0_i32 = arith.constant 0 : i32
    %c0_i32_0 = arith.constant 0 : i32
    return %arg0, %c0_i32 : i32, i32
  }
  func.func @transform_5(%arg0: i32) -> (i32, i32) {
    %c0_i32 = arith.constant 0 : i32
    %c0_i32_0 = arith.constant 0 : i32
    return %arg0, %c0_i32 : i32, i32
  }
  func.func @transform_6(%arg0: i32) -> (i32, i32) {
    %c0_i32 = arith.constant 0 : i32
    %c0_i32_0 = arith.constant 0 : i32
    %c0_i32_1 = arith.constant 0 : i32
    return %c0_i32, %c0_i32_0 : i32, i32
  }
  func.func @transform_7(%arg0: i32) -> (i32, i32) {
    %c0_i32 = arith.constant 0 : i32
    %c0_i32_0 = arith.constant 0 : i32
    %c0_i32_1 = arith.constant 0 : i32
    return %c0_i32, %c0_i32_0 : i32, i32
  }
  func.func @transform_8(%arg0: i32) -> (i32, i32) {
    %c0_i32 = arith.constant 0 : i32
    %c0_i32_0 = arith.constant 0 : i32
    %c0_i32_1 = arith.constant 0 : i32
    return %c0_i32, %c0_i32_0 : i32, i32
  }
  func.func @transform_9(%arg0: i32) -> (i32, i32) {
    %c0_i32 = arith.constant 0 : i32
    %c0_i32_0 = arith.constant 0 : i32
    %c0_i32_1 = arith.constant 0 : i32
    return %c0_i32, %c0_i32_0 : i32, i32
  }
  func.func @transform_10(%arg0: i32) -> (i32, i32) {
    %c0_i32 = arith.constant 0 : i32
    %c0_i32_0 = arith.constant 0 : i32
    %c0_i32_1 = arith.constant 0 : i32
    return %c0_i32, %c0_i32_0 : i32, i32
  }
  func.func @transform_11(%arg0: i32) -> (i32, i32) {
    %c0_i32 = arith.constant 0 : i32
    %c0_i32_0 = arith.constant 0 : i32
    %c0_i32_1 = arith.constant 0 : i32
    return %c0_i32, %c0_i32_0 : i32, i32
  }
  func.func @transform_12(%arg0: i32) -> (i32, i32) {
    %c0_i32 = arith.constant 0 : i32
    %c0_i32_0 = arith.constant 0 : i32
    %c0_i32_1 = arith.constant 0 : i32
    return %c0_i32, %c0_i32_0 : i32, i32
  }
  func.func @transform_13(%arg0: i32) -> (i32, i32) {
    %c0_i32 = arith.constant 0 : i32
    %c0_i32_0 = arith.constant 0 : i32
    %c0_i32_1 = arith.constant 0 : i32
    return %c0_i32, %c0_i32_0 : i32, i32
  }
  func.func @transform_14(%arg0: i32) -> (i32, i32) {
    %c0_i32 = arith.constant 0 : i32
    %c0_i32_0 = arith.constant 0 : i32
    %c0_i32_1 = arith.constant 0 : i32
    return %c0_i32, %c0_i32_0 : i32, i32
  }
  func.func @transform_15(%arg0: i32) -> (i32, i32) {
    %c0_i32 = arith.constant 0 : i32
    %c0_i32_0 = arith.constant 0 : i32
    %c0_i32_1 = arith.constant 0 : i32
    return %c0_i32, %c0_i32_0 : i32, i32
  }
  func.func @transform_16(%arg0: i32) -> (i32, i32) {
    %c0_i32 = arith.constant 0 : i32
    %c0_i32_0 = arith.constant 0 : i32
    %c0_i32_1 = arith.constant 0 : i32
    return %c0_i32, %c0_i32_0 : i32, i32
  }
  func.func @transform_17(%arg0: i32) -> (i32, i32) {
    %c0_i32 = arith.constant 0 : i32
    %c0_i32_0 = arith.constant 0 : i32
    %c0_i32_1 = arith.constant 0 : i32
    return %c0_i32, %c0_i32_0 : i32, i32
  }
  func.func @transform_18(%arg0: i32) -> (i32, i32) {
    %c0_i32 = arith.constant 0 : i32
    %c0_i32_0 = arith.constant 0 : i32
    return %arg0, %c0_i32 : i32, i32
  }
  func.func @transform_19(%arg0: i32) -> (i32, i32) {
    %c0_i32 = arith.constant 0 : i32
    %c0_i32_0 = arith.constant 0 : i32
    return %arg0, %c0_i32 : i32, i32
  }
}

module attributes {stable_mosaic.version = 14 : i64} {
  func.func @body(%arg0: i32, %arg1: memref<1000x192xf32, #tpu.memory_space<vmem>>, %arg2: memref<1000x128xf32, #tpu.memory_space<vmem>>, %arg3: memref<1000x1xf32, #tpu.memory_space<vmem>>, %arg4: memref<192x128xf32, #tpu.memory_space<vmem>>, %arg5: memref<1x128xf32, #tpu.memory_space<vmem>>, %arg6: memref<1000x128xf32, #tpu.memory_space<vmem>>) attributes {dimension_semantics = [#tpu.dimension_semantics<arbitrary>], iteration_bounds = array<i64: 10>, scalar_prefetch = 0 : i64, scratch_operands = 0 : i64, tpu.core_type = #tpu.core_type<tc>, window_params = [{transform_indices = @transform_0, window_bounds = array<i64: 1000, 192>}, {transform_indices = @transform_1, window_bounds = array<i64: 1000, 128>}, {transform_indices = @transform_2, window_bounds = array<i64: 1000, 1>}, {pipeline_mode = #tpu.pipeline_mode<synchronous>, transform_indices = @transform_3, window_bounds = array<i64: 192, 128>}, {pipeline_mode = #tpu.pipeline_mode<synchronous>, transform_indices = @transform_4, window_bounds = array<i64: 1, 128>}, {transform_indices = @transform_5, window_bounds = array<i64: 1000, 128>}]} {
    %get3A = arith.constant 0 : index
    %get3A_0 = arith.constant 0 : index
    %get3A_1 = vector.load %arg3[%get3A, %get3A_0] : memref<1000x1xf32, #tpu.memory_space<vmem>>, vector<1000x1xf32>
    %rsqrt3A = math.rsqrt %get3A_1 : vector<1000x1xf32>
    %get3A_2 = arith.constant 0 : index
    %get3A_3 = arith.constant 0 : index
    %get3A_4 = vector.load %arg1[%get3A_2, %get3A_3] : memref<1000x192xf32, #tpu.memory_space<vmem>>, vector<1000x192xf32>
    %mul3A = vector.broadcast %rsqrt3A : vector<1000x1xf32> to vector<1000x192xf32>
    %mul3A_5 = arith.mulf %get3A_4, %mul3A : vector<1000x192xf32>
    %slice3A = vector.extract_strided_slice %mul3A_5 {offsets = [0, 0], sizes = [1000, 128], strides = [1, 1]} : vector<1000x192xf32> to vector<1000x128xf32>
    %get3A_6 = arith.constant 0 : index
    %get3A_7 = arith.constant 0 : index
    %get3A_8 = vector.load %arg2[%get3A_6, %get3A_7] : memref<1000x128xf32, #tpu.memory_space<vmem>>, vector<1000x128xf32>
    %div3A = vector.broadcast %get3A_1 : vector<1000x1xf32> to vector<1000x128xf32>
    %div3A_9 = arith.divf %get3A_8, %div3A : vector<1000x128xf32>
    %add3A = arith.addf %slice3A, %div3A_9 : vector<1000x128xf32>
    %slice3A_10 = vector.extract_strided_slice %mul3A_5 {offsets = [0, 128], sizes = [1000, 64], strides = [1, 1]} : vector<1000x192xf32> to vector<1000x64xf32>
    %concatenate3A = tpu.concatenate %add3A, %slice3A_10 in 1 : vector<1000x128xf32>, vector<1000x64xf32> -> vector<1000x192xf32>
    %get3A_11 = arith.constant 0 : index
    %get3A_12 = arith.constant 0 : index
    %get3A_13 = vector.load %arg4[%get3A_11, %get3A_12] : memref<192x128xf32, #tpu.memory_space<vmem>>, vector<192x128xf32>
    %dot_general3A = arith.constant dense<0.000000e+00> : vector<1000x128xf32>
    %dot_general3A_14 = tpu.matmul %concatenate3A, %get3A_13, %dot_general3A {dimension_numbers = #tpu.dot_dimension_numbers<[1], [0], [0], [1], [0, 0, 1, 1], [], []>, transpose_lhs_hint = false} : vector<1000x192xf32>, vector<192x128xf32>, vector<1000x128xf32> -> vector<1000x128xf32>
    %get3A_15 = arith.constant 0 : index
    %get3A_16 = arith.constant 0 : index
    %get3A_17 = vector.load %arg5[%get3A_15, %get3A_16] : memref<1x128xf32, #tpu.memory_space<vmem>>, vector<1x128xf32>
    %add3A_18 = vector.broadcast %get3A_17 : vector<1x128xf32> to vector<1000x128xf32>
    %add3A_19 = arith.addf %dot_general3A_14, %add3A_18 : vector<1000x128xf32>
    %logistic3A = arith.negf %add3A_19 : vector<1000x128xf32>
    %logistic3A_20 = math.exp %logistic3A : vector<1000x128xf32>
    %logistic3A_21 = arith.constant 1.000000e+00 : f32
    %logistic3A_22 = vector.broadcast %logistic3A_21 : f32 to vector<1000x128xf32>
    %logistic3A_23 = arith.addf %logistic3A_22, %logistic3A_20 : vector<1000x128xf32>
    %logistic3A_24 = arith.divf %logistic3A_22, %logistic3A_23 : vector<1000x128xf32>
    %mul3A_25 = arith.mulf %add3A_19, %logistic3A_24 : vector<1000x128xf32>
    %swap3A = arith.constant 0 : index
    %swap3A_26 = arith.constant 0 : index
    %swap3A_27 = vector.load %arg6[%swap3A, %swap3A_26] : memref<1000x128xf32, #tpu.memory_space<vmem>>, vector<1000x128xf32>
    tpu.vector_store %arg6[%swap3A, %swap3A_26], %mul3A_25 {strides = array<i32>} : memref<1000x128xf32, #tpu.memory_space<vmem>>, vector<1000x128xf32>,
    return
  }
  func.func @transform_0(%arg0: i32) -> (i32, i32) {
    %c0_i32 = arith.constant 0 : i32
    %c0_i32_0 = arith.constant 0 : i32
    return %arg0, %c0_i32 : i32, i32
  }
  func.func @transform_1(%arg0: i32) -> (i32, i32) {
    %c0_i32 = arith.constant 0 : i32
    %c0_i32_0 = arith.constant 0 : i32
    return %arg0, %c0_i32 : i32, i32
  }
  func.func @transform_2(%arg0: i32) -> (i32, i32) {
    %c0_i32 = arith.constant 0 : i32
    %c0_i32_0 = arith.constant 0 : i32
    return %arg0, %c0_i32 : i32, i32
  }
  func.func @transform_3(%arg0: i32) -> (i32, i32) {
    %c0_i32 = arith.constant 0 : i32
    %c0_i32_0 = arith.constant 0 : i32
    %c0_i32_1 = arith.constant 0 : i32
    return %c0_i32, %c0_i32_0 : i32, i32
  }
  func.func @transform_4(%arg0: i32) -> (i32, i32) {
    %c0_i32 = arith.constant 0 : i32
    %c0_i32_0 = arith.constant 0 : i32
    %c0_i32_1 = arith.constant 0 : i32
    return %c0_i32, %c0_i32_0 : i32, i32
  }
  func.func @transform_5(%arg0: i32) -> (i32, i32) {
    %c0_i32 = arith.constant 0 : i32
    %c0_i32_0 = arith.constant 0 : i32
    return %arg0, %c0_i32 : i32, i32
  }
}

module attributes {stable_mosaic.version = 14 : i64} {
  func.func @body(%arg0: i32, %arg1: memref<1000x128xf32, #tpu.memory_space<vmem>>, %arg2: memref<1000x1xi32, #tpu.memory_space<vmem>>, %arg3: memref<128x128xf32, #tpu.memory_space<vmem>>, %arg4: memref<128x128xf32, #tpu.memory_space<vmem>>, %arg5: memref<128x128xf32, #tpu.memory_space<vmem>>, %arg6: memref<128x128xf32, #tpu.memory_space<vmem>>, %arg7: memref<128x81xf32, #tpu.memory_space<vmem>>, %arg8: memref<128x128xf32, #tpu.memory_space<vmem>>, %arg9: memref<128x128xf32, #tpu.memory_space<vmem>>, %arg10: memref<128x128xf32, #tpu.memory_space<vmem>>, %arg11: memref<128x128xf32, #tpu.memory_space<vmem>>, %arg12: memref<128x81xf32, #tpu.memory_space<vmem>>, %arg13: memref<1x128xf32, #tpu.memory_space<vmem>>, %arg14: memref<1x128xf32, #tpu.memory_space<vmem>>, %arg15: memref<1x128xf32, #tpu.memory_space<vmem>>, %arg16: memref<1x128xf32, #tpu.memory_space<vmem>>, %arg17: memref<1x81xf32, #tpu.memory_space<vmem>>, %arg18: memref<1x128xf32, #tpu.memory_space<vmem>>, %arg19: memref<1x128xf32, #tpu.memory_space<vmem>>, %arg20: memref<1x128xf32, #tpu.memory_space<vmem>>, %arg21: memref<1x128xf32, #tpu.memory_space<vmem>>, %arg22: memref<1x81xf32, #tpu.memory_space<vmem>>, %arg23: memref<1000x81xf32, #tpu.memory_space<vmem>>) attributes {dimension_semantics = [#tpu.dimension_semantics<arbitrary>], iteration_bounds = array<i64: 10>, scalar_prefetch = 0 : i64, scratch_operands = 0 : i64, tpu.core_type = #tpu.core_type<tc>, window_params = [{transform_indices = @transform_0, window_bounds = array<i64: 1000, 128>}, {transform_indices = @transform_1, window_bounds = array<i64: 1000, 1>}, {pipeline_mode = #tpu.pipeline_mode<synchronous>, transform_indices = @transform_2, window_bounds = array<i64: 128, 128>}, {pipeline_mode = #tpu.pipeline_mode<synchronous>, transform_indices = @transform_3, window_bounds = array<i64: 128, 128>}, {pipeline_mode = #tpu.pipeline_mode<synchronous>, transform_indices = @transform_4, window_bounds = array<i64: 128, 128>}, {pipeline_mode = #tpu.pipeline_mode<synchronous>, transform_indices = @transform_5, window_bounds = array<i64: 128, 128>}, {pipeline_mode = #tpu.pipeline_mode<synchronous>, transform_indices = @transform_6, window_bounds = array<i64: 128, 81>}, {pipeline_mode = #tpu.pipeline_mode<synchronous>, transform_indices = @transform_7, window_bounds = array<i64: 128, 128>}, {pipeline_mode = #tpu.pipeline_mode<synchronous>, transform_indices = @transform_8, window_bounds = array<i64: 128, 128>}, {pipeline_mode = #tpu.pipeline_mode<synchronous>, transform_indices = @transform_9, window_bounds = array<i64: 128, 128>}, {pipeline_mode = #tpu.pipeline_mode<synchronous>, transform_indices = @transform_10, window_bounds = array<i64: 128, 128>}, {pipeline_mode = #tpu.pipeline_mode<synchronous>, transform_indices = @transform_11, window_bounds = array<i64: 128, 81>}, {pipeline_mode = #tpu.pipeline_mode<synchronous>, transform_indices = @transform_12, window_bounds = array<i64: 1, 128>}, {pipeline_mode = #tpu.pipeline_mode<synchronous>, transform_indices = @transform_13, window_bounds = array<i64: 1, 128>}, {pipeline_mode = #tpu.pipeline_mode<synchronous>, transform_indices = @transform_14, window_bounds = array<i64: 1, 128>}, {pipeline_mode = #tpu.pipeline_mode<synchronous>, transform_indices = @transform_15, window_bounds = array<i64: 1, 128>}, {pipeline_mode = #tpu.pipeline_mode<synchronous>, transform_indices = @transform_16, window_bounds = array<i64: 1, 81>}, {pipeline_mode = #tpu.pipeline_mode<synchronous>, transform_indices = @transform_17, window_bounds = array<i64: 1, 128>}, {pipeline_mode = #tpu.pipeline_mode<synchronous>, transform_indices = @transform_18, window_bounds = array<i64: 1, 128>}, {pipeline_mode = #tpu.pipeline_mode<synchronous>, transform_indices = @transform_19, window_bounds = array<i64: 1, 128>}, {pipeline_mode = #tpu.pipeline_mode<synchronous>, transform_indices = @transform_20, window_bounds = array<i64: 1, 128>}, {pipeline_mode = #tpu.pipeline_mode<synchronous>, transform_indices = @transform_21, window_bounds = array<i64: 1, 81>}, {transform_indices = @transform_22, window_bounds = array<i64: 1000, 81>}]} {
    %get3A = arith.constant 0 : index
    %get3A_0 = arith.constant 0 : index
    %get3A_1 = vector.load %arg1[%get3A, %get3A_0] : memref<1000x128xf32, #tpu.memory_space<vmem>>, vector<1000x128xf32>
    %get3A_2 = arith.constant 0 : index
    %get3A_3 = arith.constant 0 : index
    %get3A_4 = vector.load %arg3[%get3A_2, %get3A_3] : memref<128x128xf32, #tpu.memory_space<vmem>>, vector<128x128xf32>
    %dot_general3A = arith.constant dense<0.000000e+00> : vector<1000x128xf32>
    %dot_general3A_5 = tpu.matmul %get3A_1, %get3A_4, %dot_general3A {dimension_numbers = #tpu.dot_dimension_numbers<[1], [0], [0], [1], [0, 0, 1, 1], [], []>, transpose_lhs_hint = false} : vector<1000x128xf32>, vector<128x128xf32>, vector<1000x128xf32> -> vector<1000x128xf32>
    %get3A_6 = arith.constant 0 : index
    %get3A_7 = arith.constant 0 : index
    %get3A_8 = vector.load %arg13[%get3A_6, %get3A_7] : memref<1x128xf32, #tpu.memory_space<vmem>>, vector<1x128xf32>
    %add3A = vector.broadcast %get3A_8 : vector<1x128xf32> to vector<1000x128xf32>
    %add3A_9 = arith.addf %dot_general3A_5, %add3A : vector<1000x128xf32>
    %max3A = arith.constant 0.000000e+00 : f32
    %max3A_10 = vector.broadcast %max3A : f32 to vector<1000x128xf32>
    %max3A_11 = arith.maximumf %add3A_9, %max3A_10 : vector<1000x128xf32>
    %get3A_12 = arith.constant 0 : index
    %get3A_13 = arith.constant 0 : index
    %get3A_14 = vector.load %arg4[%get3A_12, %get3A_13] : memref<128x128xf32, #tpu.memory_space<vmem>>, vector<128x128xf32>
    %dot_general3A_15 = arith.constant dense<0.000000e+00> : vector<1000x128xf32>
    %dot_general3A_16 = tpu.matmul %max3A_11, %get3A_14, %dot_general3A_15 {dimension_numbers = #tpu.dot_dimension_numbers<[1], [0], [0], [1], [0, 0, 1, 1], [], []>, transpose_lhs_hint = false} : vector<1000x128xf32>, vector<128x128xf32>, vector<1000x128xf32> -> vector<1000x128xf32>
    %get3A_17 = arith.constant 0 : index
    %get3A_18 = arith.constant 0 : index
    %get3A_19 = vector.load %arg14[%get3A_17, %get3A_18] : memref<1x128xf32, #tpu.memory_space<vmem>>, vector<1x128xf32>
    %add3A_20 = vector.broadcast %get3A_19 : vector<1x128xf32> to vector<1000x128xf32>
    %add3A_21 = arith.addf %dot_general3A_16, %add3A_20 : vector<1000x128xf32>
    %max3A_22 = arith.constant 0.000000e+00 : f32
    %max3A_23 = vector.broadcast %max3A_22 : f32 to vector<1000x128xf32>
    %max3A_24 = arith.maximumf %add3A_21, %max3A_23 : vector<1000x128xf32>
    %get3A_25 = arith.constant 0 : index
    %get3A_26 = arith.constant 0 : index
    %get3A_27 = vector.load %arg5[%get3A_25, %get3A_26] : memref<128x128xf32, #tpu.memory_space<vmem>>, vector<128x128xf32>
    %dot_general3A_28 = arith.constant dense<0.000000e+00> : vector<1000x128xf32>
    %dot_general3A_29 = tpu.matmul %max3A_24, %get3A_27, %dot_general3A_28 {dimension_numbers = #tpu.dot_dimension_numbers<[1], [0], [0], [1], [0, 0, 1, 1], [], []>, transpose_lhs_hint = false} : vector<1000x128xf32>, vector<128x128xf32>, vector<1000x128xf32> -> vector<1000x128xf32>
    %get3A_30 = arith.constant 0 : index
    %get3A_31 = arith.constant 0 : index
    %get3A_32 = vector.load %arg15[%get3A_30, %get3A_31] : memref<1x128xf32, #tpu.memory_space<vmem>>, vector<1x128xf32>
    %add3A_33 = vector.broadcast %get3A_32 : vector<1x128xf32> to vector<1000x128xf32>
    %add3A_34 = arith.addf %dot_general3A_29, %add3A_33 : vector<1000x128xf32>
    %max3A_35 = arith.constant 0.000000e+00 : f32
    %max3A_36 = vector.broadcast %max3A_35 : f32 to vector<1000x128xf32>
    %max3A_37 = arith.maximumf %add3A_34, %max3A_36 : vector<1000x128xf32>
    %get3A_38 = arith.constant 0 : index
    %get3A_39 = arith.constant 0 : index
    %get3A_40 = vector.load %arg6[%get3A_38, %get3A_39] : memref<128x128xf32, #tpu.memory_space<vmem>>, vector<128x128xf32>
    %dot_general3A_41 = arith.constant dense<0.000000e+00> : vector<1000x128xf32>
    %dot_general3A_42 = tpu.matmul %max3A_37, %get3A_40, %dot_general3A_41 {dimension_numbers = #tpu.dot_dimension_numbers<[1], [0], [0], [1], [0, 0, 1, 1], [], []>, transpose_lhs_hint = false} : vector<1000x128xf32>, vector<128x128xf32>, vector<1000x128xf32> -> vector<1000x128xf32>
    %get3A_43 = arith.constant 0 : index
    %get3A_44 = arith.constant 0 : index
    %get3A_45 = vector.load %arg16[%get3A_43, %get3A_44] : memref<1x128xf32, #tpu.memory_space<vmem>>, vector<1x128xf32>
    %add3A_46 = vector.broadcast %get3A_45 : vector<1x128xf32> to vector<1000x128xf32>
    %add3A_47 = arith.addf %dot_general3A_42, %add3A_46 : vector<1000x128xf32>
    %max3A_48 = arith.constant 0.000000e+00 : f32
    %max3A_49 = vector.broadcast %max3A_48 : f32 to vector<1000x128xf32>
    %max3A_50 = arith.maximumf %add3A_47, %max3A_49 : vector<1000x128xf32>
    %get3A_51 = arith.constant 0 : index
    %get3A_52 = arith.constant 0 : index
    %get3A_53 = vector.load %arg7[%get3A_51, %get3A_52] : memref<128x81xf32, #tpu.memory_space<vmem>>, vector<128x81xf32>
    %dot_general3A_54 = arith.constant dense<0.000000e+00> : vector<1000x81xf32>
    %dot_general3A_55 = tpu.matmul %max3A_50, %get3A_53, %dot_general3A_54 {dimension_numbers = #tpu.dot_dimension_numbers<[1], [0], [0], [1], [0, 0, 1, 1], [], []>, transpose_lhs_hint = false} : vector<1000x128xf32>, vector<128x81xf32>, vector<1000x81xf32> -> vector<1000x81xf32>
    %get3A_56 = arith.constant 0 : index
    %get3A_57 = arith.constant 0 : index
    %get3A_58 = vector.load %arg17[%get3A_56, %get3A_57] : memref<1x81xf32, #tpu.memory_space<vmem>>, vector<1x81xf32>
    %add3A_59 = vector.broadcast %get3A_58 : vector<1x81xf32> to vector<1000x81xf32>
    %add3A_60 = arith.addf %dot_general3A_55, %add3A_59 : vector<1000x81xf32>
    %get3A_61 = arith.constant 0 : index
    %get3A_62 = arith.constant 0 : index
    %get3A_63 = vector.load %arg1[%get3A_61, %get3A_62] : memref<1000x128xf32, #tpu.memory_space<vmem>>, vector<1000x128xf32>
    %get3A_64 = arith.constant 0 : index
    %get3A_65 = arith.constant 0 : index
    %get3A_66 = vector.load %arg8[%get3A_64, %get3A_65] : memref<128x128xf32, #tpu.memory_space<vmem>>, vector<128x128xf32>
    %dot_general3A_67 = arith.constant dense<0.000000e+00> : vector<1000x128xf32>
    %dot_general3A_68 = tpu.matmul %get3A_63, %get3A_66, %dot_general3A_67 {dimension_numbers = #tpu.dot_dimension_numbers<[1], [0], [0], [1], [0, 0, 1, 1], [], []>, transpose_lhs_hint = false} : vector<1000x128xf32>, vector<128x128xf32>, vector<1000x128xf32> -> vector<1000x128xf32>
    %get3A_69 = arith.constant 0 : index
    %get3A_70 = arith.constant 0 : index
    %get3A_71 = vector.load %arg18[%get3A_69, %get3A_70] : memref<1x128xf32, #tpu.memory_space<vmem>>, vector<1x128xf32>
    %add3A_72 = vector.broadcast %get3A_71 : vector<1x128xf32> to vector<1000x128xf32>
    %add3A_73 = arith.addf %dot_general3A_68, %add3A_72 : vector<1000x128xf32>
    %max3A_74 = arith.constant 0.000000e+00 : f32
    %max3A_75 = vector.broadcast %max3A_74 : f32 to vector<1000x128xf32>
    %max3A_76 = arith.maximumf %add3A_73, %max3A_75 : vector<1000x128xf32>
    %get3A_77 = arith.constant 0 : index
    %get3A_78 = arith.constant 0 : index
    %get3A_79 = vector.load %arg9[%get3A_77, %get3A_78] : memref<128x128xf32, #tpu.memory_space<vmem>>, vector<128x128xf32>
    %dot_general3A_80 = arith.constant dense<0.000000e+00> : vector<1000x128xf32>
    %dot_general3A_81 = tpu.matmul %max3A_76, %get3A_79, %dot_general3A_80 {dimension_numbers = #tpu.dot_dimension_numbers<[1], [0], [0], [1], [0, 0, 1, 1], [], []>, transpose_lhs_hint = false} : vector<1000x128xf32>, vector<128x128xf32>, vector<1000x128xf32> -> vector<1000x128xf32>
    %get3A_82 = arith.constant 0 : index
    %get3A_83 = arith.constant 0 : index
    %get3A_84 = vector.load %arg19[%get3A_82, %get3A_83] : memref<1x128xf32, #tpu.memory_space<vmem>>, vector<1x128xf32>
    %add3A_85 = vector.broadcast %get3A_84 : vector<1x128xf32> to vector<1000x128xf32>
    %add3A_86 = arith.addf %dot_general3A_81, %add3A_85 : vector<1000x128xf32>
    %max3A_87 = arith.constant 0.000000e+00 : f32
    %max3A_88 = vector.broadcast %max3A_87 : f32 to vector<1000x128xf32>
    %max3A_89 = arith.maximumf %add3A_86, %max3A_88 : vector<1000x128xf32>
    %get3A_90 = arith.constant 0 : index
    %get3A_91 = arith.constant 0 : index
    %get3A_92 = vector.load %arg10[%get3A_90, %get3A_91] : memref<128x128xf32, #tpu.memory_space<vmem>>, vector<128x128xf32>
    %dot_general3A_93 = arith.constant dense<0.000000e+00> : vector<1000x128xf32>
    %dot_general3A_94 = tpu.matmul %max3A_89, %get3A_92, %dot_general3A_93 {dimension_numbers = #tpu.dot_dimension_numbers<[1], [0], [0], [1], [0, 0, 1, 1], [], []>, transpose_lhs_hint = false} : vector<1000x128xf32>, vector<128x128xf32>, vector<1000x128xf32> -> vector<1000x128xf32>
    %get3A_95 = arith.constant 0 : index
    %get3A_96 = arith.constant 0 : index
    %get3A_97 = vector.load %arg20[%get3A_95, %get3A_96] : memref<1x128xf32, #tpu.memory_space<vmem>>, vector<1x128xf32>
    %add3A_98 = vector.broadcast %get3A_97 : vector<1x128xf32> to vector<1000x128xf32>
    %add3A_99 = arith.addf %dot_general3A_94, %add3A_98 : vector<1000x128xf32>
    %max3A_100 = arith.constant 0.000000e+00 : f32
    %max3A_101 = vector.broadcast %max3A_100 : f32 to vector<1000x128xf32>
    %max3A_102 = arith.maximumf %add3A_99, %max3A_101 : vector<1000x128xf32>
    %get3A_103 = arith.constant 0 : index
    %get3A_104 = arith.constant 0 : index
    %get3A_105 = vector.load %arg11[%get3A_103, %get3A_104] : memref<128x128xf32, #tpu.memory_space<vmem>>, vector<128x128xf32>
    %dot_general3A_106 = arith.constant dense<0.000000e+00> : vector<1000x128xf32>
    %dot_general3A_107 = tpu.matmul %max3A_102, %get3A_105, %dot_general3A_106 {dimension_numbers = #tpu.dot_dimension_numbers<[1], [0], [0], [1], [0, 0, 1, 1], [], []>, transpose_lhs_hint = false} : vector<1000x128xf32>, vector<128x128xf32>, vector<1000x128xf32> -> vector<1000x128xf32>
    %get3A_108 = arith.constant 0 : index
    %get3A_109 = arith.constant 0 : index
    %get3A_110 = vector.load %arg21[%get3A_108, %get3A_109] : memref<1x128xf32, #tpu.memory_space<vmem>>, vector<1x128xf32>
    %add3A_111 = vector.broadcast %get3A_110 : vector<1x128xf32> to vector<1000x128xf32>
    %add3A_112 = arith.addf %dot_general3A_107, %add3A_111 : vector<1000x128xf32>
    %max3A_113 = arith.constant 0.000000e+00 : f32
    %max3A_114 = vector.broadcast %max3A_113 : f32 to vector<1000x128xf32>
    %max3A_115 = arith.maximumf %add3A_112, %max3A_114 : vector<1000x128xf32>
    %get3A_116 = arith.constant 0 : index
    %get3A_117 = arith.constant 0 : index
    %get3A_118 = vector.load %arg12[%get3A_116, %get3A_117] : memref<128x81xf32, #tpu.memory_space<vmem>>, vector<128x81xf32>
    %dot_general3A_119 = arith.constant dense<0.000000e+00> : vector<1000x81xf32>
    %dot_general3A_120 = tpu.matmul %max3A_115, %get3A_118, %dot_general3A_119 {dimension_numbers = #tpu.dot_dimension_numbers<[1], [0], [0], [1], [0, 0, 1, 1], [], []>, transpose_lhs_hint = false} : vector<1000x128xf32>, vector<128x81xf32>, vector<1000x81xf32> -> vector<1000x81xf32>
    %get3A_121 = arith.constant 0 : index
    %get3A_122 = arith.constant 0 : index
    %get3A_123 = vector.load %arg22[%get3A_121, %get3A_122] : memref<1x81xf32, #tpu.memory_space<vmem>>, vector<1x81xf32>
    %add3A_124 = vector.broadcast %get3A_123 : vector<1x81xf32> to vector<1000x81xf32>
    %add3A_125 = arith.addf %dot_general3A_120, %add3A_124 : vector<1000x81xf32>
    %get3A_126 = arith.constant 0 : index
    %get3A_127 = arith.constant 0 : index
    %get3A_128 = vector.load %arg2[%get3A_126, %get3A_127] : memref<1000x1xi32, #tpu.memory_space<vmem>>, vector<1000x1xi32>
    %eq3A = arith.constant 0 : i32
    %eq3A_129 = vector.broadcast %eq3A : i32 to vector<1000x1xi32>
    %eq3A_130 = arith.cmpi eq, %get3A_128, %eq3A_129 : vector<1000x1xi32>
    %broadcast_in_dim3A = vector.shape_cast %eq3A_130 : vector<1000x1xi1> to vector<1000x1xi1>
    %broadcast_in_dim3A_131 = vector.broadcast %broadcast_in_dim3A : vector<1000x1xi1> to vector<1000x81xi1>
    %select_n3A = arith.select %broadcast_in_dim3A_131, %add3A_60, %add3A_125 : vector<1000x81xi1>, vector<1000x81xf32>
    %swap3A = arith.constant 0 : index
    %swap3A_132 = arith.constant 0 : index
    %swap3A_133 = vector.load %arg23[%swap3A, %swap3A_132] : memref<1000x81xf32, #tpu.memory_space<vmem>>, vector<1000x81xf32>
    tpu.vector_store %arg23[%swap3A, %swap3A_132], %select_n3A {strides = array<i32>} : memref<1000x81xf32, #tpu.memory_space<vmem>>, vector<1000x81xf32>,
    return
  }
  func.func @transform_0(%arg0: i32) -> (i32, i32) {
    %c0_i32 = arith.constant 0 : i32
    %c0_i32_0 = arith.constant 0 : i32
    return %arg0, %c0_i32 : i32, i32
  }
  func.func @transform_1(%arg0: i32) -> (i32, i32) {
    %c0_i32 = arith.constant 0 : i32
    %c0_i32_0 = arith.constant 0 : i32
    return %arg0, %c0_i32 : i32, i32
  }
  func.func @transform_2(%arg0: i32) -> (i32, i32) {
    %c0_i32 = arith.constant 0 : i32
    %c0_i32_0 = arith.constant 0 : i32
    %c0_i32_1 = arith.constant 0 : i32
    return %c0_i32, %c0_i32_0 : i32, i32
  }
  func.func @transform_3(%arg0: i32) -> (i32, i32) {
    %c0_i32 = arith.constant 0 : i32
    %c0_i32_0 = arith.constant 0 : i32
    %c0_i32_1 = arith.constant 0 : i32
    return %c0_i32, %c0_i32_0 : i32, i32
  }
  func.func @transform_4(%arg0: i32) -> (i32, i32) {
    %c0_i32 = arith.constant 0 : i32
    %c0_i32_0 = arith.constant 0 : i32
    %c0_i32_1 = arith.constant 0 : i32
    return %c0_i32, %c0_i32_0 : i32, i32
  }
  func.func @transform_5(%arg0: i32) -> (i32, i32) {
    %c0_i32 = arith.constant 0 : i32
    %c0_i32_0 = arith.constant 0 : i32
    %c0_i32_1 = arith.constant 0 : i32
    return %c0_i32, %c0_i32_0 : i32, i32
  }
  func.func @transform_6(%arg0: i32) -> (i32, i32) {
    %c0_i32 = arith.constant 0 : i32
    %c0_i32_0 = arith.constant 0 : i32
    %c0_i32_1 = arith.constant 0 : i32
    return %c0_i32, %c0_i32_0 : i32, i32
  }
  func.func @transform_7(%arg0: i32) -> (i32, i32) {
    %c0_i32 = arith.constant 0 : i32
    %c0_i32_0 = arith.constant 0 : i32
    %c0_i32_1 = arith.constant 0 : i32
    return %c0_i32, %c0_i32_0 : i32, i32
  }
  func.func @transform_8(%arg0: i32) -> (i32, i32) {
    %c0_i32 = arith.constant 0 : i32
    %c0_i32_0 = arith.constant 0 : i32
    %c0_i32_1 = arith.constant 0 : i32
    return %c0_i32, %c0_i32_0 : i32, i32
  }
  func.func @transform_9(%arg0: i32) -> (i32, i32) {
    %c0_i32 = arith.constant 0 : i32
    %c0_i32_0 = arith.constant 0 : i32
    %c0_i32_1 = arith.constant 0 : i32
    return %c0_i32, %c0_i32_0 : i32, i32
  }
  func.func @transform_10(%arg0: i32) -> (i32, i32) {
    %c0_i32 = arith.constant 0 : i32
    %c0_i32_0 = arith.constant 0 : i32
    %c0_i32_1 = arith.constant 0 : i32
    return %c0_i32, %c0_i32_0 : i32, i32
  }
  func.func @transform_11(%arg0: i32) -> (i32, i32) {
    %c0_i32 = arith.constant 0 : i32
    %c0_i32_0 = arith.constant 0 : i32
    %c0_i32_1 = arith.constant 0 : i32
    return %c0_i32, %c0_i32_0 : i32, i32
  }
  func.func @transform_12(%arg0: i32) -> (i32, i32) {
    %c0_i32 = arith.constant 0 : i32
    %c0_i32_0 = arith.constant 0 : i32
    %c0_i32_1 = arith.constant 0 : i32
    return %c0_i32, %c0_i32_0 : i32, i32
  }
  func.func @transform_13(%arg0: i32) -> (i32, i32) {
    %c0_i32 = arith.constant 0 : i32
    %c0_i32_0 = arith.constant 0 : i32
    %c0_i32_1 = arith.constant 0 : i32
    return %c0_i32, %c0_i32_0 : i32, i32
  }
  func.func @transform_14(%arg0: i32) -> (i32, i32) {
    %c0_i32 = arith.constant 0 : i32
    %c0_i32_0 = arith.constant 0 : i32
    %c0_i32_1 = arith.constant 0 : i32
    return %c0_i32, %c0_i32_0 : i32, i32
  }
  func.func @transform_15(%arg0: i32) -> (i32, i32) {
    %c0_i32 = arith.constant 0 : i32
    %c0_i32_0 = arith.constant 0 : i32
    %c0_i32_1 = arith.constant 0 : i32
    return %c0_i32, %c0_i32_0 : i32, i32
  }
  func.func @transform_16(%arg0: i32) -> (i32, i32) {
    %c0_i32 = arith.constant 0 : i32
    %c0_i32_0 = arith.constant 0 : i32
    %c0_i32_1 = arith.constant 0 : i32
    return %c0_i32, %c0_i32_0 : i32, i32
  }
  func.func @transform_17(%arg0: i32) -> (i32, i32) {
    %c0_i32 = arith.constant 0 : i32
    %c0_i32_0 = arith.constant 0 : i32
    %c0_i32_1 = arith.constant 0 : i32
    return %c0_i32, %c0_i32_0 : i32, i32
  }
  func.func @transform_18(%arg0: i32) -> (i32, i32) {
    %c0_i32 = arith.constant 0 : i32
    %c0_i32_0 = arith.constant 0 : i32
    %c0_i32_1 = arith.constant 0 : i32
    return %c0_i32, %c0_i32_0 : i32, i32
  }
  func.func @transform_19(%arg0: i32) -> (i32, i32) {
    %c0_i32 = arith.constant 0 : i32
    %c0_i32_0 = arith.constant 0 : i32
    %c0_i32_1 = arith.constant 0 : i32
    return %c0_i32, %c0_i32_0 : i32, i32
  }
  func.func @transform_20(%arg0: i32) -> (i32, i32) {
    %c0_i32 = arith.constant 0 : i32
    %c0_i32_0 = arith.constant 0 : i32
    %c0_i32_1 = arith.constant 0 : i32
    return %c0_i32, %c0_i32_0 : i32, i32
  }
  func.func @transform_21(%arg0: i32) -> (i32, i32) {
    %c0_i32 = arith.constant 0 : i32
    %c0_i32_0 = arith.constant 0 : i32
    %c0_i32_1 = arith.constant 0 : i32
    return %c0_i32, %c0_i32_0 : i32, i32
  }
  func.func @transform_22(%arg0: i32) -> (i32, i32) {
    %c0_i32 = arith.constant 0 : i32
    %c0_i32_0 = arith.constant 0 : i32
    return %arg0, %c0_i32 : i32, i32
  }
}

</mosaic_0001>

<sc_bundles>
// kernel: kernel.13.cloned.1.call-start
scs
__scs_entry_jumppad:
0x0: {  	(pc) =	sbr.rel $0x88, $3  }
0x1: {  	(tag) =	ssettag $0x0;
	lr =	simm.s32 $0x1  }
0x2: {  	[smem:$0x3F6C] =	sst lr;
	_ =	strace $0xD0000000  }
0x3: {  	_ = 	snop  }
0x4: {  	_ = 	snop  }
0x5: {  	_ = 	snop  }
0x6: {  	_ = 	snop  }
0x7: {  	_ = 	snop  }
__scs_overlays_trampoline_lowered:
0x8: {  	[smem:$0x3F7B] =	sst s0  }
0x9: {  	[smem:$0x3F7C] =	sst s1  }
0xa: {  	[smem:$0x3F7D] =	sst s2  }
0xb: {  	[smem:$0x3F7E] =	sst s3  }
0xc: {  	[smem:$0x3F7F] =	sst s4  }
0xd: {  	[smem:$0x3F80] =	sst s5  }
0xe: {  	[smem:$0x3F81] =	sst s6  }
0xf: {  	[smem:$0x3F82] =	sst s7  }
0x10: {  	[smem:$0x3F83] =	sst s8  }
0x11: {  	[smem:$0x3F84] =	sst s9;
	s0 =	simm.s32 @!p0 $0x0  }
0x12: {  	s1 =	sld [smem:$0x3F6A];
	s0 =	simm.s32 @p0 $0x1  }
0x13: {  	[smem:$0x3F85] =	sst s0;
	s0 =	simm.s32 @!p1 $0x0  }
0x14: {  	s2 =	sld [smem:$0x3F69];
	s0 =	simm.s32 @p1 $0x1  }
0x15: {  	[smem:$0x3F86] =	sst s0;
	s0 =	simm.s32 @!p2 $0x0  }
0x16: {  	s3 =	sld [smem:$0x3FDB];
	s0 =	simm.s32 @p2 $0x1  }
0x17: {  	s4 =	simm.s32 $0x1BF5;
	[smem:$0x3F88] =	sst s0  }
0x18: {  	s0 =	sld [smem:$0x3F6B];
	_ =	swait.ge [sflag:s4], $0x0  }
0x19: {  	s7 =	sld [smem:$0x3F6C]  }
0x1a: {  	s8 =	sadd.s32 $0xFFFFE003, lr  }
0x1b: {  	s9 =	sadd.s32 $0xFFFFFEF7, lr;
	s5 =	simm.s32 $0xFFFFFFFF;
	p2 =	slt.u32 s8, $0xFFFFF086  }
0x1c: {  	p1 =	slt.u32 s9, $0xF7A;
	s5 =	simm.s32 @!p2 $0x0  }
0x1d: {  	s5 =	simm.s32 @p1 $0x1;
	p0 =	seq.s32 s7, s2  }
0x1e: {  	s7 =	smul.u32 @!p0 $0xF7A, s2;
	p2 =	seq.s32 @!p0 s5, $0x0  }
0x1f: {  	s9 =	smul.u32 $0xF7A, s1;
	s8 =	simm.s32 @!p0 $0x1BF5;
	p2 =	por !p2, p0  }
0x20: {  	[sflag:s8] =	ssyncset.s32 @!p0 $0xFFFFF086;
	s6 =	sadd.s32 @!p0 s3, s7;
	s7 =	simm.s32 @!p0 $0x108  }
0x21: {  	s3 =	sadd.s32 s3, s9;
	s6 =	sadd.s32 @!p0 $0x88, s6;
	s7 =	simm.s32 @p2 $0x1082  }
0x22: {  	[simem:s7], [sflag:s8] =	dma.local @!p0 [hbm:s6], $0xF7A  }
0x23: {  	s9 =	sor.u32 $0xD0000000, s2;
	s6 =	simm.s32 $0x108;
	_ =	swait.ge @!p0 [sflag:s8], $0x0  }
0x24: {  	s3 =	sadd.s32 $0x88, s3;
	s6 =	simm.s32 @!p1 $0x1082;
	[sflag:s4] =	ssyncset.s32 $0xFFFFF086  }
0x25: {  	[simem:s6], [sflag:s4] =	dma.local [hbm:s3], $0xF7A  }
0x26: {  	[smem:$0x3F6C] =	sst s1;
	(tag) =	ssettag s2;
	_ =	strace s9  }
0x27: {  	s1 =	sld [smem:$0x3F7C]  }
0x28: {  	s2 =	sld [smem:$0x3F7D]  }
0x29: {  	s4 =	sld [smem:$0x3F7F]  }
0x2a: {  	p0 =	seq.s32 s5, $0x0;
	s5 =	sld [smem:$0x3F80]  }
0x2b: {  	s6 =	sld [smem:$0x3F81]  }
0x2c: {  	s7 =	sld [smem:$0x3F82]  }
0x2d: {  	s3 =	simm.s32 $0x108;
	s8 =	sld [smem:$0x3F83]  }
0x2e: {  	s3 =	simm.s32 @!p0 $0x1082;
	s9 =	sld [smem:$0x3F84]  }
0x2f: {  	lr =	sadd.s32 s0, s3;
	s0 =	sld [smem:$0x3F7B]  }
0x30: {  	s3 =	sld [smem:$0x3F7E]  }
0x31: {  	[smem:$0x3F87] =	sst s10  }
0x32: {  	s10 =	sld [smem:$0x3F85];
	_ =	sdelay $0x3  }
0x33: {  	p0 =	seq.s32 s10, $0x1;
	s10 =	sld [smem:$0x3F87];
	_ =	sdelay $0x3  }
0x34: {  	[smem:$0x3F87] =	sst s10  }
0x35: {  	s10 =	sld [smem:$0x3F86];
	_ =	sdelay $0x3  }
0x36: {  	p1 =	seq.s32 s10, $0x1;
	s10 =	sld [smem:$0x3F87];
	_ =	sdelay $0x3  }
0x37: {  	[smem:$0x3F87] =	sst s10  }
0x38: {  	s10 =	sld [smem:$0x3F88]  }
0x39: {  	_ = 	snop;
	(pc) =	sbr.ind lr, $3  }
0x3a: {  	_ = 	snop  }
0x3b: {  	_ = 	snop  }
0x3c: {  	p2 =	seq.s32 s10, $0x1;
	s10 =	sld [smem:$0x3F87]  }
0x3d: {  	_ =	shalt  }
0x3e: {  	_ =	shalt  }
0x3f: {  	_ =	shalt  }
0x40: {  	_ =	shalt  }
0x41: {  	_ =	shalt  }
0x42: {  	_ =	shalt  }
0x43: {  	_ =	shalt  }
0x44: {  	_ =	shalt  }
0x45: {  	_ =	shalt  }
0x46: {  	_ =	shalt  }
0x47: {  	_ =	shalt  }
0x48: {  	_ =	shalt  }
0x49: {  	_ =	shalt  }
0x4a: {  	_ =	shalt  }
0x4b: {  	_ =	shalt  }
0x4c: {  	_ =	shalt  }
0x4d: {  	_ =	shalt  }
0x4e: {  	_ =	shalt  }
0x4f: {  	_ =	shalt  }
0x50: {  	_ =	shalt  }
0x51: {  	_ =	shalt  }
0x52: {  	_ =	shalt  }
0x53: {  	_ =	shalt  }
0x54: {  	_ =	shalt  }
0x55: {  	_ =	shalt  }
0x56: {  	_ =	shalt  }
0x57: {  	_ =	shalt  }
0x58: {  	_ =	shalt  }
0x59: {  	_ =	shalt  }
0x5a: {  	_ =	shalt  }
0x5b: {  	_ =	shalt  }
0x5c: {  	_ =	shalt  }
0x5d: {  	_ =	shalt  }
0x5e: {  	_ =	shalt  }
0x5f: {  	_ =	shalt  }
0x60: {  	_ =	shalt  }
0x61: {  	_ =	shalt  }
0x62: {  	_ =	shalt  }
0x63: {  	_ =	shalt  }
0x64: {  	_ =	shalt  }
0x65: {  	_ =	shalt  }
0x66: {  	_ =	shalt  }
0x67: {  	_ =	shalt  }
0x68: {  	_ =	shalt  }
0x69: {  	_ =	shalt  }
0x6a: {  	_ =	shalt  }
0x6b: {  	_ =	shalt  }
0x6c: {  	_ =	shalt  }
0x6d: {  	_ =	shalt  }
0x6e: {  	_ =	shalt  }
0x6f: {  	_ =	shalt  }
0x70: {  	_ =	shalt  }
0x71: {  	_ =	shalt  }
0x72: {  	_ =	shalt  }
0x73: {  	_ =	shalt  }
0x74: {  	_ =	shalt  }
0x75: {  	_ =	shalt  }
0x76: {  	_ =	shalt  }
0x77: {  	_ =	shalt  }
0x78: {  	_ =	shalt  }
0x79: {  	_ =	shalt  }
0x7a: {  	_ =	shalt  }
0x7b: {  	_ =	shalt  }
0x7c: {  	_ =	shalt  }
0x7d: {  	_ =	shalt  }
0x7e: {  	_ =	shalt  }
0x7f: {  	_ =	shalt  }
0x80: {  	_ =	shalt  }
0x81: {  	_ =	shalt  }
0x82: {  	_ =	shalt  }
0x83: {  	_ =	shalt  }
0x84: {  	_ =	shalt  }
0x85: {  	_ =	shalt  }
0x86: {  	_ =	shalt  }
0x87: {  	_ =	shalt  }
.Lfunc_end0:
.L_simem_size_0:
called_computation_lowered:
.L_overlay_start_0:
0x88: {  	s2 =	sld [smem:$0x3FD9]  }
0x89: {  	s3 =	sld [smem:$0x3FFE];
	_ =	sdelay $0x1  }
0x8a: {  	s1 =	srdreg.scid  }
0x8b: {  	s0 =	sand.u32 $0x1, s1  }
0x8c: {  	s17 =	sshll.u32 s0, $0xA;
	s2 =	sadd.s32 s3, s2  }
0x8d: {  	s2 =	sadd.s32 s2, s17  }
0x8e: {  	[smem:$0x3F93] =	sst s2  }
0x8f: {  	_ = 	snop  }
0x90: {  	s2 =	sld [smem:$0x3FD0];
	(tm) =	ssettm $0x1  }
0x91: {  	s18 =	sld [smem:$0x3FFB];
	_ =	sdelay $0x3  }
0x92: {  	_ =	strace s18  }
0x93: {  	s3 =	sld [smem:$0x3FFC];
	_ =	sdelay $0x3  }
0x94: {  	_ =	strace s3  }
0x95: {  	s3 =	sld [smem:$0x3FFD];
	_ =	sdelay $0x3  }
0x96: {  	_ =	strace s3  }
0x97: {  	_ =	strace $0x8FFFFFFF  }
0x98: {  	s19 =	sld [smem:$0x3FDB];
	_ =	sdelay $0x1  }
0x99: {  	s4 =	simm.s32 $_scs_section_size  }
0x9a: {  	s5 =	simm.s32 $_size__tile_overlayer_lowered;
	s6 =	simm.s32 $_tile_overlayer_lowered  }
0x9b: {  	s22 =	simm.s32 $0x1BFF;
	s21 =	sshll.u32 s6, $0x1;
	s3 =	sadd.s32 s4, s19  }
0x9c: {  	s7 =	simm.s32 $0x0;
	s20 =	sshll.u32 s5, $0x1;
	s5 =	sadd.s32 s21, s3  }
0x9d: {  	[timem:s7], [sflag:s22] =	dma.local [hbm:s5], s20  }
0x9e: {  	_ =	swait.ge [sflag:s22], s20  }
0x9f: {  	s4 =	ssub.s32 $0x0, s20;
	[sflag:s22] =	ssyncset.done $0x0  }
0xa0: {  	[sflag:s22] =	ssyncadd.s32 s4;
	_ =	sdelay $0x1  }
0xa1: {  	s23 =	simm.s32 $0x1B8B  }
0xa2: {  	_ =	swait.ge [sflag:s23], $0x1  }
0xa3: {  	[sflag:s23] =	ssyncset.done $0x0  }
0xa4: {  	s25 =	simm.s32 $0x1B8E;
	s24 =	sld [smem:$0x3FFE];
	[sflag:s23] =	ssyncadd.s32 $0xFFFFFFFF  }
0xa5: {  	s26 =	simm.s32 $execute0_lowered;
	[smem:$0x3FD2] =	sst s25  }
0xa6: {  	s5 =	sshll.u32 s26, $0x1;
	_ =	strace $0x80000046;
	[dreg:$0x1] =	wrdreg $0xFFFFFFFF  }
0xa7: {  	s28 =	simm.s32 $_size_execute0_lowered;
	s3 =	sadd.s32 s3, s5;
	[dreg:$0x0] =	wrdreg $0x0  }
0xa8: {  	s5 =	sshll.u32 s28, $0x1;
	[dreg:$0x2] =	wrdreg s3  }
0xa9: {  	[dreg:$0x3] =	wrdreg s5  }
0xaa: {  	[dreg:$0x4] =	wrdreg $0xC0  }
0xab: {  	_ =	task [dreg:s7], $0x5FFFF  }
0xac: {  	[dreg:$0x1] =	wrdreg $0xFFFFFFFF  }
0xad: {  	[dreg:$0x0] =	wrdreg $0x60  }
0xae: {  	[dreg:$0x2] =	wrdreg s24  }
0xaf: {  	[dreg:$0x3] =	wrdreg s2  }
0xb0: {  	[dreg:$0x4] =	wrdreg $0x38000  }
0xb1: {  	[dreg:$0x5] =	wrdreg $0x9  }
0xb2: {  	_ =	task.clear_ibuf [dreg:s7], $0x6FFFF;
	_ =	strace $0x90000046  }
0xb3: {  	s29 =	simm.s32 $0x9;
	_ =	strace $0x80000048  }
0xb4: {  	_ =	swait.ge [sflag:s29], $0x1  }
0xb5: {  	[sflag:s29] =	ssyncadd.s32 $0xFFFFFFFF  }
0xb6: {  	_ =	strace $0x90000048  }
0xb7: {  	_ =	sfence  }
0xb8: {  	s30 =	sld [smem:$0x0];
	_ =	sdelay $0x2  }
0xb9: {  	s31 =	sshll.u32 s1, $0xD;
	s1 =	sshrl.u32 s1, $0x2  }
0xba: {  	s3 =	sand.u32 $0x4000, s31;
	s1 =	sadd.s32 s1, s30  }
0xbb: {  	s0 =	sor.u32 s3, s0;
	s1 =	sshll.u32 s1, $0x11  }
0xbc: {  	s0 =	sor.u32 s1, s0  }
0xbd: {  	s0 =	sadd.s32 $0x8F2B, s0  }
0xbe: {  	[sflag:s0] =	ssyncadd.remote.s32 $0x1  }
0xbf: {  	_ =	sfence.sel $0xFFFF  }
0xc0: {  	[dreg:$0x0] =	wrdreg $0xFFFFFFFF;
	(pc) =	sbr.abs _section_cstart, $3  }
0xc1: {  	[dreg:$0x1] =	wrdreg $0xFFFFFFFF  }
0xc2: {  	_ =	task.clear_ibuf [dreg:s7], $0x2FFFF;
	_ =	strace $0x9FFFFFFF  }
0xc3: {  	(tm) =	ssettm $0x7FFFFFFF  }
tec
execute0_lowered:
.L_overlay_start_1:
0x0: {  	(tag) =	ssettag $0x1  }
0x1: {  	s4 =	rddreg [dreg:$0x0]  }
0x2: {  	s10 =	rddreg [dreg:$0x1]  }
0x3: {  	s2 =	rddreg [dreg:$0x2]  }
0x4: {  	s0 =	rddreg [dreg:$0x3]  }
0x5: {  	s3 =	simm.s32 $0x0;
	s1 =	stileid.u32;
	s5 =	srdreg.scid  }
0x6: {  	s16 =	simm.s32 $0x8;
	s17 =	simm.s32 $0x10;
	s18 =	simm.s32 $0x2800  }
0x7: {  	s19 =	simm.s32 $0x2C00;
	s20 =	simm.s32 $0x1;
	s21 =	simm.s32 $0x80  }
0x8: {  	s22 =	simm.s32 $0x2;
	s23 =	simm.s32 $0x0;
	s11 =	smul.u32 $0x500, s1  }
0x9: {  	[smem:$0x7FF] =	sst s3;
	s6 =	smul.u32 $0x1400, s1;
	s12 =	sand.u32 $0x1, s5  }
0xa: {  	s9 =	sadd.s32 $0x11600, s4;
	s14 =	smul.u32 $0x5000, s1;
	s30 =	sshll.u32 s1, $0x6  }
0xb: {  	_ =	strace $0x80000047;
	s5 =	ssub.s32 $0x2, s12;
	s7 =	sadd.s32 s11, s4  }
0xc: {  	s8 =	sshrl.u32 s6, $0x3;
	s13 =	sshrl.u32 s5, $0x1;
	s15 =	sadd.s32 s6, s2  }
0xd: {  	s31 =	sor.u32 s12, s14;
	s4 =	sadd.s32 s8, s4;
	s13 =	ssub.s32 s5, s13  }
.Ltmp0:
0xe: {  	s5 =	sor.u32 $0x1C03, s30;
	s6 =	sadd.s32 $0xC600, s7;
	(pc) =	sbr.rel .LBB2_1-.Ltmp0, $4  }
0xf: {  	s7 =	sadd.s32 s9, s31;
	s9 =	sadd.s32 s9, s12;
	s12 =	sadd.s32 s10, s12  }
0x10: {  	s10 =	smul.u32 $0x28000, s1;
	s4 =	sadd.s32 $0x61600, s4;
	s8 =	sadd.s32 $0x100, s7  }
0x11: {  	s11 =	sadd.s32 s11, s12;
	s14 =	sadd.s32 s14, s9;
	s12 =	smax.u32 s13, $0x1  }
0x12: {  	s13 =	sadd.s32 $0x100, s14;
	s14 =	sshrl.u32 s15, $0x3;
	s15 =	simm.s32 $0x3  }
.LBB2_5:
0x13: {  	_ =	swait.ge [sflag:s22], $0x400  }
0x14: {  	[sflag:s22] =	ssyncset.done $0x0  }
0x15: {  	[sflag:s22] =	ssyncadd.s32 $0xFFFFFC00  }
0x16: {  	_ =	swait.ge [sflag:s22], $0x400  }
0x17: {  	s23 =	sadd.s32 $0x1, s23;
	[sflag:s22] =	ssyncset.done $0x0  }
0x18: {  	p0 =	sne.s32 s23, s12;
	[sflag:s22] =	ssyncadd.s32 $0xFFFFFC00  }
.Ltmp1:
0x19: {  	[bflag:$0x0] =	sbarrier.arrive $0xFFFF;
	(pc) =	sbr.rel @!p0 .LBB2_6-.Ltmp1, $4  }
0x1a: {  	[hbm:s11@s22], [sflag:s5] =	dma.strided [spmem:s14@s20], $0x280, s20, $0x1   }
0x1b: {  	_ =	swait.ge [sflag:s15], $0x280  }
0x1c: {  	[sflag:s15] =	ssyncset.done $0x0  }
0x1d: {  	[sflag:s15] =	ssyncadd.s32 $0xFFFFFD80  }
.LBB2_1:
0x1e: {  	[spmem:s14], [sflag:s5] =	dma.local [hbm:s4], $0x280  }
0x1f: {  	_ =	swait.ge [sflag:s15], $0x280  }
0x20: {  	[sflag:s15] =	ssyncset.done $0x0  }
0x21: {  	[sflag:s15] =	ssyncadd.s32 $0xFFFFFD80  }
0x22: {  	[tilespmem:s3], [sflag:$0x3] =	stream.linear.gather [hbm4b:s6+s3], $0x2800, $0x38;
	[tilespmem:$0x4C00] =	vst v63  }
0x23: {  	_ =	swait.ge [sflag:s15], $0x2800  }
0x24: {  	[sflag:s15] =	ssyncset.done $0x0  }
.Ltmp2:
0x25: {  	[sflag:s15] =	ssyncadd.s32 $0xFFFFD800;
	(pc) =	sbr.rel .LBB2_2-.Ltmp2, $4  }
0x26: {  	[bflag:$0x0] =	sbarrier.arrive $0xFFFF  }
0x27: {  	[tilespmem:s18], [sflag:$0x1] =	stream.strided.gather [hbm4b:s7+s16], $0x400, s17, s16, $0x38;
	[tilespmem:$0x4C00] =	vst v63  }
0x28: {  	s24 =	simm.s32 $0x0  }
0x29: {  	[tilespmem:s19], [sflag:$0x1] =	stream.strided.gather [hbm4b:s8+s16], $0x400, s17, s16, $0x38;
	[tilespmem:$0x4C00] =	vst v63  }
.LBB2_4:
0x2a: {  	s26 =	sshll.u32 s26, $0xB;
	s24 =	sshll.u32 s24, $0x8;
	p0 =	slt.u32 s25, $0x28  }
.Ltmp3:
0x2b: {  	s28 =	sadd.s32 $0x2800, s26;
	s24 =	sand.u32 $0x3FFFFF00, s24;
	(pc) =	sbr.rel @!p0 .LBB2_5-.Ltmp3, $4  }
0x2c: {  	[spmem:s2] =	stream.indirect.scatter.add.f32 [tilespmem:s28], [sflag:$0x2], $0x8, s24, s21, $0xb8;
	[tilespmem:$0x4C00] =	vst v63  }
0x2d: {  	s26 =	sadd.s32 $0x2C00, s26;
	s24 =	sor.u32 $0x80, s24  }
0x2e: {  	[spmem:s2] =	stream.indirect.scatter.add.f32 [tilespmem:s26], [sflag:$0x2], $0x8, s24, s21, $0xb8;
	[tilespmem:$0x4C00] =	vst v63  }
0x2f: {  	s24 =	smov.u32 s25  }
.LBB2_2:
0x30: {  	_ =	swait.ge [sflag:s20], $0x400  }
0x31: {  	[sflag:s20] =	ssyncset.done $0x0  }
0x32: {  	[sflag:s20] =	ssyncadd.s32 $0xFFFFFC00  }
0x33: {  	_ =	swait.ge [sflag:s20], $0x400  }
0x34: {  	p0 =	seq.s32 s24, $0x0;
	[sflag:s20] =	ssyncset.done $0x0  }
0x35: {  	s25 =	simm.s32 @!p0 $0x2;
	p1 =	seq.s32 @!p0 s24, $0x27;
	[sflag:s20] =	ssyncadd.s32 $0xFFFFFC00  }
0x36: {  	p1 =	por p0, !p1;
	_ =	swait.ge @!p0 [sflag:s25], $0x400  }
.Ltmp4:
0x37: {  	[sflag:s25] =	ssyncset.done @!p0 $0x0;
	(pc) =	sbr.rel @!p1 .LBB2_4-.Ltmp4, $4  }
0x38: {  	[sflag:s25] =	ssyncadd.s32 @!p0 $0xFFFFFC00  }
0x39: {  	_ =	swait.ge @!p0 [sflag:s25], $0x400  }
0x3a: {  	[sflag:s25] =	ssyncset.done @!p0 $0x0  }
0x3b: {  	s26 =	sand.u32 $0x1, s24;
	[sflag:s25] =	ssyncadd.s32 @!p0 $0xFFFFFC00;
	s25 =	simm.s32 @!p0 $0x28  }
0x3c: {  	s25 =	sadd.s32 @!p0 $0x1, s24  }
0x3d: {  	s25 =	simm.s32 @p0 $0x1  }
0x3e: {  	s28 =	sshll.u32 s25, $0xC  }
0x3f: {  	s28 =	sadd.s32 s10, s28  }
.Ltmp5:
0x40: {  	s29 =	sshll.u32 s26, $0xB;
	s28 =	sshrl.u32 s28, $0x3;
	(pc) =	sbr.rel .LBB2_4-.Ltmp5, $4  }
0x41: {  	s30 =	ssub.s32 $0x3000, s29;
	s31 =	sshll.u32 s25, $0x9;
	s28 =	sadd.s32 s28, s9  }
0x42: {  	[tilespmem:s30], [sflag:$0x1] =	stream.strided.gather [hbm4b:s28+s16], $0x400, s17, s16, $0x38;
	[tilespmem:$0x4C00] =	vst v63  }
0x43: {  	s29 =	ssub.s32 $0x3400, s29;
	s28 =	sadd.s32 s13, s31  }
0x44: {  	[tilespmem:s29], [sflag:$0x1] =	stream.strided.gather [hbm4b:s28+s16], $0x400, s17, s16, $0x38;
	[tilespmem:$0x4C00] =	vst v63  }
.LBB2_6:
0x45: {  	_ =	sfence.sel $0x180000  }
0x46: {  	[bflag:$0x0] =	sbarrier.arrive $0xFFFF  }
0x47: {  	p0 =	sne.s32 s1, $0x0;
	_ =	strace $0x90000047  }
0x48: {  	s0 =	sadd.s32 @!p0 $0x100000, s0;
	[bflag:$0x2] =	sbarrier.arrive $0xFFFF  }
0x49: {  	[sflag:s0] =	ssyncadd.tile.s32 @!p0 $0x1;
	_ =	shalt  }
.Lfunc_end2:
_tile_overlayer_lowered:
.L_overlay_start_2:
0x4a: {  	(tag) =	ssettag $0x2  }
0x4b: {  	s0 =	rddreg [dreg:$0x0];
	s2 =	stileid.u32  }
0x4c: {  	s1 =	rddreg [dreg:$0x1];
	p0 =	sne.s32 s2, $0x0  }
0x4d: {  	s3 =	rddreg [dreg:$0x2];
	[bflag:$0x3] =	sbarrier.arrive $0xFFFF;
	s2 =	simm.s32 @!p0 $0x1C03  }
0x4e: {  	[timem:s3], [sflag:s2] =	dma.local @!p0 [hbm:s0], s1  }
0x4f: {  	s0 =	simm.s32 @!p0 $0x3  }
0x50: {  	_ =	swait.ge @!p0 [sflag:s0], s1  }
0x51: {  	s1 =	ssub.s32 @!p0 $0x0, s1;
	[sflag:s0] =	ssyncset.done @!p0 $0x0  }
0x52: {  	[sflag:s0] =	ssyncadd.s32 @!p0 s1  }
0x53: {  	[bflag:$0x3] =	sbarrier.arrive $0xFFFF  }
0x54: {  	_ =	shalt  }

// kernel: kernel.16.cloned.1.call-start
scs
__scs_entry_jumppad:
0x0: {  	(pc) =	sbr.rel $0x88, $3  }
0x1: {  	(tag) =	ssettag $0x0;
	lr =	simm.s32 $0x1  }
0x2: {  	[smem:$0x3F6C] =	sst lr;
	_ =	strace $0xD0000000  }
0x3: {  	_ = 	snop  }
0x4: {  	_ = 	snop  }
0x5: {  	_ = 	snop  }
0x6: {  	_ = 	snop  }
0x7: {  	_ = 	snop  }
__scs_overlays_trampoline_lowered:
0x8: {  	[smem:$0x3F7B] =	sst s0  }
0x9: {  	[smem:$0x3F7C] =	sst s1  }
0xa: {  	[smem:$0x3F7D] =	sst s2  }
0xb: {  	[smem:$0x3F7E] =	sst s3  }
0xc: {  	[smem:$0x3F7F] =	sst s4  }
0xd: {  	[smem:$0x3F80] =	sst s5  }
0xe: {  	[smem:$0x3F81] =	sst s6  }
0xf: {  	[smem:$0x3F82] =	sst s7  }
0x10: {  	[smem:$0x3F83] =	sst s8  }
0x11: {  	[smem:$0x3F84] =	sst s9;
	s0 =	simm.s32 @!p0 $0x0  }
0x12: {  	s1 =	sld [smem:$0x3F6A];
	s0 =	simm.s32 @p0 $0x1  }
0x13: {  	[smem:$0x3F85] =	sst s0;
	s0 =	simm.s32 @!p1 $0x0  }
0x14: {  	s2 =	sld [smem:$0x3F69];
	s0 =	simm.s32 @p1 $0x1  }
0x15: {  	[smem:$0x3F86] =	sst s0;
	s0 =	simm.s32 @!p2 $0x0  }
0x16: {  	s3 =	sld [smem:$0x3FDB];
	s0 =	simm.s32 @p2 $0x1  }
0x17: {  	s4 =	simm.s32 $0x1BF5;
	[smem:$0x3F88] =	sst s0  }
0x18: {  	s0 =	sld [smem:$0x3F6B];
	_ =	swait.ge [sflag:s4], $0x0  }
0x19: {  	s7 =	sld [smem:$0x3F6C]  }
0x1a: {  	s8 =	sadd.s32 $0xFFFFE003, lr  }
0x1b: {  	s9 =	sadd.s32 $0xFFFFFEF7, lr;
	s5 =	simm.s32 $0xFFFFFFFF;
	p2 =	slt.u32 s8, $0xFFFFF086  }
0x1c: {  	p1 =	slt.u32 s9, $0xF7A;
	s5 =	simm.s32 @!p2 $0x0  }
0x1d: {  	s5 =	simm.s32 @p1 $0x1;
	p0 =	seq.s32 s7, s2  }
0x1e: {  	s7 =	smul.u32 @!p0 $0xF7A, s2;
	p2 =	seq.s32 @!p0 s5, $0x0  }
0x1f: {  	s9 =	smul.u32 $0xF7A, s1;
	s8 =	simm.s32 @!p0 $0x1BF5;
	p2 =	por !p2, p0  }
0x20: {  	[sflag:s8] =	ssyncset.s32 @!p0 $0xFFFFF086;
	s6 =	sadd.s32 @!p0 s3, s7;
	s7 =	simm.s32 @!p0 $0x108  }
0x21: {  	s3 =	sadd.s32 s3, s9;
	s6 =	sadd.s32 @!p0 $0x88, s6;
	s7 =	simm.s32 @p2 $0x1082  }
0x22: {  	[simem:s7], [sflag:s8] =	dma.local @!p0 [hbm:s6], $0xF7A  }
0x23: {  	s9 =	sor.u32 $0xD0000000, s2;
	s6 =	simm.s32 $0x108;
	_ =	swait.ge @!p0 [sflag:s8], $0x0  }
0x24: {  	s3 =	sadd.s32 $0x88, s3;
	s6 =	simm.s32 @!p1 $0x1082;
	[sflag:s4] =	ssyncset.s32 $0xFFFFF086  }
0x25: {  	[simem:s6], [sflag:s4] =	dma.local [hbm:s3], $0xF7A  }
0x26: {  	[smem:$0x3F6C] =	sst s1;
	(tag) =	ssettag s2;
	_ =	strace s9  }
0x27: {  	s1 =	sld [smem:$0x3F7C]  }
0x28: {  	s2 =	sld [smem:$0x3F7D]  }
0x29: {  	s4 =	sld [smem:$0x3F7F]  }
0x2a: {  	p0 =	seq.s32 s5, $0x0;
	s5 =	sld [smem:$0x3F80]  }
0x2b: {  	s6 =	sld [smem:$0x3F81]  }
0x2c: {  	s7 =	sld [smem:$0x3F82]  }
0x2d: {  	s3 =	simm.s32 $0x108;
	s8 =	sld [smem:$0x3F83]  }
0x2e: {  	s3 =	simm.s32 @!p0 $0x1082;
	s9 =	sld [smem:$0x3F84]  }
0x2f: {  	lr =	sadd.s32 s0, s3;
	s0 =	sld [smem:$0x3F7B]  }
0x30: {  	s3 =	sld [smem:$0x3F7E]  }
0x31: {  	[smem:$0x3F87] =	sst s10  }
0x32: {  	s10 =	sld [smem:$0x3F85];
	_ =	sdelay $0x3  }
0x33: {  	p0 =	seq.s32 s10, $0x1;
	s10 =	sld [smem:$0x3F87];
	_ =	sdelay $0x3  }
0x34: {  	[smem:$0x3F87] =	sst s10  }
0x35: {  	s10 =	sld [smem:$0x3F86];
	_ =	sdelay $0x3  }
0x36: {  	p1 =	seq.s32 s10, $0x1;
	s10 =	sld [smem:$0x3F87];
	_ =	sdelay $0x3  }
0x37: {  	[smem:$0x3F87] =	sst s10  }
0x38: {  	s10 =	sld [smem:$0x3F88]  }
0x39: {  	_ = 	snop;
	(pc) =	sbr.ind lr, $3  }
0x3a: {  	_ = 	snop  }
0x3b: {  	_ = 	snop  }
0x3c: {  	p2 =	seq.s32 s10, $0x1;
	s10 =	sld [smem:$0x3F87]  }
0x3d: {  	_ =	shalt  }
0x3e: {  	_ =	shalt  }
0x3f: {  	_ =	shalt  }
0x40: {  	_ =	shalt  }
0x41: {  	_ =	shalt  }
0x42: {  	_ =	shalt  }
0x43: {  	_ =	shalt  }
0x44: {  	_ =	shalt  }
0x45: {  	_ =	shalt  }
0x46: {  	_ =	shalt  }
0x47: {  	_ =	shalt  }
0x48: {  	_ =	shalt  }
0x49: {  	_ =	shalt  }
0x4a: {  	_ =	shalt  }
0x4b: {  	_ =	shalt  }
0x4c: {  	_ =	shalt  }
0x4d: {  	_ =	shalt  }
0x4e: {  	_ =	shalt  }
0x4f: {  	_ =	shalt  }
0x50: {  	_ =	shalt  }
0x51: {  	_ =	shalt  }
0x52: {  	_ =	shalt  }
0x53: {  	_ =	shalt  }
0x54: {  	_ =	shalt  }
0x55: {  	_ =	shalt  }
0x56: {  	_ =	shalt  }
0x57: {  	_ =	shalt  }
0x58: {  	_ =	shalt  }
0x59: {  	_ =	shalt  }
0x5a: {  	_ =	shalt  }
0x5b: {  	_ =	shalt  }
0x5c: {  	_ =	shalt  }
0x5d: {  	_ =	shalt  }
0x5e: {  	_ =	shalt  }
0x5f: {  	_ =	shalt  }
0x60: {  	_ =	shalt  }
0x61: {  	_ =	shalt  }
0x62: {  	_ =	shalt  }
0x63: {  	_ =	shalt  }
0x64: {  	_ =	shalt  }
0x65: {  	_ =	shalt  }
0x66: {  	_ =	shalt  }
0x67: {  	_ =	shalt  }
0x68: {  	_ =	shalt  }
0x69: {  	_ =	shalt  }
0x6a: {  	_ =	shalt  }
0x6b: {  	_ =	shalt  }
0x6c: {  	_ =	shalt  }
0x6d: {  	_ =	shalt  }
0x6e: {  	_ =	shalt  }
0x6f: {  	_ =	shalt  }
0x70: {  	_ =	shalt  }
0x71: {  	_ =	shalt  }
0x72: {  	_ =	shalt  }
0x73: {  	_ =	shalt  }
0x74: {  	_ =	shalt  }
0x75: {  	_ =	shalt  }
0x76: {  	_ =	shalt  }
0x77: {  	_ =	shalt  }
0x78: {  	_ =	shalt  }
0x79: {  	_ =	shalt  }
0x7a: {  	_ =	shalt  }
0x7b: {  	_ =	shalt  }
0x7c: {  	_ =	shalt  }
0x7d: {  	_ =	shalt  }
0x7e: {  	_ =	shalt  }
0x7f: {  	_ =	shalt  }
0x80: {  	_ =	shalt  }
0x81: {  	_ =	shalt  }
0x82: {  	_ =	shalt  }
0x83: {  	_ =	shalt  }
0x84: {  	_ =	shalt  }
0x85: {  	_ =	shalt  }
0x86: {  	_ =	shalt  }
0x87: {  	_ =	shalt  }
.Lfunc_end0:
.L_simem_size_0:
called_computation.1_lowered:
.L_overlay_start_0:
0x88: {  	s2 =	sld [smem:$0x3FD9]  }
0x89: {  	s3 =	sld [smem:$0x3FFE];
	_ =	sdelay $0x1  }
0x8a: {  	s1 =	srdreg.scid  }
0x8b: {  	s0 =	sand.u32 $0x1, s1  }
0x8c: {  	s16 =	sshll.u32 s0, $0xA;
	s2 =	sadd.s32 s3, s2  }
0x8d: {  	s2 =	sadd.s32 s2, s16  }
0x8e: {  	[smem:$0x3F93] =	sst s2  }
0x8f: {  	_ = 	snop  }
0x90: {  	(tm) =	ssettm $0x1  }
0x91: {  	s17 =	sld [smem:$0x3FFB];
	_ =	sdelay $0x3  }
0x92: {  	_ =	strace s17  }
0x93: {  	s2 =	sld [smem:$0x3FFC];
	_ =	sdelay $0x3  }
0x94: {  	_ =	strace s2  }
0x95: {  	s2 =	sld [smem:$0x3FFD];
	_ =	sdelay $0x3  }
0x96: {  	_ =	strace s2  }
0x97: {  	_ =	strace $0x8FFFFFFF  }
0x98: {  	s18 =	sld [smem:$0x3FDB];
	_ =	sdelay $0x1  }
0x99: {  	s19 =	simm.s32 $_scs_section_size  }
0x9a: {  	s4 =	simm.s32 $_size__tile_overlayer_lowered;
	s5 =	simm.s32 $_tile_overlayer_lowered  }
0x9b: {  	s22 =	simm.s32 $0x1BFF;
	s21 =	sshll.u32 s5, $0x1;
	s2 =	sadd.s32 s19, s18  }
0x9c: {  	s6 =	simm.s32 $0x0;
	s20 =	sshll.u32 s4, $0x1;
	s4 =	sadd.s32 s21, s2  }
0x9d: {  	[timem:s6], [sflag:s22] =	dma.local [hbm:s4], s20  }
0x9e: {  	_ =	swait.ge [sflag:s22], s20  }
0x9f: {  	s3 =	ssub.s32 $0x0, s20;
	[sflag:s22] =	ssyncset.done $0x0  }
0xa0: {  	[sflag:s22] =	ssyncadd.s32 s3;
	_ =	sdelay $0x1  }
0xa1: {  	s23 =	simm.s32 $0x1B8B  }
0xa2: {  	_ =	swait.ge [sflag:s23], $0x1  }
0xa3: {  	[sflag:s23] =	ssyncset.done $0x0  }
0xa4: {  	s25 =	simm.s32 $0x1B8E;
	s24 =	sld [smem:$0x3FFE];
	[sflag:s23] =	ssyncadd.s32 $0xFFFFFFFF  }
0xa5: {  	s26 =	simm.s32 $execute0_lowered;
	[smem:$0x3FD2] =	sst s25  }
0xa6: {  	s4 =	sshll.u32 s26, $0x1;
	_ =	strace $0x80000049;
	[dreg:$0x1] =	wrdreg $0xFFFFFFFF  }
0xa7: {  	s28 =	simm.s32 $_size_execute0_lowered;
	s2 =	sadd.s32 s2, s4;
	[dreg:$0x0] =	wrdreg $0x0  }
0xa8: {  	s4 =	sshll.u32 s28, $0x1;
	[dreg:$0x2] =	wrdreg s2  }
0xa9: {  	[dreg:$0x3] =	wrdreg s4  }
0xaa: {  	[dreg:$0x4] =	wrdreg $0xC0  }
0xab: {  	_ =	task [dreg:s6], $0x5FFFF  }
0xac: {  	[dreg:$0x1] =	wrdreg $0xFFFFFFFF  }
0xad: {  	[dreg:$0x0] =	wrdreg $0x60  }
0xae: {  	[dreg:$0x2] =	wrdreg s24  }
0xaf: {  	[dreg:$0x3] =	wrdreg $0x54000  }
0xb0: {  	[dreg:$0x4] =	wrdreg $0x9  }
0xb1: {  	_ =	task.clear_ibuf [dreg:s6], $0x5FFFF;
	_ =	strace $0x90000049  }
0xb2: {  	s29 =	simm.s32 $0x9;
	_ =	strace $0x8000004B  }
0xb3: {  	_ =	swait.ge [sflag:s29], $0x1  }
0xb4: {  	[sflag:s29] =	ssyncadd.s32 $0xFFFFFFFF  }
0xb5: {  	_ =	strace $0x9000004B  }
0xb6: {  	_ =	sfence  }
0xb7: {  	s30 =	sld [smem:$0x0];
	_ =	sdelay $0x2  }
0xb8: {  	s31 =	sshll.u32 s1, $0xD;
	s1 =	sshrl.u32 s1, $0x2  }
0xb9: {  	s3 =	sand.u32 $0x4000, s31;
	s1 =	sadd.s32 s1, s30  }
0xba: {  	s0 =	sor.u32 s3, s0;
	s1 =	sshll.u32 s1, $0x11  }
0xbb: {  	s0 =	sor.u32 s1, s0  }
0xbc: {  	s0 =	sadd.s32 $0x8F2B, s0  }
0xbd: {  	[sflag:s0] =	ssyncadd.remote.s32 $0x1  }
0xbe: {  	_ =	sfence.sel $0xFFFF  }
0xbf: {  	[dreg:$0x0] =	wrdreg $0xFFFFFFFF;
	(pc) =	sbr.abs _section_cstart, $3  }
0xc0: {  	[dreg:$0x1] =	wrdreg $0xFFFFFFFF  }
0xc1: {  	_ =	task.clear_ibuf [dreg:s6], $0x2FFFF;
	_ =	strace $0x9FFFFFFF  }
0xc2: {  	(tm) =	ssettm $0x7FFFFFFF  }
0xc3: {  	_ =	shalt  }
tec
execute0_lowered:
.L_overlay_start_1:
0x0: {  	(tag) =	ssettag $0x1  }
0x1: {  	s0 =	stileid.u32;
	s5 =	rddreg [dreg:$0x0]  }
0x2: {  	s1 =	srdreg.scid;
	s2 =	rddreg [dreg:$0x1]  }
0x3: {  	s3 =	simm.s32 $0x0;
	s13 =	simm.s32 $0x1400;
	s14 =	simm.s32 $0x1C00  }
0x4: {  	s15 =	simm.s32 $0x2400;
	s16 =	simm.s32 $0x2C00;
	s17 =	simm.s32 $0x3400  }
0x5: {  	s18 =	simm.s32 $0x3C00;
	s19 =	simm.s32 $0x4400;
	s6 =	smul.u32 $0x2710, s0  }
0x6: {  	s20 =	simm.s32 $0x4C00;
	s4 =	sand.u32 $0x1, s1;
	s8 =	smul.u32 $0x28000, s0  }
0x7: {  	s21 =	sshll.u32 s0, $0x1;
	[smem:$0x7FF] =	sst s3;
	s10 =	smul.u32 $0x2800, s0  }
0x8: {  	s28 =	sshll.u32 s0, $0x6;
	s1 =	sor.u32 s4, s21;
	s9 =	smul.u32 $0x14000, s4  }
0x9: {  	s12 =	smul.u32 $0x1400, s4;
	s4 =	ssub.s32 $0x2, s4;
	s21 =	simm.s32 $0x1  }
0xa: {  	s7 =	smul.u32 $0x1400, s1;
	s1 =	rddreg [dreg:$0x2];
	_ =	strace $0x8000004A  }
0xb: {  	s11 =	sshrl.u32 s6, $0x3;
	s23 =	sshrl.u32 s4, $0x1;
	s25 =	sadd.s32 s6, s2  }
0xc: {  	s11 =	sadd.s32 s11, s5;
	s8 =	sadd.s32 s9, s8;
	s22 =	sadd.s32 s12, s10  }
0xd: {  	s10 =	ssub.s32 s4, s23;
	s12 =	simm.s32 $0x80;
	s23 =	simm.s32 $0x0  }
0xe: {  	s7 =	sshrl.u32 s7, $0x3;
	s8 =	sshrl.u32 s8, $0x3;
	s9 =	sshll.u32 s22, $0x1  }
0xf: {  	s4 =	sadd.s32 $0x11600, s11;
	s7 =	sadd.s32 s7, s5;
	s5 =	sadd.s32 $0x68E00, s5  }
0x10: {  	s11 =	simm.s32 $0x3;
	s24 =	sadd.s32 s8, s5;
	s9 =	sadd.s32 s9, s5  }
0x11: {  	s22 =	simm.s32 $0x2;
	[dreg:$0x3] =	wrdreg s24;
	s5 =	sadd.s32 $0x600, s9  }
0x12: {  	s6 =	sadd.s32 $0x63E00, s7;
	s26 =	sadd.s32 $0x500, s9;
	[dreg:$0x4] =	wrdreg s5  }
0x13: {  	s7 =	smax.u32 s10, $0x1;
	s29 =	sadd.s32 $0x400, s9;
	[dreg:$0x5] =	wrdreg s26  }
0x14: {  	s10 =	sshrl.u32 s25, $0x3;
	s30 =	sadd.s32 $0x300, s9;
	[dreg:$0x6] =	wrdreg s29  }
0x15: {  	s31 =	sadd.s32 $0x200, s9;
	s8 =	sadd.s32 $0x100, s9;
	[dreg:$0x7] =	wrdreg s30  }
0x16: {  	s9 =	sadd.s32 $0x700, s9;
	s5 =	sor.u32 $0x1C03, s28;
	[dreg:$0x8] =	wrdreg s31  }
.LBB2_1:
0x17: {  	[spmem:s10], [sflag:s5] =	dma.local [hbm:s4], $0x4E2  }
0x18: {  	_ =	swait.ge [sflag:s11], $0x4E2  }
0x19: {  	[sflag:s11] =	ssyncset.done $0x0  }
0x1a: {  	[sflag:s11] =	ssyncadd.s32 $0xFFFFFB1E  }
0x1b: {  	[tilespmem:s3], [sflag:$0x3] =	stream.linear.gather [hbm4b:s6+s3], $0x1400, $0x38;
	[tilespmem:$0x7B10] =	vst v63  }
0x1c: {  	_ =	swait.ge [sflag:s11], $0x1400  }
0x1d: {  	[sflag:s11] =	ssyncset.done $0x0  }
0x1e: {  	[sflag:s11] =	ssyncadd.s32 $0xFFFFEC00  }
0x1f: {  	[bflag:$0x0] =	sbarrier.arrive $0xFFFF  }
0x20: {  	[tilespmem:s13], [sflag:$0x1] =	stream.indirect.gather [spmem:s2], $0x10, s3, s12, $0xb8;
	[tilespmem:$0x7B10] =	vst v63  }
0x21: {  	s24 =	simm.s32 $0x80  }
0x22: {  	[tilespmem:s14], [sflag:$0x1] =	stream.indirect.gather [spmem:s2], $0x10, s24, s12, $0xb8;
	[tilespmem:$0x7B10] =	vst v63  }
0x23: {  	s30 =	simm.s32 $0x100  }
0x24: {  	[tilespmem:s15], [sflag:$0x1] =	stream.indirect.gather [spmem:s2], $0x10, s30, s12, $0xb8;
	[tilespmem:$0x7B10] =	vst v63  }
0x25: {  	s31 =	simm.s32 $0x180  }
0x26: {  	[tilespmem:s16], [sflag:$0x1] =	stream.indirect.gather [spmem:s2], $0x10, s31, s12, $0xb8;
	[tilespmem:$0x7B10] =	vst v63  }
0x27: {  	s25 =	simm.s32 $0x200  }
0x28: {  	[tilespmem:s17], [sflag:$0x1] =	stream.indirect.gather [spmem:s2], $0x10, s25, s12, $0xb8;
	[tilespmem:$0x7B10] =	vst v63  }
0x29: {  	s26 =	simm.s32 $0x280  }
0x2a: {  	[tilespmem:s18], [sflag:$0x1] =	stream.indirect.gather [spmem:s2], $0x10, s26, s12, $0xb8;
	[tilespmem:$0x7B10] =	vst v63  }
0x2b: {  	s28 =	simm.s32 $0x300  }
0x2c: {  	[tilespmem:s19], [sflag:$0x1] =	stream.indirect.gather [spmem:s2], $0x10, s28, s12, $0xb8;
	[tilespmem:$0x7B10] =	vst v63  }
0x2d: {  	s29 =	simm.s32 $0x380  }
0x2e: {  	[tilespmem:s20], [sflag:$0x1] =	stream.indirect.gather [spmem:s2], $0x10, s29, s12, $0xb8;
	[tilespmem:$0x7B10] =	vst v63  }
0x2f: {  	_ =	swait.ge [sflag:s21], $0x800  }
0x30: {  	[sflag:s21] =	ssyncset.done $0x0  }
0x31: {  	[sflag:s21] =	ssyncadd.s32 $0xFFFFF800  }
0x32: {  	_ =	swait.ge [sflag:s21], $0x800  }
0x33: {  	[sflag:s21] =	ssyncset.done $0x0  }
0x34: {  	[sflag:s21] =	ssyncadd.s32 $0xFFFFF800  }
0x35: {  	_ =	swait.ge [sflag:s21], $0x800  }
0x36: {  	[sflag:s21] =	ssyncset.done $0x0  }
0x37: {  	[sflag:s21] =	ssyncadd.s32 $0xFFFFF800  }
0x38: {  	_ =	swait.ge [sflag:s21], $0x800  }
0x39: {  	[sflag:s21] =	ssyncset.done $0x0  }
0x3a: {  	[sflag:s21] =	ssyncadd.s32 $0xFFFFF800  }
0x3b: {  	_ =	swait.ge [sflag:s21], $0x800  }
0x3c: {  	[sflag:s21] =	ssyncset.done $0x0  }
0x3d: {  	[sflag:s21] =	ssyncadd.s32 $0xFFFFF800  }
0x3e: {  	_ =	swait.ge [sflag:s21], $0x800  }
0x3f: {  	[sflag:s21] =	ssyncset.done $0x0  }
0x40: {  	[sflag:s21] =	ssyncadd.s32 $0xFFFFF800  }
0x41: {  	_ =	swait.ge [sflag:s21], $0x800  }
0x42: {  	[sflag:s21] =	ssyncset.done $0x0  }
0x43: {  	[sflag:s21] =	ssyncadd.s32 $0xFFFFF800  }
0x44: {  	_ =	swait.ge [sflag:s21], $0x800  }
0x45: {  	s30 =	rddreg [dreg:$0x3];
	[sflag:s21] =	ssyncset.done $0x0  }
0x46: {  	[sflag:s21] =	ssyncadd.s32 $0xFFFFF800;
	s24 =	sadd.s32 $0x0, s30  }
0x47: {  	[hbm4b:s24+s3] =	stream.linear.scatter [tilespmem:s13], [sflag:$0x2], $0x800, $0x38;
	[tilespmem:$0x7B10] =	vst v63  }
0x48: {  	s31 =	sadd.s32 $0x0, s8;
	s25 =	rddreg [dreg:$0x8]  }
0x49: {  	[hbm4b:s31+s3] =	stream.linear.scatter [tilespmem:s14], [sflag:$0x2], $0x800, $0x38;
	[tilespmem:$0x7B10] =	vst v63  }
0x4a: {  	s26 =	rddreg [dreg:$0x7];
	s28 =	sadd.s32 $0x0, s25  }
0x4b: {  	[hbm4b:s28+s3] =	stream.linear.scatter [tilespmem:s15], [sflag:$0x2], $0x800, $0x38;
	[tilespmem:$0x7B10] =	vst v63  }
0x4c: {  	s29 =	rddreg [dreg:$0x6];
	s30 =	sadd.s32 $0x0, s26  }
0x4d: {  	[hbm4b:s30+s3] =	stream.linear.scatter [tilespmem:s16], [sflag:$0x2], $0x800, $0x38;
	[tilespmem:$0x7B10] =	vst v63  }
0x4e: {  	s25 =	sadd.s32 $0x0, s29;
	s31 =	rddreg [dreg:$0x5]  }
0x4f: {  	[hbm4b:s25+s3] =	stream.linear.scatter [tilespmem:s17], [sflag:$0x2], $0x800, $0x38;
	[tilespmem:$0x7B10] =	vst v63  }
0x50: {  	s29 =	sadd.s32 $0x0, s31;
	s28 =	rddreg [dreg:$0x4]  }
0x51: {  	[hbm4b:s29+s3] =	stream.linear.scatter [tilespmem:s18], [sflag:$0x2], $0x800, $0x38;
	[tilespmem:$0x7B10] =	vst v63  }
0x52: {  	s30 =	sadd.s32 $0x0, s28  }
0x53: {  	[hbm4b:s30+s3] =	stream.linear.scatter [tilespmem:s19], [sflag:$0x2], $0x800, $0x38;
	[tilespmem:$0x7B10] =	vst v63  }
0x54: {  	s31 =	sadd.s32 $0x0, s9  }
0x55: {  	[hbm4b:s31+s3] =	stream.linear.scatter [tilespmem:s20], [sflag:$0x2], $0x800, $0x38;
	[tilespmem:$0x7B10] =	vst v63  }
0x56: {  	_ =	swait.ge [sflag:s22], $0x800  }
0x57: {  	[sflag:s22] =	ssyncset.done $0x0  }
0x58: {  	[sflag:s22] =	ssyncadd.s32 $0xFFFFF800  }
0x59: {  	_ =	swait.ge [sflag:s22], $0x800  }
0x5a: {  	[sflag:s22] =	ssyncset.done $0x0  }
0x5b: {  	[sflag:s22] =	ssyncadd.s32 $0xFFFFF800  }
0x5c: {  	_ =	swait.ge [sflag:s22], $0x800  }
0x5d: {  	[sflag:s22] =	ssyncset.done $0x0  }
0x5e: {  	[sflag:s22] =	ssyncadd.s32 $0xFFFFF800  }
0x5f: {  	_ =	swait.ge [sflag:s22], $0x800  }
0x60: {  	[sflag:s22] =	ssyncset.done $0x0  }
0x61: {  	[sflag:s22] =	ssyncadd.s32 $0xFFFFF800  }
0x62: {  	_ =	swait.ge [sflag:s22], $0x800  }
0x63: {  	[sflag:s22] =	ssyncset.done $0x0  }
0x64: {  	[sflag:s22] =	ssyncadd.s32 $0xFFFFF800  }
0x65: {  	_ =	swait.ge [sflag:s22], $0x800  }
0x66: {  	[sflag:s22] =	ssyncset.done $0x0  }
0x67: {  	[sflag:s22] =	ssyncadd.s32 $0xFFFFF800  }
0x68: {  	_ =	swait.ge [sflag:s22], $0x800  }
0x69: {  	[sflag:s22] =	ssyncset.done $0x0  }
0x6a: {  	[sflag:s22] =	ssyncadd.s32 $0xFFFFF800  }
0x6b: {  	_ =	swait.ge [sflag:s22], $0x800  }
0x6c: {  	s24 =	simm.s32 $0x800;
	s25 =	simm.s32 $0x0;
	[sflag:s22] =	ssyncset.done $0x0  }
.LBB2_2:
0x6d: {  	[sflag:s22] =	ssyncadd.s32 $0xFFFFF800;
	s25 =	sadd.s32 $0x400, s25  }
0x6e: {  	[tilespmem:s13], [sflag:$0x1] =	stream.indirect.gather [spmem:s2], $0x10, s25, s12, $0xb8;
	[tilespmem:$0x7B10] =	vst v63  }
0x6f: {  	s28 =	sadd.s32 $0x80, s25  }
0x70: {  	[tilespmem:s14], [sflag:$0x1] =	stream.indirect.gather [spmem:s2], $0x10, s28, s12, $0xb8;
	[tilespmem:$0x7B10] =	vst v63  }
0x71: {  	s30 =	sadd.s32 $0x100, s25  }
0x72: {  	[tilespmem:s15], [sflag:$0x1] =	stream.indirect.gather [spmem:s2], $0x10, s30, s12, $0xb8;
	[tilespmem:$0x7B10] =	vst v63  }
0x73: {  	s31 =	sadd.s32 $0x180, s25  }
0x74: {  	[tilespmem:s16], [sflag:$0x1] =	stream.indirect.gather [spmem:s2], $0x10, s31, s12, $0xb8;
	[tilespmem:$0x7B10] =	vst v63  }
0x75: {  	s29 =	sadd.s32 $0x200, s25  }
0x76: {  	[tilespmem:s17], [sflag:$0x1] =	stream.indirect.gather [spmem:s2], $0x10, s29, s12, $0xb8;
	[tilespmem:$0x7B10] =	vst v63  }
0x77: {  	s30 =	sadd.s32 $0x280, s25  }
0x78: {  	[tilespmem:s18], [sflag:$0x1] =	stream.indirect.gather [spmem:s2], $0x10, s30, s12, $0xb8;
	[tilespmem:$0x7B10] =	vst v63  }
0x79: {  	s31 =	sadd.s32 $0x300, s25  }
0x7a: {  	[tilespmem:s19], [sflag:$0x1] =	stream.indirect.gather [spmem:s2], $0x10, s31, s12, $0xb8;
	[tilespmem:$0x7B10] =	vst v63  }
0x7b: {  	s29 =	sadd.s32 $0x380, s25  }
0x7c: {  	[tilespmem:s20], [sflag:$0x1] =	stream.indirect.gather [spmem:s2], $0x10, s29, s12, $0xb8;
	[tilespmem:$0x7B10] =	vst v63  }
0x7d: {  	_ =	swait.ge [sflag:s21], $0x800  }
0x7e: {  	[sflag:s21] =	ssyncset.done $0x0  }
0x7f: {  	[sflag:s21] =	ssyncadd.s32 $0xFFFFF800  }
0x80: {  	_ =	swait.ge [sflag:s21], $0x800  }
0x81: {  	[sflag:s21] =	ssyncset.done $0x0  }
0x82: {  	[sflag:s21] =	ssyncadd.s32 $0xFFFFF800  }
0x83: {  	_ =	swait.ge [sflag:s21], $0x800  }
0x84: {  	[sflag:s21] =	ssyncset.done $0x0  }
0x85: {  	[sflag:s21] =	ssyncadd.s32 $0xFFFFF800  }
0x86: {  	_ =	swait.ge [sflag:s21], $0x800  }
0x87: {  	[sflag:s21] =	ssyncset.done $0x0  }
0x88: {  	[sflag:s21] =	ssyncadd.s32 $0xFFFFF800  }
0x89: {  	_ =	swait.ge [sflag:s21], $0x800  }
0x8a: {  	[sflag:s21] =	ssyncset.done $0x0  }
0x8b: {  	[sflag:s21] =	ssyncadd.s32 $0xFFFFF800  }
0x8c: {  	_ =	swait.ge [sflag:s21], $0x800  }
0x8d: {  	[sflag:s21] =	ssyncset.done $0x0  }
0x8e: {  	[sflag:s21] =	ssyncadd.s32 $0xFFFFF800  }
0x8f: {  	_ =	swait.ge [sflag:s21], $0x800  }
0x90: {  	[sflag:s21] =	ssyncset.done $0x0  }
0x91: {  	[sflag:s21] =	ssyncadd.s32 $0xFFFFF800  }
0x92: {  	_ =	swait.ge [sflag:s21], $0x800  }
0x93: {  	s26 =	smov.u32 s24;
	s30 =	rddreg [dreg:$0x3];
	[sflag:s21] =	ssyncset.done $0x0  }
0x94: {  	[sflag:s21] =	ssyncadd.s32 $0xFFFFF800;
	s28 =	sadd.s32 s26, s30  }
0x95: {  	[hbm4b:s28+s3] =	stream.linear.scatter [tilespmem:s13], [sflag:$0x2], $0x800, $0x38;
	[tilespmem:$0x7B10] =	vst v63  }
0x96: {  	s31 =	sadd.s32 s26, s8;
	s29 =	rddreg [dreg:$0x8]  }
0x97: {  	[hbm4b:s31+s3] =	stream.linear.scatter [tilespmem:s14], [sflag:$0x2], $0x800, $0x38;
	[tilespmem:$0x7B10] =	vst v63  }
0x98: {  	s30 =	rddreg [dreg:$0x7];
	s31 =	sadd.s32 s26, s29  }
0x99: {  	[hbm4b:s31+s3] =	stream.linear.scatter [tilespmem:s15], [sflag:$0x2], $0x800, $0x38;
	[tilespmem:$0x7B10] =	vst v63  }
0x9a: {  	s29 =	rddreg [dreg:$0x6];
	s31 =	sadd.s32 s26, s30  }
0x9b: {  	[hbm4b:s31+s3] =	stream.linear.scatter [tilespmem:s16], [sflag:$0x2], $0x800, $0x38;
	[tilespmem:$0x7B10] =	vst v63  }
0x9c: {  	s28 =	sadd.s32 s26, s29;
	s30 =	rddreg [dreg:$0x5]  }
0x9d: {  	[hbm4b:s28+s3] =	stream.linear.scatter [tilespmem:s17], [sflag:$0x2], $0x800, $0x38;
	[tilespmem:$0x7B10] =	vst v63  }
0x9e: {  	s30 =	sadd.s32 s26, s30;
	s31 =	rddreg [dreg:$0x4]  }
0x9f: {  	[hbm4b:s30+s3] =	stream.linear.scatter [tilespmem:s18], [sflag:$0x2], $0x800, $0x38;
	[tilespmem:$0x7B10] =	vst v63  }
0xa0: {  	s31 =	sadd.s32 s26, s31  }
0xa1: {  	[hbm4b:s31+s3] =	stream.linear.scatter [tilespmem:s19], [sflag:$0x2], $0x800, $0x38;
	[tilespmem:$0x7B10] =	vst v63  }
0xa2: {  	s26 =	sadd.s32 s26, s9  }
0xa3: {  	[hbm4b:s26+s3] =	stream.linear.scatter [tilespmem:s20], [sflag:$0x2], $0x800, $0x38;
	[tilespmem:$0x7B10] =	vst v63  }
0xa4: {  	_ =	swait.ge [sflag:s22], $0x800  }
0xa5: {  	[sflag:s22] =	ssyncset.done $0x0  }
0xa6: {  	[sflag:s22] =	ssyncadd.s32 $0xFFFFF800  }
0xa7: {  	_ =	swait.ge [sflag:s22], $0x800  }
0xa8: {  	[sflag:s22] =	ssyncset.done $0x0  }
0xa9: {  	[sflag:s22] =	ssyncadd.s32 $0xFFFFF800  }
0xaa: {  	_ =	swait.ge [sflag:s22], $0x800  }
0xab: {  	[sflag:s22] =	ssyncset.done $0x0  }
0xac: {  	[sflag:s22] =	ssyncadd.s32 $0xFFFFF800  }
0xad: {  	_ =	swait.ge [sflag:s22], $0x800  }
0xae: {  	[sflag:s22] =	ssyncset.done $0x0  }
0xaf: {  	[sflag:s22] =	ssyncadd.s32 $0xFFFFF800  }
0xb0: {  	_ =	swait.ge [sflag:s22], $0x800  }
0xb1: {  	[sflag:s22] =	ssyncset.done $0x0  }
0xb2: {  	[sflag:s22] =	ssyncadd.s32 $0xFFFFF800  }
0xb3: {  	_ =	swait.ge [sflag:s22], $0x800  }
0xb4: {  	[sflag:s22] =	ssyncset.done $0x0  }
0xb5: {  	p0 =	sne.s32 s24, $0x2000;
	[sflag:s22] =	ssyncadd.s32 $0xFFFFF800  }
.Ltmp0:
0xb6: {  	_ =	swait.ge [sflag:s22], $0x800;
	(pc) =	sbr.rel @p0 .LBB2_2-.Ltmp0, $4  }
0xb7: {  	[sflag:s22] =	ssyncset.done $0x0  }
0xb8: {  	[sflag:s22] =	ssyncadd.s32 $0xFFFFF800  }
0xb9: {  	_ =	swait.ge [sflag:s22], $0x800  }
0xba: {  	s24 =	sadd.s32 $0x800, s24;
	[sflag:s22] =	ssyncset.done $0x0  }
0xbb: {  	s23 =	sadd.s32 $0x1, s23  }
0xbc: {  	p0 =	sne.s32 s23, s7  }
.Ltmp1:
0xbd: {  	_ = 	snop;
	(pc) =	sbr.rel @p0 .LBB2_1-.Ltmp1, $2  }
0xbe: {  	_ =	sdelay $0x2  }
0xbf: {  	[sflag:s22] =	ssyncadd.s32 $0xFFFFF800  }
0xc0: {  	_ =	sfence.sel $0x180000  }
0xc1: {  	[bflag:$0x0] =	sbarrier.arrive $0xFFFF  }
0xc2: {  	p0 =	sne.s32 s0, $0x0;
	_ =	strace $0x9000004A  }
0xc3: {  	s0 =	sadd.s32 @!p0 $0x100000, s1;
	[bflag:$0x2] =	sbarrier.arrive $0xFFFF  }
0xc4: {  	[sflag:s0] =	ssyncadd.tile.s32 @!p0 $0x1;
	_ =	shalt  }
.Lfunc_end2:
_tile_overlayer_lowered:
.L_overlay_start_2:
0xc5: {  	(tag) =	ssettag $0x2  }
0xc6: {  	s0 =	rddreg [dreg:$0x0];
	s2 =	stileid.u32  }
0xc7: {  	s1 =	rddreg [dreg:$0x1];
	p0 =	sne.s32 s2, $0x0  }
0xc8: {  	s3 =	rddreg [dreg:$0x2];
	[bflag:$0x3] =	sbarrier.arrive $0xFFFF;
	s2 =	simm.s32 @!p0 $0x1C03  }
0xc9: {  	[timem:s3], [sflag:s2] =	dma.local @!p0 [hbm:s0], s1  }
0xca: {  	s0 =	simm.s32 @!p0 $0x3  }
0xcb: {  	_ =	swait.ge @!p0 [sflag:s0], s1  }
0xcc: {  	s1 =	ssub.s32 @!p0 $0x0, s1;
	[sflag:s0] =	ssyncset.done @!p0 $0x0  }
0xcd: {  	[sflag:s0] =	ssyncadd.s32 @!p0 s1  }
0xce: {  	[bflag:$0x3] =	sbarrier.arrive $0xFFFF  }
0xcf: {  	_ =	shalt  }

// kernel: kernel.19.cloned.1.call-start
scs
__scs_entry_jumppad:
0x0: {  	(pc) =	sbr.rel $0x88, $3  }
0x1: {  	(tag) =	ssettag $0x0;
	lr =	simm.s32 $0x1  }
0x2: {  	[smem:$0x3F6C] =	sst lr;
	_ =	strace $0xD0000000  }
0x3: {  	_ = 	snop  }
0x4: {  	_ = 	snop  }
0x5: {  	_ = 	snop  }
0x6: {  	_ = 	snop  }
0x7: {  	_ = 	snop  }
__scs_overlays_trampoline_lowered:
0x8: {  	[smem:$0x3F7B] =	sst s0  }
0x9: {  	[smem:$0x3F7C] =	sst s1  }
0xa: {  	[smem:$0x3F7D] =	sst s2  }
0xb: {  	[smem:$0x3F7E] =	sst s3  }
0xc: {  	[smem:$0x3F7F] =	sst s4  }
0xd: {  	[smem:$0x3F80] =	sst s5  }
0xe: {  	[smem:$0x3F81] =	sst s6  }
0xf: {  	[smem:$0x3F82] =	sst s7  }
0x10: {  	[smem:$0x3F83] =	sst s8  }
0x11: {  	[smem:$0x3F84] =	sst s9;
	s0 =	simm.s32 @!p0 $0x0  }
0x12: {  	s1 =	sld [smem:$0x3F6A];
	s0 =	simm.s32 @p0 $0x1  }
0x13: {  	[smem:$0x3F85] =	sst s0;
	s0 =	simm.s32 @!p1 $0x0  }
0x14: {  	s2 =	sld [smem:$0x3F69];
	s0 =	simm.s32 @p1 $0x1  }
0x15: {  	[smem:$0x3F86] =	sst s0;
	s0 =	simm.s32 @!p2 $0x0  }
0x16: {  	s3 =	sld [smem:$0x3FDB];
	s0 =	simm.s32 @p2 $0x1  }
0x17: {  	s4 =	simm.s32 $0x1BF5;
	[smem:$0x3F88] =	sst s0  }
0x18: {  	s0 =	sld [smem:$0x3F6B];
	_ =	swait.ge [sflag:s4], $0x0  }
0x19: {  	s7 =	sld [smem:$0x3F6C]  }
0x1a: {  	s8 =	sadd.s32 $0xFFFFE003, lr  }
0x1b: {  	s9 =	sadd.s32 $0xFFFFFEF7, lr;
	s5 =	simm.s32 $0xFFFFFFFF;
	p2 =	slt.u32 s8, $0xFFFFF086  }
0x1c: {  	p1 =	slt.u32 s9, $0xF7A;
	s5 =	simm.s32 @!p2 $0x0  }
0x1d: {  	s5 =	simm.s32 @p1 $0x1;
	p0 =	seq.s32 s7, s2  }
0x1e: {  	s7 =	smul.u32 @!p0 $0xF7A, s2;
	p2 =	seq.s32 @!p0 s5, $0x0  }
0x1f: {  	s9 =	smul.u32 $0xF7A, s1;
	s8 =	simm.s32 @!p0 $0x1BF5;
	p2 =	por !p2, p0  }
0x20: {  	[sflag:s8] =	ssyncset.s32 @!p0 $0xFFFFF086;
	s6 =	sadd.s32 @!p0 s3, s7;
	s7 =	simm.s32 @!p0 $0x108  }
0x21: {  	s3 =	sadd.s32 s3, s9;
	s6 =	sadd.s32 @!p0 $0x88, s6;
	s7 =	simm.s32 @p2 $0x1082  }
0x22: {  	[simem:s7], [sflag:s8] =	dma.local @!p0 [hbm:s6], $0xF7A  }
0x23: {  	s9 =	sor.u32 $0xD0000000, s2;
	s6 =	simm.s32 $0x108;
	_ =	swait.ge @!p0 [sflag:s8], $0x0  }
0x24: {  	s3 =	sadd.s32 $0x88, s3;
	s6 =	simm.s32 @!p1 $0x1082;
	[sflag:s4] =	ssyncset.s32 $0xFFFFF086  }
0x25: {  	[simem:s6], [sflag:s4] =	dma.local [hbm:s3], $0xF7A  }
0x26: {  	[smem:$0x3F6C] =	sst s1;
	(tag) =	ssettag s2;
	_ =	strace s9  }
0x27: {  	s1 =	sld [smem:$0x3F7C]  }
0x28: {  	s2 =	sld [smem:$0x3F7D]  }
0x29: {  	s4 =	sld [smem:$0x3F7F]  }
0x2a: {  	p0 =	seq.s32 s5, $0x0;
	s5 =	sld [smem:$0x3F80]  }
0x2b: {  	s6 =	sld [smem:$0x3F81]  }
0x2c: {  	s7 =	sld [smem:$0x3F82]  }
0x2d: {  	s3 =	simm.s32 $0x108;
	s8 =	sld [smem:$0x3F83]  }
0x2e: {  	s3 =	simm.s32 @!p0 $0x1082;
	s9 =	sld [smem:$0x3F84]  }
0x2f: {  	lr =	sadd.s32 s0, s3;
	s0 =	sld [smem:$0x3F7B]  }
0x30: {  	s3 =	sld [smem:$0x3F7E]  }
0x31: {  	[smem:$0x3F87] =	sst s10  }
0x32: {  	s10 =	sld [smem:$0x3F85];
	_ =	sdelay $0x3  }
0x33: {  	p0 =	seq.s32 s10, $0x1;
	s10 =	sld [smem:$0x3F87];
	_ =	sdelay $0x3  }
0x34: {  	[smem:$0x3F87] =	sst s10  }
0x35: {  	s10 =	sld [smem:$0x3F86];
	_ =	sdelay $0x3  }
0x36: {  	p1 =	seq.s32 s10, $0x1;
	s10 =	sld [smem:$0x3F87];
	_ =	sdelay $0x3  }
0x37: {  	[smem:$0x3F87] =	sst s10  }
0x38: {  	s10 =	sld [smem:$0x3F88]  }
0x39: {  	_ = 	snop;
	(pc) =	sbr.ind lr, $3  }
0x3a: {  	_ = 	snop  }
0x3b: {  	_ = 	snop  }
0x3c: {  	p2 =	seq.s32 s10, $0x1;
	s10 =	sld [smem:$0x3F87]  }
0x3d: {  	_ =	shalt  }
0x3e: {  	_ =	shalt  }
0x3f: {  	_ =	shalt  }
0x40: {  	_ =	shalt  }
0x41: {  	_ =	shalt  }
0x42: {  	_ =	shalt  }
0x43: {  	_ =	shalt  }
0x44: {  	_ =	shalt  }
0x45: {  	_ =	shalt  }
0x46: {  	_ =	shalt  }
0x47: {  	_ =	shalt  }
0x48: {  	_ =	shalt  }
0x49: {  	_ =	shalt  }
0x4a: {  	_ =	shalt  }
0x4b: {  	_ =	shalt  }
0x4c: {  	_ =	shalt  }
0x4d: {  	_ =	shalt  }
0x4e: {  	_ =	shalt  }
0x4f: {  	_ =	shalt  }
0x50: {  	_ =	shalt  }
0x51: {  	_ =	shalt  }
0x52: {  	_ =	shalt  }
0x53: {  	_ =	shalt  }
0x54: {  	_ =	shalt  }
0x55: {  	_ =	shalt  }
0x56: {  	_ =	shalt  }
0x57: {  	_ =	shalt  }
0x58: {  	_ =	shalt  }
0x59: {  	_ =	shalt  }
0x5a: {  	_ =	shalt  }
0x5b: {  	_ =	shalt  }
0x5c: {  	_ =	shalt  }
0x5d: {  	_ =	shalt  }
0x5e: {  	_ =	shalt  }
0x5f: {  	_ =	shalt  }
0x60: {  	_ =	shalt  }
0x61: {  	_ =	shalt  }
0x62: {  	_ =	shalt  }
0x63: {  	_ =	shalt  }
0x64: {  	_ =	shalt  }
0x65: {  	_ =	shalt  }
0x66: {  	_ =	shalt  }
0x67: {  	_ =	shalt  }
0x68: {  	_ =	shalt  }
0x69: {  	_ =	shalt  }
0x6a: {  	_ =	shalt  }
0x6b: {  	_ =	shalt  }
0x6c: {  	_ =	shalt  }
0x6d: {  	_ =	shalt  }
0x6e: {  	_ =	shalt  }
0x6f: {  	_ =	shalt  }
0x70: {  	_ =	shalt  }
0x71: {  	_ =	shalt  }
0x72: {  	_ =	shalt  }
0x73: {  	_ =	shalt  }
0x74: {  	_ =	shalt  }
0x75: {  	_ =	shalt  }
0x76: {  	_ =	shalt  }
0x77: {  	_ =	shalt  }
0x78: {  	_ =	shalt  }
0x79: {  	_ =	shalt  }
0x7a: {  	_ =	shalt  }
0x7b: {  	_ =	shalt  }
0x7c: {  	_ =	shalt  }
0x7d: {  	_ =	shalt  }
0x7e: {  	_ =	shalt  }
0x7f: {  	_ =	shalt  }
0x80: {  	_ =	shalt  }
0x81: {  	_ =	shalt  }
0x82: {  	_ =	shalt  }
0x83: {  	_ =	shalt  }
0x84: {  	_ =	shalt  }
0x85: {  	_ =	shalt  }
0x86: {  	_ =	shalt  }
0x87: {  	_ =	shalt  }
.Lfunc_end0:
.L_simem_size_0:
called_computation.2_lowered:
.L_overlay_start_0:
0x88: {  	s2 =	sld [smem:$0x3FD9]  }
0x89: {  	s3 =	sld [smem:$0x3FFE];
	_ =	sdelay $0x1  }
0x8a: {  	s1 =	srdreg.scid  }
0x8b: {  	s0 =	sand.u32 $0x1, s1  }
0x8c: {  	s16 =	sshll.u32 s0, $0xA;
	s2 =	sadd.s32 s3, s2  }
0x8d: {  	s2 =	sadd.s32 s2, s16  }
0x8e: {  	[smem:$0x3F93] =	sst s2  }
0x8f: {  	_ = 	snop  }
0x90: {  	(tm) =	ssettm $0x1  }
0x91: {  	s17 =	sld [smem:$0x3FFB];
	_ =	sdelay $0x3  }
0x92: {  	_ =	strace s17  }
0x93: {  	s2 =	sld [smem:$0x3FFC];
	_ =	sdelay $0x3  }
0x94: {  	_ =	strace s2  }
0x95: {  	s2 =	sld [smem:$0x3FFD];
	_ =	sdelay $0x3  }
0x96: {  	_ =	strace s2  }
0x97: {  	_ =	strace $0x8FFFFFFF  }
0x98: {  	s18 =	sld [smem:$0x3FDB];
	_ =	sdelay $0x1  }
0x99: {  	s19 =	simm.s32 $_scs_section_size  }
0x9a: {  	s4 =	simm.s32 $_size__tile_overlayer_lowered;
	s5 =	simm.s32 $_tile_overlayer_lowered  }
0x9b: {  	s22 =	simm.s32 $0x1BFF;
	s21 =	sshll.u32 s5, $0x1;
	s2 =	sadd.s32 s19, s18  }
0x9c: {  	s6 =	simm.s32 $0x0;
	s20 =	sshll.u32 s4, $0x1;
	s4 =	sadd.s32 s21, s2  }
0x9d: {  	[timem:s6], [sflag:s22] =	dma.local [hbm:s4], s20  }
0x9e: {  	_ =	swait.ge [sflag:s22], s20  }
0x9f: {  	s3 =	ssub.s32 $0x0, s20;
	[sflag:s22] =	ssyncset.done $0x0  }
0xa0: {  	[sflag:s22] =	ssyncadd.s32 s3;
	_ =	sdelay $0x1  }
0xa1: {  	s23 =	simm.s32 $0x1B8B  }
0xa2: {  	_ =	swait.ge [sflag:s23], $0x1  }
0xa3: {  	[sflag:s23] =	ssyncset.done $0x0  }
0xa4: {  	s25 =	simm.s32 $0x1B8E;
	s24 =	sld [smem:$0x3FFE];
	[sflag:s23] =	ssyncadd.s32 $0xFFFFFFFF  }
0xa5: {  	s26 =	simm.s32 $execute0_lowered;
	[smem:$0x3FD2] =	sst s25  }
0xa6: {  	s4 =	sshll.u32 s26, $0x1;
	_ =	strace $0x8000004C;
	[dreg:$0x1] =	wrdreg $0xFFFFFFFF  }
0xa7: {  	s28 =	simm.s32 $_size_execute0_lowered;
	s2 =	sadd.s32 s2, s4;
	[dreg:$0x0] =	wrdreg $0x0  }
0xa8: {  	s4 =	sshll.u32 s28, $0x1;
	[dreg:$0x2] =	wrdreg s2  }
0xa9: {  	[dreg:$0x3] =	wrdreg s4  }
0xaa: {  	[dreg:$0x4] =	wrdreg $0xC0  }
0xab: {  	_ =	task [dreg:s6], $0x5FFFF  }
0xac: {  	[dreg:$0x1] =	wrdreg $0xFFFFFFFF  }
0xad: {  	[dreg:$0x0] =	wrdreg $0x60  }
0xae: {  	[dreg:$0x2] =	wrdreg s24  }
0xaf: {  	[dreg:$0x3] =	wrdreg $0x13C000  }
0xb0: {  	[dreg:$0x4] =	wrdreg $0x9  }
0xb1: {  	_ =	task.clear_ibuf [dreg:s6], $0x5FFFF;
	_ =	strace $0x9000004C  }
0xb2: {  	s29 =	simm.s32 $0x9;
	_ =	strace $0x8000004E  }
0xb3: {  	_ =	swait.ge [sflag:s29], $0x1  }
0xb4: {  	[sflag:s29] =	ssyncadd.s32 $0xFFFFFFFF  }
0xb5: {  	_ =	strace $0x9000004E  }
0xb6: {  	_ =	sfence  }
0xb7: {  	s30 =	sld [smem:$0x0];
	_ =	sdelay $0x2  }
0xb8: {  	s31 =	sshll.u32 s1, $0xD;
	s1 =	sshrl.u32 s1, $0x2  }
0xb9: {  	s3 =	sand.u32 $0x4000, s31;
	s1 =	sadd.s32 s1, s30  }
0xba: {  	s0 =	sor.u32 s3, s0;
	s1 =	sshll.u32 s1, $0x11  }
0xbb: {  	s0 =	sor.u32 s1, s0  }
0xbc: {  	s0 =	sadd.s32 $0x8F2B, s0  }
0xbd: {  	[sflag:s0] =	ssyncadd.remote.s32 $0x1  }
0xbe: {  	_ =	sfence.sel $0xFFFF  }
0xbf: {  	[dreg:$0x0] =	wrdreg $0xFFFFFFFF;
	(pc) =	sbr.abs _section_cstart, $3  }
0xc0: {  	[dreg:$0x1] =	wrdreg $0xFFFFFFFF  }
0xc1: {  	_ =	task.clear_ibuf [dreg:s6], $0x2FFFF;
	_ =	strace $0x9FFFFFFF  }
0xc2: {  	(tm) =	ssettm $0x7FFFFFFF  }
0xc3: {  	_ =	shalt  }
tec
execute0_lowered:
.L_overlay_start_1:
0x0: {  	(tag) =	ssettag $0x1  }
0x1: {  	s0 =	stileid.u32;
	s5 =	rddreg [dreg:$0x0]  }
0x2: {  	s1 =	srdreg.scid;
	s2 =	rddreg [dreg:$0x1];
	s3 =	simm.s32 $0x0  }
0x3: {  	s14 =	simm.s32 $0x5C00;
	s15 =	simm.s32 $0x7C00;
	s16 =	simm.s32 $0x9C00  }
0x4: {  	s17 =	simm.s32 $0xBC00;
	s18 =	simm.s32 $0xDC00;
	s6 =	smul.u32 $0x13880, s0  }
0x5: {  	s19 =	simm.s32 $0xFC00;
	s20 =	simm.s32 $0x11C00;
	s8 =	smul.u32 $0x3C0000, s0  }
0x6: {  	s4 =	sand.u32 $0x1, s1;
	s21 =	sshll.u32 s0, $0x1;
	s11 =	smul.u32 $0x7800, s0  }
0x7: {  	[smem:$0x7FF] =	sst s3;
	s29 =	sshll.u32 s0, $0x6;
	s9 =	smul.u32 $0x1E0000, s4  }
0x8: {  	s1 =	sor.u32 s4, s21;
	s12 =	smul.u32 $0x3C00, s4;
	s4 =	ssub.s32 $0x2, s4  }
0x9: {  	s21 =	simm.s32 $0x1;
	s7 =	smul.u32 $0x3C00, s1;
	s1 =	rddreg [dreg:$0x2]  }
0xa: {  	_ =	strace $0x8000004D;
	s10 =	sshrl.u32 s6, $0x4;
	s13 =	sshrl.u32 s4, $0x1  }
0xb: {  	s6 =	sshrl.u32 s6, $0x1;
	s10 =	sadd.s32 s10, s5;
	s8 =	sadd.s32 s9, s8  }
0xc: {  	s22 =	sadd.s32 s12, s11;
	s23 =	ssub.s32 s4, s13;
	s26 =	sadd.s32 s6, s2  }
0xd: {  	s11 =	simm.s32 $0x3;
	s12 =	simm.s32 $0x80;
	s13 =	simm.s32 $0x3C00  }
0xe: {  	s7 =	sshrl.u32 s7, $0x3;
	s24 =	sshrl.u32 s8, $0x4;
	s25 =	sshll.u32 s22, $0x3  }
0xf: {  	s22 =	simm.s32 $0x2;
	s7 =	sadd.s32 s7, s5;
	s5 =	sadd.s32 $0x338E00, s5  }
0x10: {  	s4 =	sadd.s32 s24, s5;
	s9 =	sadd.s32 s25, s5;
	s6 =	sadd.s32 $0x2A000, s7  }
0x11: {  	s7 =	smax.u32 s23, $0x1;
	[dreg:$0x3] =	wrdreg s4;
	s5 =	sadd.s32 $0x1800, s9  }
0x12: {  	s23 =	simm.s32 $0x0;
	s28 =	sadd.s32 $0x1400, s9;
	[dreg:$0x4] =	wrdreg s5  }
0x13: {  	s4 =	sadd.s32 $0x16600, s10;
	s8 =	sadd.s32 $0x1000, s9;
	[dreg:$0x5] =	wrdreg s28  }
0x14: {  	s30 =	sadd.s32 $0xC00, s9;
	s31 =	sadd.s32 $0x800, s9;
	[dreg:$0x6] =	wrdreg s8  }
0x15: {  	s10 =	sshrl.u32 s26, $0x3;
	s5 =	sor.u32 $0x1C03, s29;
	[dreg:$0x7] =	wrdreg s30  }
0x16: {  	[dreg:$0x8] =	wrdreg s31;
	s8 =	sadd.s32 $0x400, s9;
	s9 =	sadd.s32 $0x1C00, s9  }
.LBB2_1:
0x17: {  	[spmem:s10], [sflag:s5] =	dma.local [hbm:s4], $0x1388  }
0x18: {  	_ =	swait.ge [sflag:s11], $0x1388  }
0x19: {  	[sflag:s11] =	ssyncset.done $0x0  }
0x1a: {  	[sflag:s11] =	ssyncadd.s32 $0xFFFFEC78  }
0x1b: {  	[tilespmem:s3], [sflag:$0x3] =	stream.linear.gather [hbm4b:s6+s3], $0x3C00, $0x38;
	[tilespmem:$0x1D840] =	vst v63  }
0x1c: {  	_ =	swait.ge [sflag:s11], $0x3C00  }
0x1d: {  	[sflag:s11] =	ssyncset.done $0x0  }
0x1e: {  	[sflag:s11] =	ssyncadd.s32 $0xFFFFC400  }
0x1f: {  	[bflag:$0x0] =	sbarrier.arrive $0xFFFF  }
0x20: {  	[tilespmem:s13], [sflag:$0x1] =	stream.indirect.gather [spmem:s2], $0x40, s3, s12, $0xb8;
	[tilespmem:$0x1D840] =	vst v63  }
0x21: {  	s24 =	simm.s32 $0x80  }
0x22: {  	[tilespmem:s14], [sflag:$0x1] =	stream.indirect.gather [spmem:s2], $0x40, s24, s12, $0xb8;
	[tilespmem:$0x1D840] =	vst v63  }
0x23: {  	s30 =	simm.s32 $0x100  }
0x24: {  	[tilespmem:s15], [sflag:$0x1] =	stream.indirect.gather [spmem:s2], $0x40, s30, s12, $0xb8;
	[tilespmem:$0x1D840] =	vst v63  }
0x25: {  	s31 =	simm.s32 $0x180  }
0x26: {  	[tilespmem:s16], [sflag:$0x1] =	stream.indirect.gather [spmem:s2], $0x40, s31, s12, $0xb8;
	[tilespmem:$0x1D840] =	vst v63  }
0x27: {  	s25 =	simm.s32 $0x200  }
0x28: {  	[tilespmem:s17], [sflag:$0x1] =	stream.indirect.gather [spmem:s2], $0x40, s25, s12, $0xb8;
	[tilespmem:$0x1D840] =	vst v63  }
0x29: {  	s26 =	simm.s32 $0x280  }
0x2a: {  	[tilespmem:s18], [sflag:$0x1] =	stream.indirect.gather [spmem:s2], $0x40, s26, s12, $0xb8;
	[tilespmem:$0x1D840] =	vst v63  }
0x2b: {  	s28 =	simm.s32 $0x300  }
0x2c: {  	[tilespmem:s19], [sflag:$0x1] =	stream.indirect.gather [spmem:s2], $0x40, s28, s12, $0xb8;
	[tilespmem:$0x1D840] =	vst v63  }
0x2d: {  	s29 =	simm.s32 $0x380  }
0x2e: {  	[tilespmem:s20], [sflag:$0x1] =	stream.indirect.gather [spmem:s2], $0x40, s29, s12, $0xb8;
	[tilespmem:$0x1D840] =	vst v63  }
0x2f: {  	_ =	swait.ge [sflag:s21], $0x2000  }
0x30: {  	[sflag:s21] =	ssyncset.done $0x0  }
0x31: {  	[sflag:s21] =	ssyncadd.s32 $0xFFFFE000  }
0x32: {  	_ =	swait.ge [sflag:s21], $0x2000  }
0x33: {  	[sflag:s21] =	ssyncset.done $0x0  }
0x34: {  	[sflag:s21] =	ssyncadd.s32 $0xFFFFE000  }
0x35: {  	_ =	swait.ge [sflag:s21], $0x2000  }
0x36: {  	[sflag:s21] =	ssyncset.done $0x0  }
0x37: {  	[sflag:s21] =	ssyncadd.s32 $0xFFFFE000  }
0x38: {  	_ =	swait.ge [sflag:s21], $0x2000  }
0x39: {  	[sflag:s21] =	ssyncset.done $0x0  }
0x3a: {  	[sflag:s21] =	ssyncadd.s32 $0xFFFFE000  }
0x3b: {  	_ =	swait.ge [sflag:s21], $0x2000  }
0x3c: {  	[sflag:s21] =	ssyncset.done $0x0  }
0x3d: {  	[sflag:s21] =	ssyncadd.s32 $0xFFFFE000  }
0x3e: {  	_ =	swait.ge [sflag:s21], $0x2000  }
0x3f: {  	[sflag:s21] =	ssyncset.done $0x0  }
0x40: {  	[sflag:s21] =	ssyncadd.s32 $0xFFFFE000  }
0x41: {  	_ =	swait.ge [sflag:s21], $0x2000  }
0x42: {  	[sflag:s21] =	ssyncset.done $0x0  }
0x43: {  	[sflag:s21] =	ssyncadd.s32 $0xFFFFE000  }
0x44: {  	_ =	swait.ge [sflag:s21], $0x2000  }
0x45: {  	s30 =	rddreg [dreg:$0x3];
	[sflag:s21] =	ssyncset.done $0x0  }
0x46: {  	[sflag:s21] =	ssyncadd.s32 $0xFFFFE000;
	s24 =	sadd.s32 $0x0, s30  }
0x47: {  	[hbm4b:s24+s3] =	stream.linear.scatter [tilespmem:s13], [sflag:$0x2], $0x2000, $0x38;
	[tilespmem:$0x1D840] =	vst v63  }
0x48: {  	s31 =	sadd.s32 $0x0, s8;
	s25 =	rddreg [dreg:$0x8]  }
0x49: {  	[hbm4b:s31+s3] =	stream.linear.scatter [tilespmem:s14], [sflag:$0x2], $0x2000, $0x38;
	[tilespmem:$0x1D840] =	vst v63  }
0x4a: {  	s26 =	rddreg [dreg:$0x7];
	s28 =	sadd.s32 $0x0, s25  }
0x4b: {  	[hbm4b:s28+s3] =	stream.linear.scatter [tilespmem:s15], [sflag:$0x2], $0x2000, $0x38;
	[tilespmem:$0x1D840] =	vst v63  }
0x4c: {  	s29 =	rddreg [dreg:$0x6];
	s30 =	sadd.s32 $0x0, s26  }
0x4d: {  	[hbm4b:s30+s3] =	stream.linear.scatter [tilespmem:s16], [sflag:$0x2], $0x2000, $0x38;
	[tilespmem:$0x1D840] =	vst v63  }
0x4e: {  	s25 =	sadd.s32 $0x0, s29;
	s31 =	rddreg [dreg:$0x5]  }
0x4f: {  	[hbm4b:s25+s3] =	stream.linear.scatter [tilespmem:s17], [sflag:$0x2], $0x2000, $0x38;
	[tilespmem:$0x1D840] =	vst v63  }
0x50: {  	s29 =	sadd.s32 $0x0, s31;
	s28 =	rddreg [dreg:$0x4]  }
0x51: {  	[hbm4b:s29+s3] =	stream.linear.scatter [tilespmem:s18], [sflag:$0x2], $0x2000, $0x38;
	[tilespmem:$0x1D840] =	vst v63  }
0x52: {  	s30 =	sadd.s32 $0x0, s28  }
0x53: {  	[hbm4b:s30+s3] =	stream.linear.scatter [tilespmem:s19], [sflag:$0x2], $0x2000, $0x38;
	[tilespmem:$0x1D840] =	vst v63  }
0x54: {  	s31 =	sadd.s32 $0x0, s9  }
0x55: {  	[hbm4b:s31+s3] =	stream.linear.scatter [tilespmem:s20], [sflag:$0x2], $0x2000, $0x38;
	[tilespmem:$0x1D840] =	vst v63  }
0x56: {  	_ =	swait.ge [sflag:s22], $0x2000  }
0x57: {  	[sflag:s22] =	ssyncset.done $0x0  }
0x58: {  	[sflag:s22] =	ssyncadd.s32 $0xFFFFE000  }
0x59: {  	_ =	swait.ge [sflag:s22], $0x2000  }
0x5a: {  	[sflag:s22] =	ssyncset.done $0x0  }
0x5b: {  	[sflag:s22] =	ssyncadd.s32 $0xFFFFE000  }
0x5c: {  	_ =	swait.ge [sflag:s22], $0x2000  }
0x5d: {  	[sflag:s22] =	ssyncset.done $0x0  }
0x5e: {  	[sflag:s22] =	ssyncadd.s32 $0xFFFFE000  }
0x5f: {  	_ =	swait.ge [sflag:s22], $0x2000  }
0x60: {  	[sflag:s22] =	ssyncset.done $0x0  }
0x61: {  	[sflag:s22] =	ssyncadd.s32 $0xFFFFE000  }
0x62: {  	_ =	swait.ge [sflag:s22], $0x2000  }
0x63: {  	[sflag:s22] =	ssyncset.done $0x0  }
0x64: {  	[sflag:s22] =	ssyncadd.s32 $0xFFFFE000  }
0x65: {  	_ =	swait.ge [sflag:s22], $0x2000  }
0x66: {  	[sflag:s22] =	ssyncset.done $0x0  }
0x67: {  	[sflag:s22] =	ssyncadd.s32 $0xFFFFE000  }
0x68: {  	_ =	swait.ge [sflag:s22], $0x2000  }
0x69: {  	[sflag:s22] =	ssyncset.done $0x0  }
0x6a: {  	[sflag:s22] =	ssyncadd.s32 $0xFFFFE000  }
0x6b: {  	_ =	swait.ge [sflag:s22], $0x2000  }
0x6c: {  	s24 =	simm.s32 $0x2000;
	s25 =	simm.s32 $0x0;
	[sflag:s22] =	ssyncset.done $0x0  }
.LBB2_2:
0x6d: {  	[sflag:s22] =	ssyncadd.s32 $0xFFFFE000;
	s25 =	sadd.s32 $0x400, s25  }
0x6e: {  	[tilespmem:s13], [sflag:$0x1] =	stream.indirect.gather [spmem:s2], $0x40, s25, s12, $0xb8;
	[tilespmem:$0x1D840] =	vst v63  }
0x6f: {  	s28 =	sadd.s32 $0x80, s25  }
0x70: {  	[tilespmem:s14], [sflag:$0x1] =	stream.indirect.gather [spmem:s2], $0x40, s28, s12, $0xb8;
	[tilespmem:$0x1D840] =	vst v63  }
0x71: {  	s30 =	sadd.s32 $0x100, s25  }
0x72: {  	[tilespmem:s15], [sflag:$0x1] =	stream.indirect.gather [spmem:s2], $0x40, s30, s12, $0xb8;
	[tilespmem:$0x1D840] =	vst v63  }
0x73: {  	s31 =	sadd.s32 $0x180, s25  }
0x74: {  	[tilespmem:s16], [sflag:$0x1] =	stream.indirect.gather [spmem:s2], $0x40, s31, s12, $0xb8;
	[tilespmem:$0x1D840] =	vst v63  }
0x75: {  	s29 =	sadd.s32 $0x200, s25  }
0x76: {  	[tilespmem:s17], [sflag:$0x1] =	stream.indirect.gather [spmem:s2], $0x40, s29, s12, $0xb8;
	[tilespmem:$0x1D840] =	vst v63  }
0x77: {  	s30 =	sadd.s32 $0x280, s25  }
0x78: {  	[tilespmem:s18], [sflag:$0x1] =	stream.indirect.gather [spmem:s2], $0x40, s30, s12, $0xb8;
	[tilespmem:$0x1D840] =	vst v63  }
0x79: {  	s31 =	sadd.s32 $0x300, s25  }
0x7a: {  	[tilespmem:s19], [sflag:$0x1] =	stream.indirect.gather [spmem:s2], $0x40, s31, s12, $0xb8;
	[tilespmem:$0x1D840] =	vst v63  }
0x7b: {  	s29 =	sadd.s32 $0x380, s25  }
0x7c: {  	[tilespmem:s20], [sflag:$0x1] =	stream.indirect.gather [spmem:s2], $0x40, s29, s12, $0xb8;
	[tilespmem:$0x1D840] =	vst v63  }
0x7d: {  	_ =	swait.ge [sflag:s21], $0x2000  }
0x7e: {  	[sflag:s21] =	ssyncset.done $0x0  }
0x7f: {  	[sflag:s21] =	ssyncadd.s32 $0xFFFFE000  }
0x80: {  	_ =	swait.ge [sflag:s21], $0x2000  }
0x81: {  	[sflag:s21] =	ssyncset.done $0x0  }
0x82: {  	[sflag:s21] =	ssyncadd.s32 $0xFFFFE000  }
0x83: {  	_ =	swait.ge [sflag:s21], $0x2000  }
0x84: {  	[sflag:s21] =	ssyncset.done $0x0  }
0x85: {  	[sflag:s21] =	ssyncadd.s32 $0xFFFFE000  }
0x86: {  	_ =	swait.ge [sflag:s21], $0x2000  }
0x87: {  	[sflag:s21] =	ssyncset.done $0x0  }
0x88: {  	[sflag:s21] =	ssyncadd.s32 $0xFFFFE000  }
0x89: {  	_ =	swait.ge [sflag:s21], $0x2000  }
0x8a: {  	[sflag:s21] =	ssyncset.done $0x0  }
0x8b: {  	[sflag:s21] =	ssyncadd.s32 $0xFFFFE000  }
0x8c: {  	_ =	swait.ge [sflag:s21], $0x2000  }
0x8d: {  	[sflag:s21] =	ssyncset.done $0x0  }
0x8e: {  	[sflag:s21] =	ssyncadd.s32 $0xFFFFE000  }
0x8f: {  	_ =	swait.ge [sflag:s21], $0x2000  }
0x90: {  	[sflag:s21] =	ssyncset.done $0x0  }
0x91: {  	[sflag:s21] =	ssyncadd.s32 $0xFFFFE000  }
0x92: {  	_ =	swait.ge [sflag:s21], $0x2000  }
0x93: {  	s26 =	smov.u32 s24;
	s30 =	rddreg [dreg:$0x3];
	[sflag:s21] =	ssyncset.done $0x0  }
0x94: {  	[sflag:s21] =	ssyncadd.s32 $0xFFFFE000;
	s28 =	sadd.s32 s26, s30  }
0x95: {  	[hbm4b:s28+s3] =	stream.linear.scatter [tilespmem:s13], [sflag:$0x2], $0x2000, $0x38;
	[tilespmem:$0x1D840] =	vst v63  }
0x96: {  	s31 =	sadd.s32 s26, s8;
	s29 =	rddreg [dreg:$0x8]  }
0x97: {  	[hbm4b:s31+s3] =	stream.linear.scatter [tilespmem:s14], [sflag:$0x2], $0x2000, $0x38;
	[tilespmem:$0x1D840] =	vst v63  }
0x98: {  	s30 =	rddreg [dreg:$0x7];
	s31 =	sadd.s32 s26, s29  }
0x99: {  	[hbm4b:s31+s3] =	stream.linear.scatter [tilespmem:s15], [sflag:$0x2], $0x2000, $0x38;
	[tilespmem:$0x1D840] =	vst v63  }
0x9a: {  	s29 =	rddreg [dreg:$0x6];
	s31 =	sadd.s32 s26, s30  }
0x9b: {  	[hbm4b:s31+s3] =	stream.linear.scatter [tilespmem:s16], [sflag:$0x2], $0x2000, $0x38;
	[tilespmem:$0x1D840] =	vst v63  }
0x9c: {  	s28 =	sadd.s32 s26, s29;
	s30 =	rddreg [dreg:$0x5]  }
0x9d: {  	[hbm4b:s28+s3] =	stream.linear.scatter [tilespmem:s17], [sflag:$0x2], $0x2000, $0x38;
	[tilespmem:$0x1D840] =	vst v63  }
0x9e: {  	s30 =	sadd.s32 s26, s30;
	s31 =	rddreg [dreg:$0x4]  }
0x9f: {  	[hbm4b:s30+s3] =	stream.linear.scatter [tilespmem:s18], [sflag:$0x2], $0x2000, $0x38;
	[tilespmem:$0x1D840] =	vst v63  }
0xa0: {  	s31 =	sadd.s32 s26, s31  }
0xa1: {  	[hbm4b:s31+s3] =	stream.linear.scatter [tilespmem:s19], [sflag:$0x2], $0x2000, $0x38;
	[tilespmem:$0x1D840] =	vst v63  }
0xa2: {  	s26 =	sadd.s32 s26, s9  }
0xa3: {  	[hbm4b:s26+s3] =	stream.linear.scatter [tilespmem:s20], [sflag:$0x2], $0x2000, $0x38;
	[tilespmem:$0x1D840] =	vst v63  }
0xa4: {  	_ =	swait.ge [sflag:s22], $0x2000  }
0xa5: {  	[sflag:s22] =	ssyncset.done $0x0  }
0xa6: {  	[sflag:s22] =	ssyncadd.s32 $0xFFFFE000  }
0xa7: {  	_ =	swait.ge [sflag:s22], $0x2000  }
0xa8: {  	[sflag:s22] =	ssyncset.done $0x0  }
0xa9: {  	[sflag:s22] =	ssyncadd.s32 $0xFFFFE000  }
0xaa: {  	_ =	swait.ge [sflag:s22], $0x2000  }
0xab: {  	[sflag:s22] =	ssyncset.done $0x0  }
0xac: {  	[sflag:s22] =	ssyncadd.s32 $0xFFFFE000  }
0xad: {  	_ =	swait.ge [sflag:s22], $0x2000  }
0xae: {  	[sflag:s22] =	ssyncset.done $0x0  }
0xaf: {  	[sflag:s22] =	ssyncadd.s32 $0xFFFFE000  }
0xb0: {  	_ =	swait.ge [sflag:s22], $0x2000  }
0xb1: {  	[sflag:s22] =	ssyncset.done $0x0  }
0xb2: {  	[sflag:s22] =	ssyncadd.s32 $0xFFFFE000  }
0xb3: {  	_ =	swait.ge [sflag:s22], $0x2000  }
0xb4: {  	[sflag:s22] =	ssyncset.done $0x0  }
0xb5: {  	p0 =	sne.s32 s24, $0x1C000;
	[sflag:s22] =	ssyncadd.s32 $0xFFFFE000  }
.Ltmp0:
0xb6: {  	_ =	swait.ge [sflag:s22], $0x2000;
	(pc) =	sbr.rel @p0 .LBB2_2-.Ltmp0, $4  }
0xb7: {  	[sflag:s22] =	ssyncset.done $0x0  }
0xb8: {  	[sflag:s22] =	ssyncadd.s32 $0xFFFFE000  }
0xb9: {  	_ =	swait.ge [sflag:s22], $0x2000  }
0xba: {  	s24 =	sadd.s32 $0x2000, s24;
	[sflag:s22] =	ssyncset.done $0x0  }
0xbb: {  	s23 =	sadd.s32 $0x1, s23  }
0xbc: {  	p0 =	sne.s32 s23, s7  }
.Ltmp1:
0xbd: {  	_ = 	snop;
	(pc) =	sbr.rel @p0 .LBB2_1-.Ltmp1, $2  }
0xbe: {  	_ =	sdelay $0x2  }
0xbf: {  	[sflag:s22] =	ssyncadd.s32 $0xFFFFE000  }
0xc0: {  	_ =	sfence.sel $0x180000  }
0xc1: {  	[bflag:$0x0] =	sbarrier.arrive $0xFFFF  }
0xc2: {  	p0 =	sne.s32 s0, $0x0;
	_ =	strace $0x9000004D  }
0xc3: {  	s0 =	sadd.s32 @!p0 $0x100000, s1;
	[bflag:$0x2] =	sbarrier.arrive $0xFFFF  }
0xc4: {  	[sflag:s0] =	ssyncadd.tile.s32 @!p0 $0x1;
	_ =	shalt  }
.Lfunc_end2:
_tile_overlayer_lowered:
.L_overlay_start_2:
0xc5: {  	(tag) =	ssettag $0x2  }
0xc6: {  	s0 =	rddreg [dreg:$0x0];
	s2 =	stileid.u32  }
0xc7: {  	s1 =	rddreg [dreg:$0x1];
	p0 =	sne.s32 s2, $0x0  }
0xc8: {  	s3 =	rddreg [dreg:$0x2];
	[bflag:$0x3] =	sbarrier.arrive $0xFFFF;
	s2 =	simm.s32 @!p0 $0x1C03  }
0xc9: {  	[timem:s3], [sflag:s2] =	dma.local @!p0 [hbm:s0], s1  }
0xca: {  	s0 =	simm.s32 @!p0 $0x3  }
0xcb: {  	_ =	swait.ge @!p0 [sflag:s0], s1  }
0xcc: {  	s1 =	ssub.s32 @!p0 $0x0, s1;
	[sflag:s0] =	ssyncset.done @!p0 $0x0  }
0xcd: {  	[sflag:s0] =	ssyncadd.s32 @!p0 s1  }
0xce: {  	[bflag:$0x3] =	sbarrier.arrive $0xFFFF  }
0xcf: {  	_ =	shalt  }

// kernel: kernel.22.cloned.1.call-start
scs
__scs_entry_jumppad:
0x0: {  	(pc) =	sbr.rel $0x88, $3  }
0x1: {  	(tag) =	ssettag $0x0;
	lr =	simm.s32 $0x1  }
0x2: {  	[smem:$0x3F6C] =	sst lr;
	_ =	strace $0xD0000000  }
0x3: {  	_ = 	snop  }
0x4: {  	_ = 	snop  }
0x5: {  	_ = 	snop  }
0x6: {  	_ = 	snop  }
0x7: {  	_ = 	snop  }
__scs_overlays_trampoline_lowered:
0x8: {  	[smem:$0x3F7B] =	sst s0  }
0x9: {  	[smem:$0x3F7C] =	sst s1  }
0xa: {  	[smem:$0x3F7D] =	sst s2  }
0xb: {  	[smem:$0x3F7E] =	sst s3  }
0xc: {  	[smem:$0x3F7F] =	sst s4  }
0xd: {  	[smem:$0x3F80] =	sst s5  }
0xe: {  	[smem:$0x3F81] =	sst s6  }
0xf: {  	[smem:$0x3F82] =	sst s7  }
0x10: {  	[smem:$0x3F83] =	sst s8  }
0x11: {  	[smem:$0x3F84] =	sst s9;
	s0 =	simm.s32 @!p0 $0x0  }
0x12: {  	s1 =	sld [smem:$0x3F6A];
	s0 =	simm.s32 @p0 $0x1  }
0x13: {  	[smem:$0x3F85] =	sst s0;
	s0 =	simm.s32 @!p1 $0x0  }
0x14: {  	s2 =	sld [smem:$0x3F69];
	s0 =	simm.s32 @p1 $0x1  }
0x15: {  	[smem:$0x3F86] =	sst s0;
	s0 =	simm.s32 @!p2 $0x0  }
0x16: {  	s3 =	sld [smem:$0x3FDB];
	s0 =	simm.s32 @p2 $0x1  }
0x17: {  	s4 =	simm.s32 $0x1BF5;
	[smem:$0x3F88] =	sst s0  }
0x18: {  	s0 =	sld [smem:$0x3F6B];
	_ =	swait.ge [sflag:s4], $0x0  }
0x19: {  	s7 =	sld [smem:$0x3F6C]  }
0x1a: {  	s8 =	sadd.s32 $0xFFFFE003, lr  }
0x1b: {  	s9 =	sadd.s32 $0xFFFFFEF7, lr;
	s5 =	simm.s32 $0xFFFFFFFF;
	p2 =	slt.u32 s8, $0xFFFFF086  }
0x1c: {  	p1 =	slt.u32 s9, $0xF7A;
	s5 =	simm.s32 @!p2 $0x0  }
0x1d: {  	s5 =	simm.s32 @p1 $0x1;
	p0 =	seq.s32 s7, s2  }
0x1e: {  	s7 =	smul.u32 @!p0 $0xF7A, s2;
	p2 =	seq.s32 @!p0 s5, $0x0  }
0x1f: {  	s9 =	smul.u32 $0xF7A, s1;
	s8 =	simm.s32 @!p0 $0x1BF5;
	p2 =	por !p2, p0  }
0x20: {  	[sflag:s8] =	ssyncset.s32 @!p0 $0xFFFFF086;
	s6 =	sadd.s32 @!p0 s3, s7;
	s7 =	simm.s32 @!p0 $0x108  }
0x21: {  	s3 =	sadd.s32 s3, s9;
	s6 =	sadd.s32 @!p0 $0x88, s6;
	s7 =	simm.s32 @p2 $0x1082  }
0x22: {  	[simem:s7], [sflag:s8] =	dma.local @!p0 [hbm:s6], $0xF7A  }
0x23: {  	s9 =	sor.u32 $0xD0000000, s2;
	s6 =	simm.s32 $0x108;
	_ =	swait.ge @!p0 [sflag:s8], $0x0  }
0x24: {  	s3 =	sadd.s32 $0x88, s3;
	s6 =	simm.s32 @!p1 $0x1082;
	[sflag:s4] =	ssyncset.s32 $0xFFFFF086  }
0x25: {  	[simem:s6], [sflag:s4] =	dma.local [hbm:s3], $0xF7A  }
0x26: {  	[smem:$0x3F6C] =	sst s1;
	(tag) =	ssettag s2;
	_ =	strace s9  }
0x27: {  	s1 =	sld [smem:$0x3F7C]  }
0x28: {  	s2 =	sld [smem:$0x3F7D]  }
0x29: {  	s4 =	sld [smem:$0x3F7F]  }
0x2a: {  	p0 =	seq.s32 s5, $0x0;
	s5 =	sld [smem:$0x3F80]  }
0x2b: {  	s6 =	sld [smem:$0x3F81]  }
0x2c: {  	s7 =	sld [smem:$0x3F82]  }
0x2d: {  	s3 =	simm.s32 $0x108;
	s8 =	sld [smem:$0x3F83]  }
0x2e: {  	s3 =	simm.s32 @!p0 $0x1082;
	s9 =	sld [smem:$0x3F84]  }
0x2f: {  	lr =	sadd.s32 s0, s3;
	s0 =	sld [smem:$0x3F7B]  }
0x30: {  	s3 =	sld [smem:$0x3F7E]  }
0x31: {  	[smem:$0x3F87] =	sst s10  }
0x32: {  	s10 =	sld [smem:$0x3F85];
	_ =	sdelay $0x3  }
0x33: {  	p0 =	seq.s32 s10, $0x1;
	s10 =	sld [smem:$0x3F87];
	_ =	sdelay $0x3  }
0x34: {  	[smem:$0x3F87] =	sst s10  }
0x35: {  	s10 =	sld [smem:$0x3F86];
	_ =	sdelay $0x3  }
0x36: {  	p1 =	seq.s32 s10, $0x1;
	s10 =	sld [smem:$0x3F87];
	_ =	sdelay $0x3  }
0x37: {  	[smem:$0x3F87] =	sst s10  }
0x38: {  	s10 =	sld [smem:$0x3F88]  }
0x39: {  	_ = 	snop;
	(pc) =	sbr.ind lr, $3  }
0x3a: {  	_ = 	snop  }
0x3b: {  	_ = 	snop  }
0x3c: {  	p2 =	seq.s32 s10, $0x1;
	s10 =	sld [smem:$0x3F87]  }
0x3d: {  	_ =	shalt  }
0x3e: {  	_ =	shalt  }
0x3f: {  	_ =	shalt  }
0x40: {  	_ =	shalt  }
0x41: {  	_ =	shalt  }
0x42: {  	_ =	shalt  }
0x43: {  	_ =	shalt  }
0x44: {  	_ =	shalt  }
0x45: {  	_ =	shalt  }
0x46: {  	_ =	shalt  }
0x47: {  	_ =	shalt  }
0x48: {  	_ =	shalt  }
0x49: {  	_ =	shalt  }
0x4a: {  	_ =	shalt  }
0x4b: {  	_ =	shalt  }
0x4c: {  	_ =	shalt  }
0x4d: {  	_ =	shalt  }
0x4e: {  	_ =	shalt  }
0x4f: {  	_ =	shalt  }
0x50: {  	_ =	shalt  }
0x51: {  	_ =	shalt  }
0x52: {  	_ =	shalt  }
0x53: {  	_ =	shalt  }
0x54: {  	_ =	shalt  }
0x55: {  	_ =	shalt  }
0x56: {  	_ =	shalt  }
0x57: {  	_ =	shalt  }
0x58: {  	_ =	shalt  }
0x59: {  	_ =	shalt  }
0x5a: {  	_ =	shalt  }
0x5b: {  	_ =	shalt  }
0x5c: {  	_ =	shalt  }
0x5d: {  	_ =	shalt  }
0x5e: {  	_ =	shalt  }
0x5f: {  	_ =	shalt  }
0x60: {  	_ =	shalt  }
0x61: {  	_ =	shalt  }
0x62: {  	_ =	shalt  }
0x63: {  	_ =	shalt  }
0x64: {  	_ =	shalt  }
0x65: {  	_ =	shalt  }
0x66: {  	_ =	shalt  }
0x67: {  	_ =	shalt  }
0x68: {  	_ =	shalt  }
0x69: {  	_ =	shalt  }
0x6a: {  	_ =	shalt  }
0x6b: {  	_ =	shalt  }
0x6c: {  	_ =	shalt  }
0x6d: {  	_ =	shalt  }
0x6e: {  	_ =	shalt  }
0x6f: {  	_ =	shalt  }
0x70: {  	_ =	shalt  }
0x71: {  	_ =	shalt  }
0x72: {  	_ =	shalt  }
0x73: {  	_ =	shalt  }
0x74: {  	_ =	shalt  }
0x75: {  	_ =	shalt  }
0x76: {  	_ =	shalt  }
0x77: {  	_ =	shalt  }
0x78: {  	_ =	shalt  }
0x79: {  	_ =	shalt  }
0x7a: {  	_ =	shalt  }
0x7b: {  	_ =	shalt  }
0x7c: {  	_ =	shalt  }
0x7d: {  	_ =	shalt  }
0x7e: {  	_ =	shalt  }
0x7f: {  	_ =	shalt  }
0x80: {  	_ =	shalt  }
0x81: {  	_ =	shalt  }
0x82: {  	_ =	shalt  }
0x83: {  	_ =	shalt  }
0x84: {  	_ =	shalt  }
0x85: {  	_ =	shalt  }
0x86: {  	_ =	shalt  }
0x87: {  	_ =	shalt  }
.Lfunc_end0:
.L_simem_size_0:
called_computation.3_lowered:
.L_overlay_start_0:
0x88: {  	s2 =	sld [smem:$0x3FD9]  }
0x89: {  	s3 =	sld [smem:$0x3FFE];
	_ =	sdelay $0x1  }
0x8a: {  	s1 =	srdreg.scid  }
0x8b: {  	s0 =	sand.u32 $0x1, s1  }
0x8c: {  	s16 =	sshll.u32 s0, $0xA;
	s2 =	sadd.s32 s3, s2  }
0x8d: {  	s2 =	sadd.s32 s2, s16  }
0x8e: {  	[smem:$0x3F93] =	sst s2  }
0x8f: {  	_ = 	snop  }
0x90: {  	(tm) =	ssettm $0x1  }
0x91: {  	s17 =	sld [smem:$0x3FFB];
	_ =	sdelay $0x3  }
0x92: {  	_ =	strace s17  }
0x93: {  	s2 =	sld [smem:$0x3FFC];
	_ =	sdelay $0x3  }
0x94: {  	_ =	strace s2  }
0x95: {  	s2 =	sld [smem:$0x3FFD];
	_ =	sdelay $0x3  }
0x96: {  	_ =	strace s2  }
0x97: {  	_ =	strace $0x8FFFFFFF  }
0x98: {  	s18 =	sld [smem:$0x3FDB];
	_ =	sdelay $0x1  }
0x99: {  	s19 =	simm.s32 $_scs_section_size  }
0x9a: {  	s4 =	simm.s32 $_size__tile_overlayer_lowered;
	s5 =	simm.s32 $_tile_overlayer_lowered  }
0x9b: {  	s22 =	simm.s32 $0x1BFF;
	s21 =	sshll.u32 s5, $0x1;
	s2 =	sadd.s32 s19, s18  }
0x9c: {  	s6 =	simm.s32 $0x0;
	s20 =	sshll.u32 s4, $0x1;
	s4 =	sadd.s32 s21, s2  }
0x9d: {  	[timem:s6], [sflag:s22] =	dma.local [hbm:s4], s20  }
0x9e: {  	_ =	swait.ge [sflag:s22], s20  }
0x9f: {  	s3 =	ssub.s32 $0x0, s20;
	[sflag:s22] =	ssyncset.done $0x0  }
0xa0: {  	[sflag:s22] =	ssyncadd.s32 s3;
	_ =	sdelay $0x1  }
0xa1: {  	s23 =	simm.s32 $0x1B8B  }
0xa2: {  	_ =	swait.ge [sflag:s23], $0x1  }
0xa3: {  	[sflag:s23] =	ssyncset.done $0x0  }
0xa4: {  	s25 =	simm.s32 $0x1B8E;
	s24 =	sld [smem:$0x3FFE];
	[sflag:s23] =	ssyncadd.s32 $0xFFFFFFFF  }
0xa5: {  	s26 =	simm.s32 $execute0_lowered;
	[smem:$0x3FD2] =	sst s25  }
0xa6: {  	s4 =	sshll.u32 s26, $0x1;
	_ =	strace $0x8000004F;
	[dreg:$0x1] =	wrdreg $0xFFFFFFFF  }
0xa7: {  	s28 =	simm.s32 $_size_execute0_lowered;
	s2 =	sadd.s32 s2, s4;
	[dreg:$0x0] =	wrdreg $0x0  }
0xa8: {  	s4 =	sshll.u32 s28, $0x1;
	[dreg:$0x2] =	wrdreg s2  }
0xa9: {  	[dreg:$0x3] =	wrdreg s4  }
0xaa: {  	[dreg:$0x4] =	wrdreg $0xC0  }
0xab: {  	_ =	task [dreg:s6], $0x5FFFF  }
0xac: {  	[dreg:$0x1] =	wrdreg $0xFFFFFFFF  }
0xad: {  	[dreg:$0x0] =	wrdreg $0x60  }
0xae: {  	[dreg:$0x2] =	wrdreg s24  }
0xaf: {  	[dreg:$0x3] =	wrdreg $0xE8000  }
0xb0: {  	[dreg:$0x4] =	wrdreg $0x9  }
0xb1: {  	_ =	task.clear_ibuf [dreg:s6], $0x5FFFF;
	_ =	strace $0x9000004F  }
0xb2: {  	s29 =	simm.s32 $0x9;
	_ =	strace $0x80000051  }
0xb3: {  	_ =	swait.ge [sflag:s29], $0x1  }
0xb4: {  	[sflag:s29] =	ssyncadd.s32 $0xFFFFFFFF  }
0xb5: {  	_ =	strace $0x90000051  }
0xb6: {  	_ =	sfence  }
0xb7: {  	s30 =	sld [smem:$0x0];
	_ =	sdelay $0x2  }
0xb8: {  	s31 =	sshll.u32 s1, $0xD;
	s1 =	sshrl.u32 s1, $0x2  }
0xb9: {  	s3 =	sand.u32 $0x4000, s31;
	s1 =	sadd.s32 s1, s30  }
0xba: {  	s0 =	sor.u32 s3, s0;
	s1 =	sshll.u32 s1, $0x11  }
0xbb: {  	s0 =	sor.u32 s1, s0  }
0xbc: {  	s0 =	sadd.s32 $0x8F2B, s0  }
0xbd: {  	[sflag:s0] =	ssyncadd.remote.s32 $0x1  }
0xbe: {  	_ =	sfence.sel $0xFFFF  }
0xbf: {  	[dreg:$0x0] =	wrdreg $0xFFFFFFFF;
	(pc) =	sbr.abs _section_cstart, $3  }
0xc0: {  	[dreg:$0x1] =	wrdreg $0xFFFFFFFF  }
0xc1: {  	_ =	task.clear_ibuf [dreg:s6], $0x2FFFF;
	_ =	strace $0x9FFFFFFF  }
0xc2: {  	(tm) =	ssettm $0x7FFFFFFF  }
0xc3: {  	_ =	shalt  }
tec
execute0_lowered:
.L_overlay_start_1:
0x0: {  	(tag) =	ssettag $0x1  }
0x1: {  	s7 =	rddreg [dreg:$0x0];
	s0 =	stileid.u32  }
0x2: {  	s1 =	srdreg.scid;
	s3 =	rddreg [dreg:$0x1]  }
0x3: {  	s26 =	simm.s32 $0x0;
	s17 =	simm.s32 $0x60;
	s18 =	simm.s32 $0xC0  }
0x4: {  	s19 =	simm.s32 $0x2800;
	s20 =	simm.s32 $0x5800;
	s21 =	simm.s32 $0x1  }
0x5: {  	s22 =	simm.s32 $0x80;
	s23 =	simm.s32 $0x2;
	s2 =	smul.u32 $0x2800, s0  }
0x6: {  	s24 =	simm.s32 $0x18;
	s25 =	simm.s32 $0xC;
	s8 =	smul.u32 $0xF000, s0  }
0x7: {  	s9 =	sand.u32 $0x1, s1;
	[smem:$0x7FF] =	sst s26;
	s11 =	smul.u32 $0x1E000, s0  }
0x8: {  	s6 =	sadd.s32 $0x7B9000, s7;
	s13 =	smul.u32 $0x1E0000, s0;
	s31 =	sshll.u32 s0, $0x6  }
0x9: {  	s26 =	simm.s32 $0x0;
	s5 =	smul.u32 $0x60, s9;
	_ =	strace $0x80000050  }
0xa: {  	s9 =	ssub.s32 $0x2, s9;
	s10 =	sshrl.u32 s2, $0x3;
	s12 =	sshrl.u32 s8, $0x3  }
0xb: {  	s28 =	sshrl.u32 s9, $0x1;
	s16 =	sadd.s32 s8, s3;
	s10 =	sadd.s32 s10, s7  }
0xc: {  	s11 =	sor.u32 s5, s11;
	s12 =	sadd.s32 s12, s7;
	s29 =	sor.u32 s5, s13  }
.Ltmp0:
0xd: {  	s15 =	ssub.s32 s9, s28;
	s9 =	sor.u32 $0x1C03, s31;
	(pc) =	sbr.rel .LBB2_1-.Ltmp0, $4  }
0xe: {  	s11 =	sshrl.u32 s11, $0x3;
	s30 =	sshrl.u32 s29, $0x3;
	s10 =	sadd.s32 $0xC600, s10  }
0xf: {  	s14 =	sadd.s32 s11, s7;
	s7 =	sadd.s32 $0xB79000, s12;
	s8 =	sadd.s32 s6, s30  }
0x10: {  	s12 =	sor.u32 $0x80, s2;
	s11 =	sadd.s32 $0xC00, s8;
	s13 =	sadd.s32 $0xB97000, s14  }
0x11: {  	s14 =	smax.u32 s15, $0x1;
	s15 =	sshrl.u32 s16, $0x3;
	s16 =	simm.s32 $0x3  }
.LBB2_5:
0x12: {  	_ =	swait.ge [sflag:s23], $0x3000  }
0x13: {  	[sflag:s23] =	ssyncset.done $0x0  }
0x14: {  	[sflag:s23] =	ssyncadd.s32 $0xFFFFD000  }
0x15: {  	_ =	swait.ge [sflag:s23], $0x3000  }
0x16: {  	s26 =	sadd.s32 $0x1, s26;
	[sflag:s23] =	ssyncset.done $0x0  }
0x17: {  	p0 =	sne.s32 s26, s14;
	[sflag:s23] =	ssyncadd.s32 $0xFFFFD000  }
.Ltmp1:
0x18: {  	[bflag:$0x0] =	sbarrier.arrive $0xFFFF;
	(pc) =	sbr.rel @!p0 .LBB2_6-.Ltmp1, $4  }
0x19: {  	[hbm:s13@s24], [sflag:s9] =	dma.strided [spmem:s15@s25], $0x1E00, s21, $0xc   }
0x1a: {  	_ =	swait.ge [sflag:s16], $0x1E00  }
0x1b: {  	[sflag:s16] =	ssyncset.done $0x0  }
0x1c: {  	[sflag:s16] =	ssyncadd.s32 $0xFFFFE200  }
.LBB2_1:
0x1d: {  	[spmem:s15], [sflag:s9] =	dma.local [hbm:s7], $0x1E00  }
0x1e: {  	_ =	swait.ge [sflag:s16], $0x1E00  }
0x1f: {  	[sflag:s16] =	ssyncset.done $0x0  }
0x20: {  	s0 =	simm.s32 $0x0;
	[sflag:s16] =	ssyncadd.s32 $0xFFFFE200  }
0x21: {  	[tilespmem:s0], [sflag:$0x3] =	stream.linear.gather [hbm4b:s10+s0], $0x2800, $0x38;
	[tilespmem:$0x1D800] =	vst v63  }
0x22: {  	_ =	swait.ge [sflag:s16], $0x2800  }
0x23: {  	[sflag:s16] =	ssyncset.done $0x0  }
.Ltmp2:
0x24: {  	[sflag:s16] =	ssyncadd.s32 $0xFFFFD800;
	(pc) =	sbr.rel .LBB2_2-.Ltmp2, $4  }
0x25: {  	[bflag:$0x0] =	sbarrier.arrive $0xFFFF  }
0x26: {  	[tilespmem:s19], [sflag:$0x1] =	stream.strided.gather [hbm4b:s8+s17], $0x3000, s18, s17, $0x38;
	[tilespmem:$0x1D800] =	vst v63  }
0x27: {  	s28 =	simm.s32 $0x0  }
0x28: {  	[tilespmem:s20], [sflag:$0x1] =	stream.strided.gather [hbm4b:s11+s17], $0x3000, s18, s17, $0x38;
	[tilespmem:$0x1D800] =	vst v63  }
.LBB2_4:
0x29: {  	s0 =	smul.u32 $0x18000, s30  }
0x2a: {  	p0 =	slt.u32 s29, $0x28  }
.Ltmp3:
0x2b: {  	s1 =	sshll.u32 s28, $0x8;
	s0 =	sshrl.u32 s0, $0x2;
	(pc) =	sbr.rel @!p0 .LBB2_5-.Ltmp3, $4  }
0x2c: {  	s1 =	sand.u32 $0x3FFFFF00, s1;
	s4 =	sadd.s32 $0x2800, s0  }
0x2d: {  	[spmem:s3] =	stream.indirect.scatter.add.f32 [tilespmem:s4], [sflag:$0x2], $0x60, s1, s22, $0xb8;
	[tilespmem:$0x1D800] =	vst v63  }
0x2e: {  	s28 =	smov.u32 s29;
	s0 =	sadd.s32 $0x5800, s0;
	s1 =	sor.u32 $0x80, s1  }
0x2f: {  	[spmem:s3] =	stream.indirect.scatter.add.f32 [tilespmem:s0], [sflag:$0x2], $0x60, s1, s22, $0xb8;
	[tilespmem:$0x1D800] =	vst v63  }
.LBB2_2:
0x30: {  	_ =	swait.ge [sflag:s21], $0x3000  }
0x31: {  	[sflag:s21] =	ssyncset.done $0x0  }
0x32: {  	[sflag:s21] =	ssyncadd.s32 $0xFFFFD000  }
0x33: {  	_ =	swait.ge [sflag:s21], $0x3000  }
0x34: {  	p0 =	seq.s32 s28, $0x0;
	[sflag:s21] =	ssyncset.done $0x0  }
0x35: {  	s29 =	simm.s32 @!p0 $0x2;
	p1 =	seq.s32 @!p0 s28, $0x27;
	[sflag:s21] =	ssyncadd.s32 $0xFFFFD000  }
0x36: {  	p1 =	por p0, !p1;
	_ =	swait.ge @!p0 [sflag:s29], $0x3000  }
.Ltmp4:
0x37: {  	[sflag:s29] =	ssyncset.done @!p0 $0x0;
	(pc) =	sbr.rel @!p1 .LBB2_4-.Ltmp4, $4  }
0x38: {  	[sflag:s29] =	ssyncadd.s32 @!p0 $0xFFFFD000  }
0x39: {  	_ =	swait.ge @!p0 [sflag:s29], $0x3000  }
0x3a: {  	[sflag:s29] =	ssyncset.done @!p0 $0x0  }
0x3b: {  	s30 =	sand.u32 $0x1, s28;
	[sflag:s29] =	ssyncadd.s32 @!p0 $0xFFFFD000;
	s29 =	simm.s32 @!p0 $0x28  }
0x3c: {  	s29 =	sadd.s32 @!p0 $0x1, s28  }
0x3d: {  	s29 =	simm.s32 @p0 $0x1  }
0x3e: {  	s0 =	sxor.u32 $0x1, s30;
	s31 =	sshll.u32 s29, $0x8  }
0x3f: {  	s0 =	smul.u32 $0x18000, s0;
	s1 =	sadd.s32 s2, s31  }
0x40: {  	s1 =	smul.u32 $0xC0, s1  }
0x41: {  	s31 =	sadd.s32 s31, s12  }
0x42: {  	s0 =	sshrl.u32 s0, $0x2;
	s31 =	smul.u32 $0xC0, s31;
	s1 =	sor.u32 s5, s1  }
0x43: {  	s4 =	sadd.s32 $0x2800, s0;
	s1 =	sshrl.u32 s1, $0x3  }
.Ltmp5:
0x44: {  	s31 =	sor.u32 s5, s31;
	s1 =	sadd.s32 s6, s1;
	(pc) =	sbr.rel .LBB2_4-.Ltmp5, $4  }
0x45: {  	[tilespmem:s4], [sflag:$0x1] =	stream.strided.gather [hbm4b:s1+s17], $0x3000, s18, s17, $0x38;
	[tilespmem:$0x1D800] =	vst v63  }
0x46: {  	s1 =	sshrl.u32 s31, $0x3  }
0x47: {  	s0 =	sadd.s32 $0x5800, s0;
	s1 =	sadd.s32 s6, s1  }
0x48: {  	[tilespmem:s0], [sflag:$0x1] =	stream.strided.gather [hbm4b:s1+s17], $0x3000, s18, s17, $0x38;
	[tilespmem:$0x1D800] =	vst v63  }
.LBB2_6:
0x49: {  	_ =	sfence.sel $0x180000  }
0x4a: {  	[bflag:$0x0] =	sbarrier.arrive $0xFFFF  }
0x4b: {  	_ =	strace $0x90000050  }
0x4c: {  	s0 =	stileid.u32;
	[bflag:$0x2] =	sbarrier.arrive $0xFFFF  }
0x4d: {  	p0 =	sne.s32 s0, $0x0;
	s0 =	rddreg [dreg:$0x2]  }
0x4e: {  	s0 =	sadd.s32 @!p0 $0x100000, s0  }
0x4f: {  	[sflag:s0] =	ssyncadd.tile.s32 @!p0 $0x1;
	_ =	shalt  }
.Lfunc_end2:
_tile_overlayer_lowered:
.L_overlay_start_2:
0x50: {  	(tag) =	ssettag $0x2  }
0x51: {  	s0 =	rddreg [dreg:$0x0];
	s2 =	stileid.u32  }
0x52: {  	s1 =	rddreg [dreg:$0x1];
	p0 =	sne.s32 s2, $0x0  }
0x53: {  	s3 =	rddreg [dreg:$0x2];
	[bflag:$0x3] =	sbarrier.arrive $0xFFFF;
	s2 =	simm.s32 @!p0 $0x1C03  }
0x54: {  	[timem:s3], [sflag:s2] =	dma.local @!p0 [hbm:s0], s1  }
0x55: {  	s0 =	simm.s32 @!p0 $0x3  }
0x56: {  	_ =	swait.ge @!p0 [sflag:s0], s1  }
0x57: {  	s1 =	ssub.s32 @!p0 $0x0, s1;
	[sflag:s0] =	ssyncset.done @!p0 $0x0  }
0x58: {  	[sflag:s0] =	ssyncadd.s32 @!p0 s1  }
0x59: {  	[bflag:$0x3] =	sbarrier.arrive $0xFFFF  }
0x5a: {  	_ =	shalt  }

// kernel: kernel.25.cloned.1.call-start
scs
__scs_entry_jumppad:
0x0: {  	(pc) =	sbr.rel $0x88, $3  }
0x1: {  	(tag) =	ssettag $0x0;
	lr =	simm.s32 $0x1  }
0x2: {  	[smem:$0x3F6C] =	sst lr;
	_ =	strace $0xD0000000  }
0x3: {  	_ = 	snop  }
0x4: {  	_ = 	snop  }
0x5: {  	_ = 	snop  }
0x6: {  	_ = 	snop  }
0x7: {  	_ = 	snop  }
__scs_overlays_trampoline_lowered:
0x8: {  	[smem:$0x3F7B] =	sst s0  }
0x9: {  	[smem:$0x3F7C] =	sst s1  }
0xa: {  	[smem:$0x3F7D] =	sst s2  }
0xb: {  	[smem:$0x3F7E] =	sst s3  }
0xc: {  	[smem:$0x3F7F] =	sst s4  }
0xd: {  	[smem:$0x3F80] =	sst s5  }
0xe: {  	[smem:$0x3F81] =	sst s6  }
0xf: {  	[smem:$0x3F82] =	sst s7  }
0x10: {  	[smem:$0x3F83] =	sst s8  }
0x11: {  	[smem:$0x3F84] =	sst s9;
	s0 =	simm.s32 @!p0 $0x0  }
0x12: {  	s1 =	sld [smem:$0x3F6A];
	s0 =	simm.s32 @p0 $0x1  }
0x13: {  	[smem:$0x3F85] =	sst s0;
	s0 =	simm.s32 @!p1 $0x0  }
0x14: {  	s2 =	sld [smem:$0x3F69];
	s0 =	simm.s32 @p1 $0x1  }
0x15: {  	[smem:$0x3F86] =	sst s0;
	s0 =	simm.s32 @!p2 $0x0  }
0x16: {  	s3 =	sld [smem:$0x3FDB];
	s0 =	simm.s32 @p2 $0x1  }
0x17: {  	s4 =	simm.s32 $0x1BF5;
	[smem:$0x3F88] =	sst s0  }
0x18: {  	s0 =	sld [smem:$0x3F6B];
	_ =	swait.ge [sflag:s4], $0x0  }
0x19: {  	s7 =	sld [smem:$0x3F6C]  }
0x1a: {  	s8 =	sadd.s32 $0xFFFFE003, lr  }
0x1b: {  	s9 =	sadd.s32 $0xFFFFFEF7, lr;
	s5 =	simm.s32 $0xFFFFFFFF;
	p2 =	slt.u32 s8, $0xFFFFF086  }
0x1c: {  	p1 =	slt.u32 s9, $0xF7A;
	s5 =	simm.s32 @!p2 $0x0  }
0x1d: {  	s5 =	simm.s32 @p1 $0x1;
	p0 =	seq.s32 s7, s2  }
0x1e: {  	s7 =	smul.u32 @!p0 $0xF7A, s2;
	p2 =	seq.s32 @!p0 s5, $0x0  }
0x1f: {  	s9 =	smul.u32 $0xF7A, s1;
	s8 =	simm.s32 @!p0 $0x1BF5;
	p2 =	por !p2, p0  }
0x20: {  	[sflag:s8] =	ssyncset.s32 @!p0 $0xFFFFF086;
	s6 =	sadd.s32 @!p0 s3, s7;
	s7 =	simm.s32 @!p0 $0x108  }
0x21: {  	s3 =	sadd.s32 s3, s9;
	s6 =	sadd.s32 @!p0 $0x88, s6;
	s7 =	simm.s32 @p2 $0x1082  }
0x22: {  	[simem:s7], [sflag:s8] =	dma.local @!p0 [hbm:s6], $0xF7A  }
0x23: {  	s9 =	sor.u32 $0xD0000000, s2;
	s6 =	simm.s32 $0x108;
	_ =	swait.ge @!p0 [sflag:s8], $0x0  }
0x24: {  	s3 =	sadd.s32 $0x88, s3;
	s6 =	simm.s32 @!p1 $0x1082;
	[sflag:s4] =	ssyncset.s32 $0xFFFFF086  }
0x25: {  	[simem:s6], [sflag:s4] =	dma.local [hbm:s3], $0xF7A  }
0x26: {  	[smem:$0x3F6C] =	sst s1;
	(tag) =	ssettag s2;
	_ =	strace s9  }
0x27: {  	s1 =	sld [smem:$0x3F7C]  }
0x28: {  	s2 =	sld [smem:$0x3F7D]  }
0x29: {  	s4 =	sld [smem:$0x3F7F]  }
0x2a: {  	p0 =	seq.s32 s5, $0x0;
	s5 =	sld [smem:$0x3F80]  }
0x2b: {  	s6 =	sld [smem:$0x3F81]  }
0x2c: {  	s7 =	sld [smem:$0x3F82]  }
0x2d: {  	s3 =	simm.s32 $0x108;
	s8 =	sld [smem:$0x3F83]  }
0x2e: {  	s3 =	simm.s32 @!p0 $0x1082;
	s9 =	sld [smem:$0x3F84]  }
0x2f: {  	lr =	sadd.s32 s0, s3;
	s0 =	sld [smem:$0x3F7B]  }
0x30: {  	s3 =	sld [smem:$0x3F7E]  }
0x31: {  	[smem:$0x3F87] =	sst s10  }
0x32: {  	s10 =	sld [smem:$0x3F85];
	_ =	sdelay $0x3  }
0x33: {  	p0 =	seq.s32 s10, $0x1;
	s10 =	sld [smem:$0x3F87];
	_ =	sdelay $0x3  }
0x34: {  	[smem:$0x3F87] =	sst s10  }
0x35: {  	s10 =	sld [smem:$0x3F86];
	_ =	sdelay $0x3  }
0x36: {  	p1 =	seq.s32 s10, $0x1;
	s10 =	sld [smem:$0x3F87];
	_ =	sdelay $0x3  }
0x37: {  	[smem:$0x3F87] =	sst s10  }
0x38: {  	s10 =	sld [smem:$0x3F88]  }
0x39: {  	_ = 	snop;
	(pc) =	sbr.ind lr, $3  }
0x3a: {  	_ = 	snop  }
0x3b: {  	_ = 	snop  }
0x3c: {  	p2 =	seq.s32 s10, $0x1;
	s10 =	sld [smem:$0x3F87]  }
0x3d: {  	_ =	shalt  }
0x3e: {  	_ =	shalt  }
0x3f: {  	_ =	shalt  }
0x40: {  	_ =	shalt  }
0x41: {  	_ =	shalt  }
0x42: {  	_ =	shalt  }
0x43: {  	_ =	shalt  }
0x44: {  	_ =	shalt  }
0x45: {  	_ =	shalt  }
0x46: {  	_ =	shalt  }
0x47: {  	_ =	shalt  }
0x48: {  	_ =	shalt  }
0x49: {  	_ =	shalt  }
0x4a: {  	_ =	shalt  }
0x4b: {  	_ =	shalt  }
0x4c: {  	_ =	shalt  }
0x4d: {  	_ =	shalt  }
0x4e: {  	_ =	shalt  }
0x4f: {  	_ =	shalt  }
0x50: {  	_ =	shalt  }
0x51: {  	_ =	shalt  }
0x52: {  	_ =	shalt  }
0x53: {  	_ =	shalt  }
0x54: {  	_ =	shalt  }
0x55: {  	_ =	shalt  }
0x56: {  	_ =	shalt  }
0x57: {  	_ =	shalt  }
0x58: {  	_ =	shalt  }
0x59: {  	_ =	shalt  }
0x5a: {  	_ =	shalt  }
0x5b: {  	_ =	shalt  }
0x5c: {  	_ =	shalt  }
0x5d: {  	_ =	shalt  }
0x5e: {  	_ =	shalt  }
0x5f: {  	_ =	shalt  }
0x60: {  	_ =	shalt  }
0x61: {  	_ =	shalt  }
0x62: {  	_ =	shalt  }
0x63: {  	_ =	shalt  }
0x64: {  	_ =	shalt  }
0x65: {  	_ =	shalt  }
0x66: {  	_ =	shalt  }
0x67: {  	_ =	shalt  }
0x68: {  	_ =	shalt  }
0x69: {  	_ =	shalt  }
0x6a: {  	_ =	shalt  }
0x6b: {  	_ =	shalt  }
0x6c: {  	_ =	shalt  }
0x6d: {  	_ =	shalt  }
0x6e: {  	_ =	shalt  }
0x6f: {  	_ =	shalt  }
0x70: {  	_ =	shalt  }
0x71: {  	_ =	shalt  }
0x72: {  	_ =	shalt  }
0x73: {  	_ =	shalt  }
0x74: {  	_ =	shalt  }
0x75: {  	_ =	shalt  }
0x76: {  	_ =	shalt  }
0x77: {  	_ =	shalt  }
0x78: {  	_ =	shalt  }
0x79: {  	_ =	shalt  }
0x7a: {  	_ =	shalt  }
0x7b: {  	_ =	shalt  }
0x7c: {  	_ =	shalt  }
0x7d: {  	_ =	shalt  }
0x7e: {  	_ =	shalt  }
0x7f: {  	_ =	shalt  }
0x80: {  	_ =	shalt  }
0x81: {  	_ =	shalt  }
0x82: {  	_ =	shalt  }
0x83: {  	_ =	shalt  }
0x84: {  	_ =	shalt  }
0x85: {  	_ =	shalt  }
0x86: {  	_ =	shalt  }
0x87: {  	_ =	shalt  }
.Lfunc_end0:
.L_simem_size_0:
called_computation.4_lowered:
.L_overlay_start_0:
0x88: {  	s2 =	sld [smem:$0x3FD9]  }
0x89: {  	s3 =	sld [smem:$0x3FFE];
	_ =	sdelay $0x1  }
0x8a: {  	s1 =	srdreg.scid  }
0x8b: {  	s0 =	sand.u32 $0x1, s1  }
0x8c: {  	s16 =	sshll.u32 s0, $0xA;
	s2 =	sadd.s32 s3, s2  }
0x8d: {  	s2 =	sadd.s32 s2, s16  }
0x8e: {  	[smem:$0x3F93] =	sst s2  }
0x8f: {  	_ = 	snop  }
0x90: {  	(tm) =	ssettm $0x1  }
0x91: {  	s17 =	sld [smem:$0x3FFB];
	_ =	sdelay $0x3  }
0x92: {  	_ =	strace s17  }
0x93: {  	s2 =	sld [smem:$0x3FFC];
	_ =	sdelay $0x3  }
0x94: {  	_ =	strace s2  }
0x95: {  	s2 =	sld [smem:$0x3FFD];
	_ =	sdelay $0x3  }
0x96: {  	_ =	strace s2  }
0x97: {  	_ =	strace $0x8FFFFFFF  }
0x98: {  	s18 =	sld [smem:$0x3FDB];
	_ =	sdelay $0x1  }
0x99: {  	s19 =	simm.s32 $_scs_section_size  }
0x9a: {  	s4 =	simm.s32 $_size__tile_overlayer_lowered;
	s5 =	simm.s32 $_tile_overlayer_lowered  }
0x9b: {  	s22 =	simm.s32 $0x1BFF;
	s21 =	sshll.u32 s5, $0x1;
	s2 =	sadd.s32 s19, s18  }
0x9c: {  	s6 =	simm.s32 $0x0;
	s20 =	sshll.u32 s4, $0x1;
	s4 =	sadd.s32 s21, s2  }
0x9d: {  	[timem:s6], [sflag:s22] =	dma.local [hbm:s4], s20  }
0x9e: {  	_ =	swait.ge [sflag:s22], s20  }
0x9f: {  	s3 =	ssub.s32 $0x0, s20;
	[sflag:s22] =	ssyncset.done $0x0  }
0xa0: {  	[sflag:s22] =	ssyncadd.s32 s3;
	_ =	sdelay $0x1  }
0xa1: {  	s23 =	simm.s32 $0x1B8B  }
0xa2: {  	_ =	swait.ge [sflag:s23], $0x1  }
0xa3: {  	[sflag:s23] =	ssyncset.done $0x0  }
0xa4: {  	s25 =	simm.s32 $0x1B8E;
	s24 =	sld [smem:$0x3FFE];
	[sflag:s23] =	ssyncadd.s32 $0xFFFFFFFF  }
0xa5: {  	s26 =	simm.s32 $execute0_lowered;
	[smem:$0x3FD2] =	sst s25  }
0xa6: {  	s4 =	sshll.u32 s26, $0x1;
	_ =	strace $0x80000052;
	[dreg:$0x1] =	wrdreg $0xFFFFFFFF  }
0xa7: {  	s28 =	simm.s32 $_size_execute0_lowered;
	s2 =	sadd.s32 s2, s4;
	[dreg:$0x0] =	wrdreg $0x0  }
0xa8: {  	s4 =	sshll.u32 s28, $0x1;
	[dreg:$0x2] =	wrdreg s2  }
0xa9: {  	[dreg:$0x3] =	wrdreg s4  }
0xaa: {  	[dreg:$0x4] =	wrdreg $0xC0  }
0xab: {  	_ =	task [dreg:s6], $0x5FFFF  }
0xac: {  	[dreg:$0x1] =	wrdreg $0xFFFFFFFF  }
0xad: {  	[dreg:$0x0] =	wrdreg $0x60  }
0xae: {  	[dreg:$0x2] =	wrdreg s24  }
0xaf: {  	[dreg:$0x3] =	wrdreg $0x13C000  }
0xb0: {  	[dreg:$0x4] =	wrdreg $0x9  }
0xb1: {  	_ =	task.clear_ibuf [dreg:s6], $0x5FFFF;
	_ =	strace $0x90000052  }
0xb2: {  	s29 =	simm.s32 $0x9;
	_ =	strace $0x80000054  }
0xb3: {  	_ =	swait.ge [sflag:s29], $0x1  }
0xb4: {  	[sflag:s29] =	ssyncadd.s32 $0xFFFFFFFF  }
0xb5: {  	_ =	strace $0x90000054  }
0xb6: {  	_ =	sfence  }
0xb7: {  	s30 =	sld [smem:$0x0];
	_ =	sdelay $0x2  }
0xb8: {  	s31 =	sshll.u32 s1, $0xD;
	s1 =	sshrl.u32 s1, $0x2  }
0xb9: {  	s3 =	sand.u32 $0x4000, s31;
	s1 =	sadd.s32 s1, s30  }
0xba: {  	s0 =	sor.u32 s3, s0;
	s1 =	sshll.u32 s1, $0x11  }
0xbb: {  	s0 =	sor.u32 s1, s0  }
0xbc: {  	s0 =	sadd.s32 $0x8F2B, s0  }
0xbd: {  	[sflag:s0] =	ssyncadd.remote.s32 $0x1  }
0xbe: {  	_ =	sfence.sel $0xFFFF  }
0xbf: {  	[dreg:$0x0] =	wrdreg $0xFFFFFFFF;
	(pc) =	sbr.abs _section_cstart, $3  }
0xc0: {  	[dreg:$0x1] =	wrdreg $0xFFFFFFFF  }
0xc1: {  	_ =	task.clear_ibuf [dreg:s6], $0x2FFFF;
	_ =	strace $0x9FFFFFFF  }
0xc2: {  	(tm) =	ssettm $0x7FFFFFFF  }
0xc3: {  	_ =	shalt  }
tec
execute0_lowered:
.L_overlay_start_1:
0x0: {  	(tag) =	ssettag $0x1  }
0x1: {  	s0 =	stileid.u32;
	s5 =	rddreg [dreg:$0x0]  }
0x2: {  	s1 =	srdreg.scid;
	s2 =	rddreg [dreg:$0x1];
	s3 =	simm.s32 $0x0  }
0x3: {  	s14 =	simm.s32 $0x5C00;
	s15 =	simm.s32 $0x7C00;
	s16 =	simm.s32 $0x9C00  }
0x4: {  	s17 =	simm.s32 $0xBC00;
	s18 =	simm.s32 $0xDC00;
	s6 =	smul.u32 $0x13880, s0  }
0x5: {  	s19 =	simm.s32 $0xFC00;
	s20 =	simm.s32 $0x11C00;
	s8 =	smul.u32 $0x3C0000, s0  }
0x6: {  	s4 =	sand.u32 $0x1, s1;
	s21 =	sshll.u32 s0, $0x1;
	s11 =	smul.u32 $0x7800, s0  }
0x7: {  	[smem:$0x7FF] =	sst s3;
	s29 =	sshll.u32 s0, $0x6;
	s9 =	smul.u32 $0x1E0000, s4  }
0x8: {  	s1 =	sor.u32 s4, s21;
	s12 =	smul.u32 $0x3C00, s4;
	s4 =	ssub.s32 $0x2, s4  }
0x9: {  	s21 =	simm.s32 $0x1;
	s7 =	smul.u32 $0x3C00, s1;
	s1 =	rddreg [dreg:$0x2]  }
0xa: {  	_ =	strace $0x80000053;
	s10 =	sshrl.u32 s6, $0x4;
	s13 =	sshrl.u32 s4, $0x1  }
0xb: {  	s6 =	sshrl.u32 s6, $0x1;
	s10 =	sadd.s32 s10, s5;
	s8 =	sadd.s32 s9, s8  }
0xc: {  	s22 =	sadd.s32 s12, s11;
	s23 =	ssub.s32 s4, s13;
	s26 =	sadd.s32 s6, s2  }
0xd: {  	s11 =	simm.s32 $0x3;
	s12 =	simm.s32 $0x80;
	s13 =	simm.s32 $0x3C00  }
0xe: {  	s7 =	sshrl.u32 s7, $0x3;
	s24 =	sshrl.u32 s8, $0x4;
	s25 =	sshll.u32 s22, $0x3  }
0xf: {  	s22 =	simm.s32 $0x2;
	s7 =	sadd.s32 s7, s5;
	s5 =	sadd.s32 $0x39000, s5  }
0x10: {  	s4 =	sadd.s32 s24, s5;
	s9 =	sadd.s32 s25, s5;
	s6 =	sadd.s32 $0x2A000, s7  }
0x11: {  	s7 =	smax.u32 s23, $0x1;
	[dreg:$0x3] =	wrdreg s4;
	s5 =	sadd.s32 $0x1800, s9  }
0x12: {  	s23 =	simm.s32 $0x0;
	s28 =	sadd.s32 $0x1400, s9;
	[dreg:$0x4] =	wrdreg s5  }
0x13: {  	s4 =	sadd.s32 $0x11600, s10;
	s8 =	sadd.s32 $0x1000, s9;
	[dreg:$0x5] =	wrdreg s28  }
0x14: {  	s30 =	sadd.s32 $0xC00, s9;
	s31 =	sadd.s32 $0x800, s9;
	[dreg:$0x6] =	wrdreg s8  }
0x15: {  	s10 =	sshrl.u32 s26, $0x3;
	s5 =	sor.u32 $0x1C03, s29;
	[dreg:$0x7] =	wrdreg s30  }
0x16: {  	[dreg:$0x8] =	wrdreg s31;
	s8 =	sadd.s32 $0x400, s9;
	s9 =	sadd.s32 $0x1C00, s9  }
.LBB2_1:
0x17: {  	[spmem:s10], [sflag:s5] =	dma.local [hbm:s4], $0x1388  }
0x18: {  	_ =	swait.ge [sflag:s11], $0x1388  }
0x19: {  	[sflag:s11] =	ssyncset.done $0x0  }
0x1a: {  	[sflag:s11] =	ssyncadd.s32 $0xFFFFEC78  }
0x1b: {  	[tilespmem:s3], [sflag:$0x3] =	stream.linear.gather [hbm4b:s6+s3], $0x3C00, $0x38;
	[tilespmem:$0x1D840] =	vst v63  }
0x1c: {  	_ =	swait.ge [sflag:s11], $0x3C00  }
0x1d: {  	[sflag:s11] =	ssyncset.done $0x0  }
0x1e: {  	[sflag:s11] =	ssyncadd.s32 $0xFFFFC400  }
0x1f: {  	[bflag:$0x0] =	sbarrier.arrive $0xFFFF  }
0x20: {  	[tilespmem:s13], [sflag:$0x1] =	stream.indirect.gather [spmem:s2], $0x40, s3, s12, $0xb8;
	[tilespmem:$0x1D840] =	vst v63  }
0x21: {  	s24 =	simm.s32 $0x80  }
0x22: {  	[tilespmem:s14], [sflag:$0x1] =	stream.indirect.gather [spmem:s2], $0x40, s24, s12, $0xb8;
	[tilespmem:$0x1D840] =	vst v63  }
0x23: {  	s30 =	simm.s32 $0x100  }
0x24: {  	[tilespmem:s15], [sflag:$0x1] =	stream.indirect.gather [spmem:s2], $0x40, s30, s12, $0xb8;
	[tilespmem:$0x1D840] =	vst v63  }
0x25: {  	s31 =	simm.s32 $0x180  }
0x26: {  	[tilespmem:s16], [sflag:$0x1] =	stream.indirect.gather [spmem:s2], $0x40, s31, s12, $0xb8;
	[tilespmem:$0x1D840] =	vst v63  }
0x27: {  	s25 =	simm.s32 $0x200  }
0x28: {  	[tilespmem:s17], [sflag:$0x1] =	stream.indirect.gather [spmem:s2], $0x40, s25, s12, $0xb8;
	[tilespmem:$0x1D840] =	vst v63  }
0x29: {  	s26 =	simm.s32 $0x280  }
0x2a: {  	[tilespmem:s18], [sflag:$0x1] =	stream.indirect.gather [spmem:s2], $0x40, s26, s12, $0xb8;
	[tilespmem:$0x1D840] =	vst v63  }
0x2b: {  	s28 =	simm.s32 $0x300  }
0x2c: {  	[tilespmem:s19], [sflag:$0x1] =	stream.indirect.gather [spmem:s2], $0x40, s28, s12, $0xb8;
	[tilespmem:$0x1D840] =	vst v63  }
0x2d: {  	s29 =	simm.s32 $0x380  }
0x2e: {  	[tilespmem:s20], [sflag:$0x1] =	stream.indirect.gather [spmem:s2], $0x40, s29, s12, $0xb8;
	[tilespmem:$0x1D840] =	vst v63  }
0x2f: {  	_ =	swait.ge [sflag:s21], $0x2000  }
0x30: {  	[sflag:s21] =	ssyncset.done $0x0  }
0x31: {  	[sflag:s21] =	ssyncadd.s32 $0xFFFFE000  }
0x32: {  	_ =	swait.ge [sflag:s21], $0x2000  }
0x33: {  	[sflag:s21] =	ssyncset.done $0x0  }
0x34: {  	[sflag:s21] =	ssyncadd.s32 $0xFFFFE000  }
0x35: {  	_ =	swait.ge [sflag:s21], $0x2000  }
0x36: {  	[sflag:s21] =	ssyncset.done $0x0  }
0x37: {  	[sflag:s21] =	ssyncadd.s32 $0xFFFFE000  }
0x38: {  	_ =	swait.ge [sflag:s21], $0x2000  }
0x39: {  	[sflag:s21] =	ssyncset.done $0x0  }
0x3a: {  	[sflag:s21] =	ssyncadd.s32 $0xFFFFE000  }
0x3b: {  	_ =	swait.ge [sflag:s21], $0x2000  }
0x3c: {  	[sflag:s21] =	ssyncset.done $0x0  }
0x3d: {  	[sflag:s21] =	ssyncadd.s32 $0xFFFFE000  }
0x3e: {  	_ =	swait.ge [sflag:s21], $0x2000  }
0x3f: {  	[sflag:s21] =	ssyncset.done $0x0  }
0x40: {  	[sflag:s21] =	ssyncadd.s32 $0xFFFFE000  }
0x41: {  	_ =	swait.ge [sflag:s21], $0x2000  }
0x42: {  	[sflag:s21] =	ssyncset.done $0x0  }
0x43: {  	[sflag:s21] =	ssyncadd.s32 $0xFFFFE000  }
0x44: {  	_ =	swait.ge [sflag:s21], $0x2000  }
0x45: {  	s30 =	rddreg [dreg:$0x3];
	[sflag:s21] =	ssyncset.done $0x0  }
0x46: {  	[sflag:s21] =	ssyncadd.s32 $0xFFFFE000;
	s24 =	sadd.s32 $0x0, s30  }
0x47: {  	[hbm4b:s24+s3] =	stream.linear.scatter [tilespmem:s13], [sflag:$0x2], $0x2000, $0x38;
	[tilespmem:$0x1D840] =	vst v63  }
0x48: {  	s31 =	sadd.s32 $0x0, s8;
	s25 =	rddreg [dreg:$0x8]  }
0x49: {  	[hbm4b:s31+s3] =	stream.linear.scatter [tilespmem:s14], [sflag:$0x2], $0x2000, $0x38;
	[tilespmem:$0x1D840] =	vst v63  }
0x4a: {  	s26 =	rddreg [dreg:$0x7];
	s28 =	sadd.s32 $0x0, s25  }
0x4b: {  	[hbm4b:s28+s3] =	stream.linear.scatter [tilespmem:s15], [sflag:$0x2], $0x2000, $0x38;
	[tilespmem:$0x1D840] =	vst v63  }
0x4c: {  	s29 =	rddreg [dreg:$0x6];
	s30 =	sadd.s32 $0x0, s26  }
0x4d: {  	[hbm4b:s30+s3] =	stream.linear.scatter [tilespmem:s16], [sflag:$0x2], $0x2000, $0x38;
	[tilespmem:$0x1D840] =	vst v63  }
0x4e: {  	s25 =	sadd.s32 $0x0, s29;
	s31 =	rddreg [dreg:$0x5]  }
0x4f: {  	[hbm4b:s25+s3] =	stream.linear.scatter [tilespmem:s17], [sflag:$0x2], $0x2000, $0x38;
	[tilespmem:$0x1D840] =	vst v63  }
0x50: {  	s29 =	sadd.s32 $0x0, s31;
	s28 =	rddreg [dreg:$0x4]  }
0x51: {  	[hbm4b:s29+s3] =	stream.linear.scatter [tilespmem:s18], [sflag:$0x2], $0x2000, $0x38;
	[tilespmem:$0x1D840] =	vst v63  }
0x52: {  	s30 =	sadd.s32 $0x0, s28  }
0x53: {  	[hbm4b:s30+s3] =	stream.linear.scatter [tilespmem:s19], [sflag:$0x2], $0x2000, $0x38;
	[tilespmem:$0x1D840] =	vst v63  }
0x54: {  	s31 =	sadd.s32 $0x0, s9  }
0x55: {  	[hbm4b:s31+s3] =	stream.linear.scatter [tilespmem:s20], [sflag:$0x2], $0x2000, $0x38;
	[tilespmem:$0x1D840] =	vst v63  }
0x56: {  	_ =	swait.ge [sflag:s22], $0x2000  }
0x57: {  	[sflag:s22] =	ssyncset.done $0x0  }
0x58: {  	[sflag:s22] =	ssyncadd.s32 $0xFFFFE000  }
0x59: {  	_ =	swait.ge [sflag:s22], $0x2000  }
0x5a: {  	[sflag:s22] =	ssyncset.done $0x0  }
0x5b: {  	[sflag:s22] =	ssyncadd.s32 $0xFFFFE000  }
0x5c: {  	_ =	swait.ge [sflag:s22], $0x2000  }
0x5d: {  	[sflag:s22] =	ssyncset.done $0x0  }
0x5e: {  	[sflag:s22] =	ssyncadd.s32 $0xFFFFE000  }
0x5f: {  	_ =	swait.ge [sflag:s22], $0x2000  }
0x60: {  	[sflag:s22] =	ssyncset.done $0x0  }
0x61: {  	[sflag:s22] =	ssyncadd.s32 $0xFFFFE000  }
0x62: {  	_ =	swait.ge [sflag:s22], $0x2000  }
0x63: {  	[sflag:s22] =	ssyncset.done $0x0  }
0x64: {  	[sflag:s22] =	ssyncadd.s32 $0xFFFFE000  }
0x65: {  	_ =	swait.ge [sflag:s22], $0x2000  }
0x66: {  	[sflag:s22] =	ssyncset.done $0x0  }
0x67: {  	[sflag:s22] =	ssyncadd.s32 $0xFFFFE000  }
0x68: {  	_ =	swait.ge [sflag:s22], $0x2000  }
0x69: {  	[sflag:s22] =	ssyncset.done $0x0  }
0x6a: {  	[sflag:s22] =	ssyncadd.s32 $0xFFFFE000  }
0x6b: {  	_ =	swait.ge [sflag:s22], $0x2000  }
0x6c: {  	s24 =	simm.s32 $0x2000;
	s25 =	simm.s32 $0x0;
	[sflag:s22] =	ssyncset.done $0x0  }
.LBB2_2:
0x6d: {  	[sflag:s22] =	ssyncadd.s32 $0xFFFFE000;
	s25 =	sadd.s32 $0x400, s25  }
0x6e: {  	[tilespmem:s13], [sflag:$0x1] =	stream.indirect.gather [spmem:s2], $0x40, s25, s12, $0xb8;
	[tilespmem:$0x1D840] =	vst v63  }
0x6f: {  	s28 =	sadd.s32 $0x80, s25  }
0x70: {  	[tilespmem:s14], [sflag:$0x1] =	stream.indirect.gather [spmem:s2], $0x40, s28, s12, $0xb8;
	[tilespmem:$0x1D840] =	vst v63  }
0x71: {  	s30 =	sadd.s32 $0x100, s25  }
0x72: {  	[tilespmem:s15], [sflag:$0x1] =	stream.indirect.gather [spmem:s2], $0x40, s30, s12, $0xb8;
	[tilespmem:$0x1D840] =	vst v63  }
0x73: {  	s31 =	sadd.s32 $0x180, s25  }
0x74: {  	[tilespmem:s16], [sflag:$0x1] =	stream.indirect.gather [spmem:s2], $0x40, s31, s12, $0xb8;
	[tilespmem:$0x1D840] =	vst v63  }
0x75: {  	s29 =	sadd.s32 $0x200, s25  }
0x76: {  	[tilespmem:s17], [sflag:$0x1] =	stream.indirect.gather [spmem:s2], $0x40, s29, s12, $0xb8;
	[tilespmem:$0x1D840] =	vst v63  }
0x77: {  	s30 =	sadd.s32 $0x280, s25  }
0x78: {  	[tilespmem:s18], [sflag:$0x1] =	stream.indirect.gather [spmem:s2], $0x40, s30, s12, $0xb8;
	[tilespmem:$0x1D840] =	vst v63  }
0x79: {  	s31 =	sadd.s32 $0x300, s25  }
0x7a: {  	[tilespmem:s19], [sflag:$0x1] =	stream.indirect.gather [spmem:s2], $0x40, s31, s12, $0xb8;
	[tilespmem:$0x1D840] =	vst v63  }
0x7b: {  	s29 =	sadd.s32 $0x380, s25  }
0x7c: {  	[tilespmem:s20], [sflag:$0x1] =	stream.indirect.gather [spmem:s2], $0x40, s29, s12, $0xb8;
	[tilespmem:$0x1D840] =	vst v63  }
0x7d: {  	_ =	swait.ge [sflag:s21], $0x2000  }
0x7e: {  	[sflag:s21] =	ssyncset.done $0x0  }
0x7f: {  	[sflag:s21] =	ssyncadd.s32 $0xFFFFE000  }
0x80: {  	_ =	swait.ge [sflag:s21], $0x2000  }
0x81: {  	[sflag:s21] =	ssyncset.done $0x0  }
0x82: {  	[sflag:s21] =	ssyncadd.s32 $0xFFFFE000  }
0x83: {  	_ =	swait.ge [sflag:s21], $0x2000  }
0x84: {  	[sflag:s21] =	ssyncset.done $0x0  }
0x85: {  	[sflag:s21] =	ssyncadd.s32 $0xFFFFE000  }
0x86: {  	_ =	swait.ge [sflag:s21], $0x2000  }
0x87: {  	[sflag:s21] =	ssyncset.done $0x0  }
0x88: {  	[sflag:s21] =	ssyncadd.s32 $0xFFFFE000  }
0x89: {  	_ =	swait.ge [sflag:s21], $0x2000  }
0x8a: {  	[sflag:s21] =	ssyncset.done $0x0  }
0x8b: {  	[sflag:s21] =	ssyncadd.s32 $0xFFFFE000  }
0x8c: {  	_ =	swait.ge [sflag:s21], $0x2000  }
0x8d: {  	[sflag:s21] =	ssyncset.done $0x0  }
0x8e: {  	[sflag:s21] =	ssyncadd.s32 $0xFFFFE000  }
0x8f: {  	_ =	swait.ge [sflag:s21], $0x2000  }
0x90: {  	[sflag:s21] =	ssyncset.done $0x0  }
0x91: {  	[sflag:s21] =	ssyncadd.s32 $0xFFFFE000  }
0x92: {  	_ =	swait.ge [sflag:s21], $0x2000  }
0x93: {  	s26 =	smov.u32 s24;
	s30 =	rddreg [dreg:$0x3];
	[sflag:s21] =	ssyncset.done $0x0  }
0x94: {  	[sflag:s21] =	ssyncadd.s32 $0xFFFFE000;
	s28 =	sadd.s32 s26, s30  }
0x95: {  	[hbm4b:s28+s3] =	stream.linear.scatter [tilespmem:s13], [sflag:$0x2], $0x2000, $0x38;
	[tilespmem:$0x1D840] =	vst v63  }
0x96: {  	s31 =	sadd.s32 s26, s8;
	s29 =	rddreg [dreg:$0x8]  }
0x97: {  	[hbm4b:s31+s3] =	stream.linear.scatter [tilespmem:s14], [sflag:$0x2], $0x2000, $0x38;
	[tilespmem:$0x1D840] =	vst v63  }
0x98: {  	s30 =	rddreg [dreg:$0x7];
	s31 =	sadd.s32 s26, s29  }
0x99: {  	[hbm4b:s31+s3] =	stream.linear.scatter [tilespmem:s15], [sflag:$0x2], $0x2000, $0x38;
	[tilespmem:$0x1D840] =	vst v63  }
0x9a: {  	s29 =	rddreg [dreg:$0x6];
	s31 =	sadd.s32 s26, s30  }
0x9b: {  	[hbm4b:s31+s3] =	stream.linear.scatter [tilespmem:s16], [sflag:$0x2], $0x2000, $0x38;
	[tilespmem:$0x1D840] =	vst v63  }
0x9c: {  	s28 =	sadd.s32 s26, s29;
	s30 =	rddreg [dreg:$0x5]  }
0x9d: {  	[hbm4b:s28+s3] =	stream.linear.scatter [tilespmem:s17], [sflag:$0x2], $0x2000, $0x38;
	[tilespmem:$0x1D840] =	vst v63  }
0x9e: {  	s30 =	sadd.s32 s26, s30;
	s31 =	rddreg [dreg:$0x4]  }
0x9f: {  	[hbm4b:s30+s3] =	stream.linear.scatter [tilespmem:s18], [sflag:$0x2], $0x2000, $0x38;
	[tilespmem:$0x1D840] =	vst v63  }
0xa0: {  	s31 =	sadd.s32 s26, s31  }
0xa1: {  	[hbm4b:s31+s3] =	stream.linear.scatter [tilespmem:s19], [sflag:$0x2], $0x2000, $0x38;
	[tilespmem:$0x1D840] =	vst v63  }
0xa2: {  	s26 =	sadd.s32 s26, s9  }
0xa3: {  	[hbm4b:s26+s3] =	stream.linear.scatter [tilespmem:s20], [sflag:$0x2], $0x2000, $0x38;
	[tilespmem:$0x1D840] =	vst v63  }
0xa4: {  	_ =	swait.ge [sflag:s22], $0x2000  }
0xa5: {  	[sflag:s22] =	ssyncset.done $0x0  }
0xa6: {  	[sflag:s22] =	ssyncadd.s32 $0xFFFFE000  }
0xa7: {  	_ =	swait.ge [sflag:s22], $0x2000  }
0xa8: {  	[sflag:s22] =	ssyncset.done $0x0  }
0xa9: {  	[sflag:s22] =	ssyncadd.s32 $0xFFFFE000  }
0xaa: {  	_ =	swait.ge [sflag:s22], $0x2000  }
0xab: {  	[sflag:s22] =	ssyncset.done $0x0  }
0xac: {  	[sflag:s22] =	ssyncadd.s32 $0xFFFFE000  }
0xad: {  	_ =	swait.ge [sflag:s22], $0x2000  }
0xae: {  	[sflag:s22] =	ssyncset.done $0x0  }
0xaf: {  	[sflag:s22] =	ssyncadd.s32 $0xFFFFE000  }
0xb0: {  	_ =	swait.ge [sflag:s22], $0x2000  }
0xb1: {  	[sflag:s22] =	ssyncset.done $0x0  }
0xb2: {  	[sflag:s22] =	ssyncadd.s32 $0xFFFFE000  }
0xb3: {  	_ =	swait.ge [sflag:s22], $0x2000  }
0xb4: {  	[sflag:s22] =	ssyncset.done $0x0  }
0xb5: {  	p0 =	sne.s32 s24, $0x1C000;
	[sflag:s22] =	ssyncadd.s32 $0xFFFFE000  }
.Ltmp0:
0xb6: {  	_ =	swait.ge [sflag:s22], $0x2000;
	(pc) =	sbr.rel @p0 .LBB2_2-.Ltmp0, $4  }
0xb7: {  	[sflag:s22] =	ssyncset.done $0x0  }
0xb8: {  	[sflag:s22] =	ssyncadd.s32 $0xFFFFE000  }
0xb9: {  	_ =	swait.ge [sflag:s22], $0x2000  }
0xba: {  	s24 =	sadd.s32 $0x2000, s24;
	[sflag:s22] =	ssyncset.done $0x0  }
0xbb: {  	s23 =	sadd.s32 $0x1, s23  }
0xbc: {  	p0 =	sne.s32 s23, s7  }
.Ltmp1:
0xbd: {  	_ = 	snop;
	(pc) =	sbr.rel @p0 .LBB2_1-.Ltmp1, $2  }
0xbe: {  	_ =	sdelay $0x2  }
0xbf: {  	[sflag:s22] =	ssyncadd.s32 $0xFFFFE000  }
0xc0: {  	_ =	sfence.sel $0x180000  }
0xc1: {  	[bflag:$0x0] =	sbarrier.arrive $0xFFFF  }
0xc2: {  	p0 =	sne.s32 s0, $0x0;
	_ =	strace $0x90000053  }
0xc3: {  	s0 =	sadd.s32 @!p0 $0x100000, s1;
	[bflag:$0x2] =	sbarrier.arrive $0xFFFF  }
0xc4: {  	[sflag:s0] =	ssyncadd.tile.s32 @!p0 $0x1;
	_ =	shalt  }
.Lfunc_end2:
_tile_overlayer_lowered:
.L_overlay_start_2:
0xc5: {  	(tag) =	ssettag $0x2  }
0xc6: {  	s0 =	rddreg [dreg:$0x0];
	s2 =	stileid.u32  }
0xc7: {  	s1 =	rddreg [dreg:$0x1];
	p0 =	sne.s32 s2, $0x0  }
0xc8: {  	s3 =	rddreg [dreg:$0x2];
	[bflag:$0x3] =	sbarrier.arrive $0xFFFF;
	s2 =	simm.s32 @!p0 $0x1C03  }
0xc9: {  	[timem:s3], [sflag:s2] =	dma.local @!p0 [hbm:s0], s1  }
0xca: {  	s0 =	simm.s32 @!p0 $0x3  }
0xcb: {  	_ =	swait.ge @!p0 [sflag:s0], s1  }
0xcc: {  	s1 =	ssub.s32 @!p0 $0x0, s1;
	[sflag:s0] =	ssyncset.done @!p0 $0x0  }
0xcd: {  	[sflag:s0] =	ssyncadd.s32 @!p0 s1  }
0xce: {  	[bflag:$0x3] =	sbarrier.arrive $0xFFFF  }
0xcf: {  	_ =	shalt  }

// kernel: kernel.28.cloned.1.call-start
scs
__scs_entry_jumppad:
0x0: {  	(pc) =	sbr.rel $0x88, $3  }
0x1: {  	(tag) =	ssettag $0x0;
	lr =	simm.s32 $0x1  }
0x2: {  	[smem:$0x3F6C] =	sst lr;
	_ =	strace $0xD0000000  }
0x3: {  	_ = 	snop  }
0x4: {  	_ = 	snop  }
0x5: {  	_ = 	snop  }
0x6: {  	_ = 	snop  }
0x7: {  	_ = 	snop  }
__scs_overlays_trampoline_lowered:
0x8: {  	[smem:$0x3F7B] =	sst s0  }
0x9: {  	[smem:$0x3F7C] =	sst s1  }
0xa: {  	[smem:$0x3F7D] =	sst s2  }
0xb: {  	[smem:$0x3F7E] =	sst s3  }
0xc: {  	[smem:$0x3F7F] =	sst s4  }
0xd: {  	[smem:$0x3F80] =	sst s5  }
0xe: {  	[smem:$0x3F81] =	sst s6  }
0xf: {  	[smem:$0x3F82] =	sst s7  }
0x10: {  	[smem:$0x3F83] =	sst s8  }
0x11: {  	[smem:$0x3F84] =	sst s9;
	s0 =	simm.s32 @!p0 $0x0  }
0x12: {  	s1 =	sld [smem:$0x3F6A];
	s0 =	simm.s32 @p0 $0x1  }
0x13: {  	[smem:$0x3F85] =	sst s0;
	s0 =	simm.s32 @!p1 $0x0  }
0x14: {  	s2 =	sld [smem:$0x3F69];
	s0 =	simm.s32 @p1 $0x1  }
0x15: {  	[smem:$0x3F86] =	sst s0;
	s0 =	simm.s32 @!p2 $0x0  }
0x16: {  	s3 =	sld [smem:$0x3FDB];
	s0 =	simm.s32 @p2 $0x1  }
0x17: {  	s4 =	simm.s32 $0x1BF5;
	[smem:$0x3F88] =	sst s0  }
0x18: {  	s0 =	sld [smem:$0x3F6B];
	_ =	swait.ge [sflag:s4], $0x0  }
0x19: {  	s7 =	sld [smem:$0x3F6C]  }
0x1a: {  	s8 =	sadd.s32 $0xFFFFE003, lr  }
0x1b: {  	s9 =	sadd.s32 $0xFFFFFEF7, lr;
	s5 =	simm.s32 $0xFFFFFFFF;
	p2 =	slt.u32 s8, $0xFFFFF086  }
0x1c: {  	p1 =	slt.u32 s9, $0xF7A;
	s5 =	simm.s32 @!p2 $0x0  }
0x1d: {  	s5 =	simm.s32 @p1 $0x1;
	p0 =	seq.s32 s7, s2  }
0x1e: {  	s7 =	smul.u32 @!p0 $0xF7A, s2;
	p2 =	seq.s32 @!p0 s5, $0x0  }
0x1f: {  	s9 =	smul.u32 $0xF7A, s1;
	s8 =	simm.s32 @!p0 $0x1BF5;
	p2 =	por !p2, p0  }
0x20: {  	[sflag:s8] =	ssyncset.s32 @!p0 $0xFFFFF086;
	s6 =	sadd.s32 @!p0 s3, s7;
	s7 =	simm.s32 @!p0 $0x108  }
0x21: {  	s3 =	sadd.s32 s3, s9;
	s6 =	sadd.s32 @!p0 $0x88, s6;
	s7 =	simm.s32 @p2 $0x1082  }
0x22: {  	[simem:s7], [sflag:s8] =	dma.local @!p0 [hbm:s6], $0xF7A  }
0x23: {  	s9 =	sor.u32 $0xD0000000, s2;
	s6 =	simm.s32 $0x108;
	_ =	swait.ge @!p0 [sflag:s8], $0x0  }
0x24: {  	s3 =	sadd.s32 $0x88, s3;
	s6 =	simm.s32 @!p1 $0x1082;
	[sflag:s4] =	ssyncset.s32 $0xFFFFF086  }
0x25: {  	[simem:s6], [sflag:s4] =	dma.local [hbm:s3], $0xF7A  }
0x26: {  	[smem:$0x3F6C] =	sst s1;
	(tag) =	ssettag s2;
	_ =	strace s9  }
0x27: {  	s1 =	sld [smem:$0x3F7C]  }
0x28: {  	s2 =	sld [smem:$0x3F7D]  }
0x29: {  	s4 =	sld [smem:$0x3F7F]  }
0x2a: {  	p0 =	seq.s32 s5, $0x0;
	s5 =	sld [smem:$0x3F80]  }
0x2b: {  	s6 =	sld [smem:$0x3F81]  }
0x2c: {  	s7 =	sld [smem:$0x3F82]  }
0x2d: {  	s3 =	simm.s32 $0x108;
	s8 =	sld [smem:$0x3F83]  }
0x2e: {  	s3 =	simm.s32 @!p0 $0x1082;
	s9 =	sld [smem:$0x3F84]  }
0x2f: {  	lr =	sadd.s32 s0, s3;
	s0 =	sld [smem:$0x3F7B]  }
0x30: {  	s3 =	sld [smem:$0x3F7E]  }
0x31: {  	[smem:$0x3F87] =	sst s10  }
0x32: {  	s10 =	sld [smem:$0x3F85];
	_ =	sdelay $0x3  }
0x33: {  	p0 =	seq.s32 s10, $0x1;
	s10 =	sld [smem:$0x3F87];
	_ =	sdelay $0x3  }
0x34: {  	[smem:$0x3F87] =	sst s10  }
0x35: {  	s10 =	sld [smem:$0x3F86];
	_ =	sdelay $0x3  }
0x36: {  	p1 =	seq.s32 s10, $0x1;
	s10 =	sld [smem:$0x3F87];
	_ =	sdelay $0x3  }
0x37: {  	[smem:$0x3F87] =	sst s10  }
0x38: {  	s10 =	sld [smem:$0x3F88]  }
0x39: {  	_ = 	snop;
	(pc) =	sbr.ind lr, $3  }
0x3a: {  	_ = 	snop  }
0x3b: {  	_ = 	snop  }
0x3c: {  	p2 =	seq.s32 s10, $0x1;
	s10 =	sld [smem:$0x3F87]  }
0x3d: {  	_ =	shalt  }
0x3e: {  	_ =	shalt  }
0x3f: {  	_ =	shalt  }
0x40: {  	_ =	shalt  }
0x41: {  	_ =	shalt  }
0x42: {  	_ =	shalt  }
0x43: {  	_ =	shalt  }
0x44: {  	_ =	shalt  }
0x45: {  	_ =	shalt  }
0x46: {  	_ =	shalt  }
0x47: {  	_ =	shalt  }
0x48: {  	_ =	shalt  }
0x49: {  	_ =	shalt  }
0x4a: {  	_ =	shalt  }
0x4b: {  	_ =	shalt  }
0x4c: {  	_ =	shalt  }
0x4d: {  	_ =	shalt  }
0x4e: {  	_ =	shalt  }
0x4f: {  	_ =	shalt  }
0x50: {  	_ =	shalt  }
0x51: {  	_ =	shalt  }
0x52: {  	_ =	shalt  }
0x53: {  	_ =	shalt  }
0x54: {  	_ =	shalt  }
0x55: {  	_ =	shalt  }
0x56: {  	_ =	shalt  }
0x57: {  	_ =	shalt  }
0x58: {  	_ =	shalt  }
0x59: {  	_ =	shalt  }
0x5a: {  	_ =	shalt  }
0x5b: {  	_ =	shalt  }
0x5c: {  	_ =	shalt  }
0x5d: {  	_ =	shalt  }
0x5e: {  	_ =	shalt  }
0x5f: {  	_ =	shalt  }
0x60: {  	_ =	shalt  }
0x61: {  	_ =	shalt  }
0x62: {  	_ =	shalt  }
0x63: {  	_ =	shalt  }
0x64: {  	_ =	shalt  }
0x65: {  	_ =	shalt  }
0x66: {  	_ =	shalt  }
0x67: {  	_ =	shalt  }
0x68: {  	_ =	shalt  }
0x69: {  	_ =	shalt  }
0x6a: {  	_ =	shalt  }
0x6b: {  	_ =	shalt  }
0x6c: {  	_ =	shalt  }
0x6d: {  	_ =	shalt  }
0x6e: {  	_ =	shalt  }
0x6f: {  	_ =	shalt  }
0x70: {  	_ =	shalt  }
0x71: {  	_ =	shalt  }
0x72: {  	_ =	shalt  }
0x73: {  	_ =	shalt  }
0x74: {  	_ =	shalt  }
0x75: {  	_ =	shalt  }
0x76: {  	_ =	shalt  }
0x77: {  	_ =	shalt  }
0x78: {  	_ =	shalt  }
0x79: {  	_ =	shalt  }
0x7a: {  	_ =	shalt  }
0x7b: {  	_ =	shalt  }
0x7c: {  	_ =	shalt  }
0x7d: {  	_ =	shalt  }
0x7e: {  	_ =	shalt  }
0x7f: {  	_ =	shalt  }
0x80: {  	_ =	shalt  }
0x81: {  	_ =	shalt  }
0x82: {  	_ =	shalt  }
0x83: {  	_ =	shalt  }
0x84: {  	_ =	shalt  }
0x85: {  	_ =	shalt  }
0x86: {  	_ =	shalt  }
0x87: {  	_ =	shalt  }
.Lfunc_end0:
.L_simem_size_0:
called_computation.5_lowered:
.L_overlay_start_0:
0x88: {  	s2 =	sld [smem:$0x3FD9]  }
0x89: {  	s3 =	sld [smem:$0x3FFE];
	_ =	sdelay $0x1  }
0x8a: {  	s1 =	srdreg.scid  }
0x8b: {  	s0 =	sand.u32 $0x1, s1  }
0x8c: {  	s16 =	sshll.u32 s0, $0xA;
	s2 =	sadd.s32 s3, s2  }
0x8d: {  	s2 =	sadd.s32 s2, s16  }
0x8e: {  	[smem:$0x3F93] =	sst s2  }
0x8f: {  	_ = 	snop  }
0x90: {  	(tm) =	ssettm $0x1  }
0x91: {  	s17 =	sld [smem:$0x3FFB];
	_ =	sdelay $0x3  }
0x92: {  	_ =	strace s17  }
0x93: {  	s2 =	sld [smem:$0x3FFC];
	_ =	sdelay $0x3  }
0x94: {  	_ =	strace s2  }
0x95: {  	s2 =	sld [smem:$0x3FFD];
	_ =	sdelay $0x3  }
0x96: {  	_ =	strace s2  }
0x97: {  	_ =	strace $0x8FFFFFFF  }
0x98: {  	s18 =	sld [smem:$0x3FDB];
	_ =	sdelay $0x1  }
0x99: {  	s19 =	simm.s32 $_scs_section_size  }
0x9a: {  	s4 =	simm.s32 $_size__tile_overlayer_lowered;
	s5 =	simm.s32 $_tile_overlayer_lowered  }
0x9b: {  	s22 =	simm.s32 $0x1BFF;
	s21 =	sshll.u32 s5, $0x1;
	s2 =	sadd.s32 s19, s18  }
0x9c: {  	s6 =	simm.s32 $0x0;
	s20 =	sshll.u32 s4, $0x1;
	s4 =	sadd.s32 s21, s2  }
0x9d: {  	[timem:s6], [sflag:s22] =	dma.local [hbm:s4], s20  }
0x9e: {  	_ =	swait.ge [sflag:s22], s20  }
0x9f: {  	s3 =	ssub.s32 $0x0, s20;
	[sflag:s22] =	ssyncset.done $0x0  }
0xa0: {  	[sflag:s22] =	ssyncadd.s32 s3;
	_ =	sdelay $0x1  }
0xa1: {  	s23 =	simm.s32 $0x1B8B  }
0xa2: {  	_ =	swait.ge [sflag:s23], $0x1  }
0xa3: {  	[sflag:s23] =	ssyncset.done $0x0  }
0xa4: {  	s25 =	simm.s32 $0x1B8E;
	s24 =	sld [smem:$0x3FFE];
	[sflag:s23] =	ssyncadd.s32 $0xFFFFFFFF  }
0xa5: {  	s26 =	simm.s32 $execute0_lowered;
	[smem:$0x3FD2] =	sst s25  }
0xa6: {  	s4 =	sshll.u32 s26, $0x1;
	_ =	strace $0x80000055;
	[dreg:$0x1] =	wrdreg $0xFFFFFFFF  }
0xa7: {  	s28 =	simm.s32 $_size_execute0_lowered;
	s2 =	sadd.s32 s2, s4;
	[dreg:$0x0] =	wrdreg $0x0  }
0xa8: {  	s4 =	sshll.u32 s28, $0x1;
	[dreg:$0x2] =	wrdreg s2  }
0xa9: {  	[dreg:$0x3] =	wrdreg s4  }
0xaa: {  	[dreg:$0x4] =	wrdreg $0xC0  }
0xab: {  	_ =	task [dreg:s6], $0x5FFFF  }
0xac: {  	[dreg:$0x1] =	wrdreg $0xFFFFFFFF  }
0xad: {  	[dreg:$0x0] =	wrdreg $0x60  }
0xae: {  	[dreg:$0x2] =	wrdreg s24  }
0xaf: {  	[dreg:$0x3] =	wrdreg $0xE8000  }
0xb0: {  	[dreg:$0x4] =	wrdreg $0x9  }
0xb1: {  	_ =	task.clear_ibuf [dreg:s6], $0x5FFFF;
	_ =	strace $0x90000055  }
0xb2: {  	s29 =	simm.s32 $0x9;
	_ =	strace $0x80000057  }
0xb3: {  	_ =	swait.ge [sflag:s29], $0x1  }
0xb4: {  	[sflag:s29] =	ssyncadd.s32 $0xFFFFFFFF  }
0xb5: {  	_ =	strace $0x90000057  }
0xb6: {  	_ =	sfence  }
0xb7: {  	s30 =	sld [smem:$0x0];
	_ =	sdelay $0x2  }
0xb8: {  	s31 =	sshll.u32 s1, $0xD;
	s1 =	sshrl.u32 s1, $0x2  }
0xb9: {  	s3 =	sand.u32 $0x4000, s31;
	s1 =	sadd.s32 s1, s30  }
0xba: {  	s0 =	sor.u32 s3, s0;
	s1 =	sshll.u32 s1, $0x11  }
0xbb: {  	s0 =	sor.u32 s1, s0  }
0xbc: {  	s0 =	sadd.s32 $0x8F2B, s0  }
0xbd: {  	[sflag:s0] =	ssyncadd.remote.s32 $0x1  }
0xbe: {  	_ =	sfence.sel $0xFFFF  }
0xbf: {  	[dreg:$0x0] =	wrdreg $0xFFFFFFFF;
	(pc) =	sbr.abs _section_cstart, $3  }
0xc0: {  	[dreg:$0x1] =	wrdreg $0xFFFFFFFF  }
0xc1: {  	_ =	task.clear_ibuf [dreg:s6], $0x2FFFF;
	_ =	strace $0x9FFFFFFF  }
0xc2: {  	(tm) =	ssettm $0x7FFFFFFF  }
0xc3: {  	_ =	shalt  }
tec
execute0_lowered:
.L_overlay_start_1:
0x0: {  	(tag) =	ssettag $0x1  }
0x1: {  	s7 =	rddreg [dreg:$0x0];
	s0 =	stileid.u32  }
0x2: {  	s1 =	srdreg.scid;
	s3 =	rddreg [dreg:$0x1]  }
0x3: {  	s26 =	simm.s32 $0x0;
	s17 =	simm.s32 $0x60;
	s18 =	simm.s32 $0xC0  }
0x4: {  	s19 =	simm.s32 $0x2800;
	s20 =	simm.s32 $0x5800;
	s21 =	simm.s32 $0x1  }
0x5: {  	s22 =	simm.s32 $0x80;
	s23 =	simm.s32 $0x2;
	s2 =	smul.u32 $0x2800, s0  }
0x6: {  	s24 =	simm.s32 $0x18;
	s25 =	simm.s32 $0xC;
	s8 =	smul.u32 $0xF000, s0  }
0x7: {  	s9 =	sand.u32 $0x1, s1;
	[smem:$0x7FF] =	sst s26;
	s11 =	smul.u32 $0x1E000, s0  }
0x8: {  	s6 =	sadd.s32 $0xBBE200, s7;
	s13 =	smul.u32 $0x1E0000, s0;
	s31 =	sshll.u32 s0, $0x6  }
0x9: {  	s26 =	simm.s32 $0x0;
	s5 =	smul.u32 $0x60, s9;
	_ =	strace $0x80000056  }
0xa: {  	s9 =	ssub.s32 $0x2, s9;
	s10 =	sshrl.u32 s2, $0x3;
	s12 =	sshrl.u32 s8, $0x3  }
0xb: {  	s28 =	sshrl.u32 s9, $0x1;
	s16 =	sadd.s32 s8, s3;
	s10 =	sadd.s32 s10, s7  }
0xc: {  	s11 =	sor.u32 s5, s11;
	s12 =	sadd.s32 s12, s7;
	s29 =	sor.u32 s5, s13  }
.Ltmp0:
0xd: {  	s15 =	ssub.s32 s9, s28;
	s9 =	sor.u32 $0x1C03, s31;
	(pc) =	sbr.rel .LBB2_1-.Ltmp0, $4  }
0xe: {  	s11 =	sshrl.u32 s11, $0x3;
	s30 =	sshrl.u32 s29, $0x3;
	s10 =	sadd.s32 $0xC600, s10  }
0xf: {  	s14 =	sadd.s32 s11, s7;
	s7 =	sadd.s32 $0xB79000, s12;
	s8 =	sadd.s32 s6, s30  }
0x10: {  	s12 =	sor.u32 $0x80, s2;
	s11 =	sadd.s32 $0xC00, s8;
	s13 =	sadd.s32 $0x11600, s14  }
0x11: {  	s14 =	smax.u32 s15, $0x1;
	s15 =	sshrl.u32 s16, $0x3;
	s16 =	simm.s32 $0x3  }
.LBB2_5:
0x12: {  	_ =	swait.ge [sflag:s23], $0x3000  }
0x13: {  	[sflag:s23] =	ssyncset.done $0x0  }
0x14: {  	[sflag:s23] =	ssyncadd.s32 $0xFFFFD000  }
0x15: {  	_ =	swait.ge [sflag:s23], $0x3000  }
0x16: {  	s26 =	sadd.s32 $0x1, s26;
	[sflag:s23] =	ssyncset.done $0x0  }
0x17: {  	p0 =	sne.s32 s26, s14;
	[sflag:s23] =	ssyncadd.s32 $0xFFFFD000  }
.Ltmp1:
0x18: {  	[bflag:$0x0] =	sbarrier.arrive $0xFFFF;
	(pc) =	sbr.rel @!p0 .LBB2_6-.Ltmp1, $4  }
0x19: {  	[hbm:s13@s24], [sflag:s9] =	dma.strided [spmem:s15@s25], $0x1E00, s21, $0xc   }
0x1a: {  	_ =	swait.ge [sflag:s16], $0x1E00  }
0x1b: {  	[sflag:s16] =	ssyncset.done $0x0  }
0x1c: {  	[sflag:s16] =	ssyncadd.s32 $0xFFFFE200  }
.LBB2_1:
0x1d: {  	[spmem:s15], [sflag:s9] =	dma.local [hbm:s7], $0x1E00  }
0x1e: {  	_ =	swait.ge [sflag:s16], $0x1E00  }
0x1f: {  	[sflag:s16] =	ssyncset.done $0x0  }
0x20: {  	s0 =	simm.s32 $0x0;
	[sflag:s16] =	ssyncadd.s32 $0xFFFFE200  }
0x21: {  	[tilespmem:s0], [sflag:$0x3] =	stream.linear.gather [hbm4b:s10+s0], $0x2800, $0x38;
	[tilespmem:$0x1D800] =	vst v63  }
0x22: {  	_ =	swait.ge [sflag:s16], $0x2800  }
0x23: {  	[sflag:s16] =	ssyncset.done $0x0  }
.Ltmp2:
0x24: {  	[sflag:s16] =	ssyncadd.s32 $0xFFFFD800;
	(pc) =	sbr.rel .LBB2_2-.Ltmp2, $4  }
0x25: {  	[bflag:$0x0] =	sbarrier.arrive $0xFFFF  }
0x26: {  	[tilespmem:s19], [sflag:$0x1] =	stream.strided.gather [hbm4b:s8+s17], $0x3000, s18, s17, $0x38;
	[tilespmem:$0x1D800] =	vst v63  }
0x27: {  	s28 =	simm.s32 $0x0  }
0x28: {  	[tilespmem:s20], [sflag:$0x1] =	stream.strided.gather [hbm4b:s11+s17], $0x3000, s18, s17, $0x38;
	[tilespmem:$0x1D800] =	vst v63  }
.LBB2_4:
0x29: {  	s0 =	smul.u32 $0x18000, s30  }
0x2a: {  	p0 =	slt.u32 s29, $0x28  }
.Ltmp3:
0x2b: {  	s1 =	sshll.u32 s28, $0x8;
	s0 =	sshrl.u32 s0, $0x2;
	(pc) =	sbr.rel @!p0 .LBB2_5-.Ltmp3, $4  }
0x2c: {  	s1 =	sand.u32 $0x3FFFFF00, s1;
	s4 =	sadd.s32 $0x2800, s0  }
0x2d: {  	[spmem:s3] =	stream.indirect.scatter.add.f32 [tilespmem:s4], [sflag:$0x2], $0x60, s1, s22, $0xb8;
	[tilespmem:$0x1D800] =	vst v63  }
0x2e: {  	s28 =	smov.u32 s29;
	s0 =	sadd.s32 $0x5800, s0;
	s1 =	sor.u32 $0x80, s1  }
0x2f: {  	[spmem:s3] =	stream.indirect.scatter.add.f32 [tilespmem:s0], [sflag:$0x2], $0x60, s1, s22, $0xb8;
	[tilespmem:$0x1D800] =	vst v63  }
.LBB2_2:
0x30: {  	_ =	swait.ge [sflag:s21], $0x3000  }
0x31: {  	[sflag:s21] =	ssyncset.done $0x0  }
0x32: {  	[sflag:s21] =	ssyncadd.s32 $0xFFFFD000  }
0x33: {  	_ =	swait.ge [sflag:s21], $0x3000  }
0x34: {  	p0 =	seq.s32 s28, $0x0;
	[sflag:s21] =	ssyncset.done $0x0  }
0x35: {  	s29 =	simm.s32 @!p0 $0x2;
	p1 =	seq.s32 @!p0 s28, $0x27;
	[sflag:s21] =	ssyncadd.s32 $0xFFFFD000  }
0x36: {  	p1 =	por p0, !p1;
	_ =	swait.ge @!p0 [sflag:s29], $0x3000  }
.Ltmp4:
0x37: {  	[sflag:s29] =	ssyncset.done @!p0 $0x0;
	(pc) =	sbr.rel @!p1 .LBB2_4-.Ltmp4, $4  }
0x38: {  	[sflag:s29] =	ssyncadd.s32 @!p0 $0xFFFFD000  }
0x39: {  	_ =	swait.ge @!p0 [sflag:s29], $0x3000  }
0x3a: {  	[sflag:s29] =	ssyncset.done @!p0 $0x0  }
0x3b: {  	s30 =	sand.u32 $0x1, s28;
	[sflag:s29] =	ssyncadd.s32 @!p0 $0xFFFFD000;
	s29 =	simm.s32 @!p0 $0x28  }
0x3c: {  	s29 =	sadd.s32 @!p0 $0x1, s28  }
0x3d: {  	s29 =	simm.s32 @p0 $0x1  }
0x3e: {  	s0 =	sxor.u32 $0x1, s30;
	s31 =	sshll.u32 s29, $0x8  }
0x3f: {  	s0 =	smul.u32 $0x18000, s0;
	s1 =	sadd.s32 s2, s31  }
0x40: {  	s1 =	smul.u32 $0xC0, s1  }
0x41: {  	s31 =	sadd.s32 s31, s12  }
0x42: {  	s0 =	sshrl.u32 s0, $0x2;
	s31 =	smul.u32 $0xC0, s31;
	s1 =	sor.u32 s5, s1  }
0x43: {  	s4 =	sadd.s32 $0x2800, s0;
	s1 =	sshrl.u32 s1, $0x3  }
.Ltmp5:
0x44: {  	s31 =	sor.u32 s5, s31;
	s1 =	sadd.s32 s6, s1;
	(pc) =	sbr.rel .LBB2_4-.Ltmp5, $4  }
0x45: {  	[tilespmem:s4], [sflag:$0x1] =	stream.strided.gather [hbm4b:s1+s17], $0x3000, s18, s17, $0x38;
	[tilespmem:$0x1D800] =	vst v63  }
0x46: {  	s1 =	sshrl.u32 s31, $0x3  }
0x47: {  	s0 =	sadd.s32 $0x5800, s0;
	s1 =	sadd.s32 s6, s1  }
0x48: {  	[tilespmem:s0], [sflag:$0x1] =	stream.strided.gather [hbm4b:s1+s17], $0x3000, s18, s17, $0x38;
	[tilespmem:$0x1D800] =	vst v63  }
.LBB2_6:
0x49: {  	_ =	sfence.sel $0x180000  }
0x4a: {  	[bflag:$0x0] =	sbarrier.arrive $0xFFFF  }
0x4b: {  	_ =	strace $0x90000056  }
0x4c: {  	s0 =	stileid.u32;
	[bflag:$0x2] =	sbarrier.arrive $0xFFFF  }
0x4d: {  	p0 =	sne.s32 s0, $0x0;
	s0 =	rddreg [dreg:$0x2]  }
0x4e: {  	s0 =	sadd.s32 @!p0 $0x100000, s0  }
0x4f: {  	[sflag:s0] =	ssyncadd.tile.s32 @!p0 $0x1;
	_ =	shalt  }
.Lfunc_end2:
_tile_overlayer_lowered:
.L_overlay_start_2:
0x50: {  	(tag) =	ssettag $0x2  }
0x51: {  	s0 =	rddreg [dreg:$0x0];
	s2 =	stileid.u32  }
0x52: {  	s1 =	rddreg [dreg:$0x1];
	p0 =	sne.s32 s2, $0x0  }
0x53: {  	s3 =	rddreg [dreg:$0x2];
	[bflag:$0x3] =	sbarrier.arrive $0xFFFF;
	s2 =	simm.s32 @!p0 $0x1C03  }
0x54: {  	[timem:s3], [sflag:s2] =	dma.local @!p0 [hbm:s0], s1  }
0x55: {  	s0 =	simm.s32 @!p0 $0x3  }
0x56: {  	_ =	swait.ge @!p0 [sflag:s0], s1  }
0x57: {  	s1 =	ssub.s32 @!p0 $0x0, s1;
	[sflag:s0] =	ssyncset.done @!p0 $0x0  }
0x58: {  	[sflag:s0] =	ssyncadd.s32 @!p0 s1  }
0x59: {  	[bflag:$0x3] =	sbarrier.arrive $0xFFFF  }
0x5a: {  	_ =	shalt  }

</sc_bundles>
